<compile_context>
chip_gen: v7x
topology: tpu7x:2x2x1
jax: 0.10.2.dev20260603
libtpu: 0.0.44.dev20260713+nightly
codegen_flags: <defaults>
</compile_context>

<pallas_src>
import functools

import numpy as np
import jax
import jax.numpy as jnp
from jax import lax
from jax.experimental import pallas as pl
from jax.experimental.pallas import tpu as pltpu
from jax.experimental.pallas import tpu_sc as plsc

F = 26
V = 104000
D = 16
B = 4096
NPAIR = (F * (F - 1)) // 2
ROW_IDX = 2 * NPAIR

NC, NS, L = 2, 16, 16
NW = NC * NS
ROWS_W = B // NW
G = 4
NG = ROWS_W // G
SSTRIDE = 656
IDX_PER_G = G * SSTRIDE

_pi = np.array([i for i in range(F - 1) for j in range(i + 1, F)], np.int32)
_pj = np.array([j for i in range(F - 1) for j in range(i + 1, F)], np.int32)
_sel = np.concatenate([_pi, _pj])
_off = (np.concatenate([_pj, _pi]).astype(np.int64) * V).astype(np.int32)

_starts = []
for _base in (0, NPAIR):
    _s = 0
    while _s + L <= NPAIR:
        _starts.append(_base + _s)
        _s += L
    if _s < NPAIR:
        _starts.append(_base + NPAIR - L)
NCH = len(_starts)
SELC = np.stack([_sel[s:s + L] for s in _starts]).astype(np.int32)
OFFC = np.stack([_off[s:s + L] for s in _starts]).astype(np.int32)
DST = list(_starts)

_schunks = [128] * (ROW_IDX // 128)
if ROW_IDX % 128:
    _schunks.append(ROW_IDX % 128)

_mesh = plsc.VectorSubcoreMesh(core_axis_name="c", subcore_axis_name="s",
                               num_cores=NC, num_subcores=NS)


@functools.partial(
    pl.kernel,
    out_type=jax.ShapeDtypeStruct((B * NPAIR * D,), jnp.float32),
    mesh=_mesh,
    scratch_types=[
        pltpu.VMEM((ROWS_W * F,), jnp.int32),
        pltpu.VMEM((NCH * L,), jnp.int32),
        pltpu.VMEM((NCH * L,), jnp.int32),
        pltpu.VMEM((IDX_PER_G,), jnp.int32),
        pltpu.VMEM((IDX_PER_G, D), jnp.float32),
        pltpu.VMEM((G * NPAIR * D,), jnp.float32),
        pltpu.SemaphoreType.DMA,
        pltpu.SemaphoreType.DMA,
        pltpu.SemaphoreType.DMA,
        pltpu.SemaphoreType.DMA,
    ],
    compiler_params=pltpu.CompilerParams(needs_layout_passes=False,
                                         use_tc_tiling_on_sc=False),
)
def _ffm_kernel(xf, selc_h, offc_h, flatw, out,
                xw, selc, offc, idxb, rowsb, outb, s0, s1, s2, s3):
    sems = (s0, s1, s2, s3)
    wid = lax.axis_index("s") * NC + lax.axis_index("c")
    base_row = wid * ROWS_W
    pltpu.sync_copy(xf.at[pl.ds(base_row * F, ROWS_W * F)], xw)
    pltpu.sync_copy(selc_h, selc)
    pltpu.sync_copy(offc_h, offc)
    lane = lax.broadcasted_iota(jnp.int32, (L,), 0)

    def step(g, carry):
        for r in range(G):
            xoff = (g * G + r) * F
            robase = r * SSTRIDE
            for c in range(NCH):
                sv = selc[pl.ds(c * L, L)] + xoff
                idxb[pl.ds(robase + DST[c], L)] = (
                    plsc.load_gather(xw, [sv]) + offc[pl.ds(c * L, L)])
        cps = [[] for _ in range(G)]
        for r in range(G):
            pos = r * SSTRIDE
            for n in _schunks:
                cps[r].append(pltpu.async_copy(
                    flatw.at[idxb.at[pl.ds(pos, n)]],
                    rowsb.at[pl.ds(pos, n)], sems[r]))
                pos += n
        for r in range(G):
            for cp in cps[r]:
                cp.wait()

            def mul(p, cr, r=r):
                arowv, off = cr
                av = plsc.load_gather(rowsb, [arowv, lane])
                bv = plsc.load_gather(rowsb, [arowv + NPAIR, lane])
                outb[pl.ds(off, L)] = av * bv
                return (arowv + 1, off + L)

            lax.fori_loop(
                0, NPAIR, mul,
                (jnp.full((L,), r * SSTRIDE, jnp.int32),
                 jnp.int32(r * NPAIR * D)),
                unroll=4)
        pltpu.sync_copy(
            outb,
            out.at[pl.ds((base_row + g * G) * NPAIR * D, G * NPAIR * D)])
        return carry

    lax.fori_loop(0, NG, step, 0)


def kernel(x, W):
    xf = x.reshape(-1).astype(jnp.int32)
    flatw = W.reshape(F * V, D)
    out = _ffm_kernel(xf, jnp.asarray(SELC).reshape(-1),
                      jnp.asarray(OFFC).reshape(-1), flatw)
    return out.reshape(B, NPAIR, D)

# --- scband reference (transcript-rebuilt; emitter-appended) ---
"""Pipeline reference for scband-field-aware-factorization-machine-35716948034174 (READ-ONLY COPY).

The authoritative reference and input builder live on the scoring server;
editing this copy changes nothing except your own understanding.
"""

import jax, jax.numpy as jnp
import numpy as np

NUM_FIELDS = 26
INPUT_DIM = 104000
EMBED_DIM = 16
BATCH = 4096

def setup_inputs(seed: int = 0) -> dict:
    key = jax.random.key(seed)
    k_x, k_w = jax.random.split(key)
    x = jax.random.randint(k_x, (BATCH, NUM_FIELDS), 0, INPUT_DIM, dtype=jnp.int64) if jax.config.jax_enable_x64 else jax.random.randint(k_x, (BATCH, NUM_FIELDS), 0, INPUT_DIM, dtype=jnp.int32)
    # xavier_uniform over each [INPUT_DIM, EMBED_DIM] table
    bound = float(np.sqrt(6.0 / (INPUT_DIM + EMBED_DIM)))
    W = jax.random.uniform(k_w, (NUM_FIELDS, INPUT_DIM, EMBED_DIM), minval=-bound, maxval=bound, dtype=jnp.float32)
    return {"x": x, "W": W}

def reference(x, W):
    # xs[i] = i-th field-aware embedding table gathered at all field indices -> [B, F, D]
    xs = [jnp.take(W[i], x, axis=0) for i in range(NUM_FIELDS)]
    ix = [xs[j][:, i] * xs[i][:, j] for i in range(NUM_FIELDS - 1) for j in range(i + 1, NUM_FIELDS)]
    ix = jnp.stack(ix, axis=1)  # [B, F*(F-1)/2, D]
    return ix

if __name__ == "__main__":
    import jax
    _d = setup_inputs()
    print(jax.jit(kernel)(*tuple(_d.values())))

</pallas_src>

<mosaic_0001>
#map = affine_map<(d0, d1) -> (0)>
#map1 = affine_map<(d0, d1) -> (0, 0)>
module attributes {stable_mosaic.version = 14 : i64} {
  func.func @_ffm_kernel(%arg0: i32, %arg1: i32, %arg2: memref<106496xi32, #tpu.memory_space<hbm>>, %arg3: memref<672xi32, #tpu.memory_space<hbm>>, %arg4: memref<672xi32, #tpu.memory_space<hbm>>, %arg5: memref<2704000x16xf32, #tpu.memory_space<hbm>>, %arg6: memref<21299200xf32, #tpu.memory_space<hbm>>, %arg7: memref<3328xi32, #tpu.memory_space<vmem>>, %arg8: memref<672xi32, #tpu.memory_space<vmem>>, %arg9: memref<672xi32, #tpu.memory_space<vmem>>, %arg10: memref<2624xi32, #tpu.memory_space<vmem>>, %arg11: memref<2624x16xf32, #tpu.memory_space<vmem>>, %arg12: memref<20800xf32, #tpu.memory_space<vmem>>, %arg13: memref<!tpu.dma_semaphore, #tpu.memory_space<semaphore_mem>>, %arg14: memref<!tpu.dma_semaphore, #tpu.memory_space<semaphore_mem>>, %arg15: memref<!tpu.dma_semaphore, #tpu.memory_space<semaphore_mem>>, %arg16: memref<!tpu.dma_semaphore, #tpu.memory_space<semaphore_mem>>) attributes {dimension_semantics = [#tpu.dimension_semantics<core_parallel>, #tpu.dimension_semantics<subcore_parallel>], iteration_bounds = array<i64: 2, 16>, scalar_prefetch = 0 : i64, scratch_operands = 10 : i64, tpu.core_type = #tpu.core_type<sc_vector_subcore>, window_params = [{transform_indices = #map}, {transform_indices = #map}, {transform_indices = #map}, {transform_indices = #map1}, {transform_indices = #map}]} {
    %mul3A = arith.constant 2 : i32
    %mul3A_0 = arith.muli %arg1, %mul3A : i32
    %add3A = arith.addi %mul3A_0, %arg0 : i32
    %mul3A_1 = arith.constant 128 : i32
    %mul3A_2 = arith.muli %add3A, %mul3A_1 : i32
    %mul3A_3 = arith.constant 26 : i32
    %mul3A_4 = arith.muli %mul3A_2, %mul3A_3 : i32
    "tpu.region"() ({
      %run_scoped3A = tpu.sem_alloc : memref<!tpu.dma_semaphore, #tpu.memory_space<semaphore_mem>>
      %dma_start3A = tpu.memref_slice %arg2[%mul3A_4] : memref<106496xi32, #tpu.memory_space<hbm>> -> memref<3328xi32, #tpu.memory_space<hbm>>
      %dma_start3A_10 = tpu.memref_slice %arg2[%mul3A_4] : memref<106496xi32, #tpu.memory_space<hbm>> -> memref<3328xi32, #tpu.memory_space<hbm>>
      tpu.enqueue_dma source(%dma_start3A_10 : memref<3328xi32, #tpu.memory_space<hbm>>) target(%arg7 : memref<3328xi32, #tpu.memory_space<vmem>>) target_semaphore(%run_scoped3A : memref<!tpu.dma_semaphore, #tpu.memory_space<semaphore_mem>>)
      %dma_wait3A = tpu.memref_slice %arg2[%mul3A_4] : memref<106496xi32, #tpu.memory_space<hbm>> -> memref<3328xi32, #tpu.memory_space<hbm>>
      %dma_wait3A_11 = tpu.memref_slice %arg2[%mul3A_4] : memref<106496xi32, #tpu.memory_space<hbm>> -> memref<3328xi32, #tpu.memory_space<hbm>>
      tpu.wait_dma2 semaphore(%run_scoped3A : memref<!tpu.dma_semaphore, #tpu.memory_space<semaphore_mem>>) src(%dma_wait3A_11 : memref<3328xi32, #tpu.memory_space<hbm>>) dst(%arg7 : memref<3328xi32, #tpu.memory_space<vmem>>)
      tpu.yield
    }) : () -> ()
    "tpu.region"() ({
      %run_scoped3A = tpu.sem_alloc : memref<!tpu.dma_semaphore, #tpu.memory_space<semaphore_mem>>
      tpu.enqueue_dma source(%arg3 : memref<672xi32, #tpu.memory_space<hbm>>) target(%arg8 : memref<672xi32, #tpu.memory_space<vmem>>) target_semaphore(%run_scoped3A : memref<!tpu.dma_semaphore, #tpu.memory_space<semaphore_mem>>)
      tpu.wait_dma2 semaphore(%run_scoped3A : memref<!tpu.dma_semaphore, #tpu.memory_space<semaphore_mem>>) src(%arg3 : memref<672xi32, #tpu.memory_space<hbm>>) dst(%arg8 : memref<672xi32, #tpu.memory_space<vmem>>)
      tpu.yield
    }) : () -> ()
    "tpu.region"() ({
      %run_scoped3A = tpu.sem_alloc : memref<!tpu.dma_semaphore, #tpu.memory_space<semaphore_mem>>
      tpu.enqueue_dma source(%arg4 : memref<672xi32, #tpu.memory_space<hbm>>) target(%arg9 : memref<672xi32, #tpu.memory_space<vmem>>) target_semaphore(%run_scoped3A : memref<!tpu.dma_semaphore, #tpu.memory_space<semaphore_mem>>)
      tpu.wait_dma2 semaphore(%run_scoped3A : memref<!tpu.dma_semaphore, #tpu.memory_space<semaphore_mem>>) src(%arg4 : memref<672xi32, #tpu.memory_space<hbm>>) dst(%arg9 : memref<672xi32, #tpu.memory_space<vmem>>)
      tpu.yield
    }) : () -> ()
    %iota3A = tpu.iota {dimensions = array<i32: 0>} : vector<16xi32>
    %scan3A = arith.constant 0 : i32
    %scan3A_5 = arith.constant 0 : i32
    %scan3A_6 = arith.constant 32 : i32
    %scan3A_7 = arith.addi %scan3A_5, %scan3A_6 : i32
    %scan3A_8 = arith.constant 1 : i32
    scf.for %scan3A_10 = %scan3A_5 to %scan3A_7 step %scan3A_8  : i32 {
      %mul3A_11 = arith.constant 4 : i32
      %mul3A_12 = arith.muli %scan3A_10, %mul3A_11 : i32
      %add3A_13 = arith.constant 0 : i32
      %add3A_14 = arith.addi %mul3A_12, %add3A_13 : i32
      %mul3A_15 = arith.constant 26 : i32
      %mul3A_16 = arith.muli %add3A_14, %mul3A_15 : i32
      %get3A = arith.constant 0 : index
      %get3A_17 = tpu.vector_load %arg8[%get3A] {strides = array<i32>} : memref<672xi32, #tpu.memory_space<vmem>>, vector<16xi32>,
      %add3A_18 = vector.broadcast %mul3A_16 : i32 to vector<16xi32>
      %add3A_19 = arith.addi %get3A_17, %add3A_18 : vector<16xi32>
      %gather3A = tpu.vector_load_idx %arg7[%add3A_19] : memref<3328xi32, #tpu.memory_space<vmem>>[vector<16xi32>], vector<16xi32>,
      %get3A_20 = arith.constant 0 : index
      %get3A_21 = tpu.vector_load %arg9[%get3A_20] {strides = array<i32>} : memref<672xi32, #tpu.memory_space<vmem>>, vector<16xi32>,
      %add3A_22 = arith.addi %gather3A, %get3A_21 : vector<16xi32>
      %swap3A = arith.constant 0 : index
      %swap3A_23 = tpu.vector_load %arg10[%swap3A] {strides = array<i32>} : memref<2624xi32, #tpu.memory_space<vmem>>, vector<16xi32>,
      tpu.vector_store %arg10[%swap3A], %add3A_22 {strides = array<i32>} : memref<2624xi32, #tpu.memory_space<vmem>>, vector<16xi32>,
      %get3A_24 = arith.constant 16 : index
      %get3A_25 = tpu.vector_load %arg8[%get3A_24] {strides = array<i32>} : memref<672xi32, #tpu.memory_space<vmem>>, vector<16xi32>,
      %add3A_26 = vector.broadcast %mul3A_16 : i32 to vector<16xi32>
      %add3A_27 = arith.addi %get3A_25, %add3A_26 : vector<16xi32>
      %gather3A_28 = tpu.vector_load_idx %arg7[%add3A_27] : memref<3328xi32, #tpu.memory_space<vmem>>[vector<16xi32>], vector<16xi32>,
      %get3A_29 = arith.constant 16 : index
      %get3A_30 = tpu.vector_load %arg9[%get3A_29] {strides = array<i32>} : memref<672xi32, #tpu.memory_space<vmem>>, vector<16xi32>,
      %add3A_31 = arith.addi %gather3A_28, %get3A_30 : vector<16xi32>
      %swap3A_32 = arith.constant 16 : index
      %swap3A_33 = tpu.vector_load %arg10[%swap3A_32] {strides = array<i32>} : memref<2624xi32, #tpu.memory_space<vmem>>, vector<16xi32>,
      tpu.vector_store %arg10[%swap3A_32], %add3A_31 {strides = array<i32>} : memref<2624xi32, #tpu.memory_space<vmem>>, vector<16xi32>,
      %get3A_34 = arith.constant 32 : index
      %get3A_35 = tpu.vector_load %arg8[%get3A_34] {strides = array<i32>} : memref<672xi32, #tpu.memory_space<vmem>>, vector<16xi32>,
      %add3A_36 = vector.broadcast %mul3A_16 : i32 to vector<16xi32>
      %add3A_37 = arith.addi %get3A_35, %add3A_36 : vector<16xi32>
      %gather3A_38 = tpu.vector_load_idx %arg7[%add3A_37] : memref<3328xi32, #tpu.memory_space<vmem>>[vector<16xi32>], vector<16xi32>,
      %get3A_39 = arith.constant 32 : index
      %get3A_40 = tpu.vector_load %arg9[%get3A_39] {strides = array<i32>} : memref<672xi32, #tpu.memory_space<vmem>>, vector<16xi32>,
      %add3A_41 = arith.addi %gather3A_38, %get3A_40 : vector<16xi32>
      %swap3A_42 = arith.constant 32 : index
      %swap3A_43 = tpu.vector_load %arg10[%swap3A_42] {strides = array<i32>} : memref<2624xi32, #tpu.memory_space<vmem>>, vector<16xi32>,
      tpu.vector_store %arg10[%swap3A_42], %add3A_41 {strides = array<i32>} : memref<2624xi32, #tpu.memory_space<vmem>>, vector<16xi32>,
      %get3A_44 = arith.constant 48 : index
      %get3A_45 = tpu.vector_load %arg8[%get3A_44] {strides = array<i32>} : memref<672xi32, #tpu.memory_space<vmem>>, vector<16xi32>,
      %add3A_46 = vector.broadcast %mul3A_16 : i32 to vector<16xi32>
      %add3A_47 = arith.addi %get3A_45, %add3A_46 : vector<16xi32>
      %gather3A_48 = tpu.vector_load_idx %arg7[%add3A_47] : memref<3328xi32, #tpu.memory_space<vmem>>[vector<16xi32>], vector<16xi32>,
      %get3A_49 = arith.constant 48 : index
      %get3A_50 = tpu.vector_load %arg9[%get3A_49] {strides = array<i32>} : memref<672xi32, #tpu.memory_space<vmem>>, vector<16xi32>,
      %add3A_51 = arith.addi %gather3A_48, %get3A_50 : vector<16xi32>
      %swap3A_52 = arith.constant 48 : index
      %swap3A_53 = tpu.vector_load %arg10[%swap3A_52] {strides = array<i32>} : memref<2624xi32, #tpu.memory_space<vmem>>, vector<16xi32>,
      tpu.vector_store %arg10[%swap3A_52], %add3A_51 {strides = array<i32>} : memref<2624xi32, #tpu.memory_space<vmem>>, vector<16xi32>,
      %get3A_54 = arith.constant 64 : index
      %get3A_55 = tpu.vector_load %arg8[%get3A_54] {strides = array<i32>} : memref<672xi32, #tpu.memory_space<vmem>>, vector<16xi32>,
      %add3A_56 = vector.broadcast %mul3A_16 : i32 to vector<16xi32>
      %add3A_57 = arith.addi %get3A_55, %add3A_56 : vector<16xi32>
      %gather3A_58 = tpu.vector_load_idx %arg7[%add3A_57] : memref<3328xi32, #tpu.memory_space<vmem>>[vector<16xi32>], vector<16xi32>,
      %get3A_59 = arith.constant 64 : index
      %get3A_60 = tpu.vector_load %arg9[%get3A_59] {strides = array<i32>} : memref<672xi32, #tpu.memory_space<vmem>>, vector<16xi32>,
      %add3A_61 = arith.addi %gather3A_58, %get3A_60 : vector<16xi32>
      %swap3A_62 = arith.constant 64 : index
      %swap3A_63 = tpu.vector_load %arg10[%swap3A_62] {strides = array<i32>} : memref<2624xi32, #tpu.memory_space<vmem>>, vector<16xi32>,
      tpu.vector_store %arg10[%swap3A_62], %add3A_61 {strides = array<i32>} : memref<2624xi32, #tpu.memory_space<vmem>>, vector<16xi32>,
      %get3A_64 = arith.constant 80 : index
      %get3A_65 = tpu.vector_load %arg8[%get3A_64] {strides = array<i32>} : memref<672xi32, #tpu.memory_space<vmem>>, vector<16xi32>,
      %add3A_66 = vector.broadcast %mul3A_16 : i32 to vector<16xi32>
      %add3A_67 = arith.addi %get3A_65, %add3A_66 : vector<16xi32>
      %gather3A_68 = tpu.vector_load_idx %arg7[%add3A_67] : memref<3328xi32, #tpu.memory_space<vmem>>[vector<16xi32>], vector<16xi32>,
      %get3A_69 = arith.constant 80 : index
      %get3A_70 = tpu.vector_load %arg9[%get3A_69] {strides = array<i32>} : memref<672xi32, #tpu.memory_space<vmem>>, vector<16xi32>,
      %add3A_71 = arith.addi %gather3A_68, %get3A_70 : vector<16xi32>
      %swap3A_72 = arith.constant 80 : index
      %swap3A_73 = tpu.vector_load %arg10[%swap3A_72] {strides = array<i32>} : memref<2624xi32, #tpu.memory_space<vmem>>, vector<16xi32>,
      tpu.vector_store %arg10[%swap3A_72], %add3A_71 {strides = array<i32>} : memref<2624xi32, #tpu.memory_space<vmem>>, vector<16xi32>,
      %get3A_74 = arith.constant 96 : index
      %get3A_75 = tpu.vector_load %arg8[%get3A_74] {strides = array<i32>} : memref<672xi32, #tpu.memory_space<vmem>>, vector<16xi32>,
      %add3A_76 = vector.broadcast %mul3A_16 : i32 to vector<16xi32>
      %add3A_77 = arith.addi %get3A_75, %add3A_76 : vector<16xi32>
      %gather3A_78 = tpu.vector_load_idx %arg7[%add3A_77] : memref<3328xi32, #tpu.memory_space<vmem>>[vector<16xi32>], vector<16xi32>,
      %get3A_79 = arith.constant 96 : index
      %get3A_80 = tpu.vector_load %arg9[%get3A_79] {strides = array<i32>} : memref<672xi32, #tpu.memory_space<vmem>>, vector<16xi32>,
      %add3A_81 = arith.addi %gather3A_78, %get3A_80 : vector<16xi32>
      %swap3A_82 = arith.constant 96 : index
      %swap3A_83 = tpu.vector_load %arg10[%swap3A_82] {strides = array<i32>} : memref<2624xi32, #tpu.memory_space<vmem>>, vector<16xi32>,
      tpu.vector_store %arg10[%swap3A_82], %add3A_81 {strides = array<i32>} : memref<2624xi32, #tpu.memory_space<vmem>>, vector<16xi32>,
      %get3A_84 = arith.constant 112 : index
      %get3A_85 = tpu.vector_load %arg8[%get3A_84] {strides = array<i32>} : memref<672xi32, #tpu.memory_space<vmem>>, vector<16xi32>,
      %add3A_86 = vector.broadcast %mul3A_16 : i32 to vector<16xi32>
      %add3A_87 = arith.addi %get3A_85, %add3A_86 : vector<16xi32>
      %gather3A_88 = tpu.vector_load_idx %arg7[%add3A_87] : memref<3328xi32, #tpu.memory_space<vmem>>[vector<16xi32>], vector<16xi32>,
      %get3A_89 = arith.constant 112 : index
      %get3A_90 = tpu.vector_load %arg9[%get3A_89] {strides = array<i32>} : memref<672xi32, #tpu.memory_space<vmem>>, vector<16xi32>,
      %add3A_91 = arith.addi %gather3A_88, %get3A_90 : vector<16xi32>
      %swap3A_92 = arith.constant 112 : index
      %swap3A_93 = tpu.vector_load %arg10[%swap3A_92] {strides = array<i32>} : memref<2624xi32, #tpu.memory_space<vmem>>, vector<16xi32>,
      tpu.vector_store %arg10[%swap3A_92], %add3A_91 {strides = array<i32>} : memref<2624xi32, #tpu.memory_space<vmem>>, vector<16xi32>,
      %get3A_94 = arith.constant 128 : index
      %get3A_95 = tpu.vector_load %arg8[%get3A_94] {strides = array<i32>} : memref<672xi32, #tpu.memory_space<vmem>>, vector<16xi32>,
      %add3A_96 = vector.broadcast %mul3A_16 : i32 to vector<16xi32>
      %add3A_97 = arith.addi %get3A_95, %add3A_96 : vector<16xi32>
      %gather3A_98 = tpu.vector_load_idx %arg7[%add3A_97] : memref<3328xi32, #tpu.memory_space<vmem>>[vector<16xi32>], vector<16xi32>,
      %get3A_99 = arith.constant 128 : index
      %get3A_100 = tpu.vector_load %arg9[%get3A_99] {strides = array<i32>} : memref<672xi32, #tpu.memory_space<vmem>>, vector<16xi32>,
      %add3A_101 = arith.addi %gather3A_98, %get3A_100 : vector<16xi32>
      %swap3A_102 = arith.constant 128 : index
      %swap3A_103 = tpu.vector_load %arg10[%swap3A_102] {strides = array<i32>} : memref<2624xi32, #tpu.memory_space<vmem>>, vector<16xi32>,
      tpu.vector_store %arg10[%swap3A_102], %add3A_101 {strides = array<i32>} : memref<2624xi32, #tpu.memory_space<vmem>>, vector<16xi32>,
      %get3A_104 = arith.constant 144 : index
      %get3A_105 = tpu.vector_load %arg8[%get3A_104] {strides = array<i32>} : memref<672xi32, #tpu.memory_space<vmem>>, vector<16xi32>,
      %add3A_106 = vector.broadcast %mul3A_16 : i32 to vector<16xi32>
      %add3A_107 = arith.addi %get3A_105, %add3A_106 : vector<16xi32>
      %gather3A_108 = tpu.vector_load_idx %arg7[%add3A_107] : memref<3328xi32, #tpu.memory_space<vmem>>[vector<16xi32>], vector<16xi32>,
      %get3A_109 = arith.constant 144 : index
      %get3A_110 = tpu.vector_load %arg9[%get3A_109] {strides = array<i32>} : memref<672xi32, #tpu.memory_space<vmem>>, vector<16xi32>,
      %add3A_111 = arith.addi %gather3A_108, %get3A_110 : vector<16xi32>
      %swap3A_112 = arith.constant 144 : index
      %swap3A_113 = tpu.vector_load %arg10[%swap3A_112] {strides = array<i32>} : memref<2624xi32, #tpu.memory_space<vmem>>, vector<16xi32>,
      tpu.vector_store %arg10[%swap3A_112], %add3A_111 {strides = array<i32>} : memref<2624xi32, #tpu.memory_space<vmem>>, vector<16xi32>,
      %get3A_114 = arith.constant 160 : index
      %get3A_115 = tpu.vector_load %arg8[%get3A_114] {strides = array<i32>} : memref<672xi32, #tpu.memory_space<vmem>>, vector<16xi32>,
      %add3A_116 = vector.broadcast %mul3A_16 : i32 to vector<16xi32>
      %add3A_117 = arith.addi %get3A_115, %add3A_116 : vector<16xi32>
      %gather3A_118 = tpu.vector_load_idx %arg7[%add3A_117] : memref<3328xi32, #tpu.memory_space<vmem>>[vector<16xi32>], vector<16xi32>,
      %get3A_119 = arith.constant 160 : index
      %get3A_120 = tpu.vector_load %arg9[%get3A_119] {strides = array<i32>} : memref<672xi32, #tpu.memory_space<vmem>>, vector<16xi32>,
      %add3A_121 = arith.addi %gather3A_118, %get3A_120 : vector<16xi32>
      %swap3A_122 = arith.constant 160 : index
      %swap3A_123 = tpu.vector_load %arg10[%swap3A_122] {strides = array<i32>} : memref<2624xi32, #tpu.memory_space<vmem>>, vector<16xi32>,
      tpu.vector_store %arg10[%swap3A_122], %add3A_121 {strides = array<i32>} : memref<2624xi32, #tpu.memory_space<vmem>>, vector<16xi32>,
      %get3A_124 = arith.constant 176 : index
      %get3A_125 = tpu.vector_load %arg8[%get3A_124] {strides = array<i32>} : memref<672xi32, #tpu.memory_space<vmem>>, vector<16xi32>,
      %add3A_126 = vector.broadcast %mul3A_16 : i32 to vector<16xi32>
      %add3A_127 = arith.addi %get3A_125, %add3A_126 : vector<16xi32>
      %gather3A_128 = tpu.vector_load_idx %arg7[%add3A_127] : memref<3328xi32, #tpu.memory_space<vmem>>[vector<16xi32>], vector<16xi32>,
      %get3A_129 = arith.constant 176 : index
      %get3A_130 = tpu.vector_load %arg9[%get3A_129] {strides = array<i32>} : memref<672xi32, #tpu.memory_space<vmem>>, vector<16xi32>,
      %add3A_131 = arith.addi %gather3A_128, %get3A_130 : vector<16xi32>
      %swap3A_132 = arith.constant 176 : index
      %swap3A_133 = tpu.vector_load %arg10[%swap3A_132] {strides = array<i32>} : memref<2624xi32, #tpu.memory_space<vmem>>, vector<16xi32>,
      tpu.vector_store %arg10[%swap3A_132], %add3A_131 {strides = array<i32>} : memref<2624xi32, #tpu.memory_space<vmem>>, vector<16xi32>,
      %get3A_134 = arith.constant 192 : index
      %get3A_135 = tpu.vector_load %arg8[%get3A_134] {strides = array<i32>} : memref<672xi32, #tpu.memory_space<vmem>>, vector<16xi32>,
      %add3A_136 = vector.broadcast %mul3A_16 : i32 to vector<16xi32>
      %add3A_137 = arith.addi %get3A_135, %add3A_136 : vector<16xi32>
      %gather3A_138 = tpu.vector_load_idx %arg7[%add3A_137] : memref<3328xi32, #tpu.memory_space<vmem>>[vector<16xi32>], vector<16xi32>,
      %get3A_139 = arith.constant 192 : index
      %get3A_140 = tpu.vector_load %arg9[%get3A_139] {strides = array<i32>} : memref<672xi32, #tpu.memory_space<vmem>>, vector<16xi32>,
      %add3A_141 = arith.addi %gather3A_138, %get3A_140 : vector<16xi32>
      %swap3A_142 = arith.constant 192 : index
      %swap3A_143 = tpu.vector_load %arg10[%swap3A_142] {strides = array<i32>} : memref<2624xi32, #tpu.memory_space<vmem>>, vector<16xi32>,
      tpu.vector_store %arg10[%swap3A_142], %add3A_141 {strides = array<i32>} : memref<2624xi32, #tpu.memory_space<vmem>>, vector<16xi32>,
      %get3A_144 = arith.constant 208 : index
      %get3A_145 = tpu.vector_load %arg8[%get3A_144] {strides = array<i32>} : memref<672xi32, #tpu.memory_space<vmem>>, vector<16xi32>,
      %add3A_146 = vector.broadcast %mul3A_16 : i32 to vector<16xi32>
      %add3A_147 = arith.addi %get3A_145, %add3A_146 : vector<16xi32>
      %gather3A_148 = tpu.vector_load_idx %arg7[%add3A_147] : memref<3328xi32, #tpu.memory_space<vmem>>[vector<16xi32>], vector<16xi32>,
      %get3A_149 = arith.constant 208 : index
      %get3A_150 = tpu.vector_load %arg9[%get3A_149] {strides = array<i32>} : memref<672xi32, #tpu.memory_space<vmem>>, vector<16xi32>,
      %add3A_151 = arith.addi %gather3A_148, %get3A_150 : vector<16xi32>
      %swap3A_152 = arith.constant 208 : index
      %swap3A_153 = tpu.vector_load %arg10[%swap3A_152] {strides = array<i32>} : memref<2624xi32, #tpu.memory_space<vmem>>, vector<16xi32>,
      tpu.vector_store %arg10[%swap3A_152], %add3A_151 {strides = array<i32>} : memref<2624xi32, #tpu.memory_space<vmem>>, vector<16xi32>,
      %get3A_154 = arith.constant 224 : index
      %get3A_155 = tpu.vector_load %arg8[%get3A_154] {strides = array<i32>} : memref<672xi32, #tpu.memory_space<vmem>>, vector<16xi32>,
      %add3A_156 = vector.broadcast %mul3A_16 : i32 to vector<16xi32>
      %add3A_157 = arith.addi %get3A_155, %add3A_156 : vector<16xi32>
      %gather3A_158 = tpu.vector_load_idx %arg7[%add3A_157] : memref<3328xi32, #tpu.memory_space<vmem>>[vector<16xi32>], vector<16xi32>,
      %get3A_159 = arith.constant 224 : index
      %get3A_160 = tpu.vector_load %arg9[%get3A_159] {strides = array<i32>} : memref<672xi32, #tpu.memory_space<vmem>>, vector<16xi32>,
      %add3A_161 = arith.addi %gather3A_158, %get3A_160 : vector<16xi32>
      %swap3A_162 = arith.constant 224 : index
      %swap3A_163 = tpu.vector_load %arg10[%swap3A_162] {strides = array<i32>} : memref<2624xi32, #tpu.memory_space<vmem>>, vector<16xi32>,
      tpu.vector_store %arg10[%swap3A_162], %add3A_161 {strides = array<i32>} : memref<2624xi32, #tpu.memory_space<vmem>>, vector<16xi32>,
      %get3A_164 = arith.constant 240 : index
      %get3A_165 = tpu.vector_load %arg8[%get3A_164] {strides = array<i32>} : memref<672xi32, #tpu.memory_space<vmem>>, vector<16xi32>,
      %add3A_166 = vector.broadcast %mul3A_16 : i32 to vector<16xi32>
      %add3A_167 = arith.addi %get3A_165, %add3A_166 : vector<16xi32>
      %gather3A_168 = tpu.vector_load_idx %arg7[%add3A_167] : memref<3328xi32, #tpu.memory_space<vmem>>[vector<16xi32>], vector<16xi32>,
      %get3A_169 = arith.constant 240 : index
      %get3A_170 = tpu.vector_load %arg9[%get3A_169] {strides = array<i32>} : memref<672xi32, #tpu.memory_space<vmem>>, vector<16xi32>,
      %add3A_171 = arith.addi %gather3A_168, %get3A_170 : vector<16xi32>
      %swap3A_172 = arith.constant 240 : index
      %swap3A_173 = tpu.vector_load %arg10[%swap3A_172] {strides = array<i32>} : memref<2624xi32, #tpu.memory_space<vmem>>, vector<16xi32>,
      tpu.vector_store %arg10[%swap3A_172], %add3A_171 {strides = array<i32>} : memref<2624xi32, #tpu.memory_space<vmem>>, vector<16xi32>,
      %get3A_174 = arith.constant 256 : index
      %get3A_175 = tpu.vector_load %arg8[%get3A_174] {strides = array<i32>} : memref<672xi32, #tpu.memory_space<vmem>>, vector<16xi32>,
      %add3A_176 = vector.broadcast %mul3A_16 : i32 to vector<16xi32>
      %add3A_177 = arith.addi %get3A_175, %add3A_176 : vector<16xi32>
      %gather3A_178 = tpu.vector_load_idx %arg7[%add3A_177] : memref<3328xi32, #tpu.memory_space<vmem>>[vector<16xi32>], vector<16xi32>,
      %get3A_179 = arith.constant 256 : index
      %get3A_180 = tpu.vector_load %arg9[%get3A_179] {strides = array<i32>} : memref<672xi32, #tpu.memory_space<vmem>>, vector<16xi32>,
      %add3A_181 = arith.addi %gather3A_178, %get3A_180 : vector<16xi32>
      %swap3A_182 = arith.constant 256 : index
      %swap3A_183 = tpu.vector_load %arg10[%swap3A_182] {strides = array<i32>} : memref<2624xi32, #tpu.memory_space<vmem>>, vector<16xi32>,
      tpu.vector_store %arg10[%swap3A_182], %add3A_181 {strides = array<i32>} : memref<2624xi32, #tpu.memory_space<vmem>>, vector<16xi32>,
      %get3A_184 = arith.constant 272 : index
      %get3A_185 = tpu.vector_load %arg8[%get3A_184] {strides = array<i32>} : memref<672xi32, #tpu.memory_space<vmem>>, vector<16xi32>,
      %add3A_186 = vector.broadcast %mul3A_16 : i32 to vector<16xi32>
      %add3A_187 = arith.addi %get3A_185, %add3A_186 : vector<16xi32>
      %gather3A_188 = tpu.vector_load_idx %arg7[%add3A_187] : memref<3328xi32, #tpu.memory_space<vmem>>[vector<16xi32>], vector<16xi32>,
      %get3A_189 = arith.constant 272 : index
      %get3A_190 = tpu.vector_load %arg9[%get3A_189] {strides = array<i32>} : memref<672xi32, #tpu.memory_space<vmem>>, vector<16xi32>,
      %add3A_191 = arith.addi %gather3A_188, %get3A_190 : vector<16xi32>
      %swap3A_192 = arith.constant 272 : index
      %swap3A_193 = tpu.vector_load %arg10[%swap3A_192] {strides = array<i32>} : memref<2624xi32, #tpu.memory_space<vmem>>, vector<16xi32>,
      tpu.vector_store %arg10[%swap3A_192], %add3A_191 {strides = array<i32>} : memref<2624xi32, #tpu.memory_space<vmem>>, vector<16xi32>,
      %get3A_194 = arith.constant 288 : index
      %get3A_195 = tpu.vector_load %arg8[%get3A_194] {strides = array<i32>} : memref<672xi32, #tpu.memory_space<vmem>>, vector<16xi32>,
      %add3A_196 = vector.broadcast %mul3A_16 : i32 to vector<16xi32>
      %add3A_197 = arith.addi %get3A_195, %add3A_196 : vector<16xi32>
      %gather3A_198 = tpu.vector_load_idx %arg7[%add3A_197] : memref<3328xi32, #tpu.memory_space<vmem>>[vector<16xi32>], vector<16xi32>,
      %get3A_199 = arith.constant 288 : index
      %get3A_200 = tpu.vector_load %arg9[%get3A_199] {strides = array<i32>} : memref<672xi32, #tpu.memory_space<vmem>>, vector<16xi32>,
      %add3A_201 = arith.addi %gather3A_198, %get3A_200 : vector<16xi32>
      %swap3A_202 = arith.constant 288 : index
      %swap3A_203 = tpu.vector_load %arg10[%swap3A_202] {strides = array<i32>} : memref<2624xi32, #tpu.memory_space<vmem>>, vector<16xi32>,
      tpu.vector_store %arg10[%swap3A_202], %add3A_201 {strides = array<i32>} : memref<2624xi32, #tpu.memory_space<vmem>>, vector<16xi32>,
      %get3A_204 = arith.constant 304 : index
      %get3A_205 = tpu.vector_load %arg8[%get3A_204] {strides = array<i32>} : memref<672xi32, #tpu.memory_space<vmem>>, vector<16xi32>,
      %add3A_206 = vector.broadcast %mul3A_16 : i32 to vector<16xi32>
      %add3A_207 = arith.addi %get3A_205, %add3A_206 : vector<16xi32>
      %gather3A_208 = tpu.vector_load_idx %arg7[%add3A_207] : memref<3328xi32, #tpu.memory_space<vmem>>[vector<16xi32>], vector<16xi32>,
      %get3A_209 = arith.constant 304 : index
      %get3A_210 = tpu.vector_load %arg9[%get3A_209] {strides = array<i32>} : memref<672xi32, #tpu.memory_space<vmem>>, vector<16xi32>,
      %add3A_211 = arith.addi %gather3A_208, %get3A_210 : vector<16xi32>
      %swap3A_212 = arith.constant 304 : index
      %swap3A_213 = tpu.vector_load %arg10[%swap3A_212] {strides = array<i32>} : memref<2624xi32, #tpu.memory_space<vmem>>, vector<16xi32>,
      tpu.vector_store %arg10[%swap3A_212], %add3A_211 {strides = array<i32>} : memref<2624xi32, #tpu.memory_space<vmem>>, vector<16xi32>,
      %get3A_214 = arith.constant 320 : index
      %get3A_215 = tpu.vector_load %arg8[%get3A_214] {strides = array<i32>} : memref<672xi32, #tpu.memory_space<vmem>>, vector<16xi32>,
      %add3A_216 = vector.broadcast %mul3A_16 : i32 to vector<16xi32>
      %add3A_217 = arith.addi %get3A_215, %add3A_216 : vector<16xi32>
      %gather3A_218 = tpu.vector_load_idx %arg7[%add3A_217] : memref<3328xi32, #tpu.memory_space<vmem>>[vector<16xi32>], vector<16xi32>,
      %get3A_219 = arith.constant 320 : index
      %get3A_220 = tpu.vector_load %arg9[%get3A_219] {strides = array<i32>} : memref<672xi32, #tpu.memory_space<vmem>>, vector<16xi32>,
      %add3A_221 = arith.addi %gather3A_218, %get3A_220 : vector<16xi32>
      %swap3A_222 = arith.constant 309 : index
      %swap3A_223 = tpu.vector_load %arg10[%swap3A_222] {strides = array<i32>} : memref<2624xi32, #tpu.memory_space<vmem>>, vector<16xi32>,
      tpu.vector_store %arg10[%swap3A_222], %add3A_221 {strides = array<i32>} : memref<2624xi32, #tpu.memory_space<vmem>>, vector<16xi32>,
      %get3A_224 = arith.constant 336 : index
      %get3A_225 = tpu.vector_load %arg8[%get3A_224] {strides = array<i32>} : memref<672xi32, #tpu.memory_space<vmem>>, vector<16xi32>,
      %add3A_226 = vector.broadcast %mul3A_16 : i32 to vector<16xi32>
      %add3A_227 = arith.addi %get3A_225, %add3A_226 : vector<16xi32>
      %gather3A_228 = tpu.vector_load_idx %arg7[%add3A_227] : memref<3328xi32, #tpu.memory_space<vmem>>[vector<16xi32>], vector<16xi32>,
      %get3A_229 = arith.constant 336 : index
      %get3A_230 = tpu.vector_load %arg9[%get3A_229] {strides = array<i32>} : memref<672xi32, #tpu.memory_space<vmem>>, vector<16xi32>,
      %add3A_231 = arith.addi %gather3A_228, %get3A_230 : vector<16xi32>
      %swap3A_232 = arith.constant 325 : index
      %swap3A_233 = tpu.vector_load %arg10[%swap3A_232] {strides = array<i32>} : memref<2624xi32, #tpu.memory_space<vmem>>, vector<16xi32>,
      tpu.vector_store %arg10[%swap3A_232], %add3A_231 {strides = array<i32>} : memref<2624xi32, #tpu.memory_space<vmem>>, vector<16xi32>,
      %get3A_234 = arith.constant 352 : index
      %get3A_235 = tpu.vector_load %arg8[%get3A_234] {strides = array<i32>} : memref<672xi32, #tpu.memory_space<vmem>>, vector<16xi32>,
      %add3A_236 = vector.broadcast %mul3A_16 : i32 to vector<16xi32>
      %add3A_237 = arith.addi %get3A_235, %add3A_236 : vector<16xi32>
      %gather3A_238 = tpu.vector_load_idx %arg7[%add3A_237] : memref<3328xi32, #tpu.memory_space<vmem>>[vector<16xi32>], vector<16xi32>,
      %get3A_239 = arith.constant 352 : index
      %get3A_240 = tpu.vector_load %arg9[%get3A_239] {strides = array<i32>} : memref<672xi32, #tpu.memory_space<vmem>>, vector<16xi32>,
      %add3A_241 = arith.addi %gather3A_238, %get3A_240 : vector<16xi32>
      %swap3A_242 = arith.constant 341 : index
      %swap3A_243 = tpu.vector_load %arg10[%swap3A_242] {strides = array<i32>} : memref<2624xi32, #tpu.memory_space<vmem>>, vector<16xi32>,
      tpu.vector_store %arg10[%swap3A_242], %add3A_241 {strides = array<i32>} : memref<2624xi32, #tpu.memory_space<vmem>>, vector<16xi32>,
      %get3A_244 = arith.constant 368 : index
      %get3A_245 = tpu.vector_load %arg8[%get3A_244] {strides = array<i32>} : memref<672xi32, #tpu.memory_space<vmem>>, vector<16xi32>,
      %add3A_246 = vector.broadcast %mul3A_16 : i32 to vector<16xi32>
      %add3A_247 = arith.addi %get3A_245, %add3A_246 : vector<16xi32>
      %gather3A_248 = tpu.vector_load_idx %arg7[%add3A_247] : memref<3328xi32, #tpu.memory_space<vmem>>[vector<16xi32>], vector<16xi32>,
      %get3A_249 = arith.constant 368 : index
      %get3A_250 = tpu.vector_load %arg9[%get3A_249] {strides = array<i32>} : memref<672xi32, #tpu.memory_space<vmem>>, vector<16xi32>,
      %add3A_251 = arith.addi %gather3A_248, %get3A_250 : vector<16xi32>
      %swap3A_252 = arith.constant 357 : index
      %swap3A_253 = tpu.vector_load %arg10[%swap3A_252] {strides = array<i32>} : memref<2624xi32, #tpu.memory_space<vmem>>, vector<16xi32>,
      tpu.vector_store %arg10[%swap3A_252], %add3A_251 {strides = array<i32>} : memref<2624xi32, #tpu.memory_space<vmem>>, vector<16xi32>,
      %get3A_254 = arith.constant 384 : index
      %get3A_255 = tpu.vector_load %arg8[%get3A_254] {strides = array<i32>} : memref<672xi32, #tpu.memory_space<vmem>>, vector<16xi32>,
      %add3A_256 = vector.broadcast %mul3A_16 : i32 to vector<16xi32>
      %add3A_257 = arith.addi %get3A_255, %add3A_256 : vector<16xi32>
      %gather3A_258 = tpu.vector_load_idx %arg7[%add3A_257] : memref<3328xi32, #tpu.memory_space<vmem>>[vector<16xi32>], vector<16xi32>,
      %get3A_259 = arith.constant 384 : index
      %get3A_260 = tpu.vector_load %arg9[%get3A_259] {strides = array<i32>} : memref<672xi32, #tpu.memory_space<vmem>>, vector<16xi32>,
      %add3A_261 = arith.addi %gather3A_258, %get3A_260 : vector<16xi32>
      %swap3A_262 = arith.constant 373 : index
      %swap3A_263 = tpu.vector_load %arg10[%swap3A_262] {strides = array<i32>} : memref<2624xi32, #tpu.memory_space<vmem>>, vector<16xi32>,
      tpu.vector_store %arg10[%swap3A_262], %add3A_261 {strides = array<i32>} : memref<2624xi32, #tpu.memory_space<vmem>>, vector<16xi32>,
      %get3A_264 = arith.constant 400 : index
      %get3A_265 = tpu.vector_load %arg8[%get3A_264] {strides = array<i32>} : memref<672xi32, #tpu.memory_space<vmem>>, vector<16xi32>,
      %add3A_266 = vector.broadcast %mul3A_16 : i32 to vector<16xi32>
      %add3A_267 = arith.addi %get3A_265, %add3A_266 : vector<16xi32>
      %gather3A_268 = tpu.vector_load_idx %arg7[%add3A_267] : memref<3328xi32, #tpu.memory_space<vmem>>[vector<16xi32>], vector<16xi32>,
      %get3A_269 = arith.constant 400 : index
      %get3A_270 = tpu.vector_load %arg9[%get3A_269] {strides = array<i32>} : memref<672xi32, #tpu.memory_space<vmem>>, vector<16xi32>,
      %add3A_271 = arith.addi %gather3A_268, %get3A_270 : vector<16xi32>
      %swap3A_272 = arith.constant 389 : index
      %swap3A_273 = tpu.vector_load %arg10[%swap3A_272] {strides = array<i32>} : memref<2624xi32, #tpu.memory_space<vmem>>, vector<16xi32>,
      tpu.vector_store %arg10[%swap3A_272], %add3A_271 {strides = array<i32>} : memref<2624xi32, #tpu.memory_space<vmem>>, vector<16xi32>,
      %get3A_274 = arith.constant 416 : index
      %get3A_275 = tpu.vector_load %arg8[%get3A_274] {strides = array<i32>} : memref<672xi32, #tpu.memory_space<vmem>>, vector<16xi32>,
      %add3A_276 = vector.broadcast %mul3A_16 : i32 to vector<16xi32>
      %add3A_277 = arith.addi %get3A_275, %add3A_276 : vector<16xi32>
      %gather3A_278 = tpu.vector_load_idx %arg7[%add3A_277] : memref<3328xi32, #tpu.memory_space<vmem>>[vector<16xi32>], vector<16xi32>,
      %get3A_279 = arith.constant 416 : index
      %get3A_280 = tpu.vector_load %arg9[%get3A_279] {strides = array<i32>} : memref<672xi32, #tpu.memory_space<vmem>>, vector<16xi32>,
      %add3A_281 = arith.addi %gather3A_278, %get3A_280 : vector<16xi32>
      %swap3A_282 = arith.constant 405 : index
      %swap3A_283 = tpu.vector_load %arg10[%swap3A_282] {strides = array<i32>} : memref<2624xi32, #tpu.memory_space<vmem>>, vector<16xi32>,
      tpu.vector_store %arg10[%swap3A_282], %add3A_281 {strides = array<i32>} : memref<2624xi32, #tpu.memory_space<vmem>>, vector<16xi32>,
      %get3A_284 = arith.constant 432 : index
      %get3A_285 = tpu.vector_load %arg8[%get3A_284] {strides = array<i32>} : memref<672xi32, #tpu.memory_space<vmem>>, vector<16xi32>,
      %add3A_286 = vector.broadcast %mul3A_16 : i32 to vector<16xi32>
      %add3A_287 = arith.addi %get3A_285, %add3A_286 : vector<16xi32>
      %gather3A_288 = tpu.vector_load_idx %arg7[%add3A_287] : memref<3328xi32, #tpu.memory_space<vmem>>[vector<16xi32>], vector<16xi32>,
      %get3A_289 = arith.constant 432 : index
      %get3A_290 = tpu.vector_load %arg9[%get3A_289] {strides = array<i32>} : memref<672xi32, #tpu.memory_space<vmem>>, vector<16xi32>,
      %add3A_291 = arith.addi %gather3A_288, %get3A_290 : vector<16xi32>
      %swap3A_292 = arith.constant 421 : index
      %swap3A_293 = tpu.vector_load %arg10[%swap3A_292] {strides = array<i32>} : memref<2624xi32, #tpu.memory_space<vmem>>, vector<16xi32>,
      tpu.vector_store %arg10[%swap3A_292], %add3A_291 {strides = array<i32>} : memref<2624xi32, #tpu.memory_space<vmem>>, vector<16xi32>,
      %get3A_294 = arith.constant 448 : index
      %get3A_295 = tpu.vector_load %arg8[%get3A_294] {strides = array<i32>} : memref<672xi32, #tpu.memory_space<vmem>>, vector<16xi32>,
      %add3A_296 = vector.broadcast %mul3A_16 : i32 to vector<16xi32>
      %add3A_297 = arith.addi %get3A_295, %add3A_296 : vector<16xi32>
      %gather3A_298 = tpu.vector_load_idx %arg7[%add3A_297] : memref<3328xi32, #tpu.memory_space<vmem>>[vector<16xi32>], vector<16xi32>,
      %get3A_299 = arith.constant 448 : index
      %get3A_300 = tpu.vector_load %arg9[%get3A_299] {strides = array<i32>} : memref<672xi32, #tpu.memory_space<vmem>>, vector<16xi32>,
      %add3A_301 = arith.addi %gather3A_298, %get3A_300 : vector<16xi32>
      %swap3A_302 = arith.constant 437 : index
      %swap3A_303 = tpu.vector_load %arg10[%swap3A_302] {strides = array<i32>} : memref<2624xi32, #tpu.memory_space<vmem>>, vector<16xi32>,
      tpu.vector_store %arg10[%swap3A_302], %add3A_301 {strides = array<i32>} : memref<2624xi32, #tpu.memory_space<vmem>>, vector<16xi32>,
      %get3A_304 = arith.constant 464 : index
      %get3A_305 = tpu.vector_load %arg8[%get3A_304] {strides = array<i32>} : memref<672xi32, #tpu.memory_space<vmem>>, vector<16xi32>,
      %add3A_306 = vector.broadcast %mul3A_16 : i32 to vector<16xi32>
      %add3A_307 = arith.addi %get3A_305, %add3A_306 : vector<16xi32>
      %gather3A_308 = tpu.vector_load_idx %arg7[%add3A_307] : memref<3328xi32, #tpu.memory_space<vmem>>[vector<16xi32>], vector<16xi32>,
      %get3A_309 = arith.constant 464 : index
      %get3A_310 = tpu.vector_load %arg9[%get3A_309] {strides = array<i32>} : memref<672xi32, #tpu.memory_space<vmem>>, vector<16xi32>,
      %add3A_311 = arith.addi %gather3A_308, %get3A_310 : vector<16xi32>
      %swap3A_312 = arith.constant 453 : index
      %swap3A_313 = tpu.vector_load %arg10[%swap3A_312] {strides = array<i32>} : memref<2624xi32, #tpu.memory_space<vmem>>, vector<16xi32>,
      tpu.vector_store %arg10[%swap3A_312], %add3A_311 {strides = array<i32>} : memref<2624xi32, #tpu.memory_space<vmem>>, vector<16xi32>,
      %get3A_314 = arith.constant 480 : index
      %get3A_315 = tpu.vector_load %arg8[%get3A_314] {strides = array<i32>} : memref<672xi32, #tpu.memory_space<vmem>>, vector<16xi32>,
      %add3A_316 = vector.broadcast %mul3A_16 : i32 to vector<16xi32>
      %add3A_317 = arith.addi %get3A_315, %add3A_316 : vector<16xi32>
      %gather3A_318 = tpu.vector_load_idx %arg7[%add3A_317] : memref<3328xi32, #tpu.memory_space<vmem>>[vector<16xi32>], vector<16xi32>,
      %get3A_319 = arith.constant 480 : index
      %get3A_320 = tpu.vector_load %arg9[%get3A_319] {strides = array<i32>} : memref<672xi32, #tpu.memory_space<vmem>>, vector<16xi32>,
      %add3A_321 = arith.addi %gather3A_318, %get3A_320 : vector<16xi32>
      %swap3A_322 = arith.constant 469 : index
      %swap3A_323 = tpu.vector_load %arg10[%swap3A_322] {strides = array<i32>} : memref<2624xi32, #tpu.memory_space<vmem>>, vector<16xi32>,
      tpu.vector_store %arg10[%swap3A_322], %add3A_321 {strides = array<i32>} : memref<2624xi32, #tpu.memory_space<vmem>>, vector<16xi32>,
      %get3A_324 = arith.constant 496 : index
      %get3A_325 = tpu.vector_load %arg8[%get3A_324] {strides = array<i32>} : memref<672xi32, #tpu.memory_space<vmem>>, vector<16xi32>,
      %add3A_326 = vector.broadcast %mul3A_16 : i32 to vector<16xi32>
      %add3A_327 = arith.addi %get3A_325, %add3A_326 : vector<16xi32>
      %gather3A_328 = tpu.vector_load_idx %arg7[%add3A_327] : memref<3328xi32, #tpu.memory_space<vmem>>[vector<16xi32>], vector<16xi32>,
      %get3A_329 = arith.constant 496 : index
      %get3A_330 = tpu.vector_load %arg9[%get3A_329] {strides = array<i32>} : memref<672xi32, #tpu.memory_space<vmem>>, vector<16xi32>,
      %add3A_331 = arith.addi %gather3A_328, %get3A_330 : vector<16xi32>
      %swap3A_332 = arith.constant 485 : index
      %swap3A_333 = tpu.vector_load %arg10[%swap3A_332] {strides = array<i32>} : memref<2624xi32, #tpu.memory_space<vmem>>, vector<16xi32>,
      tpu.vector_store %arg10[%swap3A_332], %add3A_331 {strides = array<i32>} : memref<2624xi32, #tpu.memory_space<vmem>>, vector<16xi32>,
      %get3A_334 = arith.constant 512 : index
      %get3A_335 = tpu.vector_load %arg8[%get3A_334] {strides = array<i32>} : memref<672xi32, #tpu.memory_space<vmem>>, vector<16xi32>,
      %add3A_336 = vector.broadcast %mul3A_16 : i32 to vector<16xi32>
      %add3A_337 = arith.addi %get3A_335, %add3A_336 : vector<16xi32>
      %gather3A_338 = tpu.vector_load_idx %arg7[%add3A_337] : memref<3328xi32, #tpu.memory_space<vmem>>[vector<16xi32>], vector<16xi32>,
      %get3A_339 = arith.constant 512 : index
      %get3A_340 = tpu.vector_load %arg9[%get3A_339] {strides = array<i32>} : memref<672xi32, #tpu.memory_space<vmem>>, vector<16xi32>,
      %add3A_341 = arith.addi %gather3A_338, %get3A_340 : vector<16xi32>
      %swap3A_342 = arith.constant 501 : index
      %swap3A_343 = tpu.vector_load %arg10[%swap3A_342] {strides = array<i32>} : memref<2624xi32, #tpu.memory_space<vmem>>, vector<16xi32>,
      tpu.vector_store %arg10[%swap3A_342], %add3A_341 {strides = array<i32>} : memref<2624xi32, #tpu.memory_space<vmem>>, vector<16xi32>,
      %get3A_344 = arith.constant 528 : index
      %get3A_345 = tpu.vector_load %arg8[%get3A_344] {strides = array<i32>} : memref<672xi32, #tpu.memory_space<vmem>>, vector<16xi32>,
      %add3A_346 = vector.broadcast %mul3A_16 : i32 to vector<16xi32>
      %add3A_347 = arith.addi %get3A_345, %add3A_346 : vector<16xi32>
      %gather3A_348 = tpu.vector_load_idx %arg7[%add3A_347] : memref<3328xi32, #tpu.memory_space<vmem>>[vector<16xi32>], vector<16xi32>,
      %get3A_349 = arith.constant 528 : index
      %get3A_350 = tpu.vector_load %arg9[%get3A_349] {strides = array<i32>} : memref<672xi32, #tpu.memory_space<vmem>>, vector<16xi32>,
      %add3A_351 = arith.addi %gather3A_348, %get3A_350 : vector<16xi32>
      %swap3A_352 = arith.constant 517 : index
      %swap3A_353 = tpu.vector_load %arg10[%swap3A_352] {strides = array<i32>} : memref<2624xi32, #tpu.memory_space<vmem>>, vector<16xi32>,
      tpu.vector_store %arg10[%swap3A_352], %add3A_351 {strides = array<i32>} : memref<2624xi32, #tpu.memory_space<vmem>>, vector<16xi32>,
      %get3A_354 = arith.constant 544 : index
      %get3A_355 = tpu.vector_load %arg8[%get3A_354] {strides = array<i32>} : memref<672xi32, #tpu.memory_space<vmem>>, vector<16xi32>,
      %add3A_356 = vector.broadcast %mul3A_16 : i32 to vector<16xi32>
      %add3A_357 = arith.addi %get3A_355, %add3A_356 : vector<16xi32>
      %gather3A_358 = tpu.vector_load_idx %arg7[%add3A_357] : memref<3328xi32, #tpu.memory_space<vmem>>[vector<16xi32>], vector<16xi32>,
      %get3A_359 = arith.constant 544 : index
      %get3A_360 = tpu.vector_load %arg9[%get3A_359] {strides = array<i32>} : memref<672xi32, #tpu.memory_space<vmem>>, vector<16xi32>,
      %add3A_361 = arith.addi %gather3A_358, %get3A_360 : vector<16xi32>
      %swap3A_362 = arith.constant 533 : index
      %swap3A_363 = tpu.vector_load %arg10[%swap3A_362] {strides = array<i32>} : memref<2624xi32, #tpu.memory_space<vmem>>, vector<16xi32>,
      tpu.vector_store %arg10[%swap3A_362], %add3A_361 {strides = array<i32>} : memref<2624xi32, #tpu.memory_space<vmem>>, vector<16xi32>,
      %get3A_364 = arith.constant 560 : index
      %get3A_365 = tpu.vector_load %arg8[%get3A_364] {strides = array<i32>} : memref<672xi32, #tpu.memory_space<vmem>>, vector<16xi32>,
      %add3A_366 = vector.broadcast %mul3A_16 : i32 to vector<16xi32>
      %add3A_367 = arith.addi %get3A_365, %add3A_366 : vector<16xi32>
      %gather3A_368 = tpu.vector_load_idx %arg7[%add3A_367] : memref<3328xi32, #tpu.memory_space<vmem>>[vector<16xi32>], vector<16xi32>,
      %get3A_369 = arith.constant 560 : index
      %get3A_370 = tpu.vector_load %arg9[%get3A_369] {strides = array<i32>} : memref<672xi32, #tpu.memory_space<vmem>>, vector<16xi32>,
      %add3A_371 = arith.addi %gather3A_368, %get3A_370 : vector<16xi32>
      %swap3A_372 = arith.constant 549 : index
      %swap3A_373 = tpu.vector_load %arg10[%swap3A_372] {strides = array<i32>} : memref<2624xi32, #tpu.memory_space<vmem>>, vector<16xi32>,
      tpu.vector_store %arg10[%swap3A_372], %add3A_371 {strides = array<i32>} : memref<2624xi32, #tpu.memory_space<vmem>>, vector<16xi32>,
      %get3A_374 = arith.constant 576 : index
      %get3A_375 = tpu.vector_load %arg8[%get3A_374] {strides = array<i32>} : memref<672xi32, #tpu.memory_space<vmem>>, vector<16xi32>,
      %add3A_376 = vector.broadcast %mul3A_16 : i32 to vector<16xi32>
      %add3A_377 = arith.addi %get3A_375, %add3A_376 : vector<16xi32>
      %gather3A_378 = tpu.vector_load_idx %arg7[%add3A_377] : memref<3328xi32, #tpu.memory_space<vmem>>[vector<16xi32>], vector<16xi32>,
      %get3A_379 = arith.constant 576 : index
      %get3A_380 = tpu.vector_load %arg9[%get3A_379] {strides = array<i32>} : memref<672xi32, #tpu.memory_space<vmem>>, vector<16xi32>,
      %add3A_381 = arith.addi %gather3A_378, %get3A_380 : vector<16xi32>
      %swap3A_382 = arith.constant 565 : index
      %swap3A_383 = tpu.vector_load %arg10[%swap3A_382] {strides = array<i32>} : memref<2624xi32, #tpu.memory_space<vmem>>, vector<16xi32>,
      tpu.vector_store %arg10[%swap3A_382], %add3A_381 {strides = array<i32>} : memref<2624xi32, #tpu.memory_space<vmem>>, vector<16xi32>,
      %get3A_384 = arith.constant 592 : index
      %get3A_385 = tpu.vector_load %arg8[%get3A_384] {strides = array<i32>} : memref<672xi32, #tpu.memory_space<vmem>>, vector<16xi32>,
      %add3A_386 = vector.broadcast %mul3A_16 : i32 to vector<16xi32>
      %add3A_387 = arith.addi %get3A_385, %add3A_386 : vector<16xi32>
      %gather3A_388 = tpu.vector_load_idx %arg7[%add3A_387] : memref<3328xi32, #tpu.memory_space<vmem>>[vector<16xi32>], vector<16xi32>,
      %get3A_389 = arith.constant 592 : index
      %get3A_390 = tpu.vector_load %arg9[%get3A_389] {strides = array<i32>} : memref<672xi32, #tpu.memory_space<vmem>>, vector<16xi32>,
      %add3A_391 = arith.addi %gather3A_388, %get3A_390 : vector<16xi32>
      %swap3A_392 = arith.constant 581 : index
      %swap3A_393 = tpu.vector_load %arg10[%swap3A_392] {strides = array<i32>} : memref<2624xi32, #tpu.memory_space<vmem>>, vector<16xi32>,
      tpu.vector_store %arg10[%swap3A_392], %add3A_391 {strides = array<i32>} : memref<2624xi32, #tpu.memory_space<vmem>>, vector<16xi32>,
      %get3A_394 = arith.constant 608 : index
      %get3A_395 = tpu.vector_load %arg8[%get3A_394] {strides = array<i32>} : memref<672xi32, #tpu.memory_space<vmem>>, vector<16xi32>,
      %add3A_396 = vector.broadcast %mul3A_16 : i32 to vector<16xi32>
      %add3A_397 = arith.addi %get3A_395, %add3A_396 : vector<16xi32>
      %gather3A_398 = tpu.vector_load_idx %arg7[%add3A_397] : memref<3328xi32, #tpu.memory_space<vmem>>[vector<16xi32>], vector<16xi32>,
      %get3A_399 = arith.constant 608 : index
      %get3A_400 = tpu.vector_load %arg9[%get3A_399] {strides = array<i32>} : memref<672xi32, #tpu.memory_space<vmem>>, vector<16xi32>,
      %add3A_401 = arith.addi %gather3A_398, %get3A_400 : vector<16xi32>
      %swap3A_402 = arith.constant 597 : index
      %swap3A_403 = tpu.vector_load %arg10[%swap3A_402] {strides = array<i32>} : memref<2624xi32, #tpu.memory_space<vmem>>, vector<16xi32>,
      tpu.vector_store %arg10[%swap3A_402], %add3A_401 {strides = array<i32>} : memref<2624xi32, #tpu.memory_space<vmem>>, vector<16xi32>,
      %get3A_404 = arith.constant 624 : index
      %get3A_405 = tpu.vector_load %arg8[%get3A_404] {strides = array<i32>} : memref<672xi32, #tpu.memory_space<vmem>>, vector<16xi32>,
      %add3A_406 = vector.broadcast %mul3A_16 : i32 to vector<16xi32>
      %add3A_407 = arith.addi %get3A_405, %add3A_406 : vector<16xi32>
      %gather3A_408 = tpu.vector_load_idx %arg7[%add3A_407] : memref<3328xi32, #tpu.memory_space<vmem>>[vector<16xi32>], vector<16xi32>,
      %get3A_409 = arith.constant 624 : index
      %get3A_410 = tpu.vector_load %arg9[%get3A_409] {strides = array<i32>} : memref<672xi32, #tpu.memory_space<vmem>>, vector<16xi32>,
      %add3A_411 = arith.addi %gather3A_408, %get3A_410 : vector<16xi32>
      %swap3A_412 = arith.constant 613 : index
      %swap3A_413 = tpu.vector_load %arg10[%swap3A_412] {strides = array<i32>} : memref<2624xi32, #tpu.memory_space<vmem>>, vector<16xi32>,
      tpu.vector_store %arg10[%swap3A_412], %add3A_411 {strides = array<i32>} : memref<2624xi32, #tpu.memory_space<vmem>>, vector<16xi32>,
      %get3A_414 = arith.constant 640 : index
      %get3A_415 = tpu.vector_load %arg8[%get3A_414] {strides = array<i32>} : memref<672xi32, #tpu.memory_space<vmem>>, vector<16xi32>,
      %add3A_416 = vector.broadcast %mul3A_16 : i32 to vector<16xi32>
      %add3A_417 = arith.addi %get3A_415, %add3A_416 : vector<16xi32>
      %gather3A_418 = tpu.vector_load_idx %arg7[%add3A_417] : memref<3328xi32, #tpu.memory_space<vmem>>[vector<16xi32>], vector<16xi32>,
      %get3A_419 = arith.constant 640 : index
      %get3A_420 = tpu.vector_load %arg9[%get3A_419] {strides = array<i32>} : memref<672xi32, #tpu.memory_space<vmem>>, vector<16xi32>,
      %add3A_421 = arith.addi %gather3A_418, %get3A_420 : vector<16xi32>
      %swap3A_422 = arith.constant 629 : index
      %swap3A_423 = tpu.vector_load %arg10[%swap3A_422] {strides = array<i32>} : memref<2624xi32, #tpu.memory_space<vmem>>, vector<16xi32>,
      tpu.vector_store %arg10[%swap3A_422], %add3A_421 {strides = array<i32>} : memref<2624xi32, #tpu.memory_space<vmem>>, vector<16xi32>,
      %get3A_424 = arith.constant 656 : index
      %get3A_425 = tpu.vector_load %arg8[%get3A_424] {strides = array<i32>} : memref<672xi32, #tpu.memory_space<vmem>>, vector<16xi32>,
      %add3A_426 = vector.broadcast %mul3A_16 : i32 to vector<16xi32>
      %add3A_427 = arith.addi %get3A_425, %add3A_426 : vector<16xi32>
      %gather3A_428 = tpu.vector_load_idx %arg7[%add3A_427] : memref<3328xi32, #tpu.memory_space<vmem>>[vector<16xi32>], vector<16xi32>,
      %get3A_429 = arith.constant 656 : index
      %get3A_430 = tpu.vector_load %arg9[%get3A_429] {strides = array<i32>} : memref<672xi32, #tpu.memory_space<vmem>>, vector<16xi32>,
      %add3A_431 = arith.addi %gather3A_428, %get3A_430 : vector<16xi32>
      %swap3A_432 = arith.constant 634 : index
      %swap3A_433 = tpu.vector_load %arg10[%swap3A_432] {strides = array<i32>} : memref<2624xi32, #tpu.memory_space<vmem>>, vector<16xi32>,
      tpu.vector_store %arg10[%swap3A_432], %add3A_431 {strides = array<i32>} : memref<2624xi32, #tpu.memory_space<vmem>>, vector<16xi32>,
      %mul3A_434 = arith.constant 4 : i32
      %mul3A_435 = arith.muli %scan3A_10, %mul3A_434 : i32
      %add3A_436 = arith.constant 1 : i32
      %add3A_437 = arith.addi %mul3A_435, %add3A_436 : i32
      %mul3A_438 = arith.constant 26 : i32
      %mul3A_439 = arith.muli %add3A_437, %mul3A_438 : i32
      %get3A_440 = arith.constant 0 : index
      %get3A_441 = tpu.vector_load %arg8[%get3A_440] {strides = array<i32>} : memref<672xi32, #tpu.memory_space<vmem>>, vector<16xi32>,
      %add3A_442 = vector.broadcast %mul3A_439 : i32 to vector<16xi32>
      %add3A_443 = arith.addi %get3A_441, %add3A_442 : vector<16xi32>
      %gather3A_444 = tpu.vector_load_idx %arg7[%add3A_443] : memref<3328xi32, #tpu.memory_space<vmem>>[vector<16xi32>], vector<16xi32>,
      %get3A_445 = arith.constant 0 : index
      %get3A_446 = tpu.vector_load %arg9[%get3A_445] {strides = array<i32>} : memref<672xi32, #tpu.memory_space<vmem>>, vector<16xi32>,
      %add3A_447 = arith.addi %gather3A_444, %get3A_446 : vector<16xi32>
      %swap3A_448 = arith.constant 656 : index
      %swap3A_449 = tpu.vector_load %arg10[%swap3A_448] {strides = array<i32>} : memref<2624xi32, #tpu.memory_space<vmem>>, vector<16xi32>,
      tpu.vector_store %arg10[%swap3A_448], %add3A_447 {strides = array<i32>} : memref<2624xi32, #tpu.memory_space<vmem>>, vector<16xi32>,
      %get3A_450 = arith.constant 16 : index
      %get3A_451 = tpu.vector_load %arg8[%get3A_450] {strides = array<i32>} : memref<672xi32, #tpu.memory_space<vmem>>, vector<16xi32>,
      %add3A_452 = vector.broadcast %mul3A_439 : i32 to vector<16xi32>
      %add3A_453 = arith.addi %get3A_451, %add3A_452 : vector<16xi32>
      %gather3A_454 = tpu.vector_load_idx %arg7[%add3A_453] : memref<3328xi32, #tpu.memory_space<vmem>>[vector<16xi32>], vector<16xi32>,
      %get3A_455 = arith.constant 16 : index
      %get3A_456 = tpu.vector_load %arg9[%get3A_455] {strides = array<i32>} : memref<672xi32, #tpu.memory_space<vmem>>, vector<16xi32>,
      %add3A_457 = arith.addi %gather3A_454, %get3A_456 : vector<16xi32>
      %swap3A_458 = arith.constant 672 : index
      %swap3A_459 = tpu.vector_load %arg10[%swap3A_458] {strides = array<i32>} : memref<2624xi32, #tpu.memory_space<vmem>>, vector<16xi32>,
      tpu.vector_store %arg10[%swap3A_458], %add3A_457 {strides = array<i32>} : memref<2624xi32, #tpu.memory_space<vmem>>, vector<16xi32>,
      %get3A_460 = arith.constant 32 : index
      %get3A_461 = tpu.vector_load %arg8[%get3A_460] {strides = array<i32>} : memref<672xi32, #tpu.memory_space<vmem>>, vector<16xi32>,
      %add3A_462 = vector.broadcast %mul3A_439 : i32 to vector<16xi32>
      %add3A_463 = arith.addi %get3A_461, %add3A_462 : vector<16xi32>
      %gather3A_464 = tpu.vector_load_idx %arg7[%add3A_463] : memref<3328xi32, #tpu.memory_space<vmem>>[vector<16xi32>], vector<16xi32>,
      %get3A_465 = arith.constant 32 : index
      %get3A_466 = tpu.vector_load %arg9[%get3A_465] {strides = array<i32>} : memref<672xi32, #tpu.memory_space<vmem>>, vector<16xi32>,
      %add3A_467 = arith.addi %gather3A_464, %get3A_466 : vector<16xi32>
      %swap3A_468 = arith.constant 688 : index
      %swap3A_469 = tpu.vector_load %arg10[%swap3A_468] {strides = array<i32>} : memref<2624xi32, #tpu.memory_space<vmem>>, vector<16xi32>,
      tpu.vector_store %arg10[%swap3A_468], %add3A_467 {strides = array<i32>} : memref<2624xi32, #tpu.memory_space<vmem>>, vector<16xi32>,
      %get3A_470 = arith.constant 48 : index
      %get3A_471 = tpu.vector_load %arg8[%get3A_470] {strides = array<i32>} : memref<672xi32, #tpu.memory_space<vmem>>, vector<16xi32>,
      %add3A_472 = vector.broadcast %mul3A_439 : i32 to vector<16xi32>
      %add3A_473 = arith.addi %get3A_471, %add3A_472 : vector<16xi32>
      %gather3A_474 = tpu.vector_load_idx %arg7[%add3A_473] : memref<3328xi32, #tpu.memory_space<vmem>>[vector<16xi32>], vector<16xi32>,
      %get3A_475 = arith.constant 48 : index
      %get3A_476 = tpu.vector_load %arg9[%get3A_475] {strides = array<i32>} : memref<672xi32, #tpu.memory_space<vmem>>, vector<16xi32>,
      %add3A_477 = arith.addi %gather3A_474, %get3A_476 : vector<16xi32>
      %swap3A_478 = arith.constant 704 : index
      %swap3A_479 = tpu.vector_load %arg10[%swap3A_478] {strides = array<i32>} : memref<2624xi32, #tpu.memory_space<vmem>>, vector<16xi32>,
      tpu.vector_store %arg10[%swap3A_478], %add3A_477 {strides = array<i32>} : memref<2624xi32, #tpu.memory_space<vmem>>, vector<16xi32>,
      %get3A_480 = arith.constant 64 : index
      %get3A_481 = tpu.vector_load %arg8[%get3A_480] {strides = array<i32>} : memref<672xi32, #tpu.memory_space<vmem>>, vector<16xi32>,
      %add3A_482 = vector.broadcast %mul3A_439 : i32 to vector<16xi32>
      %add3A_483 = arith.addi %get3A_481, %add3A_482 : vector<16xi32>
      %gather3A_484 = tpu.vector_load_idx %arg7[%add3A_483] : memref<3328xi32, #tpu.memory_space<vmem>>[vector<16xi32>], vector<16xi32>,
      %get3A_485 = arith.constant 64 : index
      %get3A_486 = tpu.vector_load %arg9[%get3A_485] {strides = array<i32>} : memref<672xi32, #tpu.memory_space<vmem>>, vector<16xi32>,
      %add3A_487 = arith.addi %gather3A_484, %get3A_486 : vector<16xi32>
      %swap3A_488 = arith.constant 720 : index
      %swap3A_489 = tpu.vector_load %arg10[%swap3A_488] {strides = array<i32>} : memref<2624xi32, #tpu.memory_space<vmem>>, vector<16xi32>,
      tpu.vector_store %arg10[%swap3A_488], %add3A_487 {strides = array<i32>} : memref<2624xi32, #tpu.memory_space<vmem>>, vector<16xi32>,
      %get3A_490 = arith.constant 80 : index
      %get3A_491 = tpu.vector_load %arg8[%get3A_490] {strides = array<i32>} : memref<672xi32, #tpu.memory_space<vmem>>, vector<16xi32>,
      %add3A_492 = vector.broadcast %mul3A_439 : i32 to vector<16xi32>
      %add3A_493 = arith.addi %get3A_491, %add3A_492 : vector<16xi32>
      %gather3A_494 = tpu.vector_load_idx %arg7[%add3A_493] : memref<3328xi32, #tpu.memory_space<vmem>>[vector<16xi32>], vector<16xi32>,
      %get3A_495 = arith.constant 80 : index
      %get3A_496 = tpu.vector_load %arg9[%get3A_495] {strides = array<i32>} : memref<672xi32, #tpu.memory_space<vmem>>, vector<16xi32>,
      %add3A_497 = arith.addi %gather3A_494, %get3A_496 : vector<16xi32>
      %swap3A_498 = arith.constant 736 : index
      %swap3A_499 = tpu.vector_load %arg10[%swap3A_498] {strides = array<i32>} : memref<2624xi32, #tpu.memory_space<vmem>>, vector<16xi32>,
      tpu.vector_store %arg10[%swap3A_498], %add3A_497 {strides = array<i32>} : memref<2624xi32, #tpu.memory_space<vmem>>, vector<16xi32>,
      %get3A_500 = arith.constant 96 : index
      %get3A_501 = tpu.vector_load %arg8[%get3A_500] {strides = array<i32>} : memref<672xi32, #tpu.memory_space<vmem>>, vector<16xi32>,
      %add3A_502 = vector.broadcast %mul3A_439 : i32 to vector<16xi32>
      %add3A_503 = arith.addi %get3A_501, %add3A_502 : vector<16xi32>
      %gather3A_504 = tpu.vector_load_idx %arg7[%add3A_503] : memref<3328xi32, #tpu.memory_space<vmem>>[vector<16xi32>], vector<16xi32>,
      %get3A_505 = arith.constant 96 : index
      %get3A_506 = tpu.vector_load %arg9[%get3A_505] {strides = array<i32>} : memref<672xi32, #tpu.memory_space<vmem>>, vector<16xi32>,
      %add3A_507 = arith.addi %gather3A_504, %get3A_506 : vector<16xi32>
      %swap3A_508 = arith.constant 752 : index
      %swap3A_509 = tpu.vector_load %arg10[%swap3A_508] {strides = array<i32>} : memref<2624xi32, #tpu.memory_space<vmem>>, vector<16xi32>,
      tpu.vector_store %arg10[%swap3A_508], %add3A_507 {strides = array<i32>} : memref<2624xi32, #tpu.memory_space<vmem>>, vector<16xi32>,
      %get3A_510 = arith.constant 112 : index
      %get3A_511 = tpu.vector_load %arg8[%get3A_510] {strides = array<i32>} : memref<672xi32, #tpu.memory_space<vmem>>, vector<16xi32>,
      %add3A_512 = vector.broadcast %mul3A_439 : i32 to vector<16xi32>
      %add3A_513 = arith.addi %get3A_511, %add3A_512 : vector<16xi32>
      %gather3A_514 = tpu.vector_load_idx %arg7[%add3A_513] : memref<3328xi32, #tpu.memory_space<vmem>>[vector<16xi32>], vector<16xi32>,
      %get3A_515 = arith.constant 112 : index
      %get3A_516 = tpu.vector_load %arg9[%get3A_515] {strides = array<i32>} : memref<672xi32, #tpu.memory_space<vmem>>, vector<16xi32>,
      %add3A_517 = arith.addi %gather3A_514, %get3A_516 : vector<16xi32>
      %swap3A_518 = arith.constant 768 : index
      %swap3A_519 = tpu.vector_load %arg10[%swap3A_518] {strides = array<i32>} : memref<2624xi32, #tpu.memory_space<vmem>>, vector<16xi32>,
      tpu.vector_store %arg10[%swap3A_518], %add3A_517 {strides = array<i32>} : memref<2624xi32, #tpu.memory_space<vmem>>, vector<16xi32>,
      %get3A_520 = arith.constant 128 : index
      %get3A_521 = tpu.vector_load %arg8[%get3A_520] {strides = array<i32>} : memref<672xi32, #tpu.memory_space<vmem>>, vector<16xi32>,
      %add3A_522 = vector.broadcast %mul3A_439 : i32 to vector<16xi32>
      %add3A_523 = arith.addi %get3A_521, %add3A_522 : vector<16xi32>
      %gather3A_524 = tpu.vector_load_idx %arg7[%add3A_523] : memref<3328xi32, #tpu.memory_space<vmem>>[vector<16xi32>], vector<16xi32>,
      %get3A_525 = arith.constant 128 : index
      %get3A_526 = tpu.vector_load %arg9[%get3A_525] {strides = array<i32>} : memref<672xi32, #tpu.memory_space<vmem>>, vector<16xi32>,
      %add3A_527 = arith.addi %gather3A_524, %get3A_526 : vector<16xi32>
      %swap3A_528 = arith.constant 784 : index
      %swap3A_529 = tpu.vector_load %arg10[%swap3A_528] {strides = array<i32>} : memref<2624xi32, #tpu.memory_space<vmem>>, vector<16xi32>,
      tpu.vector_store %arg10[%swap3A_528], %add3A_527 {strides = array<i32>} : memref<2624xi32, #tpu.memory_space<vmem>>, vector<16xi32>,
      %get3A_530 = arith.constant 144 : index
      %get3A_531 = tpu.vector_load %arg8[%get3A_530] {strides = array<i32>} : memref<672xi32, #tpu.memory_space<vmem>>, vector<16xi32>,
      %add3A_532 = vector.broadcast %mul3A_439 : i32 to vector<16xi32>
      %add3A_533 = arith.addi %get3A_531, %add3A_532 : vector<16xi32>
      %gather3A_534 = tpu.vector_load_idx %arg7[%add3A_533] : memref<3328xi32, #tpu.memory_space<vmem>>[vector<16xi32>], vector<16xi32>,
      %get3A_535 = arith.constant 144 : index
      %get3A_536 = tpu.vector_load %arg9[%get3A_535] {strides = array<i32>} : memref<672xi32, #tpu.memory_space<vmem>>, vector<16xi32>,
      %add3A_537 = arith.addi %gather3A_534, %get3A_536 : vector<16xi32>
      %swap3A_538 = arith.constant 800 : index
      %swap3A_539 = tpu.vector_load %arg10[%swap3A_538] {strides = array<i32>} : memref<2624xi32, #tpu.memory_space<vmem>>, vector<16xi32>,
      tpu.vector_store %arg10[%swap3A_538], %add3A_537 {strides = array<i32>} : memref<2624xi32, #tpu.memory_space<vmem>>, vector<16xi32>,
      %get3A_540 = arith.constant 160 : index
      %get3A_541 = tpu.vector_load %arg8[%get3A_540] {strides = array<i32>} : memref<672xi32, #tpu.memory_space<vmem>>, vector<16xi32>,
      %add3A_542 = vector.broadcast %mul3A_439 : i32 to vector<16xi32>
      %add3A_543 = arith.addi %get3A_541, %add3A_542 : vector<16xi32>
      %gather3A_544 = tpu.vector_load_idx %arg7[%add3A_543] : memref<3328xi32, #tpu.memory_space<vmem>>[vector<16xi32>], vector<16xi32>,
      %get3A_545 = arith.constant 160 : index
      %get3A_546 = tpu.vector_load %arg9[%get3A_545] {strides = array<i32>} : memref<672xi32, #tpu.memory_space<vmem>>, vector<16xi32>,
      %add3A_547 = arith.addi %gather3A_544, %get3A_546 : vector<16xi32>
      %swap3A_548 = arith.constant 816 : index
      %swap3A_549 = tpu.vector_load %arg10[%swap3A_548] {strides = array<i32>} : memref<2624xi32, #tpu.memory_space<vmem>>, vector<16xi32>,
      tpu.vector_store %arg10[%swap3A_548], %add3A_547 {strides = array<i32>} : memref<2624xi32, #tpu.memory_space<vmem>>, vector<16xi32>,
      %get3A_550 = arith.constant 176 : index
      %get3A_551 = tpu.vector_load %arg8[%get3A_550] {strides = array<i32>} : memref<672xi32, #tpu.memory_space<vmem>>, vector<16xi32>,
      %add3A_552 = vector.broadcast %mul3A_439 : i32 to vector<16xi32>
      %add3A_553 = arith.addi %get3A_551, %add3A_552 : vector<16xi32>
      %gather3A_554 = tpu.vector_load_idx %arg7[%add3A_553] : memref<3328xi32, #tpu.memory_space<vmem>>[vector<16xi32>], vector<16xi32>,
      %get3A_555 = arith.constant 176 : index
      %get3A_556 = tpu.vector_load %arg9[%get3A_555] {strides = array<i32>} : memref<672xi32, #tpu.memory_space<vmem>>, vector<16xi32>,
      %add3A_557 = arith.addi %gather3A_554, %get3A_556 : vector<16xi32>
      %swap3A_558 = arith.constant 832 : index
      %swap3A_559 = tpu.vector_load %arg10[%swap3A_558] {strides = array<i32>} : memref<2624xi32, #tpu.memory_space<vmem>>, vector<16xi32>,
      tpu.vector_store %arg10[%swap3A_558], %add3A_557 {strides = array<i32>} : memref<2624xi32, #tpu.memory_space<vmem>>, vector<16xi32>,
      %get3A_560 = arith.constant 192 : index
      %get3A_561 = tpu.vector_load %arg8[%get3A_560] {strides = array<i32>} : memref<672xi32, #tpu.memory_space<vmem>>, vector<16xi32>,
      %add3A_562 = vector.broadcast %mul3A_439 : i32 to vector<16xi32>
      %add3A_563 = arith.addi %get3A_561, %add3A_562 : vector<16xi32>
      %gather3A_564 = tpu.vector_load_idx %arg7[%add3A_563] : memref<3328xi32, #tpu.memory_space<vmem>>[vector<16xi32>], vector<16xi32>,
      %get3A_565 = arith.constant 192 : index
      %get3A_566 = tpu.vector_load %arg9[%get3A_565] {strides = array<i32>} : memref<672xi32, #tpu.memory_space<vmem>>, vector<16xi32>,
      %add3A_567 = arith.addi %gather3A_564, %get3A_566 : vector<16xi32>
      %swap3A_568 = arith.constant 848 : index
      %swap3A_569 = tpu.vector_load %arg10[%swap3A_568] {strides = array<i32>} : memref<2624xi32, #tpu.memory_space<vmem>>, vector<16xi32>,
      tpu.vector_store %arg10[%swap3A_568], %add3A_567 {strides = array<i32>} : memref<2624xi32, #tpu.memory_space<vmem>>, vector<16xi32>,
      %get3A_570 = arith.constant 208 : index
      %get3A_571 = tpu.vector_load %arg8[%get3A_570] {strides = array<i32>} : memref<672xi32, #tpu.memory_space<vmem>>, vector<16xi32>,
      %add3A_572 = vector.broadcast %mul3A_439 : i32 to vector<16xi32>
      %add3A_573 = arith.addi %get3A_571, %add3A_572 : vector<16xi32>
      %gather3A_574 = tpu.vector_load_idx %arg7[%add3A_573] : memref<3328xi32, #tpu.memory_space<vmem>>[vector<16xi32>], vector<16xi32>,
      %get3A_575 = arith.constant 208 : index
      %get3A_576 = tpu.vector_load %arg9[%get3A_575] {strides = array<i32>} : memref<672xi32, #tpu.memory_space<vmem>>, vector<16xi32>,
      %add3A_577 = arith.addi %gather3A_574, %get3A_576 : vector<16xi32>
      %swap3A_578 = arith.constant 864 : index
      %swap3A_579 = tpu.vector_load %arg10[%swap3A_578] {strides = array<i32>} : memref<2624xi32, #tpu.memory_space<vmem>>, vector<16xi32>,
      tpu.vector_store %arg10[%swap3A_578], %add3A_577 {strides = array<i32>} : memref<2624xi32, #tpu.memory_space<vmem>>, vector<16xi32>,
      %get3A_580 = arith.constant 224 : index
      %get3A_581 = tpu.vector_load %arg8[%get3A_580] {strides = array<i32>} : memref<672xi32, #tpu.memory_space<vmem>>, vector<16xi32>,
      %add3A_582 = vector.broadcast %mul3A_439 : i32 to vector<16xi32>
      %add3A_583 = arith.addi %get3A_581, %add3A_582 : vector<16xi32>
      %gather3A_584 = tpu.vector_load_idx %arg7[%add3A_583] : memref<3328xi32, #tpu.memory_space<vmem>>[vector<16xi32>], vector<16xi32>,
      %get3A_585 = arith.constant 224 : index
      %get3A_586 = tpu.vector_load %arg9[%get3A_585] {strides = array<i32>} : memref<672xi32, #tpu.memory_space<vmem>>, vector<16xi32>,
      %add3A_587 = arith.addi %gather3A_584, %get3A_586 : vector<16xi32>
      %swap3A_588 = arith.constant 880 : index
      %swap3A_589 = tpu.vector_load %arg10[%swap3A_588] {strides = array<i32>} : memref<2624xi32, #tpu.memory_space<vmem>>, vector<16xi32>,
      tpu.vector_store %arg10[%swap3A_588], %add3A_587 {strides = array<i32>} : memref<2624xi32, #tpu.memory_space<vmem>>, vector<16xi32>,
      %get3A_590 = arith.constant 240 : index
      %get3A_591 = tpu.vector_load %arg8[%get3A_590] {strides = array<i32>} : memref<672xi32, #tpu.memory_space<vmem>>, vector<16xi32>,
      %add3A_592 = vector.broadcast %mul3A_439 : i32 to vector<16xi32>
      %add3A_593 = arith.addi %get3A_591, %add3A_592 : vector<16xi32>
      %gather3A_594 = tpu.vector_load_idx %arg7[%add3A_593] : memref<3328xi32, #tpu.memory_space<vmem>>[vector<16xi32>], vector<16xi32>,
      %get3A_595 = arith.constant 240 : index
      %get3A_596 = tpu.vector_load %arg9[%get3A_595] {strides = array<i32>} : memref<672xi32, #tpu.memory_space<vmem>>, vector<16xi32>,
      %add3A_597 = arith.addi %gather3A_594, %get3A_596 : vector<16xi32>
      %swap3A_598 = arith.constant 896 : index
      %swap3A_599 = tpu.vector_load %arg10[%swap3A_598] {strides = array<i32>} : memref<2624xi32, #tpu.memory_space<vmem>>, vector<16xi32>,
      tpu.vector_store %arg10[%swap3A_598], %add3A_597 {strides = array<i32>} : memref<2624xi32, #tpu.memory_space<vmem>>, vector<16xi32>,
      %get3A_600 = arith.constant 256 : index
      %get3A_601 = tpu.vector_load %arg8[%get3A_600] {strides = array<i32>} : memref<672xi32, #tpu.memory_space<vmem>>, vector<16xi32>,
      %add3A_602 = vector.broadcast %mul3A_439 : i32 to vector<16xi32>
      %add3A_603 = arith.addi %get3A_601, %add3A_602 : vector<16xi32>
      %gather3A_604 = tpu.vector_load_idx %arg7[%add3A_603] : memref<3328xi32, #tpu.memory_space<vmem>>[vector<16xi32>], vector<16xi32>,
      %get3A_605 = arith.constant 256 : index
      %get3A_606 = tpu.vector_load %arg9[%get3A_605] {strides = array<i32>} : memref<672xi32, #tpu.memory_space<vmem>>, vector<16xi32>,
      %add3A_607 = arith.addi %gather3A_604, %get3A_606 : vector<16xi32>
      %swap3A_608 = arith.constant 912 : index
      %swap3A_609 = tpu.vector_load %arg10[%swap3A_608] {strides = array<i32>} : memref<2624xi32, #tpu.memory_space<vmem>>, vector<16xi32>,
      tpu.vector_store %arg10[%swap3A_608], %add3A_607 {strides = array<i32>} : memref<2624xi32, #tpu.memory_space<vmem>>, vector<16xi32>,
      %get3A_610 = arith.constant 272 : index
      %get3A_611 = tpu.vector_load %arg8[%get3A_610] {strides = array<i32>} : memref<672xi32, #tpu.memory_space<vmem>>, vector<16xi32>,
      %add3A_612 = vector.broadcast %mul3A_439 : i32 to vector<16xi32>
      %add3A_613 = arith.addi %get3A_611, %add3A_612 : vector<16xi32>
      %gather3A_614 = tpu.vector_load_idx %arg7[%add3A_613] : memref<3328xi32, #tpu.memory_space<vmem>>[vector<16xi32>], vector<16xi32>,
      %get3A_615 = arith.constant 272 : index
      %get3A_616 = tpu.vector_load %arg9[%get3A_615] {strides = array<i32>} : memref<672xi32, #tpu.memory_space<vmem>>, vector<16xi32>,
      %add3A_617 = arith.addi %gather3A_614, %get3A_616 : vector<16xi32>
      %swap3A_618 = arith.constant 928 : index
      %swap3A_619 = tpu.vector_load %arg10[%swap3A_618] {strides = array<i32>} : memref<2624xi32, #tpu.memory_space<vmem>>, vector<16xi32>,
      tpu.vector_store %arg10[%swap3A_618], %add3A_617 {strides = array<i32>} : memref<2624xi32, #tpu.memory_space<vmem>>, vector<16xi32>,
      %get3A_620 = arith.constant 288 : index
      %get3A_621 = tpu.vector_load %arg8[%get3A_620] {strides = array<i32>} : memref<672xi32, #tpu.memory_space<vmem>>, vector<16xi32>,
      %add3A_622 = vector.broadcast %mul3A_439 : i32 to vector<16xi32>
      %add3A_623 = arith.addi %get3A_621, %add3A_622 : vector<16xi32>
      %gather3A_624 = tpu.vector_load_idx %arg7[%add3A_623] : memref<3328xi32, #tpu.memory_space<vmem>>[vector<16xi32>], vector<16xi32>,
      %get3A_625 = arith.constant 288 : index
      %get3A_626 = tpu.vector_load %arg9[%get3A_625] {strides = array<i32>} : memref<672xi32, #tpu.memory_space<vmem>>, vector<16xi32>,
      %add3A_627 = arith.addi %gather3A_624, %get3A_626 : vector<16xi32>
      %swap3A_628 = arith.constant 944 : index
      %swap3A_629 = tpu.vector_load %arg10[%swap3A_628] {strides = array<i32>} : memref<2624xi32, #tpu.memory_space<vmem>>, vector<16xi32>,
      tpu.vector_store %arg10[%swap3A_628], %add3A_627 {strides = array<i32>} : memref<2624xi32, #tpu.memory_space<vmem>>, vector<16xi32>,
      %get3A_630 = arith.constant 304 : index
      %get3A_631 = tpu.vector_load %arg8[%get3A_630] {strides = array<i32>} : memref<672xi32, #tpu.memory_space<vmem>>, vector<16xi32>,
      %add3A_632 = vector.broadcast %mul3A_439 : i32 to vector<16xi32>
      %add3A_633 = arith.addi %get3A_631, %add3A_632 : vector<16xi32>
      %gather3A_634 = tpu.vector_load_idx %arg7[%add3A_633] : memref<3328xi32, #tpu.memory_space<vmem>>[vector<16xi32>], vector<16xi32>,
      %get3A_635 = arith.constant 304 : index
      %get3A_636 = tpu.vector_load %arg9[%get3A_635] {strides = array<i32>} : memref<672xi32, #tpu.memory_space<vmem>>, vector<16xi32>,
      %add3A_637 = arith.addi %gather3A_634, %get3A_636 : vector<16xi32>
      %swap3A_638 = arith.constant 960 : index
      %swap3A_639 = tpu.vector_load %arg10[%swap3A_638] {strides = array<i32>} : memref<2624xi32, #tpu.memory_space<vmem>>, vector<16xi32>,
      tpu.vector_store %arg10[%swap3A_638], %add3A_637 {strides = array<i32>} : memref<2624xi32, #tpu.memory_space<vmem>>, vector<16xi32>,
      %get3A_640 = arith.constant 320 : index
      %get3A_641 = tpu.vector_load %arg8[%get3A_640] {strides = array<i32>} : memref<672xi32, #tpu.memory_space<vmem>>, vector<16xi32>,
      %add3A_642 = vector.broadcast %mul3A_439 : i32 to vector<16xi32>
      %add3A_643 = arith.addi %get3A_641, %add3A_642 : vector<16xi32>
      %gather3A_644 = tpu.vector_load_idx %arg7[%add3A_643] : memref<3328xi32, #tpu.memory_space<vmem>>[vector<16xi32>], vector<16xi32>,
      %get3A_645 = arith.constant 320 : index
      %get3A_646 = tpu.vector_load %arg9[%get3A_645] {strides = array<i32>} : memref<672xi32, #tpu.memory_space<vmem>>, vector<16xi32>,
      %add3A_647 = arith.addi %gather3A_644, %get3A_646 : vector<16xi32>
      %swap3A_648 = arith.constant 965 : index
      %swap3A_649 = tpu.vector_load %arg10[%swap3A_648] {strides = array<i32>} : memref<2624xi32, #tpu.memory_space<vmem>>, vector<16xi32>,
      tpu.vector_store %arg10[%swap3A_648], %add3A_647 {strides = array<i32>} : memref<2624xi32, #tpu.memory_space<vmem>>, vector<16xi32>,
      %get3A_650 = arith.constant 336 : index
      %get3A_651 = tpu.vector_load %arg8[%get3A_650] {strides = array<i32>} : memref<672xi32, #tpu.memory_space<vmem>>, vector<16xi32>,
      %add3A_652 = vector.broadcast %mul3A_439 : i32 to vector<16xi32>
      %add3A_653 = arith.addi %get3A_651, %add3A_652 : vector<16xi32>
      %gather3A_654 = tpu.vector_load_idx %arg7[%add3A_653] : memref<3328xi32, #tpu.memory_space<vmem>>[vector<16xi32>], vector<16xi32>,
      %get3A_655 = arith.constant 336 : index
      %get3A_656 = tpu.vector_load %arg9[%get3A_655] {strides = array<i32>} : memref<672xi32, #tpu.memory_space<vmem>>, vector<16xi32>,
      %add3A_657 = arith.addi %gather3A_654, %get3A_656 : vector<16xi32>
      %swap3A_658 = arith.constant 981 : index
      %swap3A_659 = tpu.vector_load %arg10[%swap3A_658] {strides = array<i32>} : memref<2624xi32, #tpu.memory_space<vmem>>, vector<16xi32>,
      tpu.vector_store %arg10[%swap3A_658], %add3A_657 {strides = array<i32>} : memref<2624xi32, #tpu.memory_space<vmem>>, vector<16xi32>,
      %get3A_660 = arith.constant 352 : index
      %get3A_661 = tpu.vector_load %arg8[%get3A_660] {strides = array<i32>} : memref<672xi32, #tpu.memory_space<vmem>>, vector<16xi32>,
      %add3A_662 = vector.broadcast %mul3A_439 : i32 to vector<16xi32>
      %add3A_663 = arith.addi %get3A_661, %add3A_662 : vector<16xi32>
      %gather3A_664 = tpu.vector_load_idx %arg7[%add3A_663] : memref<3328xi32, #tpu.memory_space<vmem>>[vector<16xi32>], vector<16xi32>,
      %get3A_665 = arith.constant 352 : index
      %get3A_666 = tpu.vector_load %arg9[%get3A_665] {strides = array<i32>} : memref<672xi32, #tpu.memory_space<vmem>>, vector<16xi32>,
      %add3A_667 = arith.addi %gather3A_664, %get3A_666 : vector<16xi32>
      %swap3A_668 = arith.constant 997 : index
      %swap3A_669 = tpu.vector_load %arg10[%swap3A_668] {strides = array<i32>} : memref<2624xi32, #tpu.memory_space<vmem>>, vector<16xi32>,
      tpu.vector_store %arg10[%swap3A_668], %add3A_667 {strides = array<i32>} : memref<2624xi32, #tpu.memory_space<vmem>>, vector<16xi32>,
      %get3A_670 = arith.constant 368 : index
      %get3A_671 = tpu.vector_load %arg8[%get3A_670] {strides = array<i32>} : memref<672xi32, #tpu.memory_space<vmem>>, vector<16xi32>,
      %add3A_672 = vector.broadcast %mul3A_439 : i32 to vector<16xi32>
      %add3A_673 = arith.addi %get3A_671, %add3A_672 : vector<16xi32>
      %gather3A_674 = tpu.vector_load_idx %arg7[%add3A_673] : memref<3328xi32, #tpu.memory_space<vmem>>[vector<16xi32>], vector<16xi32>,
      %get3A_675 = arith.constant 368 : index
      %get3A_676 = tpu.vector_load %arg9[%get3A_675] {strides = array<i32>} : memref<672xi32, #tpu.memory_space<vmem>>, vector<16xi32>,
      %add3A_677 = arith.addi %gather3A_674, %get3A_676 : vector<16xi32>
      %swap3A_678 = arith.constant 1013 : index
      %swap3A_679 = tpu.vector_load %arg10[%swap3A_678] {strides = array<i32>} : memref<2624xi32, #tpu.memory_space<vmem>>, vector<16xi32>,
      tpu.vector_store %arg10[%swap3A_678], %add3A_677 {strides = array<i32>} : memref<2624xi32, #tpu.memory_space<vmem>>, vector<16xi32>,
      %get3A_680 = arith.constant 384 : index
      %get3A_681 = tpu.vector_load %arg8[%get3A_680] {strides = array<i32>} : memref<672xi32, #tpu.memory_space<vmem>>, vector<16xi32>,
      %add3A_682 = vector.broadcast %mul3A_439 : i32 to vector<16xi32>
      %add3A_683 = arith.addi %get3A_681, %add3A_682 : vector<16xi32>
      %gather3A_684 = tpu.vector_load_idx %arg7[%add3A_683] : memref<3328xi32, #tpu.memory_space<vmem>>[vector<16xi32>], vector<16xi32>,
      %get3A_685 = arith.constant 384 : index
      %get3A_686 = tpu.vector_load %arg9[%get3A_685] {strides = array<i32>} : memref<672xi32, #tpu.memory_space<vmem>>, vector<16xi32>,
      %add3A_687 = arith.addi %gather3A_684, %get3A_686 : vector<16xi32>
      %swap3A_688 = arith.constant 1029 : index
      %swap3A_689 = tpu.vector_load %arg10[%swap3A_688] {strides = array<i32>} : memref<2624xi32, #tpu.memory_space<vmem>>, vector<16xi32>,
      tpu.vector_store %arg10[%swap3A_688], %add3A_687 {strides = array<i32>} : memref<2624xi32, #tpu.memory_space<vmem>>, vector<16xi32>,
      %get3A_690 = arith.constant 400 : index
      %get3A_691 = tpu.vector_load %arg8[%get3A_690] {strides = array<i32>} : memref<672xi32, #tpu.memory_space<vmem>>, vector<16xi32>,
      %add3A_692 = vector.broadcast %mul3A_439 : i32 to vector<16xi32>
      %add3A_693 = arith.addi %get3A_691, %add3A_692 : vector<16xi32>
      %gather3A_694 = tpu.vector_load_idx %arg7[%add3A_693] : memref<3328xi32, #tpu.memory_space<vmem>>[vector<16xi32>], vector<16xi32>,
      %get3A_695 = arith.constant 400 : index
      %get3A_696 = tpu.vector_load %arg9[%get3A_695] {strides = array<i32>} : memref<672xi32, #tpu.memory_space<vmem>>, vector<16xi32>,
      %add3A_697 = arith.addi %gather3A_694, %get3A_696 : vector<16xi32>
      %swap3A_698 = arith.constant 1045 : index
      %swap3A_699 = tpu.vector_load %arg10[%swap3A_698] {strides = array<i32>} : memref<2624xi32, #tpu.memory_space<vmem>>, vector<16xi32>,
      tpu.vector_store %arg10[%swap3A_698], %add3A_697 {strides = array<i32>} : memref<2624xi32, #tpu.memory_space<vmem>>, vector<16xi32>,
      %get3A_700 = arith.constant 416 : index
      %get3A_701 = tpu.vector_load %arg8[%get3A_700] {strides = array<i32>} : memref<672xi32, #tpu.memory_space<vmem>>, vector<16xi32>,
      %add3A_702 = vector.broadcast %mul3A_439 : i32 to vector<16xi32>
      %add3A_703 = arith.addi %get3A_701, %add3A_702 : vector<16xi32>
      %gather3A_704 = tpu.vector_load_idx %arg7[%add3A_703] : memref<3328xi32, #tpu.memory_space<vmem>>[vector<16xi32>], vector<16xi32>,
      %get3A_705 = arith.constant 416 : index
      %get3A_706 = tpu.vector_load %arg9[%get3A_705] {strides = array<i32>} : memref<672xi32, #tpu.memory_space<vmem>>, vector<16xi32>,
      %add3A_707 = arith.addi %gather3A_704, %get3A_706 : vector<16xi32>
      %swap3A_708 = arith.constant 1061 : index
      %swap3A_709 = tpu.vector_load %arg10[%swap3A_708] {strides = array<i32>} : memref<2624xi32, #tpu.memory_space<vmem>>, vector<16xi32>,
      tpu.vector_store %arg10[%swap3A_708], %add3A_707 {strides = array<i32>} : memref<2624xi32, #tpu.memory_space<vmem>>, vector<16xi32>,
      %get3A_710 = arith.constant 432 : index
      %get3A_711 = tpu.vector_load %arg8[%get3A_710] {strides = array<i32>} : memref<672xi32, #tpu.memory_space<vmem>>, vector<16xi32>,
      %add3A_712 = vector.broadcast %mul3A_439 : i32 to vector<16xi32>
      %add3A_713 = arith.addi %get3A_711, %add3A_712 : vector<16xi32>
      %gather3A_714 = tpu.vector_load_idx %arg7[%add3A_713] : memref<3328xi32, #tpu.memory_space<vmem>>[vector<16xi32>], vector<16xi32>,
      %get3A_715 = arith.constant 432 : index
      %get3A_716 = tpu.vector_load %arg9[%get3A_715] {strides = array<i32>} : memref<672xi32, #tpu.memory_space<vmem>>, vector<16xi32>,
      %add3A_717 = arith.addi %gather3A_714, %get3A_716 : vector<16xi32>
      %swap3A_718 = arith.constant 1077 : index
      %swap3A_719 = tpu.vector_load %arg10[%swap3A_718] {strides = array<i32>} : memref<2624xi32, #tpu.memory_space<vmem>>, vector<16xi32>,
      tpu.vector_store %arg10[%swap3A_718], %add3A_717 {strides = array<i32>} : memref<2624xi32, #tpu.memory_space<vmem>>, vector<16xi32>,
      %get3A_720 = arith.constant 448 : index
      %get3A_721 = tpu.vector_load %arg8[%get3A_720] {strides = array<i32>} : memref<672xi32, #tpu.memory_space<vmem>>, vector<16xi32>,
      %add3A_722 = vector.broadcast %mul3A_439 : i32 to vector<16xi32>
      %add3A_723 = arith.addi %get3A_721, %add3A_722 : vector<16xi32>
      %gather3A_724 = tpu.vector_load_idx %arg7[%add3A_723] : memref<3328xi32, #tpu.memory_space<vmem>>[vector<16xi32>], vector<16xi32>,
      %get3A_725 = arith.constant 448 : index
      %get3A_726 = tpu.vector_load %arg9[%get3A_725] {strides = array<i32>} : memref<672xi32, #tpu.memory_space<vmem>>, vector<16xi32>,
      %add3A_727 = arith.addi %gather3A_724, %get3A_726 : vector<16xi32>
      %swap3A_728 = arith.constant 1093 : index
      %swap3A_729 = tpu.vector_load %arg10[%swap3A_728] {strides = array<i32>} : memref<2624xi32, #tpu.memory_space<vmem>>, vector<16xi32>,
      tpu.vector_store %arg10[%swap3A_728], %add3A_727 {strides = array<i32>} : memref<2624xi32, #tpu.memory_space<vmem>>, vector<16xi32>,
      %get3A_730 = arith.constant 464 : index
      %get3A_731 = tpu.vector_load %arg8[%get3A_730] {strides = array<i32>} : memref<672xi32, #tpu.memory_space<vmem>>, vector<16xi32>,
      %add3A_732 = vector.broadcast %mul3A_439 : i32 to vector<16xi32>
      %add3A_733 = arith.addi %get3A_731, %add3A_732 : vector<16xi32>
      %gather3A_734 = tpu.vector_load_idx %arg7[%add3A_733] : memref<3328xi32, #tpu.memory_space<vmem>>[vector<16xi32>], vector<16xi32>,
      %get3A_735 = arith.constant 464 : index
      %get3A_736 = tpu.vector_load %arg9[%get3A_735] {strides = array<i32>} : memref<672xi32, #tpu.memory_space<vmem>>, vector<16xi32>,
      %add3A_737 = arith.addi %gather3A_734, %get3A_736 : vector<16xi32>
      %swap3A_738 = arith.constant 1109 : index
      %swap3A_739 = tpu.vector_load %arg10[%swap3A_738] {strides = array<i32>} : memref<2624xi32, #tpu.memory_space<vmem>>, vector<16xi32>,
      tpu.vector_store %arg10[%swap3A_738], %add3A_737 {strides = array<i32>} : memref<2624xi32, #tpu.memory_space<vmem>>, vector<16xi32>,
      %get3A_740 = arith.constant 480 : index
      %get3A_741 = tpu.vector_load %arg8[%get3A_740] {strides = array<i32>} : memref<672xi32, #tpu.memory_space<vmem>>, vector<16xi32>,
      %add3A_742 = vector.broadcast %mul3A_439 : i32 to vector<16xi32>
      %add3A_743 = arith.addi %get3A_741, %add3A_742 : vector<16xi32>
      %gather3A_744 = tpu.vector_load_idx %arg7[%add3A_743] : memref<3328xi32, #tpu.memory_space<vmem>>[vector<16xi32>], vector<16xi32>,
      %get3A_745 = arith.constant 480 : index
      %get3A_746 = tpu.vector_load %arg9[%get3A_745] {strides = array<i32>} : memref<672xi32, #tpu.memory_space<vmem>>, vector<16xi32>,
      %add3A_747 = arith.addi %gather3A_744, %get3A_746 : vector<16xi32>
      %swap3A_748 = arith.constant 1125 : index
      %swap3A_749 = tpu.vector_load %arg10[%swap3A_748] {strides = array<i32>} : memref<2624xi32, #tpu.memory_space<vmem>>, vector<16xi32>,
      tpu.vector_store %arg10[%swap3A_748], %add3A_747 {strides = array<i32>} : memref<2624xi32, #tpu.memory_space<vmem>>, vector<16xi32>,
      %get3A_750 = arith.constant 496 : index
      %get3A_751 = tpu.vector_load %arg8[%get3A_750] {strides = array<i32>} : memref<672xi32, #tpu.memory_space<vmem>>, vector<16xi32>,
      %add3A_752 = vector.broadcast %mul3A_439 : i32 to vector<16xi32>
      %add3A_753 = arith.addi %get3A_751, %add3A_752 : vector<16xi32>
      %gather3A_754 = tpu.vector_load_idx %arg7[%add3A_753] : memref<3328xi32, #tpu.memory_space<vmem>>[vector<16xi32>], vector<16xi32>,
      %get3A_755 = arith.constant 496 : index
      %get3A_756 = tpu.vector_load %arg9[%get3A_755] {strides = array<i32>} : memref<672xi32, #tpu.memory_space<vmem>>, vector<16xi32>,
      %add3A_757 = arith.addi %gather3A_754, %get3A_756 : vector<16xi32>
      %swap3A_758 = arith.constant 1141 : index
      %swap3A_759 = tpu.vector_load %arg10[%swap3A_758] {strides = array<i32>} : memref<2624xi32, #tpu.memory_space<vmem>>, vector<16xi32>,
      tpu.vector_store %arg10[%swap3A_758], %add3A_757 {strides = array<i32>} : memref<2624xi32, #tpu.memory_space<vmem>>, vector<16xi32>,
      %get3A_760 = arith.constant 512 : index
      %get3A_761 = tpu.vector_load %arg8[%get3A_760] {strides = array<i32>} : memref<672xi32, #tpu.memory_space<vmem>>, vector<16xi32>,
      %add3A_762 = vector.broadcast %mul3A_439 : i32 to vector<16xi32>
      %add3A_763 = arith.addi %get3A_761, %add3A_762 : vector<16xi32>
      %gather3A_764 = tpu.vector_load_idx %arg7[%add3A_763] : memref<3328xi32, #tpu.memory_space<vmem>>[vector<16xi32>], vector<16xi32>,
      %get3A_765 = arith.constant 512 : index
      %get3A_766 = tpu.vector_load %arg9[%get3A_765] {strides = array<i32>} : memref<672xi32, #tpu.memory_space<vmem>>, vector<16xi32>,
      %add3A_767 = arith.addi %gather3A_764, %get3A_766 : vector<16xi32>
      %swap3A_768 = arith.constant 1157 : index
      %swap3A_769 = tpu.vector_load %arg10[%swap3A_768] {strides = array<i32>} : memref<2624xi32, #tpu.memory_space<vmem>>, vector<16xi32>,
      tpu.vector_store %arg10[%swap3A_768], %add3A_767 {strides = array<i32>} : memref<2624xi32, #tpu.memory_space<vmem>>, vector<16xi32>,
      %get3A_770 = arith.constant 528 : index
      %get3A_771 = tpu.vector_load %arg8[%get3A_770] {strides = array<i32>} : memref<672xi32, #tpu.memory_space<vmem>>, vector<16xi32>,
      %add3A_772 = vector.broadcast %mul3A_439 : i32 to vector<16xi32>
      %add3A_773 = arith.addi %get3A_771, %add3A_772 : vector<16xi32>
      %gather3A_774 = tpu.vector_load_idx %arg7[%add3A_773] : memref<3328xi32, #tpu.memory_space<vmem>>[vector<16xi32>], vector<16xi32>,
      %get3A_775 = arith.constant 528 : index
      %get3A_776 = tpu.vector_load %arg9[%get3A_775] {strides = array<i32>} : memref<672xi32, #tpu.memory_space<vmem>>, vector<16xi32>,
      %add3A_777 = arith.addi %gather3A_774, %get3A_776 : vector<16xi32>
      %swap3A_778 = arith.constant 1173 : index
      %swap3A_779 = tpu.vector_load %arg10[%swap3A_778] {strides = array<i32>} : memref<2624xi32, #tpu.memory_space<vmem>>, vector<16xi32>,
      tpu.vector_store %arg10[%swap3A_778], %add3A_777 {strides = array<i32>} : memref<2624xi32, #tpu.memory_space<vmem>>, vector<16xi32>,
      %get3A_780 = arith.constant 544 : index
      %get3A_781 = tpu.vector_load %arg8[%get3A_780] {strides = array<i32>} : memref<672xi32, #tpu.memory_space<vmem>>, vector<16xi32>,
      %add3A_782 = vector.broadcast %mul3A_439 : i32 to vector<16xi32>
      %add3A_783 = arith.addi %get3A_781, %add3A_782 : vector<16xi32>
      %gather3A_784 = tpu.vector_load_idx %arg7[%add3A_783] : memref<3328xi32, #tpu.memory_space<vmem>>[vector<16xi32>], vector<16xi32>,
      %get3A_785 = arith.constant 544 : index
      %get3A_786 = tpu.vector_load %arg9[%get3A_785] {strides = array<i32>} : memref<672xi32, #tpu.memory_space<vmem>>, vector<16xi32>,
      %add3A_787 = arith.addi %gather3A_784, %get3A_786 : vector<16xi32>
      %swap3A_788 = arith.constant 1189 : index
      %swap3A_789 = tpu.vector_load %arg10[%swap3A_788] {strides = array<i32>} : memref<2624xi32, #tpu.memory_space<vmem>>, vector<16xi32>,
      tpu.vector_store %arg10[%swap3A_788], %add3A_787 {strides = array<i32>} : memref<2624xi32, #tpu.memory_space<vmem>>, vector<16xi32>,
      %get3A_790 = arith.constant 560 : index
      %get3A_791 = tpu.vector_load %arg8[%get3A_790] {strides = array<i32>} : memref<672xi32, #tpu.memory_space<vmem>>, vector<16xi32>,
      %add3A_792 = vector.broadcast %mul3A_439 : i32 to vector<16xi32>
      %add3A_793 = arith.addi %get3A_791, %add3A_792 : vector<16xi32>
      %gather3A_794 = tpu.vector_load_idx %arg7[%add3A_793] : memref<3328xi32, #tpu.memory_space<vmem>>[vector<16xi32>], vector<16xi32>,
      %get3A_795 = arith.constant 560 : index
      %get3A_796 = tpu.vector_load %arg9[%get3A_795] {strides = array<i32>} : memref<672xi32, #tpu.memory_space<vmem>>, vector<16xi32>,
      %add3A_797 = arith.addi %gather3A_794, %get3A_796 : vector<16xi32>
      %swap3A_798 = arith.constant 1205 : index
      %swap3A_799 = tpu.vector_load %arg10[%swap3A_798] {strides = array<i32>} : memref<2624xi32, #tpu.memory_space<vmem>>, vector<16xi32>,
      tpu.vector_store %arg10[%swap3A_798], %add3A_797 {strides = array<i32>} : memref<2624xi32, #tpu.memory_space<vmem>>, vector<16xi32>,
      %get3A_800 = arith.constant 576 : index
      %get3A_801 = tpu.vector_load %arg8[%get3A_800] {strides = array<i32>} : memref<672xi32, #tpu.memory_space<vmem>>, vector<16xi32>,
      %add3A_802 = vector.broadcast %mul3A_439 : i32 to vector<16xi32>
      %add3A_803 = arith.addi %get3A_801, %add3A_802 : vector<16xi32>
      %gather3A_804 = tpu.vector_load_idx %arg7[%add3A_803] : memref<3328xi32, #tpu.memory_space<vmem>>[vector<16xi32>], vector<16xi32>,
      %get3A_805 = arith.constant 576 : index
      %get3A_806 = tpu.vector_load %arg9[%get3A_805] {strides = array<i32>} : memref<672xi32, #tpu.memory_space<vmem>>, vector<16xi32>,
      %add3A_807 = arith.addi %gather3A_804, %get3A_806 : vector<16xi32>
      %swap3A_808 = arith.constant 1221 : index
      %swap3A_809 = tpu.vector_load %arg10[%swap3A_808] {strides = array<i32>} : memref<2624xi32, #tpu.memory_space<vmem>>, vector<16xi32>,
      tpu.vector_store %arg10[%swap3A_808], %add3A_807 {strides = array<i32>} : memref<2624xi32, #tpu.memory_space<vmem>>, vector<16xi32>,
      %get3A_810 = arith.constant 592 : index
      %get3A_811 = tpu.vector_load %arg8[%get3A_810] {strides = array<i32>} : memref<672xi32, #tpu.memory_space<vmem>>, vector<16xi32>,
      %add3A_812 = vector.broadcast %mul3A_439 : i32 to vector<16xi32>
      %add3A_813 = arith.addi %get3A_811, %add3A_812 : vector<16xi32>
      %gather3A_814 = tpu.vector_load_idx %arg7[%add3A_813] : memref<3328xi32, #tpu.memory_space<vmem>>[vector<16xi32>], vector<16xi32>,
      %get3A_815 = arith.constant 592 : index
      %get3A_816 = tpu.vector_load %arg9[%get3A_815] {strides = array<i32>} : memref<672xi32, #tpu.memory_space<vmem>>, vector<16xi32>,
      %add3A_817 = arith.addi %gather3A_814, %get3A_816 : vector<16xi32>
      %swap3A_818 = arith.constant 1237 : index
      %swap3A_819 = tpu.vector_load %arg10[%swap3A_818] {strides = array<i32>} : memref<2624xi32, #tpu.memory_space<vmem>>, vector<16xi32>,
      tpu.vector_store %arg10[%swap3A_818], %add3A_817 {strides = array<i32>} : memref<2624xi32, #tpu.memory_space<vmem>>, vector<16xi32>,
      %get3A_820 = arith.constant 608 : index
      %get3A_821 = tpu.vector_load %arg8[%get3A_820] {strides = array<i32>} : memref<672xi32, #tpu.memory_space<vmem>>, vector<16xi32>,
      %add3A_822 = vector.broadcast %mul3A_439 : i32 to vector<16xi32>
      %add3A_823 = arith.addi %get3A_821, %add3A_822 : vector<16xi32>
      %gather3A_824 = tpu.vector_load_idx %arg7[%add3A_823] : memref<3328xi32, #tpu.memory_space<vmem>>[vector<16xi32>], vector<16xi32>,
      %get3A_825 = arith.constant 608 : index
      %get3A_826 = tpu.vector_load %arg9[%get3A_825] {strides = array<i32>} : memref<672xi32, #tpu.memory_space<vmem>>, vector<16xi32>,
      %add3A_827 = arith.addi %gather3A_824, %get3A_826 : vector<16xi32>
      %swap3A_828 = arith.constant 1253 : index
      %swap3A_829 = tpu.vector_load %arg10[%swap3A_828] {strides = array<i32>} : memref<2624xi32, #tpu.memory_space<vmem>>, vector<16xi32>,
      tpu.vector_store %arg10[%swap3A_828], %add3A_827 {strides = array<i32>} : memref<2624xi32, #tpu.memory_space<vmem>>, vector<16xi32>,
      %get3A_830 = arith.constant 624 : index
      %get3A_831 = tpu.vector_load %arg8[%get3A_830] {strides = array<i32>} : memref<672xi32, #tpu.memory_space<vmem>>, vector<16xi32>,
      %add3A_832 = vector.broadcast %mul3A_439 : i32 to vector<16xi32>
      %add3A_833 = arith.addi %get3A_831, %add3A_832 : vector<16xi32>
      %gather3A_834 = tpu.vector_load_idx %arg7[%add3A_833] : memref<3328xi32, #tpu.memory_space<vmem>>[vector<16xi32>], vector<16xi32>,
      %get3A_835 = arith.constant 624 : index
      %get3A_836 = tpu.vector_load %arg9[%get3A_835] {strides = array<i32>} : memref<672xi32, #tpu.memory_space<vmem>>, vector<16xi32>,
      %add3A_837 = arith.addi %gather3A_834, %get3A_836 : vector<16xi32>
      %swap3A_838 = arith.constant 1269 : index
      %swap3A_839 = tpu.vector_load %arg10[%swap3A_838] {strides = array<i32>} : memref<2624xi32, #tpu.memory_space<vmem>>, vector<16xi32>,
      tpu.vector_store %arg10[%swap3A_838], %add3A_837 {strides = array<i32>} : memref<2624xi32, #tpu.memory_space<vmem>>, vector<16xi32>,
      %get3A_840 = arith.constant 640 : index
      %get3A_841 = tpu.vector_load %arg8[%get3A_840] {strides = array<i32>} : memref<672xi32, #tpu.memory_space<vmem>>, vector<16xi32>,
      %add3A_842 = vector.broadcast %mul3A_439 : i32 to vector<16xi32>
      %add3A_843 = arith.addi %get3A_841, %add3A_842 : vector<16xi32>
      %gather3A_844 = tpu.vector_load_idx %arg7[%add3A_843] : memref<3328xi32, #tpu.memory_space<vmem>>[vector<16xi32>], vector<16xi32>,
      %get3A_845 = arith.constant 640 : index
      %get3A_846 = tpu.vector_load %arg9[%get3A_845] {strides = array<i32>} : memref<672xi32, #tpu.memory_space<vmem>>, vector<16xi32>,
      %add3A_847 = arith.addi %gather3A_844, %get3A_846 : vector<16xi32>
      %swap3A_848 = arith.constant 1285 : index
      %swap3A_849 = tpu.vector_load %arg10[%swap3A_848] {strides = array<i32>} : memref<2624xi32, #tpu.memory_space<vmem>>, vector<16xi32>,
      tpu.vector_store %arg10[%swap3A_848], %add3A_847 {strides = array<i32>} : memref<2624xi32, #tpu.memory_space<vmem>>, vector<16xi32>,
      %get3A_850 = arith.constant 656 : index
      %get3A_851 = tpu.vector_load %arg8[%get3A_850] {strides = array<i32>} : memref<672xi32, #tpu.memory_space<vmem>>, vector<16xi32>,
      %add3A_852 = vector.broadcast %mul3A_439 : i32 to vector<16xi32>
      %add3A_853 = arith.addi %get3A_851, %add3A_852 : vector<16xi32>
      %gather3A_854 = tpu.vector_load_idx %arg7[%add3A_853] : memref<3328xi32, #tpu.memory_space<vmem>>[vector<16xi32>], vector<16xi32>,
      %get3A_855 = arith.constant 656 : index
      %get3A_856 = tpu.vector_load %arg9[%get3A_855] {strides = array<i32>} : memref<672xi32, #tpu.memory_space<vmem>>, vector<16xi32>,
      %add3A_857 = arith.addi %gather3A_854, %get3A_856 : vector<16xi32>
      %swap3A_858 = arith.constant 1290 : index
      %swap3A_859 = tpu.vector_load %arg10[%swap3A_858] {strides = array<i32>} : memref<2624xi32, #tpu.memory_space<vmem>>, vector<16xi32>,
      tpu.vector_store %arg10[%swap3A_858], %add3A_857 {strides = array<i32>} : memref<2624xi32, #tpu.memory_space<vmem>>, vector<16xi32>,
      %mul3A_860 = arith.constant 4 : i32
      %mul3A_861 = arith.muli %scan3A_10, %mul3A_860 : i32
      %add3A_862 = arith.constant 2 : i32
      %add3A_863 = arith.addi %mul3A_861, %add3A_862 : i32
      %mul3A_864 = arith.constant 26 : i32
      %mul3A_865 = arith.muli %add3A_863, %mul3A_864 : i32
      %get3A_866 = arith.constant 0 : index
      %get3A_867 = tpu.vector_load %arg8[%get3A_866] {strides = array<i32>} : memref<672xi32, #tpu.memory_space<vmem>>, vector<16xi32>,
      %add3A_868 = vector.broadcast %mul3A_865 : i32 to vector<16xi32>
      %add3A_869 = arith.addi %get3A_867, %add3A_868 : vector<16xi32>
      %gather3A_870 = tpu.vector_load_idx %arg7[%add3A_869] : memref<3328xi32, #tpu.memory_space<vmem>>[vector<16xi32>], vector<16xi32>,
      %get3A_871 = arith.constant 0 : index
      %get3A_872 = tpu.vector_load %arg9[%get3A_871] {strides = array<i32>} : memref<672xi32, #tpu.memory_space<vmem>>, vector<16xi32>,
      %add3A_873 = arith.addi %gather3A_870, %get3A_872 : vector<16xi32>
      %swap3A_874 = arith.constant 1312 : index
      %swap3A_875 = tpu.vector_load %arg10[%swap3A_874] {strides = array<i32>} : memref<2624xi32, #tpu.memory_space<vmem>>, vector<16xi32>,
      tpu.vector_store %arg10[%swap3A_874], %add3A_873 {strides = array<i32>} : memref<2624xi32, #tpu.memory_space<vmem>>, vector<16xi32>,
      %get3A_876 = arith.constant 16 : index
      %get3A_877 = tpu.vector_load %arg8[%get3A_876] {strides = array<i32>} : memref<672xi32, #tpu.memory_space<vmem>>, vector<16xi32>,
      %add3A_878 = vector.broadcast %mul3A_865 : i32 to vector<16xi32>
      %add3A_879 = arith.addi %get3A_877, %add3A_878 : vector<16xi32>
      %gather3A_880 = tpu.vector_load_idx %arg7[%add3A_879] : memref<3328xi32, #tpu.memory_space<vmem>>[vector<16xi32>], vector<16xi32>,
      %get3A_881 = arith.constant 16 : index
      %get3A_882 = tpu.vector_load %arg9[%get3A_881] {strides = array<i32>} : memref<672xi32, #tpu.memory_space<vmem>>, vector<16xi32>,
      %add3A_883 = arith.addi %gather3A_880, %get3A_882 : vector<16xi32>
      %swap3A_884 = arith.constant 1328 : index
      %swap3A_885 = tpu.vector_load %arg10[%swap3A_884] {strides = array<i32>} : memref<2624xi32, #tpu.memory_space<vmem>>, vector<16xi32>,
      tpu.vector_store %arg10[%swap3A_884], %add3A_883 {strides = array<i32>} : memref<2624xi32, #tpu.memory_space<vmem>>, vector<16xi32>,
      %get3A_886 = arith.constant 32 : index
      %get3A_887 = tpu.vector_load %arg8[%get3A_886] {strides = array<i32>} : memref<672xi32, #tpu.memory_space<vmem>>, vector<16xi32>,
      %add3A_888 = vector.broadcast %mul3A_865 : i32 to vector<16xi32>
      %add3A_889 = arith.addi %get3A_887, %add3A_888 : vector<16xi32>
      %gather3A_890 = tpu.vector_load_idx %arg7[%add3A_889] : memref<3328xi32, #tpu.memory_space<vmem>>[vector<16xi32>], vector<16xi32>,
      %get3A_891 = arith.constant 32 : index
      %get3A_892 = tpu.vector_load %arg9[%get3A_891] {strides = array<i32>} : memref<672xi32, #tpu.memory_space<vmem>>, vector<16xi32>,
      %add3A_893 = arith.addi %gather3A_890, %get3A_892 : vector<16xi32>
      %swap3A_894 = arith.constant 1344 : index
      %swap3A_895 = tpu.vector_load %arg10[%swap3A_894] {strides = array<i32>} : memref<2624xi32, #tpu.memory_space<vmem>>, vector<16xi32>,
      tpu.vector_store %arg10[%swap3A_894], %add3A_893 {strides = array<i32>} : memref<2624xi32, #tpu.memory_space<vmem>>, vector<16xi32>,
      %get3A_896 = arith.constant 48 : index
      %get3A_897 = tpu.vector_load %arg8[%get3A_896] {strides = array<i32>} : memref<672xi32, #tpu.memory_space<vmem>>, vector<16xi32>,
      %add3A_898 = vector.broadcast %mul3A_865 : i32 to vector<16xi32>
      %add3A_899 = arith.addi %get3A_897, %add3A_898 : vector<16xi32>
      %gather3A_900 = tpu.vector_load_idx %arg7[%add3A_899] : memref<3328xi32, #tpu.memory_space<vmem>>[vector<16xi32>], vector<16xi32>,
      %get3A_901 = arith.constant 48 : index
      %get3A_902 = tpu.vector_load %arg9[%get3A_901] {strides = array<i32>} : memref<672xi32, #tpu.memory_space<vmem>>, vector<16xi32>,
      %add3A_903 = arith.addi %gather3A_900, %get3A_902 : vector<16xi32>
      %swap3A_904 = arith.constant 1360 : index
      %swap3A_905 = tpu.vector_load %arg10[%swap3A_904] {strides = array<i32>} : memref<2624xi32, #tpu.memory_space<vmem>>, vector<16xi32>,
      tpu.vector_store %arg10[%swap3A_904], %add3A_903 {strides = array<i32>} : memref<2624xi32, #tpu.memory_space<vmem>>, vector<16xi32>,
      %get3A_906 = arith.constant 64 : index
      %get3A_907 = tpu.vector_load %arg8[%get3A_906] {strides = array<i32>} : memref<672xi32, #tpu.memory_space<vmem>>, vector<16xi32>,
      %add3A_908 = vector.broadcast %mul3A_865 : i32 to vector<16xi32>
      %add3A_909 = arith.addi %get3A_907, %add3A_908 : vector<16xi32>
      %gather3A_910 = tpu.vector_load_idx %arg7[%add3A_909] : memref<3328xi32, #tpu.memory_space<vmem>>[vector<16xi32>], vector<16xi32>,
      %get3A_911 = arith.constant 64 : index
      %get3A_912 = tpu.vector_load %arg9[%get3A_911] {strides = array<i32>} : memref<672xi32, #tpu.memory_space<vmem>>, vector<16xi32>,
      %add3A_913 = arith.addi %gather3A_910, %get3A_912 : vector<16xi32>
      %swap3A_914 = arith.constant 1376 : index
      %swap3A_915 = tpu.vector_load %arg10[%swap3A_914] {strides = array<i32>} : memref<2624xi32, #tpu.memory_space<vmem>>, vector<16xi32>,
      tpu.vector_store %arg10[%swap3A_914], %add3A_913 {strides = array<i32>} : memref<2624xi32, #tpu.memory_space<vmem>>, vector<16xi32>,
      %get3A_916 = arith.constant 80 : index
      %get3A_917 = tpu.vector_load %arg8[%get3A_916] {strides = array<i32>} : memref<672xi32, #tpu.memory_space<vmem>>, vector<16xi32>,
      %add3A_918 = vector.broadcast %mul3A_865 : i32 to vector<16xi32>
      %add3A_919 = arith.addi %get3A_917, %add3A_918 : vector<16xi32>
      %gather3A_920 = tpu.vector_load_idx %arg7[%add3A_919] : memref<3328xi32, #tpu.memory_space<vmem>>[vector<16xi32>], vector<16xi32>,
      %get3A_921 = arith.constant 80 : index
      %get3A_922 = tpu.vector_load %arg9[%get3A_921] {strides = array<i32>} : memref<672xi32, #tpu.memory_space<vmem>>, vector<16xi32>,
      %add3A_923 = arith.addi %gather3A_920, %get3A_922 : vector<16xi32>
      %swap3A_924 = arith.constant 1392 : index
      %swap3A_925 = tpu.vector_load %arg10[%swap3A_924] {strides = array<i32>} : memref<2624xi32, #tpu.memory_space<vmem>>, vector<16xi32>,
      tpu.vector_store %arg10[%swap3A_924], %add3A_923 {strides = array<i32>} : memref<2624xi32, #tpu.memory_space<vmem>>, vector<16xi32>,
      %get3A_926 = arith.constant 96 : index
      %get3A_927 = tpu.vector_load %arg8[%get3A_926] {strides = array<i32>} : memref<672xi32, #tpu.memory_space<vmem>>, vector<16xi32>,
      %add3A_928 = vector.broadcast %mul3A_865 : i32 to vector<16xi32>
      %add3A_929 = arith.addi %get3A_927, %add3A_928 : vector<16xi32>
      %gather3A_930 = tpu.vector_load_idx %arg7[%add3A_929] : memref<3328xi32, #tpu.memory_space<vmem>>[vector<16xi32>], vector<16xi32>,
      %get3A_931 = arith.constant 96 : index
      %get3A_932 = tpu.vector_load %arg9[%get3A_931] {strides = array<i32>} : memref<672xi32, #tpu.memory_space<vmem>>, vector<16xi32>,
      %add3A_933 = arith.addi %gather3A_930, %get3A_932 : vector<16xi32>
      %swap3A_934 = arith.constant 1408 : index
      %swap3A_935 = tpu.vector_load %arg10[%swap3A_934] {strides = array<i32>} : memref<2624xi32, #tpu.memory_space<vmem>>, vector<16xi32>,
      tpu.vector_store %arg10[%swap3A_934], %add3A_933 {strides = array<i32>} : memref<2624xi32, #tpu.memory_space<vmem>>, vector<16xi32>,
      %get3A_936 = arith.constant 112 : index
      %get3A_937 = tpu.vector_load %arg8[%get3A_936] {strides = array<i32>} : memref<672xi32, #tpu.memory_space<vmem>>, vector<16xi32>,
      %add3A_938 = vector.broadcast %mul3A_865 : i32 to vector<16xi32>
      %add3A_939 = arith.addi %get3A_937, %add3A_938 : vector<16xi32>
      %gather3A_940 = tpu.vector_load_idx %arg7[%add3A_939] : memref<3328xi32, #tpu.memory_space<vmem>>[vector<16xi32>], vector<16xi32>,
      %get3A_941 = arith.constant 112 : index
      %get3A_942 = tpu.vector_load %arg9[%get3A_941] {strides = array<i32>} : memref<672xi32, #tpu.memory_space<vmem>>, vector<16xi32>,
      %add3A_943 = arith.addi %gather3A_940, %get3A_942 : vector<16xi32>
      %swap3A_944 = arith.constant 1424 : index
      %swap3A_945 = tpu.vector_load %arg10[%swap3A_944] {strides = array<i32>} : memref<2624xi32, #tpu.memory_space<vmem>>, vector<16xi32>,
      tpu.vector_store %arg10[%swap3A_944], %add3A_943 {strides = array<i32>} : memref<2624xi32, #tpu.memory_space<vmem>>, vector<16xi32>,
      %get3A_946 = arith.constant 128 : index
      %get3A_947 = tpu.vector_load %arg8[%get3A_946] {strides = array<i32>} : memref<672xi32, #tpu.memory_space<vmem>>, vector<16xi32>,
      %add3A_948 = vector.broadcast %mul3A_865 : i32 to vector<16xi32>
      %add3A_949 = arith.addi %get3A_947, %add3A_948 : vector<16xi32>
      %gather3A_950 = tpu.vector_load_idx %arg7[%add3A_949] : memref<3328xi32, #tpu.memory_space<vmem>>[vector<16xi32>], vector<16xi32>,
      %get3A_951 = arith.constant 128 : index
      %get3A_952 = tpu.vector_load %arg9[%get3A_951] {strides = array<i32>} : memref<672xi32, #tpu.memory_space<vmem>>, vector<16xi32>,
      %add3A_953 = arith.addi %gather3A_950, %get3A_952 : vector<16xi32>
      %swap3A_954 = arith.constant 1440 : index
      %swap3A_955 = tpu.vector_load %arg10[%swap3A_954] {strides = array<i32>} : memref<2624xi32, #tpu.memory_space<vmem>>, vector<16xi32>,
      tpu.vector_store %arg10[%swap3A_954], %add3A_953 {strides = array<i32>} : memref<2624xi32, #tpu.memory_space<vmem>>, vector<16xi32>,
      %get3A_956 = arith.constant 144 : index
      %get3A_957 = tpu.vector_load %arg8[%get3A_956] {strides = array<i32>} : memref<672xi32, #tpu.memory_space<vmem>>, vector<16xi32>,
      %add3A_958 = vector.broadcast %mul3A_865 : i32 to vector<16xi32>
      %add3A_959 = arith.addi %get3A_957, %add3A_958 : vector<16xi32>
      %gather3A_960 = tpu.vector_load_idx %arg7[%add3A_959] : memref<3328xi32, #tpu.memory_space<vmem>>[vector<16xi32>], vector<16xi32>,
      %get3A_961 = arith.constant 144 : index
      %get3A_962 = tpu.vector_load %arg9[%get3A_961] {strides = array<i32>} : memref<672xi32, #tpu.memory_space<vmem>>, vector<16xi32>,
      %add3A_963 = arith.addi %gather3A_960, %get3A_962 : vector<16xi32>
      %swap3A_964 = arith.constant 1456 : index
      %swap3A_965 = tpu.vector_load %arg10[%swap3A_964] {strides = array<i32>} : memref<2624xi32, #tpu.memory_space<vmem>>, vector<16xi32>,
      tpu.vector_store %arg10[%swap3A_964], %add3A_963 {strides = array<i32>} : memref<2624xi32, #tpu.memory_space<vmem>>, vector<16xi32>,
      %get3A_966 = arith.constant 160 : index
      %get3A_967 = tpu.vector_load %arg8[%get3A_966] {strides = array<i32>} : memref<672xi32, #tpu.memory_space<vmem>>, vector<16xi32>,
      %add3A_968 = vector.broadcast %mul3A_865 : i32 to vector<16xi32>
      %add3A_969 = arith.addi %get3A_967, %add3A_968 : vector<16xi32>
      %gather3A_970 = tpu.vector_load_idx %arg7[%add3A_969] : memref<3328xi32, #tpu.memory_space<vmem>>[vector<16xi32>], vector<16xi32>,
      %get3A_971 = arith.constant 160 : index
      %get3A_972 = tpu.vector_load %arg9[%get3A_971] {strides = array<i32>} : memref<672xi32, #tpu.memory_space<vmem>>, vector<16xi32>,
      %add3A_973 = arith.addi %gather3A_970, %get3A_972 : vector<16xi32>
      %swap3A_974 = arith.constant 1472 : index
      %swap3A_975 = tpu.vector_load %arg10[%swap3A_974] {strides = array<i32>} : memref<2624xi32, #tpu.memory_space<vmem>>, vector<16xi32>,
      tpu.vector_store %arg10[%swap3A_974], %add3A_973 {strides = array<i32>} : memref<2624xi32, #tpu.memory_space<vmem>>, vector<16xi32>,
      %get3A_976 = arith.constant 176 : index
      %get3A_977 = tpu.vector_load %arg8[%get3A_976] {strides = array<i32>} : memref<672xi32, #tpu.memory_space<vmem>>, vector<16xi32>,
      %add3A_978 = vector.broadcast %mul3A_865 : i32 to vector<16xi32>
      %add3A_979 = arith.addi %get3A_977, %add3A_978 : vector<16xi32>
      %gather3A_980 = tpu.vector_load_idx %arg7[%add3A_979] : memref<3328xi32, #tpu.memory_space<vmem>>[vector<16xi32>], vector<16xi32>,
      %get3A_981 = arith.constant 176 : index
      %get3A_982 = tpu.vector_load %arg9[%get3A_981] {strides = array<i32>} : memref<672xi32, #tpu.memory_space<vmem>>, vector<16xi32>,
      %add3A_983 = arith.addi %gather3A_980, %get3A_982 : vector<16xi32>
      %swap3A_984 = arith.constant 1488 : index
      %swap3A_985 = tpu.vector_load %arg10[%swap3A_984] {strides = array<i32>} : memref<2624xi32, #tpu.memory_space<vmem>>, vector<16xi32>,
      tpu.vector_store %arg10[%swap3A_984], %add3A_983 {strides = array<i32>} : memref<2624xi32, #tpu.memory_space<vmem>>, vector<16xi32>,
      %get3A_986 = arith.constant 192 : index
      %get3A_987 = tpu.vector_load %arg8[%get3A_986] {strides = array<i32>} : memref<672xi32, #tpu.memory_space<vmem>>, vector<16xi32>,
      %add3A_988 = vector.broadcast %mul3A_865 : i32 to vector<16xi32>
      %add3A_989 = arith.addi %get3A_987, %add3A_988 : vector<16xi32>
      %gather3A_990 = tpu.vector_load_idx %arg7[%add3A_989] : memref<3328xi32, #tpu.memory_space<vmem>>[vector<16xi32>], vector<16xi32>,
      %get3A_991 = arith.constant 192 : index
      %get3A_992 = tpu.vector_load %arg9[%get3A_991] {strides = array<i32>} : memref<672xi32, #tpu.memory_space<vmem>>, vector<16xi32>,
      %add3A_993 = arith.addi %gather3A_990, %get3A_992 : vector<16xi32>
      %swap3A_994 = arith.constant 1504 : index
      %swap3A_995 = tpu.vector_load %arg10[%swap3A_994] {strides = array<i32>} : memref<2624xi32, #tpu.memory_space<vmem>>, vector<16xi32>,
      tpu.vector_store %arg10[%swap3A_994], %add3A_993 {strides = array<i32>} : memref<2624xi32, #tpu.memory_space<vmem>>, vector<16xi32>,
      %get3A_996 = arith.constant 208 : index
      %get3A_997 = tpu.vector_load %arg8[%get3A_996] {strides = array<i32>} : memref<672xi32, #tpu.memory_space<vmem>>, vector<16xi32>,
      %add3A_998 = vector.broadcast %mul3A_865 : i32 to vector<16xi32>
      %add3A_999 = arith.addi %get3A_997, %add3A_998 : vector<16xi32>
      %gather3A_1000 = tpu.vector_load_idx %arg7[%add3A_999] : memref<3328xi32, #tpu.memory_space<vmem>>[vector<16xi32>], vector<16xi32>,
      %get3A_1001 = arith.constant 208 : index
      %get3A_1002 = tpu.vector_load %arg9[%get3A_1001] {strides = array<i32>} : memref<672xi32, #tpu.memory_space<vmem>>, vector<16xi32>,
      %add3A_1003 = arith.addi %gather3A_1000, %get3A_1002 : vector<16xi32>
      %swap3A_1004 = arith.constant 1520 : index
      %swap3A_1005 = tpu.vector_load %arg10[%swap3A_1004] {strides = array<i32>} : memref<2624xi32, #tpu.memory_space<vmem>>, vector<16xi32>,
      tpu.vector_store %arg10[%swap3A_1004], %add3A_1003 {strides = array<i32>} : memref<2624xi32, #tpu.memory_space<vmem>>, vector<16xi32>,
      %get3A_1006 = arith.constant 224 : index
      %get3A_1007 = tpu.vector_load %arg8[%get3A_1006] {strides = array<i32>} : memref<672xi32, #tpu.memory_space<vmem>>, vector<16xi32>,
      %add3A_1008 = vector.broadcast %mul3A_865 : i32 to vector<16xi32>
      %add3A_1009 = arith.addi %get3A_1007, %add3A_1008 : vector<16xi32>
      %gather3A_1010 = tpu.vector_load_idx %arg7[%add3A_1009] : memref<3328xi32, #tpu.memory_space<vmem>>[vector<16xi32>], vector<16xi32>,
      %get3A_1011 = arith.constant 224 : index
      %get3A_1012 = tpu.vector_load %arg9[%get3A_1011] {strides = array<i32>} : memref<672xi32, #tpu.memory_space<vmem>>, vector<16xi32>,
      %add3A_1013 = arith.addi %gather3A_1010, %get3A_1012 : vector<16xi32>
      %swap3A_1014 = arith.constant 1536 : index
      %swap3A_1015 = tpu.vector_load %arg10[%swap3A_1014] {strides = array<i32>} : memref<2624xi32, #tpu.memory_space<vmem>>, vector<16xi32>,
      tpu.vector_store %arg10[%swap3A_1014], %add3A_1013 {strides = array<i32>} : memref<2624xi32, #tpu.memory_space<vmem>>, vector<16xi32>,
      %get3A_1016 = arith.constant 240 : index
      %get3A_1017 = tpu.vector_load %arg8[%get3A_1016] {strides = array<i32>} : memref<672xi32, #tpu.memory_space<vmem>>, vector<16xi32>,
      %add3A_1018 = vector.broadcast %mul3A_865 : i32 to vector<16xi32>
      %add3A_1019 = arith.addi %get3A_1017, %add3A_1018 : vector<16xi32>
      %gather3A_1020 = tpu.vector_load_idx %arg7[%add3A_1019] : memref<3328xi32, #tpu.memory_space<vmem>>[vector<16xi32>], vector<16xi32>,
      %get3A_1021 = arith.constant 240 : index
      %get3A_1022 = tpu.vector_load %arg9[%get3A_1021] {strides = array<i32>} : memref<672xi32, #tpu.memory_space<vmem>>, vector<16xi32>,
      %add3A_1023 = arith.addi %gather3A_1020, %get3A_1022 : vector<16xi32>
      %swap3A_1024 = arith.constant 1552 : index
      %swap3A_1025 = tpu.vector_load %arg10[%swap3A_1024] {strides = array<i32>} : memref<2624xi32, #tpu.memory_space<vmem>>, vector<16xi32>,
      tpu.vector_store %arg10[%swap3A_1024], %add3A_1023 {strides = array<i32>} : memref<2624xi32, #tpu.memory_space<vmem>>, vector<16xi32>,
      %get3A_1026 = arith.constant 256 : index
      %get3A_1027 = tpu.vector_load %arg8[%get3A_1026] {strides = array<i32>} : memref<672xi32, #tpu.memory_space<vmem>>, vector<16xi32>,
      %add3A_1028 = vector.broadcast %mul3A_865 : i32 to vector<16xi32>
      %add3A_1029 = arith.addi %get3A_1027, %add3A_1028 : vector<16xi32>
      %gather3A_1030 = tpu.vector_load_idx %arg7[%add3A_1029] : memref<3328xi32, #tpu.memory_space<vmem>>[vector<16xi32>], vector<16xi32>,
      %get3A_1031 = arith.constant 256 : index
      %get3A_1032 = tpu.vector_load %arg9[%get3A_1031] {strides = array<i32>} : memref<672xi32, #tpu.memory_space<vmem>>, vector<16xi32>,
      %add3A_1033 = arith.addi %gather3A_1030, %get3A_1032 : vector<16xi32>
      %swap3A_1034 = arith.constant 1568 : index
      %swap3A_1035 = tpu.vector_load %arg10[%swap3A_1034] {strides = array<i32>} : memref<2624xi32, #tpu.memory_space<vmem>>, vector<16xi32>,
      tpu.vector_store %arg10[%swap3A_1034], %add3A_1033 {strides = array<i32>} : memref<2624xi32, #tpu.memory_space<vmem>>, vector<16xi32>,
      %get3A_1036 = arith.constant 272 : index
      %get3A_1037 = tpu.vector_load %arg8[%get3A_1036] {strides = array<i32>} : memref<672xi32, #tpu.memory_space<vmem>>, vector<16xi32>,
      %add3A_1038 = vector.broadcast %mul3A_865 : i32 to vector<16xi32>
      %add3A_1039 = arith.addi %get3A_1037, %add3A_1038 : vector<16xi32>
      %gather3A_1040 = tpu.vector_load_idx %arg7[%add3A_1039] : memref<3328xi32, #tpu.memory_space<vmem>>[vector<16xi32>], vector<16xi32>,
      %get3A_1041 = arith.constant 272 : index
      %get3A_1042 = tpu.vector_load %arg9[%get3A_1041] {strides = array<i32>} : memref<672xi32, #tpu.memory_space<vmem>>, vector<16xi32>,
      %add3A_1043 = arith.addi %gather3A_1040, %get3A_1042 : vector<16xi32>
      %swap3A_1044 = arith.constant 1584 : index
      %swap3A_1045 = tpu.vector_load %arg10[%swap3A_1044] {strides = array<i32>} : memref<2624xi32, #tpu.memory_space<vmem>>, vector<16xi32>,
      tpu.vector_store %arg10[%swap3A_1044], %add3A_1043 {strides = array<i32>} : memref<2624xi32, #tpu.memory_space<vmem>>, vector<16xi32>,
      %get3A_1046 = arith.constant 288 : index
      %get3A_1047 = tpu.vector_load %arg8[%get3A_1046] {strides = array<i32>} : memref<672xi32, #tpu.memory_space<vmem>>, vector<16xi32>,
      %add3A_1048 = vector.broadcast %mul3A_865 : i32 to vector<16xi32>
      %add3A_1049 = arith.addi %get3A_1047, %add3A_1048 : vector<16xi32>
      %gather3A_1050 = tpu.vector_load_idx %arg7[%add3A_1049] : memref<3328xi32, #tpu.memory_space<vmem>>[vector<16xi32>], vector<16xi32>,
      %get3A_1051 = arith.constant 288 : index
      %get3A_1052 = tpu.vector_load %arg9[%get3A_1051] {strides = array<i32>} : memref<672xi32, #tpu.memory_space<vmem>>, vector<16xi32>,
      %add3A_1053 = arith.addi %gather3A_1050, %get3A_1052 : vector<16xi32>
      %swap3A_1054 = arith.constant 1600 : index
      %swap3A_1055 = tpu.vector_load %arg10[%swap3A_1054] {strides = array<i32>} : memref<2624xi32, #tpu.memory_space<vmem>>, vector<16xi32>,
      tpu.vector_store %arg10[%swap3A_1054], %add3A_1053 {strides = array<i32>} : memref<2624xi32, #tpu.memory_space<vmem>>, vector<16xi32>,
      %get3A_1056 = arith.constant 304 : index
      %get3A_1057 = tpu.vector_load %arg8[%get3A_1056] {strides = array<i32>} : memref<672xi32, #tpu.memory_space<vmem>>, vector<16xi32>,
      %add3A_1058 = vector.broadcast %mul3A_865 : i32 to vector<16xi32>
      %add3A_1059 = arith.addi %get3A_1057, %add3A_1058 : vector<16xi32>
      %gather3A_1060 = tpu.vector_load_idx %arg7[%add3A_1059] : memref<3328xi32, #tpu.memory_space<vmem>>[vector<16xi32>], vector<16xi32>,
      %get3A_1061 = arith.constant 304 : index
      %get3A_1062 = tpu.vector_load %arg9[%get3A_1061] {strides = array<i32>} : memref<672xi32, #tpu.memory_space<vmem>>, vector<16xi32>,
      %add3A_1063 = arith.addi %gather3A_1060, %get3A_1062 : vector<16xi32>
      %swap3A_1064 = arith.constant 1616 : index
      %swap3A_1065 = tpu.vector_load %arg10[%swap3A_1064] {strides = array<i32>} : memref<2624xi32, #tpu.memory_space<vmem>>, vector<16xi32>,
      tpu.vector_store %arg10[%swap3A_1064], %add3A_1063 {strides = array<i32>} : memref<2624xi32, #tpu.memory_space<vmem>>, vector<16xi32>,
      %get3A_1066 = arith.constant 320 : index
      %get3A_1067 = tpu.vector_load %arg8[%get3A_1066] {strides = array<i32>} : memref<672xi32, #tpu.memory_space<vmem>>, vector<16xi32>,
      %add3A_1068 = vector.broadcast %mul3A_865 : i32 to vector<16xi32>
      %add3A_1069 = arith.addi %get3A_1067, %add3A_1068 : vector<16xi32>
      %gather3A_1070 = tpu.vector_load_idx %arg7[%add3A_1069] : memref<3328xi32, #tpu.memory_space<vmem>>[vector<16xi32>], vector<16xi32>,
      %get3A_1071 = arith.constant 320 : index
      %get3A_1072 = tpu.vector_load %arg9[%get3A_1071] {strides = array<i32>} : memref<672xi32, #tpu.memory_space<vmem>>, vector<16xi32>,
      %add3A_1073 = arith.addi %gather3A_1070, %get3A_1072 : vector<16xi32>
      %swap3A_1074 = arith.constant 1621 : index
      %swap3A_1075 = tpu.vector_load %arg10[%swap3A_1074] {strides = array<i32>} : memref<2624xi32, #tpu.memory_space<vmem>>, vector<16xi32>,
      tpu.vector_store %arg10[%swap3A_1074], %add3A_1073 {strides = array<i32>} : memref<2624xi32, #tpu.memory_space<vmem>>, vector<16xi32>,
      %get3A_1076 = arith.constant 336 : index
      %get3A_1077 = tpu.vector_load %arg8[%get3A_1076] {strides = array<i32>} : memref<672xi32, #tpu.memory_space<vmem>>, vector<16xi32>,
      %add3A_1078 = vector.broadcast %mul3A_865 : i32 to vector<16xi32>
      %add3A_1079 = arith.addi %get3A_1077, %add3A_1078 : vector<16xi32>
      %gather3A_1080 = tpu.vector_load_idx %arg7[%add3A_1079] : memref<3328xi32, #tpu.memory_space<vmem>>[vector<16xi32>], vector<16xi32>,
      %get3A_1081 = arith.constant 336 : index
      %get3A_1082 = tpu.vector_load %arg9[%get3A_1081] {strides = array<i32>} : memref<672xi32, #tpu.memory_space<vmem>>, vector<16xi32>,
      %add3A_1083 = arith.addi %gather3A_1080, %get3A_1082 : vector<16xi32>
      %swap3A_1084 = arith.constant 1637 : index
      %swap3A_1085 = tpu.vector_load %arg10[%swap3A_1084] {strides = array<i32>} : memref<2624xi32, #tpu.memory_space<vmem>>, vector<16xi32>,
      tpu.vector_store %arg10[%swap3A_1084], %add3A_1083 {strides = array<i32>} : memref<2624xi32, #tpu.memory_space<vmem>>, vector<16xi32>,
      %get3A_1086 = arith.constant 352 : index
      %get3A_1087 = tpu.vector_load %arg8[%get3A_1086] {strides = array<i32>} : memref<672xi32, #tpu.memory_space<vmem>>, vector<16xi32>,
      %add3A_1088 = vector.broadcast %mul3A_865 : i32 to vector<16xi32>
      %add3A_1089 = arith.addi %get3A_1087, %add3A_1088 : vector<16xi32>
      %gather3A_1090 = tpu.vector_load_idx %arg7[%add3A_1089] : memref<3328xi32, #tpu.memory_space<vmem>>[vector<16xi32>], vector<16xi32>,
      %get3A_1091 = arith.constant 352 : index
      %get3A_1092 = tpu.vector_load %arg9[%get3A_1091] {strides = array<i32>} : memref<672xi32, #tpu.memory_space<vmem>>, vector<16xi32>,
      %add3A_1093 = arith.addi %gather3A_1090, %get3A_1092 : vector<16xi32>
      %swap3A_1094 = arith.constant 1653 : index
      %swap3A_1095 = tpu.vector_load %arg10[%swap3A_1094] {strides = array<i32>} : memref<2624xi32, #tpu.memory_space<vmem>>, vector<16xi32>,
      tpu.vector_store %arg10[%swap3A_1094], %add3A_1093 {strides = array<i32>} : memref<2624xi32, #tpu.memory_space<vmem>>, vector<16xi32>,
      %get3A_1096 = arith.constant 368 : index
      %get3A_1097 = tpu.vector_load %arg8[%get3A_1096] {strides = array<i32>} : memref<672xi32, #tpu.memory_space<vmem>>, vector<16xi32>,
      %add3A_1098 = vector.broadcast %mul3A_865 : i32 to vector<16xi32>
      %add3A_1099 = arith.addi %get3A_1097, %add3A_1098 : vector<16xi32>
      %gather3A_1100 = tpu.vector_load_idx %arg7[%add3A_1099] : memref<3328xi32, #tpu.memory_space<vmem>>[vector<16xi32>], vector<16xi32>,
      %get3A_1101 = arith.constant 368 : index
      %get3A_1102 = tpu.vector_load %arg9[%get3A_1101] {strides = array<i32>} : memref<672xi32, #tpu.memory_space<vmem>>, vector<16xi32>,
      %add3A_1103 = arith.addi %gather3A_1100, %get3A_1102 : vector<16xi32>
      %swap3A_1104 = arith.constant 1669 : index
      %swap3A_1105 = tpu.vector_load %arg10[%swap3A_1104] {strides = array<i32>} : memref<2624xi32, #tpu.memory_space<vmem>>, vector<16xi32>,
      tpu.vector_store %arg10[%swap3A_1104], %add3A_1103 {strides = array<i32>} : memref<2624xi32, #tpu.memory_space<vmem>>, vector<16xi32>,
      %get3A_1106 = arith.constant 384 : index
      %get3A_1107 = tpu.vector_load %arg8[%get3A_1106] {strides = array<i32>} : memref<672xi32, #tpu.memory_space<vmem>>, vector<16xi32>,
      %add3A_1108 = vector.broadcast %mul3A_865 : i32 to vector<16xi32>
      %add3A_1109 = arith.addi %get3A_1107, %add3A_1108 : vector<16xi32>
      %gather3A_1110 = tpu.vector_load_idx %arg7[%add3A_1109] : memref<3328xi32, #tpu.memory_space<vmem>>[vector<16xi32>], vector<16xi32>,
      %get3A_1111 = arith.constant 384 : index
      %get3A_1112 = tpu.vector_load %arg9[%get3A_1111] {strides = array<i32>} : memref<672xi32, #tpu.memory_space<vmem>>, vector<16xi32>,
      %add3A_1113 = arith.addi %gather3A_1110, %get3A_1112 : vector<16xi32>
      %swap3A_1114 = arith.constant 1685 : index
      %swap3A_1115 = tpu.vector_load %arg10[%swap3A_1114] {strides = array<i32>} : memref<2624xi32, #tpu.memory_space<vmem>>, vector<16xi32>,
      tpu.vector_store %arg10[%swap3A_1114], %add3A_1113 {strides = array<i32>} : memref<2624xi32, #tpu.memory_space<vmem>>, vector<16xi32>,
      %get3A_1116 = arith.constant 400 : index
      %get3A_1117 = tpu.vector_load %arg8[%get3A_1116] {strides = array<i32>} : memref<672xi32, #tpu.memory_space<vmem>>, vector<16xi32>,
      %add3A_1118 = vector.broadcast %mul3A_865 : i32 to vector<16xi32>
      %add3A_1119 = arith.addi %get3A_1117, %add3A_1118 : vector<16xi32>
      %gather3A_1120 = tpu.vector_load_idx %arg7[%add3A_1119] : memref<3328xi32, #tpu.memory_space<vmem>>[vector<16xi32>], vector<16xi32>,
      %get3A_1121 = arith.constant 400 : index
      %get3A_1122 = tpu.vector_load %arg9[%get3A_1121] {strides = array<i32>} : memref<672xi32, #tpu.memory_space<vmem>>, vector<16xi32>,
      %add3A_1123 = arith.addi %gather3A_1120, %get3A_1122 : vector<16xi32>
      %swap3A_1124 = arith.constant 1701 : index
      %swap3A_1125 = tpu.vector_load %arg10[%swap3A_1124] {strides = array<i32>} : memref<2624xi32, #tpu.memory_space<vmem>>, vector<16xi32>,
      tpu.vector_store %arg10[%swap3A_1124], %add3A_1123 {strides = array<i32>} : memref<2624xi32, #tpu.memory_space<vmem>>, vector<16xi32>,
      %get3A_1126 = arith.constant 416 : index
      %get3A_1127 = tpu.vector_load %arg8[%get3A_1126] {strides = array<i32>} : memref<672xi32, #tpu.memory_space<vmem>>, vector<16xi32>,
      %add3A_1128 = vector.broadcast %mul3A_865 : i32 to vector<16xi32>
      %add3A_1129 = arith.addi %get3A_1127, %add3A_1128 : vector<16xi32>
      %gather3A_1130 = tpu.vector_load_idx %arg7[%add3A_1129] : memref<3328xi32, #tpu.memory_space<vmem>>[vector<16xi32>], vector<16xi32>,
      %get3A_1131 = arith.constant 416 : index
      %get3A_1132 = tpu.vector_load %arg9[%get3A_1131] {strides = array<i32>} : memref<672xi32, #tpu.memory_space<vmem>>, vector<16xi32>,
      %add3A_1133 = arith.addi %gather3A_1130, %get3A_1132 : vector<16xi32>
      %swap3A_1134 = arith.constant 1717 : index
      %swap3A_1135 = tpu.vector_load %arg10[%swap3A_1134] {strides = array<i32>} : memref<2624xi32, #tpu.memory_space<vmem>>, vector<16xi32>,
      tpu.vector_store %arg10[%swap3A_1134], %add3A_1133 {strides = array<i32>} : memref<2624xi32, #tpu.memory_space<vmem>>, vector<16xi32>,
      %get3A_1136 = arith.constant 432 : index
      %get3A_1137 = tpu.vector_load %arg8[%get3A_1136] {strides = array<i32>} : memref<672xi32, #tpu.memory_space<vmem>>, vector<16xi32>,
      %add3A_1138 = vector.broadcast %mul3A_865 : i32 to vector<16xi32>
      %add3A_1139 = arith.addi %get3A_1137, %add3A_1138 : vector<16xi32>
      %gather3A_1140 = tpu.vector_load_idx %arg7[%add3A_1139] : memref<3328xi32, #tpu.memory_space<vmem>>[vector<16xi32>], vector<16xi32>,
      %get3A_1141 = arith.constant 432 : index
      %get3A_1142 = tpu.vector_load %arg9[%get3A_1141] {strides = array<i32>} : memref<672xi32, #tpu.memory_space<vmem>>, vector<16xi32>,
      %add3A_1143 = arith.addi %gather3A_1140, %get3A_1142 : vector<16xi32>
      %swap3A_1144 = arith.constant 1733 : index
      %swap3A_1145 = tpu.vector_load %arg10[%swap3A_1144] {strides = array<i32>} : memref<2624xi32, #tpu.memory_space<vmem>>, vector<16xi32>,
      tpu.vector_store %arg10[%swap3A_1144], %add3A_1143 {strides = array<i32>} : memref<2624xi32, #tpu.memory_space<vmem>>, vector<16xi32>,
      %get3A_1146 = arith.constant 448 : index
      %get3A_1147 = tpu.vector_load %arg8[%get3A_1146] {strides = array<i32>} : memref<672xi32, #tpu.memory_space<vmem>>, vector<16xi32>,
      %add3A_1148 = vector.broadcast %mul3A_865 : i32 to vector<16xi32>
      %add3A_1149 = arith.addi %get3A_1147, %add3A_1148 : vector<16xi32>
      %gather3A_1150 = tpu.vector_load_idx %arg7[%add3A_1149] : memref<3328xi32, #tpu.memory_space<vmem>>[vector<16xi32>], vector<16xi32>,
      %get3A_1151 = arith.constant 448 : index
      %get3A_1152 = tpu.vector_load %arg9[%get3A_1151] {strides = array<i32>} : memref<672xi32, #tpu.memory_space<vmem>>, vector<16xi32>,
      %add3A_1153 = arith.addi %gather3A_1150, %get3A_1152 : vector<16xi32>
      %swap3A_1154 = arith.constant 1749 : index
      %swap3A_1155 = tpu.vector_load %arg10[%swap3A_1154] {strides = array<i32>} : memref<2624xi32, #tpu.memory_space<vmem>>, vector<16xi32>,
      tpu.vector_store %arg10[%swap3A_1154], %add3A_1153 {strides = array<i32>} : memref<2624xi32, #tpu.memory_space<vmem>>, vector<16xi32>,
      %get3A_1156 = arith.constant 464 : index
      %get3A_1157 = tpu.vector_load %arg8[%get3A_1156] {strides = array<i32>} : memref<672xi32, #tpu.memory_space<vmem>>, vector<16xi32>,
      %add3A_1158 = vector.broadcast %mul3A_865 : i32 to vector<16xi32>
      %add3A_1159 = arith.addi %get3A_1157, %add3A_1158 : vector<16xi32>
      %gather3A_1160 = tpu.vector_load_idx %arg7[%add3A_1159] : memref<3328xi32, #tpu.memory_space<vmem>>[vector<16xi32>], vector<16xi32>,
      %get3A_1161 = arith.constant 464 : index
      %get3A_1162 = tpu.vector_load %arg9[%get3A_1161] {strides = array<i32>} : memref<672xi32, #tpu.memory_space<vmem>>, vector<16xi32>,
      %add3A_1163 = arith.addi %gather3A_1160, %get3A_1162 : vector<16xi32>
      %swap3A_1164 = arith.constant 1765 : index
      %swap3A_1165 = tpu.vector_load %arg10[%swap3A_1164] {strides = array<i32>} : memref<2624xi32, #tpu.memory_space<vmem>>, vector<16xi32>,
      tpu.vector_store %arg10[%swap3A_1164], %add3A_1163 {strides = array<i32>} : memref<2624xi32, #tpu.memory_space<vmem>>, vector<16xi32>,
      %get3A_1166 = arith.constant 480 : index
      %get3A_1167 = tpu.vector_load %arg8[%get3A_1166] {strides = array<i32>} : memref<672xi32, #tpu.memory_space<vmem>>, vector<16xi32>,
      %add3A_1168 = vector.broadcast %mul3A_865 : i32 to vector<16xi32>
      %add3A_1169 = arith.addi %get3A_1167, %add3A_1168 : vector<16xi32>
      %gather3A_1170 = tpu.vector_load_idx %arg7[%add3A_1169] : memref<3328xi32, #tpu.memory_space<vmem>>[vector<16xi32>], vector<16xi32>,
      %get3A_1171 = arith.constant 480 : index
      %get3A_1172 = tpu.vector_load %arg9[%get3A_1171] {strides = array<i32>} : memref<672xi32, #tpu.memory_space<vmem>>, vector<16xi32>,
      %add3A_1173 = arith.addi %gather3A_1170, %get3A_1172 : vector<16xi32>
      %swap3A_1174 = arith.constant 1781 : index
      %swap3A_1175 = tpu.vector_load %arg10[%swap3A_1174] {strides = array<i32>} : memref<2624xi32, #tpu.memory_space<vmem>>, vector<16xi32>,
      tpu.vector_store %arg10[%swap3A_1174], %add3A_1173 {strides = array<i32>} : memref<2624xi32, #tpu.memory_space<vmem>>, vector<16xi32>,
      %get3A_1176 = arith.constant 496 : index
      %get3A_1177 = tpu.vector_load %arg8[%get3A_1176] {strides = array<i32>} : memref<672xi32, #tpu.memory_space<vmem>>, vector<16xi32>,
      %add3A_1178 = vector.broadcast %mul3A_865 : i32 to vector<16xi32>
      %add3A_1179 = arith.addi %get3A_1177, %add3A_1178 : vector<16xi32>
      %gather3A_1180 = tpu.vector_load_idx %arg7[%add3A_1179] : memref<3328xi32, #tpu.memory_space<vmem>>[vector<16xi32>], vector<16xi32>,
      %get3A_1181 = arith.constant 496 : index
      %get3A_1182 = tpu.vector_load %arg9[%get3A_1181] {strides = array<i32>} : memref<672xi32, #tpu.memory_space<vmem>>, vector<16xi32>,
      %add3A_1183 = arith.addi %gather3A_1180, %get3A_1182 : vector<16xi32>
      %swap3A_1184 = arith.constant 1797 : index
      %swap3A_1185 = tpu.vector_load %arg10[%swap3A_1184] {strides = array<i32>} : memref<2624xi32, #tpu.memory_space<vmem>>, vector<16xi32>,
      tpu.vector_store %arg10[%swap3A_1184], %add3A_1183 {strides = array<i32>} : memref<2624xi32, #tpu.memory_space<vmem>>, vector<16xi32>,
      %get3A_1186 = arith.constant 512 : index
      %get3A_1187 = tpu.vector_load %arg8[%get3A_1186] {strides = array<i32>} : memref<672xi32, #tpu.memory_space<vmem>>, vector<16xi32>,
      %add3A_1188 = vector.broadcast %mul3A_865 : i32 to vector<16xi32>
      %add3A_1189 = arith.addi %get3A_1187, %add3A_1188 : vector<16xi32>
      %gather3A_1190 = tpu.vector_load_idx %arg7[%add3A_1189] : memref<3328xi32, #tpu.memory_space<vmem>>[vector<16xi32>], vector<16xi32>,
      %get3A_1191 = arith.constant 512 : index
      %get3A_1192 = tpu.vector_load %arg9[%get3A_1191] {strides = array<i32>} : memref<672xi32, #tpu.memory_space<vmem>>, vector<16xi32>,
      %add3A_1193 = arith.addi %gather3A_1190, %get3A_1192 : vector<16xi32>
      %swap3A_1194 = arith.constant 1813 : index
      %swap3A_1195 = tpu.vector_load %arg10[%swap3A_1194] {strides = array<i32>} : memref<2624xi32, #tpu.memory_space<vmem>>, vector<16xi32>,
      tpu.vector_store %arg10[%swap3A_1194], %add3A_1193 {strides = array<i32>} : memref<2624xi32, #tpu.memory_space<vmem>>, vector<16xi32>,
      %get3A_1196 = arith.constant 528 : index
      %get3A_1197 = tpu.vector_load %arg8[%get3A_1196] {strides = array<i32>} : memref<672xi32, #tpu.memory_space<vmem>>, vector<16xi32>,
      %add3A_1198 = vector.broadcast %mul3A_865 : i32 to vector<16xi32>
      %add3A_1199 = arith.addi %get3A_1197, %add3A_1198 : vector<16xi32>
      %gather3A_1200 = tpu.vector_load_idx %arg7[%add3A_1199] : memref<3328xi32, #tpu.memory_space<vmem>>[vector<16xi32>], vector<16xi32>,
      %get3A_1201 = arith.constant 528 : index
      %get3A_1202 = tpu.vector_load %arg9[%get3A_1201] {strides = array<i32>} : memref<672xi32, #tpu.memory_space<vmem>>, vector<16xi32>,
      %add3A_1203 = arith.addi %gather3A_1200, %get3A_1202 : vector<16xi32>
      %swap3A_1204 = arith.constant 1829 : index
      %swap3A_1205 = tpu.vector_load %arg10[%swap3A_1204] {strides = array<i32>} : memref<2624xi32, #tpu.memory_space<vmem>>, vector<16xi32>,
      tpu.vector_store %arg10[%swap3A_1204], %add3A_1203 {strides = array<i32>} : memref<2624xi32, #tpu.memory_space<vmem>>, vector<16xi32>,
      %get3A_1206 = arith.constant 544 : index
      %get3A_1207 = tpu.vector_load %arg8[%get3A_1206] {strides = array<i32>} : memref<672xi32, #tpu.memory_space<vmem>>, vector<16xi32>,
      %add3A_1208 = vector.broadcast %mul3A_865 : i32 to vector<16xi32>
      %add3A_1209 = arith.addi %get3A_1207, %add3A_1208 : vector<16xi32>
      %gather3A_1210 = tpu.vector_load_idx %arg7[%add3A_1209] : memref<3328xi32, #tpu.memory_space<vmem>>[vector<16xi32>], vector<16xi32>,
      %get3A_1211 = arith.constant 544 : index
      %get3A_1212 = tpu.vector_load %arg9[%get3A_1211] {strides = array<i32>} : memref<672xi32, #tpu.memory_space<vmem>>, vector<16xi32>,
      %add3A_1213 = arith.addi %gather3A_1210, %get3A_1212 : vector<16xi32>
      %swap3A_1214 = arith.constant 1845 : index
      %swap3A_1215 = tpu.vector_load %arg10[%swap3A_1214] {strides = array<i32>} : memref<2624xi32, #tpu.memory_space<vmem>>, vector<16xi32>,
      tpu.vector_store %arg10[%swap3A_1214], %add3A_1213 {strides = array<i32>} : memref<2624xi32, #tpu.memory_space<vmem>>, vector<16xi32>,
      %get3A_1216 = arith.constant 560 : index
      %get3A_1217 = tpu.vector_load %arg8[%get3A_1216] {strides = array<i32>} : memref<672xi32, #tpu.memory_space<vmem>>, vector<16xi32>,
      %add3A_1218 = vector.broadcast %mul3A_865 : i32 to vector<16xi32>
      %add3A_1219 = arith.addi %get3A_1217, %add3A_1218 : vector<16xi32>
      %gather3A_1220 = tpu.vector_load_idx %arg7[%add3A_1219] : memref<3328xi32, #tpu.memory_space<vmem>>[vector<16xi32>], vector<16xi32>,
      %get3A_1221 = arith.constant 560 : index
      %get3A_1222 = tpu.vector_load %arg9[%get3A_1221] {strides = array<i32>} : memref<672xi32, #tpu.memory_space<vmem>>, vector<16xi32>,
      %add3A_1223 = arith.addi %gather3A_1220, %get3A_1222 : vector<16xi32>
      %swap3A_1224 = arith.constant 1861 : index
      %swap3A_1225 = tpu.vector_load %arg10[%swap3A_1224] {strides = array<i32>} : memref<2624xi32, #tpu.memory_space<vmem>>, vector<16xi32>,
      tpu.vector_store %arg10[%swap3A_1224], %add3A_1223 {strides = array<i32>} : memref<2624xi32, #tpu.memory_space<vmem>>, vector<16xi32>,
      %get3A_1226 = arith.constant 576 : index
      %get3A_1227 = tpu.vector_load %arg8[%get3A_1226] {strides = array<i32>} : memref<672xi32, #tpu.memory_space<vmem>>, vector<16xi32>,
      %add3A_1228 = vector.broadcast %mul3A_865 : i32 to vector<16xi32>
      %add3A_1229 = arith.addi %get3A_1227, %add3A_1228 : vector<16xi32>
      %gather3A_1230 = tpu.vector_load_idx %arg7[%add3A_1229] : memref<3328xi32, #tpu.memory_space<vmem>>[vector<16xi32>], vector<16xi32>,
      %get3A_1231 = arith.constant 576 : index
      %get3A_1232 = tpu.vector_load %arg9[%get3A_1231] {strides = array<i32>} : memref<672xi32, #tpu.memory_space<vmem>>, vector<16xi32>,
      %add3A_1233 = arith.addi %gather3A_1230, %get3A_1232 : vector<16xi32>
      %swap3A_1234 = arith.constant 1877 : index
      %swap3A_1235 = tpu.vector_load %arg10[%swap3A_1234] {strides = array<i32>} : memref<2624xi32, #tpu.memory_space<vmem>>, vector<16xi32>,
      tpu.vector_store %arg10[%swap3A_1234], %add3A_1233 {strides = array<i32>} : memref<2624xi32, #tpu.memory_space<vmem>>, vector<16xi32>,
      %get3A_1236 = arith.constant 592 : index
      %get3A_1237 = tpu.vector_load %arg8[%get3A_1236] {strides = array<i32>} : memref<672xi32, #tpu.memory_space<vmem>>, vector<16xi32>,
      %add3A_1238 = vector.broadcast %mul3A_865 : i32 to vector<16xi32>
      %add3A_1239 = arith.addi %get3A_1237, %add3A_1238 : vector<16xi32>
      %gather3A_1240 = tpu.vector_load_idx %arg7[%add3A_1239] : memref<3328xi32, #tpu.memory_space<vmem>>[vector<16xi32>], vector<16xi32>,
      %get3A_1241 = arith.constant 592 : index
      %get3A_1242 = tpu.vector_load %arg9[%get3A_1241] {strides = array<i32>} : memref<672xi32, #tpu.memory_space<vmem>>, vector<16xi32>,
      %add3A_1243 = arith.addi %gather3A_1240, %get3A_1242 : vector<16xi32>
      %swap3A_1244 = arith.constant 1893 : index
      %swap3A_1245 = tpu.vector_load %arg10[%swap3A_1244] {strides = array<i32>} : memref<2624xi32, #tpu.memory_space<vmem>>, vector<16xi32>,
      tpu.vector_store %arg10[%swap3A_1244], %add3A_1243 {strides = array<i32>} : memref<2624xi32, #tpu.memory_space<vmem>>, vector<16xi32>,
      %get3A_1246 = arith.constant 608 : index
      %get3A_1247 = tpu.vector_load %arg8[%get3A_1246] {strides = array<i32>} : memref<672xi32, #tpu.memory_space<vmem>>, vector<16xi32>,
      %add3A_1248 = vector.broadcast %mul3A_865 : i32 to vector<16xi32>
      %add3A_1249 = arith.addi %get3A_1247, %add3A_1248 : vector<16xi32>
      %gather3A_1250 = tpu.vector_load_idx %arg7[%add3A_1249] : memref<3328xi32, #tpu.memory_space<vmem>>[vector<16xi32>], vector<16xi32>,
      %get3A_1251 = arith.constant 608 : index
      %get3A_1252 = tpu.vector_load %arg9[%get3A_1251] {strides = array<i32>} : memref<672xi32, #tpu.memory_space<vmem>>, vector<16xi32>,
      %add3A_1253 = arith.addi %gather3A_1250, %get3A_1252 : vector<16xi32>
      %swap3A_1254 = arith.constant 1909 : index
      %swap3A_1255 = tpu.vector_load %arg10[%swap3A_1254] {strides = array<i32>} : memref<2624xi32, #tpu.memory_space<vmem>>, vector<16xi32>,
      tpu.vector_store %arg10[%swap3A_1254], %add3A_1253 {strides = array<i32>} : memref<2624xi32, #tpu.memory_space<vmem>>, vector<16xi32>,
      %get3A_1256 = arith.constant 624 : index
      %get3A_1257 = tpu.vector_load %arg8[%get3A_1256] {strides = array<i32>} : memref<672xi32, #tpu.memory_space<vmem>>, vector<16xi32>,
      %add3A_1258 = vector.broadcast %mul3A_865 : i32 to vector<16xi32>
      %add3A_1259 = arith.addi %get3A_1257, %add3A_1258 : vector<16xi32>
      %gather3A_1260 = tpu.vector_load_idx %arg7[%add3A_1259] : memref<3328xi32, #tpu.memory_space<vmem>>[vector<16xi32>], vector<16xi32>,
      %get3A_1261 = arith.constant 624 : index
      %get3A_1262 = tpu.vector_load %arg9[%get3A_1261] {strides = array<i32>} : memref<672xi32, #tpu.memory_space<vmem>>, vector<16xi32>,
      %add3A_1263 = arith.addi %gather3A_1260, %get3A_1262 : vector<16xi32>
      %swap3A_1264 = arith.constant 1925 : index
      %swap3A_1265 = tpu.vector_load %arg10[%swap3A_1264] {strides = array<i32>} : memref<2624xi32, #tpu.memory_space<vmem>>, vector<16xi32>,
      tpu.vector_store %arg10[%swap3A_1264], %add3A_1263 {strides = array<i32>} : memref<2624xi32, #tpu.memory_space<vmem>>, vector<16xi32>,
      %get3A_1266 = arith.constant 640 : index
      %get3A_1267 = tpu.vector_load %arg8[%get3A_1266] {strides = array<i32>} : memref<672xi32, #tpu.memory_space<vmem>>, vector<16xi32>,
      %add3A_1268 = vector.broadcast %mul3A_865 : i32 to vector<16xi32>
      %add3A_1269 = arith.addi %get3A_1267, %add3A_1268 : vector<16xi32>
      %gather3A_1270 = tpu.vector_load_idx %arg7[%add3A_1269] : memref<3328xi32, #tpu.memory_space<vmem>>[vector<16xi32>], vector<16xi32>,
      %get3A_1271 = arith.constant 640 : index
      %get3A_1272 = tpu.vector_load %arg9[%get3A_1271] {strides = array<i32>} : memref<672xi32, #tpu.memory_space<vmem>>, vector<16xi32>,
      %add3A_1273 = arith.addi %gather3A_1270, %get3A_1272 : vector<16xi32>
      %swap3A_1274 = arith.constant 1941 : index
      %swap3A_1275 = tpu.vector_load %arg10[%swap3A_1274] {strides = array<i32>} : memref<2624xi32, #tpu.memory_space<vmem>>, vector<16xi32>,
      tpu.vector_store %arg10[%swap3A_1274], %add3A_1273 {strides = array<i32>} : memref<2624xi32, #tpu.memory_space<vmem>>, vector<16xi32>,
      %get3A_1276 = arith.constant 656 : index
      %get3A_1277 = tpu.vector_load %arg8[%get3A_1276] {strides = array<i32>} : memref<672xi32, #tpu.memory_space<vmem>>, vector<16xi32>,
      %add3A_1278 = vector.broadcast %mul3A_865 : i32 to vector<16xi32>
      %add3A_1279 = arith.addi %get3A_1277, %add3A_1278 : vector<16xi32>
      %gather3A_1280 = tpu.vector_load_idx %arg7[%add3A_1279] : memref<3328xi32, #tpu.memory_space<vmem>>[vector<16xi32>], vector<16xi32>,
      %get3A_1281 = arith.constant 656 : index
      %get3A_1282 = tpu.vector_load %arg9[%get3A_1281] {strides = array<i32>} : memref<672xi32, #tpu.memory_space<vmem>>, vector<16xi32>,
      %add3A_1283 = arith.addi %gather3A_1280, %get3A_1282 : vector<16xi32>
      %swap3A_1284 = arith.constant 1946 : index
      %swap3A_1285 = tpu.vector_load %arg10[%swap3A_1284] {strides = array<i32>} : memref<2624xi32, #tpu.memory_space<vmem>>, vector<16xi32>,
      tpu.vector_store %arg10[%swap3A_1284], %add3A_1283 {strides = array<i32>} : memref<2624xi32, #tpu.memory_space<vmem>>, vector<16xi32>,
      %mul3A_1286 = arith.constant 4 : i32
      %mul3A_1287 = arith.muli %scan3A_10, %mul3A_1286 : i32
      %add3A_1288 = arith.constant 3 : i32
      %add3A_1289 = arith.addi %mul3A_1287, %add3A_1288 : i32
      %mul3A_1290 = arith.constant 26 : i32
      %mul3A_1291 = arith.muli %add3A_1289, %mul3A_1290 : i32
      %get3A_1292 = arith.constant 0 : index
      %get3A_1293 = tpu.vector_load %arg8[%get3A_1292] {strides = array<i32>} : memref<672xi32, #tpu.memory_space<vmem>>, vector<16xi32>,
      %add3A_1294 = vector.broadcast %mul3A_1291 : i32 to vector<16xi32>
      %add3A_1295 = arith.addi %get3A_1293, %add3A_1294 : vector<16xi32>
      %gather3A_1296 = tpu.vector_load_idx %arg7[%add3A_1295] : memref<3328xi32, #tpu.memory_space<vmem>>[vector<16xi32>], vector<16xi32>,
      %get3A_1297 = arith.constant 0 : index
      %get3A_1298 = tpu.vector_load %arg9[%get3A_1297] {strides = array<i32>} : memref<672xi32, #tpu.memory_space<vmem>>, vector<16xi32>,
      %add3A_1299 = arith.addi %gather3A_1296, %get3A_1298 : vector<16xi32>
      %swap3A_1300 = arith.constant 1968 : index
      %swap3A_1301 = tpu.vector_load %arg10[%swap3A_1300] {strides = array<i32>} : memref<2624xi32, #tpu.memory_space<vmem>>, vector<16xi32>,
      tpu.vector_store %arg10[%swap3A_1300], %add3A_1299 {strides = array<i32>} : memref<2624xi32, #tpu.memory_space<vmem>>, vector<16xi32>,
      %get3A_1302 = arith.constant 16 : index
      %get3A_1303 = tpu.vector_load %arg8[%get3A_1302] {strides = array<i32>} : memref<672xi32, #tpu.memory_space<vmem>>, vector<16xi32>,
      %add3A_1304 = vector.broadcast %mul3A_1291 : i32 to vector<16xi32>
      %add3A_1305 = arith.addi %get3A_1303, %add3A_1304 : vector<16xi32>
      %gather3A_1306 = tpu.vector_load_idx %arg7[%add3A_1305] : memref<3328xi32, #tpu.memory_space<vmem>>[vector<16xi32>], vector<16xi32>,
      %get3A_1307 = arith.constant 16 : index
      %get3A_1308 = tpu.vector_load %arg9[%get3A_1307] {strides = array<i32>} : memref<672xi32, #tpu.memory_space<vmem>>, vector<16xi32>,
      %add3A_1309 = arith.addi %gather3A_1306, %get3A_1308 : vector<16xi32>
      %swap3A_1310 = arith.constant 1984 : index
      %swap3A_1311 = tpu.vector_load %arg10[%swap3A_1310] {strides = array<i32>} : memref<2624xi32, #tpu.memory_space<vmem>>, vector<16xi32>,
      tpu.vector_store %arg10[%swap3A_1310], %add3A_1309 {strides = array<i32>} : memref<2624xi32, #tpu.memory_space<vmem>>, vector<16xi32>,
      %get3A_1312 = arith.constant 32 : index
      %get3A_1313 = tpu.vector_load %arg8[%get3A_1312] {strides = array<i32>} : memref<672xi32, #tpu.memory_space<vmem>>, vector<16xi32>,
      %add3A_1314 = vector.broadcast %mul3A_1291 : i32 to vector<16xi32>
      %add3A_1315 = arith.addi %get3A_1313, %add3A_1314 : vector<16xi32>
      %gather3A_1316 = tpu.vector_load_idx %arg7[%add3A_1315] : memref<3328xi32, #tpu.memory_space<vmem>>[vector<16xi32>], vector<16xi32>,
      %get3A_1317 = arith.constant 32 : index
      %get3A_1318 = tpu.vector_load %arg9[%get3A_1317] {strides = array<i32>} : memref<672xi32, #tpu.memory_space<vmem>>, vector<16xi32>,
      %add3A_1319 = arith.addi %gather3A_1316, %get3A_1318 : vector<16xi32>
      %swap3A_1320 = arith.constant 2000 : index
      %swap3A_1321 = tpu.vector_load %arg10[%swap3A_1320] {strides = array<i32>} : memref<2624xi32, #tpu.memory_space<vmem>>, vector<16xi32>,
      tpu.vector_store %arg10[%swap3A_1320], %add3A_1319 {strides = array<i32>} : memref<2624xi32, #tpu.memory_space<vmem>>, vector<16xi32>,
      %get3A_1322 = arith.constant 48 : index
      %get3A_1323 = tpu.vector_load %arg8[%get3A_1322] {strides = array<i32>} : memref<672xi32, #tpu.memory_space<vmem>>, vector<16xi32>,
      %add3A_1324 = vector.broadcast %mul3A_1291 : i32 to vector<16xi32>
      %add3A_1325 = arith.addi %get3A_1323, %add3A_1324 : vector<16xi32>
      %gather3A_1326 = tpu.vector_load_idx %arg7[%add3A_1325] : memref<3328xi32, #tpu.memory_space<vmem>>[vector<16xi32>], vector<16xi32>,
      %get3A_1327 = arith.constant 48 : index
      %get3A_1328 = tpu.vector_load %arg9[%get3A_1327] {strides = array<i32>} : memref<672xi32, #tpu.memory_space<vmem>>, vector<16xi32>,
      %add3A_1329 = arith.addi %gather3A_1326, %get3A_1328 : vector<16xi32>
      %swap3A_1330 = arith.constant 2016 : index
      %swap3A_1331 = tpu.vector_load %arg10[%swap3A_1330] {strides = array<i32>} : memref<2624xi32, #tpu.memory_space<vmem>>, vector<16xi32>,
      tpu.vector_store %arg10[%swap3A_1330], %add3A_1329 {strides = array<i32>} : memref<2624xi32, #tpu.memory_space<vmem>>, vector<16xi32>,
      %get3A_1332 = arith.constant 64 : index
      %get3A_1333 = tpu.vector_load %arg8[%get3A_1332] {strides = array<i32>} : memref<672xi32, #tpu.memory_space<vmem>>, vector<16xi32>,
      %add3A_1334 = vector.broadcast %mul3A_1291 : i32 to vector<16xi32>
      %add3A_1335 = arith.addi %get3A_1333, %add3A_1334 : vector<16xi32>
      %gather3A_1336 = tpu.vector_load_idx %arg7[%add3A_1335] : memref<3328xi32, #tpu.memory_space<vmem>>[vector<16xi32>], vector<16xi32>,
      %get3A_1337 = arith.constant 64 : index
      %get3A_1338 = tpu.vector_load %arg9[%get3A_1337] {strides = array<i32>} : memref<672xi32, #tpu.memory_space<vmem>>, vector<16xi32>,
      %add3A_1339 = arith.addi %gather3A_1336, %get3A_1338 : vector<16xi32>
      %swap3A_1340 = arith.constant 2032 : index
      %swap3A_1341 = tpu.vector_load %arg10[%swap3A_1340] {strides = array<i32>} : memref<2624xi32, #tpu.memory_space<vmem>>, vector<16xi32>,
      tpu.vector_store %arg10[%swap3A_1340], %add3A_1339 {strides = array<i32>} : memref<2624xi32, #tpu.memory_space<vmem>>, vector<16xi32>,
      %get3A_1342 = arith.constant 80 : index
      %get3A_1343 = tpu.vector_load %arg8[%get3A_1342] {strides = array<i32>} : memref<672xi32, #tpu.memory_space<vmem>>, vector<16xi32>,
      %add3A_1344 = vector.broadcast %mul3A_1291 : i32 to vector<16xi32>
      %add3A_1345 = arith.addi %get3A_1343, %add3A_1344 : vector<16xi32>
      %gather3A_1346 = tpu.vector_load_idx %arg7[%add3A_1345] : memref<3328xi32, #tpu.memory_space<vmem>>[vector<16xi32>], vector<16xi32>,
      %get3A_1347 = arith.constant 80 : index
      %get3A_1348 = tpu.vector_load %arg9[%get3A_1347] {strides = array<i32>} : memref<672xi32, #tpu.memory_space<vmem>>, vector<16xi32>,
      %add3A_1349 = arith.addi %gather3A_1346, %get3A_1348 : vector<16xi32>
      %swap3A_1350 = arith.constant 2048 : index
      %swap3A_1351 = tpu.vector_load %arg10[%swap3A_1350] {strides = array<i32>} : memref<2624xi32, #tpu.memory_space<vmem>>, vector<16xi32>,
      tpu.vector_store %arg10[%swap3A_1350], %add3A_1349 {strides = array<i32>} : memref<2624xi32, #tpu.memory_space<vmem>>, vector<16xi32>,
      %get3A_1352 = arith.constant 96 : index
      %get3A_1353 = tpu.vector_load %arg8[%get3A_1352] {strides = array<i32>} : memref<672xi32, #tpu.memory_space<vmem>>, vector<16xi32>,
      %add3A_1354 = vector.broadcast %mul3A_1291 : i32 to vector<16xi32>
      %add3A_1355 = arith.addi %get3A_1353, %add3A_1354 : vector<16xi32>
      %gather3A_1356 = tpu.vector_load_idx %arg7[%add3A_1355] : memref<3328xi32, #tpu.memory_space<vmem>>[vector<16xi32>], vector<16xi32>,
      %get3A_1357 = arith.constant 96 : index
      %get3A_1358 = tpu.vector_load %arg9[%get3A_1357] {strides = array<i32>} : memref<672xi32, #tpu.memory_space<vmem>>, vector<16xi32>,
      %add3A_1359 = arith.addi %gather3A_1356, %get3A_1358 : vector<16xi32>
      %swap3A_1360 = arith.constant 2064 : index
      %swap3A_1361 = tpu.vector_load %arg10[%swap3A_1360] {strides = array<i32>} : memref<2624xi32, #tpu.memory_space<vmem>>, vector<16xi32>,
      tpu.vector_store %arg10[%swap3A_1360], %add3A_1359 {strides = array<i32>} : memref<2624xi32, #tpu.memory_space<vmem>>, vector<16xi32>,
      %get3A_1362 = arith.constant 112 : index
      %get3A_1363 = tpu.vector_load %arg8[%get3A_1362] {strides = array<i32>} : memref<672xi32, #tpu.memory_space<vmem>>, vector<16xi32>,
      %add3A_1364 = vector.broadcast %mul3A_1291 : i32 to vector<16xi32>
      %add3A_1365 = arith.addi %get3A_1363, %add3A_1364 : vector<16xi32>
      %gather3A_1366 = tpu.vector_load_idx %arg7[%add3A_1365] : memref<3328xi32, #tpu.memory_space<vmem>>[vector<16xi32>], vector<16xi32>,
      %get3A_1367 = arith.constant 112 : index
      %get3A_1368 = tpu.vector_load %arg9[%get3A_1367] {strides = array<i32>} : memref<672xi32, #tpu.memory_space<vmem>>, vector<16xi32>,
      %add3A_1369 = arith.addi %gather3A_1366, %get3A_1368 : vector<16xi32>
      %swap3A_1370 = arith.constant 2080 : index
      %swap3A_1371 = tpu.vector_load %arg10[%swap3A_1370] {strides = array<i32>} : memref<2624xi32, #tpu.memory_space<vmem>>, vector<16xi32>,
      tpu.vector_store %arg10[%swap3A_1370], %add3A_1369 {strides = array<i32>} : memref<2624xi32, #tpu.memory_space<vmem>>, vector<16xi32>,
      %get3A_1372 = arith.constant 128 : index
      %get3A_1373 = tpu.vector_load %arg8[%get3A_1372] {strides = array<i32>} : memref<672xi32, #tpu.memory_space<vmem>>, vector<16xi32>,
      %add3A_1374 = vector.broadcast %mul3A_1291 : i32 to vector<16xi32>
      %add3A_1375 = arith.addi %get3A_1373, %add3A_1374 : vector<16xi32>
      %gather3A_1376 = tpu.vector_load_idx %arg7[%add3A_1375] : memref<3328xi32, #tpu.memory_space<vmem>>[vector<16xi32>], vector<16xi32>,
      %get3A_1377 = arith.constant 128 : index
      %get3A_1378 = tpu.vector_load %arg9[%get3A_1377] {strides = array<i32>} : memref<672xi32, #tpu.memory_space<vmem>>, vector<16xi32>,
      %add3A_1379 = arith.addi %gather3A_1376, %get3A_1378 : vector<16xi32>
      %swap3A_1380 = arith.constant 2096 : index
      %swap3A_1381 = tpu.vector_load %arg10[%swap3A_1380] {strides = array<i32>} : memref<2624xi32, #tpu.memory_space<vmem>>, vector<16xi32>,
      tpu.vector_store %arg10[%swap3A_1380], %add3A_1379 {strides = array<i32>} : memref<2624xi32, #tpu.memory_space<vmem>>, vector<16xi32>,
      %get3A_1382 = arith.constant 144 : index
      %get3A_1383 = tpu.vector_load %arg8[%get3A_1382] {strides = array<i32>} : memref<672xi32, #tpu.memory_space<vmem>>, vector<16xi32>,
      %add3A_1384 = vector.broadcast %mul3A_1291 : i32 to vector<16xi32>
      %add3A_1385 = arith.addi %get3A_1383, %add3A_1384 : vector<16xi32>
      %gather3A_1386 = tpu.vector_load_idx %arg7[%add3A_1385] : memref<3328xi32, #tpu.memory_space<vmem>>[vector<16xi32>], vector<16xi32>,
      %get3A_1387 = arith.constant 144 : index
      %get3A_1388 = tpu.vector_load %arg9[%get3A_1387] {strides = array<i32>} : memref<672xi32, #tpu.memory_space<vmem>>, vector<16xi32>,
      %add3A_1389 = arith.addi %gather3A_1386, %get3A_1388 : vector<16xi32>
      %swap3A_1390 = arith.constant 2112 : index
      %swap3A_1391 = tpu.vector_load %arg10[%swap3A_1390] {strides = array<i32>} : memref<2624xi32, #tpu.memory_space<vmem>>, vector<16xi32>,
      tpu.vector_store %arg10[%swap3A_1390], %add3A_1389 {strides = array<i32>} : memref<2624xi32, #tpu.memory_space<vmem>>, vector<16xi32>,
      %get3A_1392 = arith.constant 160 : index
      %get3A_1393 = tpu.vector_load %arg8[%get3A_1392] {strides = array<i32>} : memref<672xi32, #tpu.memory_space<vmem>>, vector<16xi32>,
      %add3A_1394 = vector.broadcast %mul3A_1291 : i32 to vector<16xi32>
      %add3A_1395 = arith.addi %get3A_1393, %add3A_1394 : vector<16xi32>
      %gather3A_1396 = tpu.vector_load_idx %arg7[%add3A_1395] : memref<3328xi32, #tpu.memory_space<vmem>>[vector<16xi32>], vector<16xi32>,
      %get3A_1397 = arith.constant 160 : index
      %get3A_1398 = tpu.vector_load %arg9[%get3A_1397] {strides = array<i32>} : memref<672xi32, #tpu.memory_space<vmem>>, vector<16xi32>,
      %add3A_1399 = arith.addi %gather3A_1396, %get3A_1398 : vector<16xi32>
      %swap3A_1400 = arith.constant 2128 : index
      %swap3A_1401 = tpu.vector_load %arg10[%swap3A_1400] {strides = array<i32>} : memref<2624xi32, #tpu.memory_space<vmem>>, vector<16xi32>,
      tpu.vector_store %arg10[%swap3A_1400], %add3A_1399 {strides = array<i32>} : memref<2624xi32, #tpu.memory_space<vmem>>, vector<16xi32>,
      %get3A_1402 = arith.constant 176 : index
      %get3A_1403 = tpu.vector_load %arg8[%get3A_1402] {strides = array<i32>} : memref<672xi32, #tpu.memory_space<vmem>>, vector<16xi32>,
      %add3A_1404 = vector.broadcast %mul3A_1291 : i32 to vector<16xi32>
      %add3A_1405 = arith.addi %get3A_1403, %add3A_1404 : vector<16xi32>
      %gather3A_1406 = tpu.vector_load_idx %arg7[%add3A_1405] : memref<3328xi32, #tpu.memory_space<vmem>>[vector<16xi32>], vector<16xi32>,
      %get3A_1407 = arith.constant 176 : index
      %get3A_1408 = tpu.vector_load %arg9[%get3A_1407] {strides = array<i32>} : memref<672xi32, #tpu.memory_space<vmem>>, vector<16xi32>,
      %add3A_1409 = arith.addi %gather3A_1406, %get3A_1408 : vector<16xi32>
      %swap3A_1410 = arith.constant 2144 : index
      %swap3A_1411 = tpu.vector_load %arg10[%swap3A_1410] {strides = array<i32>} : memref<2624xi32, #tpu.memory_space<vmem>>, vector<16xi32>,
      tpu.vector_store %arg10[%swap3A_1410], %add3A_1409 {strides = array<i32>} : memref<2624xi32, #tpu.memory_space<vmem>>, vector<16xi32>,
      %get3A_1412 = arith.constant 192 : index
      %get3A_1413 = tpu.vector_load %arg8[%get3A_1412] {strides = array<i32>} : memref<672xi32, #tpu.memory_space<vmem>>, vector<16xi32>,
      %add3A_1414 = vector.broadcast %mul3A_1291 : i32 to vector<16xi32>
      %add3A_1415 = arith.addi %get3A_1413, %add3A_1414 : vector<16xi32>
      %gather3A_1416 = tpu.vector_load_idx %arg7[%add3A_1415] : memref<3328xi32, #tpu.memory_space<vmem>>[vector<16xi32>], vector<16xi32>,
      %get3A_1417 = arith.constant 192 : index
      %get3A_1418 = tpu.vector_load %arg9[%get3A_1417] {strides = array<i32>} : memref<672xi32, #tpu.memory_space<vmem>>, vector<16xi32>,
      %add3A_1419 = arith.addi %gather3A_1416, %get3A_1418 : vector<16xi32>
      %swap3A_1420 = arith.constant 2160 : index
      %swap3A_1421 = tpu.vector_load %arg10[%swap3A_1420] {strides = array<i32>} : memref<2624xi32, #tpu.memory_space<vmem>>, vector<16xi32>,
      tpu.vector_store %arg10[%swap3A_1420], %add3A_1419 {strides = array<i32>} : memref<2624xi32, #tpu.memory_space<vmem>>, vector<16xi32>,
      %get3A_1422 = arith.constant 208 : index
      %get3A_1423 = tpu.vector_load %arg8[%get3A_1422] {strides = array<i32>} : memref<672xi32, #tpu.memory_space<vmem>>, vector<16xi32>,
      %add3A_1424 = vector.broadcast %mul3A_1291 : i32 to vector<16xi32>
      %add3A_1425 = arith.addi %get3A_1423, %add3A_1424 : vector<16xi32>
      %gather3A_1426 = tpu.vector_load_idx %arg7[%add3A_1425] : memref<3328xi32, #tpu.memory_space<vmem>>[vector<16xi32>], vector<16xi32>,
      %get3A_1427 = arith.constant 208 : index
      %get3A_1428 = tpu.vector_load %arg9[%get3A_1427] {strides = array<i32>} : memref<672xi32, #tpu.memory_space<vmem>>, vector<16xi32>,
      %add3A_1429 = arith.addi %gather3A_1426, %get3A_1428 : vector<16xi32>
      %swap3A_1430 = arith.constant 2176 : index
      %swap3A_1431 = tpu.vector_load %arg10[%swap3A_1430] {strides = array<i32>} : memref<2624xi32, #tpu.memory_space<vmem>>, vector<16xi32>,
      tpu.vector_store %arg10[%swap3A_1430], %add3A_1429 {strides = array<i32>} : memref<2624xi32, #tpu.memory_space<vmem>>, vector<16xi32>,
      %get3A_1432 = arith.constant 224 : index
      %get3A_1433 = tpu.vector_load %arg8[%get3A_1432] {strides = array<i32>} : memref<672xi32, #tpu.memory_space<vmem>>, vector<16xi32>,
      %add3A_1434 = vector.broadcast %mul3A_1291 : i32 to vector<16xi32>
      %add3A_1435 = arith.addi %get3A_1433, %add3A_1434 : vector<16xi32>
      %gather3A_1436 = tpu.vector_load_idx %arg7[%add3A_1435] : memref<3328xi32, #tpu.memory_space<vmem>>[vector<16xi32>], vector<16xi32>,
      %get3A_1437 = arith.constant 224 : index
      %get3A_1438 = tpu.vector_load %arg9[%get3A_1437] {strides = array<i32>} : memref<672xi32, #tpu.memory_space<vmem>>, vector<16xi32>,
      %add3A_1439 = arith.addi %gather3A_1436, %get3A_1438 : vector<16xi32>
      %swap3A_1440 = arith.constant 2192 : index
      %swap3A_1441 = tpu.vector_load %arg10[%swap3A_1440] {strides = array<i32>} : memref<2624xi32, #tpu.memory_space<vmem>>, vector<16xi32>,
      tpu.vector_store %arg10[%swap3A_1440], %add3A_1439 {strides = array<i32>} : memref<2624xi32, #tpu.memory_space<vmem>>, vector<16xi32>,
      %get3A_1442 = arith.constant 240 : index
      %get3A_1443 = tpu.vector_load %arg8[%get3A_1442] {strides = array<i32>} : memref<672xi32, #tpu.memory_space<vmem>>, vector<16xi32>,
      %add3A_1444 = vector.broadcast %mul3A_1291 : i32 to vector<16xi32>
      %add3A_1445 = arith.addi %get3A_1443, %add3A_1444 : vector<16xi32>
      %gather3A_1446 = tpu.vector_load_idx %arg7[%add3A_1445] : memref<3328xi32, #tpu.memory_space<vmem>>[vector<16xi32>], vector<16xi32>,
      %get3A_1447 = arith.constant 240 : index
      %get3A_1448 = tpu.vector_load %arg9[%get3A_1447] {strides = array<i32>} : memref<672xi32, #tpu.memory_space<vmem>>, vector<16xi32>,
      %add3A_1449 = arith.addi %gather3A_1446, %get3A_1448 : vector<16xi32>
      %swap3A_1450 = arith.constant 2208 : index
      %swap3A_1451 = tpu.vector_load %arg10[%swap3A_1450] {strides = array<i32>} : memref<2624xi32, #tpu.memory_space<vmem>>, vector<16xi32>,
      tpu.vector_store %arg10[%swap3A_1450], %add3A_1449 {strides = array<i32>} : memref<2624xi32, #tpu.memory_space<vmem>>, vector<16xi32>,
      %get3A_1452 = arith.constant 256 : index
      %get3A_1453 = tpu.vector_load %arg8[%get3A_1452] {strides = array<i32>} : memref<672xi32, #tpu.memory_space<vmem>>, vector<16xi32>,
      %add3A_1454 = vector.broadcast %mul3A_1291 : i32 to vector<16xi32>
      %add3A_1455 = arith.addi %get3A_1453, %add3A_1454 : vector<16xi32>
      %gather3A_1456 = tpu.vector_load_idx %arg7[%add3A_1455] : memref<3328xi32, #tpu.memory_space<vmem>>[vector<16xi32>], vector<16xi32>,
      %get3A_1457 = arith.constant 256 : index
      %get3A_1458 = tpu.vector_load %arg9[%get3A_1457] {strides = array<i32>} : memref<672xi32, #tpu.memory_space<vmem>>, vector<16xi32>,
      %add3A_1459 = arith.addi %gather3A_1456, %get3A_1458 : vector<16xi32>
      %swap3A_1460 = arith.constant 2224 : index
      %swap3A_1461 = tpu.vector_load %arg10[%swap3A_1460] {strides = array<i32>} : memref<2624xi32, #tpu.memory_space<vmem>>, vector<16xi32>,
      tpu.vector_store %arg10[%swap3A_1460], %add3A_1459 {strides = array<i32>} : memref<2624xi32, #tpu.memory_space<vmem>>, vector<16xi32>,
      %get3A_1462 = arith.constant 272 : index
      %get3A_1463 = tpu.vector_load %arg8[%get3A_1462] {strides = array<i32>} : memref<672xi32, #tpu.memory_space<vmem>>, vector<16xi32>,
      %add3A_1464 = vector.broadcast %mul3A_1291 : i32 to vector<16xi32>
      %add3A_1465 = arith.addi %get3A_1463, %add3A_1464 : vector<16xi32>
      %gather3A_1466 = tpu.vector_load_idx %arg7[%add3A_1465] : memref<3328xi32, #tpu.memory_space<vmem>>[vector<16xi32>], vector<16xi32>,
      %get3A_1467 = arith.constant 272 : index
      %get3A_1468 = tpu.vector_load %arg9[%get3A_1467] {strides = array<i32>} : memref<672xi32, #tpu.memory_space<vmem>>, vector<16xi32>,
      %add3A_1469 = arith.addi %gather3A_1466, %get3A_1468 : vector<16xi32>
      %swap3A_1470 = arith.constant 2240 : index
      %swap3A_1471 = tpu.vector_load %arg10[%swap3A_1470] {strides = array<i32>} : memref<2624xi32, #tpu.memory_space<vmem>>, vector<16xi32>,
      tpu.vector_store %arg10[%swap3A_1470], %add3A_1469 {strides = array<i32>} : memref<2624xi32, #tpu.memory_space<vmem>>, vector<16xi32>,
      %get3A_1472 = arith.constant 288 : index
      %get3A_1473 = tpu.vector_load %arg8[%get3A_1472] {strides = array<i32>} : memref<672xi32, #tpu.memory_space<vmem>>, vector<16xi32>,
      %add3A_1474 = vector.broadcast %mul3A_1291 : i32 to vector<16xi32>
      %add3A_1475 = arith.addi %get3A_1473, %add3A_1474 : vector<16xi32>
      %gather3A_1476 = tpu.vector_load_idx %arg7[%add3A_1475] : memref<3328xi32, #tpu.memory_space<vmem>>[vector<16xi32>], vector<16xi32>,
      %get3A_1477 = arith.constant 288 : index
      %get3A_1478 = tpu.vector_load %arg9[%get3A_1477] {strides = array<i32>} : memref<672xi32, #tpu.memory_space<vmem>>, vector<16xi32>,
      %add3A_1479 = arith.addi %gather3A_1476, %get3A_1478 : vector<16xi32>
      %swap3A_1480 = arith.constant 2256 : index
      %swap3A_1481 = tpu.vector_load %arg10[%swap3A_1480] {strides = array<i32>} : memref<2624xi32, #tpu.memory_space<vmem>>, vector<16xi32>,
      tpu.vector_store %arg10[%swap3A_1480], %add3A_1479 {strides = array<i32>} : memref<2624xi32, #tpu.memory_space<vmem>>, vector<16xi32>,
      %get3A_1482 = arith.constant 304 : index
      %get3A_1483 = tpu.vector_load %arg8[%get3A_1482] {strides = array<i32>} : memref<672xi32, #tpu.memory_space<vmem>>, vector<16xi32>,
      %add3A_1484 = vector.broadcast %mul3A_1291 : i32 to vector<16xi32>
      %add3A_1485 = arith.addi %get3A_1483, %add3A_1484 : vector<16xi32>
      %gather3A_1486 = tpu.vector_load_idx %arg7[%add3A_1485] : memref<3328xi32, #tpu.memory_space<vmem>>[vector<16xi32>], vector<16xi32>,
      %get3A_1487 = arith.constant 304 : index
      %get3A_1488 = tpu.vector_load %arg9[%get3A_1487] {strides = array<i32>} : memref<672xi32, #tpu.memory_space<vmem>>, vector<16xi32>,
      %add3A_1489 = arith.addi %gather3A_1486, %get3A_1488 : vector<16xi32>
      %swap3A_1490 = arith.constant 2272 : index
      %swap3A_1491 = tpu.vector_load %arg10[%swap3A_1490] {strides = array<i32>} : memref<2624xi32, #tpu.memory_space<vmem>>, vector<16xi32>,
      tpu.vector_store %arg10[%swap3A_1490], %add3A_1489 {strides = array<i32>} : memref<2624xi32, #tpu.memory_space<vmem>>, vector<16xi32>,
      %get3A_1492 = arith.constant 320 : index
      %get3A_1493 = tpu.vector_load %arg8[%get3A_1492] {strides = array<i32>} : memref<672xi32, #tpu.memory_space<vmem>>, vector<16xi32>,
      %add3A_1494 = vector.broadcast %mul3A_1291 : i32 to vector<16xi32>
      %add3A_1495 = arith.addi %get3A_1493, %add3A_1494 : vector<16xi32>
      %gather3A_1496 = tpu.vector_load_idx %arg7[%add3A_1495] : memref<3328xi32, #tpu.memory_space<vmem>>[vector<16xi32>], vector<16xi32>,
      %get3A_1497 = arith.constant 320 : index
      %get3A_1498 = tpu.vector_load %arg9[%get3A_1497] {strides = array<i32>} : memref<672xi32, #tpu.memory_space<vmem>>, vector<16xi32>,
      %add3A_1499 = arith.addi %gather3A_1496, %get3A_1498 : vector<16xi32>
      %swap3A_1500 = arith.constant 2277 : index
      %swap3A_1501 = tpu.vector_load %arg10[%swap3A_1500] {strides = array<i32>} : memref<2624xi32, #tpu.memory_space<vmem>>, vector<16xi32>,
      tpu.vector_store %arg10[%swap3A_1500], %add3A_1499 {strides = array<i32>} : memref<2624xi32, #tpu.memory_space<vmem>>, vector<16xi32>,
      %get3A_1502 = arith.constant 336 : index
      %get3A_1503 = tpu.vector_load %arg8[%get3A_1502] {strides = array<i32>} : memref<672xi32, #tpu.memory_space<vmem>>, vector<16xi32>,
      %add3A_1504 = vector.broadcast %mul3A_1291 : i32 to vector<16xi32>
      %add3A_1505 = arith.addi %get3A_1503, %add3A_1504 : vector<16xi32>
      %gather3A_1506 = tpu.vector_load_idx %arg7[%add3A_1505] : memref<3328xi32, #tpu.memory_space<vmem>>[vector<16xi32>], vector<16xi32>,
      %get3A_1507 = arith.constant 336 : index
      %get3A_1508 = tpu.vector_load %arg9[%get3A_1507] {strides = array<i32>} : memref<672xi32, #tpu.memory_space<vmem>>, vector<16xi32>,
      %add3A_1509 = arith.addi %gather3A_1506, %get3A_1508 : vector<16xi32>
      %swap3A_1510 = arith.constant 2293 : index
      %swap3A_1511 = tpu.vector_load %arg10[%swap3A_1510] {strides = array<i32>} : memref<2624xi32, #tpu.memory_space<vmem>>, vector<16xi32>,
      tpu.vector_store %arg10[%swap3A_1510], %add3A_1509 {strides = array<i32>} : memref<2624xi32, #tpu.memory_space<vmem>>, vector<16xi32>,
      %get3A_1512 = arith.constant 352 : index
      %get3A_1513 = tpu.vector_load %arg8[%get3A_1512] {strides = array<i32>} : memref<672xi32, #tpu.memory_space<vmem>>, vector<16xi32>,
      %add3A_1514 = vector.broadcast %mul3A_1291 : i32 to vector<16xi32>
      %add3A_1515 = arith.addi %get3A_1513, %add3A_1514 : vector<16xi32>
      %gather3A_1516 = tpu.vector_load_idx %arg7[%add3A_1515] : memref<3328xi32, #tpu.memory_space<vmem>>[vector<16xi32>], vector<16xi32>,
      %get3A_1517 = arith.constant 352 : index
      %get3A_1518 = tpu.vector_load %arg9[%get3A_1517] {strides = array<i32>} : memref<672xi32, #tpu.memory_space<vmem>>, vector<16xi32>,
      %add3A_1519 = arith.addi %gather3A_1516, %get3A_1518 : vector<16xi32>
      %swap3A_1520 = arith.constant 2309 : index
      %swap3A_1521 = tpu.vector_load %arg10[%swap3A_1520] {strides = array<i32>} : memref<2624xi32, #tpu.memory_space<vmem>>, vector<16xi32>,
      tpu.vector_store %arg10[%swap3A_1520], %add3A_1519 {strides = array<i32>} : memref<2624xi32, #tpu.memory_space<vmem>>, vector<16xi32>,
      %get3A_1522 = arith.constant 368 : index
      %get3A_1523 = tpu.vector_load %arg8[%get3A_1522] {strides = array<i32>} : memref<672xi32, #tpu.memory_space<vmem>>, vector<16xi32>,
      %add3A_1524 = vector.broadcast %mul3A_1291 : i32 to vector<16xi32>
      %add3A_1525 = arith.addi %get3A_1523, %add3A_1524 : vector<16xi32>
      %gather3A_1526 = tpu.vector_load_idx %arg7[%add3A_1525] : memref<3328xi32, #tpu.memory_space<vmem>>[vector<16xi32>], vector<16xi32>,
      %get3A_1527 = arith.constant 368 : index
      %get3A_1528 = tpu.vector_load %arg9[%get3A_1527] {strides = array<i32>} : memref<672xi32, #tpu.memory_space<vmem>>, vector<16xi32>,
      %add3A_1529 = arith.addi %gather3A_1526, %get3A_1528 : vector<16xi32>
      %swap3A_1530 = arith.constant 2325 : index
      %swap3A_1531 = tpu.vector_load %arg10[%swap3A_1530] {strides = array<i32>} : memref<2624xi32, #tpu.memory_space<vmem>>, vector<16xi32>,
      tpu.vector_store %arg10[%swap3A_1530], %add3A_1529 {strides = array<i32>} : memref<2624xi32, #tpu.memory_space<vmem>>, vector<16xi32>,
      %get3A_1532 = arith.constant 384 : index
      %get3A_1533 = tpu.vector_load %arg8[%get3A_1532] {strides = array<i32>} : memref<672xi32, #tpu.memory_space<vmem>>, vector<16xi32>,
      %add3A_1534 = vector.broadcast %mul3A_1291 : i32 to vector<16xi32>
      %add3A_1535 = arith.addi %get3A_1533, %add3A_1534 : vector<16xi32>
      %gather3A_1536 = tpu.vector_load_idx %arg7[%add3A_1535] : memref<3328xi32, #tpu.memory_space<vmem>>[vector<16xi32>], vector<16xi32>,
      %get3A_1537 = arith.constant 384 : index
      %get3A_1538 = tpu.vector_load %arg9[%get3A_1537] {strides = array<i32>} : memref<672xi32, #tpu.memory_space<vmem>>, vector<16xi32>,
      %add3A_1539 = arith.addi %gather3A_1536, %get3A_1538 : vector<16xi32>
      %swap3A_1540 = arith.constant 2341 : index
      %swap3A_1541 = tpu.vector_load %arg10[%swap3A_1540] {strides = array<i32>} : memref<2624xi32, #tpu.memory_space<vmem>>, vector<16xi32>,
      tpu.vector_store %arg10[%swap3A_1540], %add3A_1539 {strides = array<i32>} : memref<2624xi32, #tpu.memory_space<vmem>>, vector<16xi32>,
      %get3A_1542 = arith.constant 400 : index
      %get3A_1543 = tpu.vector_load %arg8[%get3A_1542] {strides = array<i32>} : memref<672xi32, #tpu.memory_space<vmem>>, vector<16xi32>,
      %add3A_1544 = vector.broadcast %mul3A_1291 : i32 to vector<16xi32>
      %add3A_1545 = arith.addi %get3A_1543, %add3A_1544 : vector<16xi32>
      %gather3A_1546 = tpu.vector_load_idx %arg7[%add3A_1545] : memref<3328xi32, #tpu.memory_space<vmem>>[vector<16xi32>], vector<16xi32>,
      %get3A_1547 = arith.constant 400 : index
      %get3A_1548 = tpu.vector_load %arg9[%get3A_1547] {strides = array<i32>} : memref<672xi32, #tpu.memory_space<vmem>>, vector<16xi32>,
      %add3A_1549 = arith.addi %gather3A_1546, %get3A_1548 : vector<16xi32>
      %swap3A_1550 = arith.constant 2357 : index
      %swap3A_1551 = tpu.vector_load %arg10[%swap3A_1550] {strides = array<i32>} : memref<2624xi32, #tpu.memory_space<vmem>>, vector<16xi32>,
      tpu.vector_store %arg10[%swap3A_1550], %add3A_1549 {strides = array<i32>} : memref<2624xi32, #tpu.memory_space<vmem>>, vector<16xi32>,
      %get3A_1552 = arith.constant 416 : index
      %get3A_1553 = tpu.vector_load %arg8[%get3A_1552] {strides = array<i32>} : memref<672xi32, #tpu.memory_space<vmem>>, vector<16xi32>,
      %add3A_1554 = vector.broadcast %mul3A_1291 : i32 to vector<16xi32>
      %add3A_1555 = arith.addi %get3A_1553, %add3A_1554 : vector<16xi32>
      %gather3A_1556 = tpu.vector_load_idx %arg7[%add3A_1555] : memref<3328xi32, #tpu.memory_space<vmem>>[vector<16xi32>], vector<16xi32>,
      %get3A_1557 = arith.constant 416 : index
      %get3A_1558 = tpu.vector_load %arg9[%get3A_1557] {strides = array<i32>} : memref<672xi32, #tpu.memory_space<vmem>>, vector<16xi32>,
      %add3A_1559 = arith.addi %gather3A_1556, %get3A_1558 : vector<16xi32>
      %swap3A_1560 = arith.constant 2373 : index
      %swap3A_1561 = tpu.vector_load %arg10[%swap3A_1560] {strides = array<i32>} : memref<2624xi32, #tpu.memory_space<vmem>>, vector<16xi32>,
      tpu.vector_store %arg10[%swap3A_1560], %add3A_1559 {strides = array<i32>} : memref<2624xi32, #tpu.memory_space<vmem>>, vector<16xi32>,
      %get3A_1562 = arith.constant 432 : index
      %get3A_1563 = tpu.vector_load %arg8[%get3A_1562] {strides = array<i32>} : memref<672xi32, #tpu.memory_space<vmem>>, vector<16xi32>,
      %add3A_1564 = vector.broadcast %mul3A_1291 : i32 to vector<16xi32>
      %add3A_1565 = arith.addi %get3A_1563, %add3A_1564 : vector<16xi32>
      %gather3A_1566 = tpu.vector_load_idx %arg7[%add3A_1565] : memref<3328xi32, #tpu.memory_space<vmem>>[vector<16xi32>], vector<16xi32>,
      %get3A_1567 = arith.constant 432 : index
      %get3A_1568 = tpu.vector_load %arg9[%get3A_1567] {strides = array<i32>} : memref<672xi32, #tpu.memory_space<vmem>>, vector<16xi32>,
      %add3A_1569 = arith.addi %gather3A_1566, %get3A_1568 : vector<16xi32>
      %swap3A_1570 = arith.constant 2389 : index
      %swap3A_1571 = tpu.vector_load %arg10[%swap3A_1570] {strides = array<i32>} : memref<2624xi32, #tpu.memory_space<vmem>>, vector<16xi32>,
      tpu.vector_store %arg10[%swap3A_1570], %add3A_1569 {strides = array<i32>} : memref<2624xi32, #tpu.memory_space<vmem>>, vector<16xi32>,
      %get3A_1572 = arith.constant 448 : index
      %get3A_1573 = tpu.vector_load %arg8[%get3A_1572] {strides = array<i32>} : memref<672xi32, #tpu.memory_space<vmem>>, vector<16xi32>,
      %add3A_1574 = vector.broadcast %mul3A_1291 : i32 to vector<16xi32>
      %add3A_1575 = arith.addi %get3A_1573, %add3A_1574 : vector<16xi32>
      %gather3A_1576 = tpu.vector_load_idx %arg7[%add3A_1575] : memref<3328xi32, #tpu.memory_space<vmem>>[vector<16xi32>], vector<16xi32>,
      %get3A_1577 = arith.constant 448 : index
      %get3A_1578 = tpu.vector_load %arg9[%get3A_1577] {strides = array<i32>} : memref<672xi32, #tpu.memory_space<vmem>>, vector<16xi32>,
      %add3A_1579 = arith.addi %gather3A_1576, %get3A_1578 : vector<16xi32>
      %swap3A_1580 = arith.constant 2405 : index
      %swap3A_1581 = tpu.vector_load %arg10[%swap3A_1580] {strides = array<i32>} : memref<2624xi32, #tpu.memory_space<vmem>>, vector<16xi32>,
      tpu.vector_store %arg10[%swap3A_1580], %add3A_1579 {strides = array<i32>} : memref<2624xi32, #tpu.memory_space<vmem>>, vector<16xi32>,
      %get3A_1582 = arith.constant 464 : index
      %get3A_1583 = tpu.vector_load %arg8[%get3A_1582] {strides = array<i32>} : memref<672xi32, #tpu.memory_space<vmem>>, vector<16xi32>,
      %add3A_1584 = vector.broadcast %mul3A_1291 : i32 to vector<16xi32>
      %add3A_1585 = arith.addi %get3A_1583, %add3A_1584 : vector<16xi32>
      %gather3A_1586 = tpu.vector_load_idx %arg7[%add3A_1585] : memref<3328xi32, #tpu.memory_space<vmem>>[vector<16xi32>], vector<16xi32>,
      %get3A_1587 = arith.constant 464 : index
      %get3A_1588 = tpu.vector_load %arg9[%get3A_1587] {strides = array<i32>} : memref<672xi32, #tpu.memory_space<vmem>>, vector<16xi32>,
      %add3A_1589 = arith.addi %gather3A_1586, %get3A_1588 : vector<16xi32>
      %swap3A_1590 = arith.constant 2421 : index
      %swap3A_1591 = tpu.vector_load %arg10[%swap3A_1590] {strides = array<i32>} : memref<2624xi32, #tpu.memory_space<vmem>>, vector<16xi32>,
      tpu.vector_store %arg10[%swap3A_1590], %add3A_1589 {strides = array<i32>} : memref<2624xi32, #tpu.memory_space<vmem>>, vector<16xi32>,
      %get3A_1592 = arith.constant 480 : index
      %get3A_1593 = tpu.vector_load %arg8[%get3A_1592] {strides = array<i32>} : memref<672xi32, #tpu.memory_space<vmem>>, vector<16xi32>,
      %add3A_1594 = vector.broadcast %mul3A_1291 : i32 to vector<16xi32>
      %add3A_1595 = arith.addi %get3A_1593, %add3A_1594 : vector<16xi32>
      %gather3A_1596 = tpu.vector_load_idx %arg7[%add3A_1595] : memref<3328xi32, #tpu.memory_space<vmem>>[vector<16xi32>], vector<16xi32>,
      %get3A_1597 = arith.constant 480 : index
      %get3A_1598 = tpu.vector_load %arg9[%get3A_1597] {strides = array<i32>} : memref<672xi32, #tpu.memory_space<vmem>>, vector<16xi32>,
      %add3A_1599 = arith.addi %gather3A_1596, %get3A_1598 : vector<16xi32>
      %swap3A_1600 = arith.constant 2437 : index
      %swap3A_1601 = tpu.vector_load %arg10[%swap3A_1600] {strides = array<i32>} : memref<2624xi32, #tpu.memory_space<vmem>>, vector<16xi32>,
      tpu.vector_store %arg10[%swap3A_1600], %add3A_1599 {strides = array<i32>} : memref<2624xi32, #tpu.memory_space<vmem>>, vector<16xi32>,
      %get3A_1602 = arith.constant 496 : index
      %get3A_1603 = tpu.vector_load %arg8[%get3A_1602] {strides = array<i32>} : memref<672xi32, #tpu.memory_space<vmem>>, vector<16xi32>,
      %add3A_1604 = vector.broadcast %mul3A_1291 : i32 to vector<16xi32>
      %add3A_1605 = arith.addi %get3A_1603, %add3A_1604 : vector<16xi32>
      %gather3A_1606 = tpu.vector_load_idx %arg7[%add3A_1605] : memref<3328xi32, #tpu.memory_space<vmem>>[vector<16xi32>], vector<16xi32>,
      %get3A_1607 = arith.constant 496 : index
      %get3A_1608 = tpu.vector_load %arg9[%get3A_1607] {strides = array<i32>} : memref<672xi32, #tpu.memory_space<vmem>>, vector<16xi32>,
      %add3A_1609 = arith.addi %gather3A_1606, %get3A_1608 : vector<16xi32>
      %swap3A_1610 = arith.constant 2453 : index
      %swap3A_1611 = tpu.vector_load %arg10[%swap3A_1610] {strides = array<i32>} : memref<2624xi32, #tpu.memory_space<vmem>>, vector<16xi32>,
      tpu.vector_store %arg10[%swap3A_1610], %add3A_1609 {strides = array<i32>} : memref<2624xi32, #tpu.memory_space<vmem>>, vector<16xi32>,
      %get3A_1612 = arith.constant 512 : index
      %get3A_1613 = tpu.vector_load %arg8[%get3A_1612] {strides = array<i32>} : memref<672xi32, #tpu.memory_space<vmem>>, vector<16xi32>,
      %add3A_1614 = vector.broadcast %mul3A_1291 : i32 to vector<16xi32>
      %add3A_1615 = arith.addi %get3A_1613, %add3A_1614 : vector<16xi32>
      %gather3A_1616 = tpu.vector_load_idx %arg7[%add3A_1615] : memref<3328xi32, #tpu.memory_space<vmem>>[vector<16xi32>], vector<16xi32>,
      %get3A_1617 = arith.constant 512 : index
      %get3A_1618 = tpu.vector_load %arg9[%get3A_1617] {strides = array<i32>} : memref<672xi32, #tpu.memory_space<vmem>>, vector<16xi32>,
      %add3A_1619 = arith.addi %gather3A_1616, %get3A_1618 : vector<16xi32>
      %swap3A_1620 = arith.constant 2469 : index
      %swap3A_1621 = tpu.vector_load %arg10[%swap3A_1620] {strides = array<i32>} : memref<2624xi32, #tpu.memory_space<vmem>>, vector<16xi32>,
      tpu.vector_store %arg10[%swap3A_1620], %add3A_1619 {strides = array<i32>} : memref<2624xi32, #tpu.memory_space<vmem>>, vector<16xi32>,
      %get3A_1622 = arith.constant 528 : index
      %get3A_1623 = tpu.vector_load %arg8[%get3A_1622] {strides = array<i32>} : memref<672xi32, #tpu.memory_space<vmem>>, vector<16xi32>,
      %add3A_1624 = vector.broadcast %mul3A_1291 : i32 to vector<16xi32>
      %add3A_1625 = arith.addi %get3A_1623, %add3A_1624 : vector<16xi32>
      %gather3A_1626 = tpu.vector_load_idx %arg7[%add3A_1625] : memref<3328xi32, #tpu.memory_space<vmem>>[vector<16xi32>], vector<16xi32>,
      %get3A_1627 = arith.constant 528 : index
      %get3A_1628 = tpu.vector_load %arg9[%get3A_1627] {strides = array<i32>} : memref<672xi32, #tpu.memory_space<vmem>>, vector<16xi32>,
      %add3A_1629 = arith.addi %gather3A_1626, %get3A_1628 : vector<16xi32>
      %swap3A_1630 = arith.constant 2485 : index
      %swap3A_1631 = tpu.vector_load %arg10[%swap3A_1630] {strides = array<i32>} : memref<2624xi32, #tpu.memory_space<vmem>>, vector<16xi32>,
      tpu.vector_store %arg10[%swap3A_1630], %add3A_1629 {strides = array<i32>} : memref<2624xi32, #tpu.memory_space<vmem>>, vector<16xi32>,
      %get3A_1632 = arith.constant 544 : index
      %get3A_1633 = tpu.vector_load %arg8[%get3A_1632] {strides = array<i32>} : memref<672xi32, #tpu.memory_space<vmem>>, vector<16xi32>,
      %add3A_1634 = vector.broadcast %mul3A_1291 : i32 to vector<16xi32>
      %add3A_1635 = arith.addi %get3A_1633, %add3A_1634 : vector<16xi32>
      %gather3A_1636 = tpu.vector_load_idx %arg7[%add3A_1635] : memref<3328xi32, #tpu.memory_space<vmem>>[vector<16xi32>], vector<16xi32>,
      %get3A_1637 = arith.constant 544 : index
      %get3A_1638 = tpu.vector_load %arg9[%get3A_1637] {strides = array<i32>} : memref<672xi32, #tpu.memory_space<vmem>>, vector<16xi32>,
      %add3A_1639 = arith.addi %gather3A_1636, %get3A_1638 : vector<16xi32>
      %swap3A_1640 = arith.constant 2501 : index
      %swap3A_1641 = tpu.vector_load %arg10[%swap3A_1640] {strides = array<i32>} : memref<2624xi32, #tpu.memory_space<vmem>>, vector<16xi32>,
      tpu.vector_store %arg10[%swap3A_1640], %add3A_1639 {strides = array<i32>} : memref<2624xi32, #tpu.memory_space<vmem>>, vector<16xi32>,
      %get3A_1642 = arith.constant 560 : index
      %get3A_1643 = tpu.vector_load %arg8[%get3A_1642] {strides = array<i32>} : memref<672xi32, #tpu.memory_space<vmem>>, vector<16xi32>,
      %add3A_1644 = vector.broadcast %mul3A_1291 : i32 to vector<16xi32>
      %add3A_1645 = arith.addi %get3A_1643, %add3A_1644 : vector<16xi32>
      %gather3A_1646 = tpu.vector_load_idx %arg7[%add3A_1645] : memref<3328xi32, #tpu.memory_space<vmem>>[vector<16xi32>], vector<16xi32>,
      %get3A_1647 = arith.constant 560 : index
      %get3A_1648 = tpu.vector_load %arg9[%get3A_1647] {strides = array<i32>} : memref<672xi32, #tpu.memory_space<vmem>>, vector<16xi32>,
      %add3A_1649 = arith.addi %gather3A_1646, %get3A_1648 : vector<16xi32>
      %swap3A_1650 = arith.constant 2517 : index
      %swap3A_1651 = tpu.vector_load %arg10[%swap3A_1650] {strides = array<i32>} : memref<2624xi32, #tpu.memory_space<vmem>>, vector<16xi32>,
      tpu.vector_store %arg10[%swap3A_1650], %add3A_1649 {strides = array<i32>} : memref<2624xi32, #tpu.memory_space<vmem>>, vector<16xi32>,
      %get3A_1652 = arith.constant 576 : index
      %get3A_1653 = tpu.vector_load %arg8[%get3A_1652] {strides = array<i32>} : memref<672xi32, #tpu.memory_space<vmem>>, vector<16xi32>,
      %add3A_1654 = vector.broadcast %mul3A_1291 : i32 to vector<16xi32>
      %add3A_1655 = arith.addi %get3A_1653, %add3A_1654 : vector<16xi32>
      %gather3A_1656 = tpu.vector_load_idx %arg7[%add3A_1655] : memref<3328xi32, #tpu.memory_space<vmem>>[vector<16xi32>], vector<16xi32>,
      %get3A_1657 = arith.constant 576 : index
      %get3A_1658 = tpu.vector_load %arg9[%get3A_1657] {strides = array<i32>} : memref<672xi32, #tpu.memory_space<vmem>>, vector<16xi32>,
      %add3A_1659 = arith.addi %gather3A_1656, %get3A_1658 : vector<16xi32>
      %swap3A_1660 = arith.constant 2533 : index
      %swap3A_1661 = tpu.vector_load %arg10[%swap3A_1660] {strides = array<i32>} : memref<2624xi32, #tpu.memory_space<vmem>>, vector<16xi32>,
      tpu.vector_store %arg10[%swap3A_1660], %add3A_1659 {strides = array<i32>} : memref<2624xi32, #tpu.memory_space<vmem>>, vector<16xi32>,
      %get3A_1662 = arith.constant 592 : index
      %get3A_1663 = tpu.vector_load %arg8[%get3A_1662] {strides = array<i32>} : memref<672xi32, #tpu.memory_space<vmem>>, vector<16xi32>,
      %add3A_1664 = vector.broadcast %mul3A_1291 : i32 to vector<16xi32>
      %add3A_1665 = arith.addi %get3A_1663, %add3A_1664 : vector<16xi32>
      %gather3A_1666 = tpu.vector_load_idx %arg7[%add3A_1665] : memref<3328xi32, #tpu.memory_space<vmem>>[vector<16xi32>], vector<16xi32>,
      %get3A_1667 = arith.constant 592 : index
      %get3A_1668 = tpu.vector_load %arg9[%get3A_1667] {strides = array<i32>} : memref<672xi32, #tpu.memory_space<vmem>>, vector<16xi32>,
      %add3A_1669 = arith.addi %gather3A_1666, %get3A_1668 : vector<16xi32>
      %swap3A_1670 = arith.constant 2549 : index
      %swap3A_1671 = tpu.vector_load %arg10[%swap3A_1670] {strides = array<i32>} : memref<2624xi32, #tpu.memory_space<vmem>>, vector<16xi32>,
      tpu.vector_store %arg10[%swap3A_1670], %add3A_1669 {strides = array<i32>} : memref<2624xi32, #tpu.memory_space<vmem>>, vector<16xi32>,
      %get3A_1672 = arith.constant 608 : index
      %get3A_1673 = tpu.vector_load %arg8[%get3A_1672] {strides = array<i32>} : memref<672xi32, #tpu.memory_space<vmem>>, vector<16xi32>,
      %add3A_1674 = vector.broadcast %mul3A_1291 : i32 to vector<16xi32>
      %add3A_1675 = arith.addi %get3A_1673, %add3A_1674 : vector<16xi32>
      %gather3A_1676 = tpu.vector_load_idx %arg7[%add3A_1675] : memref<3328xi32, #tpu.memory_space<vmem>>[vector<16xi32>], vector<16xi32>,
      %get3A_1677 = arith.constant 608 : index
      %get3A_1678 = tpu.vector_load %arg9[%get3A_1677] {strides = array<i32>} : memref<672xi32, #tpu.memory_space<vmem>>, vector<16xi32>,
      %add3A_1679 = arith.addi %gather3A_1676, %get3A_1678 : vector<16xi32>
      %swap3A_1680 = arith.constant 2565 : index
      %swap3A_1681 = tpu.vector_load %arg10[%swap3A_1680] {strides = array<i32>} : memref<2624xi32, #tpu.memory_space<vmem>>, vector<16xi32>,
      tpu.vector_store %arg10[%swap3A_1680], %add3A_1679 {strides = array<i32>} : memref<2624xi32, #tpu.memory_space<vmem>>, vector<16xi32>,
      %get3A_1682 = arith.constant 624 : index
      %get3A_1683 = tpu.vector_load %arg8[%get3A_1682] {strides = array<i32>} : memref<672xi32, #tpu.memory_space<vmem>>, vector<16xi32>,
      %add3A_1684 = vector.broadcast %mul3A_1291 : i32 to vector<16xi32>
      %add3A_1685 = arith.addi %get3A_1683, %add3A_1684 : vector<16xi32>
      %gather3A_1686 = tpu.vector_load_idx %arg7[%add3A_1685] : memref<3328xi32, #tpu.memory_space<vmem>>[vector<16xi32>], vector<16xi32>,
      %get3A_1687 = arith.constant 624 : index
      %get3A_1688 = tpu.vector_load %arg9[%get3A_1687] {strides = array<i32>} : memref<672xi32, #tpu.memory_space<vmem>>, vector<16xi32>,
      %add3A_1689 = arith.addi %gather3A_1686, %get3A_1688 : vector<16xi32>
      %swap3A_1690 = arith.constant 2581 : index
      %swap3A_1691 = tpu.vector_load %arg10[%swap3A_1690] {strides = array<i32>} : memref<2624xi32, #tpu.memory_space<vmem>>, vector<16xi32>,
      tpu.vector_store %arg10[%swap3A_1690], %add3A_1689 {strides = array<i32>} : memref<2624xi32, #tpu.memory_space<vmem>>, vector<16xi32>,
      %get3A_1692 = arith.constant 640 : index
      %get3A_1693 = tpu.vector_load %arg8[%get3A_1692] {strides = array<i32>} : memref<672xi32, #tpu.memory_space<vmem>>, vector<16xi32>,
      %add3A_1694 = vector.broadcast %mul3A_1291 : i32 to vector<16xi32>
      %add3A_1695 = arith.addi %get3A_1693, %add3A_1694 : vector<16xi32>
      %gather3A_1696 = tpu.vector_load_idx %arg7[%add3A_1695] : memref<3328xi32, #tpu.memory_space<vmem>>[vector<16xi32>], vector<16xi32>,
      %get3A_1697 = arith.constant 640 : index
      %get3A_1698 = tpu.vector_load %arg9[%get3A_1697] {strides = array<i32>} : memref<672xi32, #tpu.memory_space<vmem>>, vector<16xi32>,
      %add3A_1699 = arith.addi %gather3A_1696, %get3A_1698 : vector<16xi32>
      %swap3A_1700 = arith.constant 2597 : index
      %swap3A_1701 = tpu.vector_load %arg10[%swap3A_1700] {strides = array<i32>} : memref<2624xi32, #tpu.memory_space<vmem>>, vector<16xi32>,
      tpu.vector_store %arg10[%swap3A_1700], %add3A_1699 {strides = array<i32>} : memref<2624xi32, #tpu.memory_space<vmem>>, vector<16xi32>,
      %get3A_1702 = arith.constant 656 : index
      %get3A_1703 = tpu.vector_load %arg8[%get3A_1702] {strides = array<i32>} : memref<672xi32, #tpu.memory_space<vmem>>, vector<16xi32>,
      %add3A_1704 = vector.broadcast %mul3A_1291 : i32 to vector<16xi32>
      %add3A_1705 = arith.addi %get3A_1703, %add3A_1704 : vector<16xi32>
      %gather3A_1706 = tpu.vector_load_idx %arg7[%add3A_1705] : memref<3328xi32, #tpu.memory_space<vmem>>[vector<16xi32>], vector<16xi32>,
      %get3A_1707 = arith.constant 656 : index
      %get3A_1708 = tpu.vector_load %arg9[%get3A_1707] {strides = array<i32>} : memref<672xi32, #tpu.memory_space<vmem>>, vector<16xi32>,
      %add3A_1709 = arith.addi %gather3A_1706, %get3A_1708 : vector<16xi32>
      %swap3A_1710 = arith.constant 2602 : index
      %swap3A_1711 = tpu.vector_load %arg10[%swap3A_1710] {strides = array<i32>} : memref<2624xi32, #tpu.memory_space<vmem>>, vector<16xi32>,
      tpu.vector_store %arg10[%swap3A_1710], %add3A_1709 {strides = array<i32>} : memref<2624xi32, #tpu.memory_space<vmem>>, vector<16xi32>,
      %dma_start3A = arith.constant 0 : i32
      %dma_start3A_1712 = arith.constant 0 : i32
      %dma_start3A_1713 = tpu.memref_slice %arg11[%dma_start3A, %dma_start3A_1712] : memref<2624x16xf32, #tpu.memory_space<vmem>> -> memref<128x16xf32, #tpu.memory_space<vmem>>
      %dma_start3A_1714 = arith.constant 0 : i32
      %dma_start3A_1715 = tpu.memref_slice %arg10[%dma_start3A_1714] : memref<2624xi32, #tpu.memory_space<vmem>> -> memref<128xi32, #tpu.memory_space<vmem>>
      %dma_start3A_1716 = arith.constant 0 : i32
      %dma_start3A_1717 = arith.constant 0 : i32
      %dma_start3A_1718 = tpu.memref_slice %arg5[%dma_start3A_1716, %dma_start3A_1717] : memref<2704000x16xf32, #tpu.memory_space<hbm>> -> memref<2704000x16xf32, #tpu.memory_space<hbm>>
      tpu.enqueue_indirect_dma source(%dma_start3A_1718 : memref<2704000x16xf32, #tpu.memory_space<hbm>>) target(%dma_start3A_1713 : memref<128x16xf32, #tpu.memory_space<vmem>>) offsets(%dma_start3A_1715 : memref<128xi32, #tpu.memory_space<vmem>>) semaphore(%arg13 : memref<!tpu.dma_semaphore, #tpu.memory_space<semaphore_mem>>)
      %dma_start3A_1719 = arith.constant 128 : i32
      %dma_start3A_1720 = arith.constant 0 : i32
      %dma_start3A_1721 = tpu.memref_slice %arg11[%dma_start3A_1719, %dma_start3A_1720] : memref<2624x16xf32, #tpu.memory_space<vmem>> -> memref<128x16xf32, #tpu.memory_space<vmem>>
      %dma_start3A_1722 = arith.constant 128 : i32
      %dma_start3A_1723 = tpu.memref_slice %arg10[%dma_start3A_1722] : memref<2624xi32, #tpu.memory_space<vmem>> -> memref<128xi32, #tpu.memory_space<vmem>>
      %dma_start3A_1724 = arith.constant 0 : i32
      %dma_start3A_1725 = arith.constant 0 : i32
      %dma_start3A_1726 = tpu.memref_slice %arg5[%dma_start3A_1724, %dma_start3A_1725] : memref<2704000x16xf32, #tpu.memory_space<hbm>> -> memref<2704000x16xf32, #tpu.memory_space<hbm>>
      tpu.enqueue_indirect_dma source(%dma_start3A_1726 : memref<2704000x16xf32, #tpu.memory_space<hbm>>) target(%dma_start3A_1721 : memref<128x16xf32, #tpu.memory_space<vmem>>) offsets(%dma_start3A_1723 : memref<128xi32, #tpu.memory_space<vmem>>) semaphore(%arg13 : memref<!tpu.dma_semaphore, #tpu.memory_space<semaphore_mem>>)
      %dma_start3A_1727 = arith.constant 256 : i32
      %dma_start3A_1728 = arith.constant 0 : i32
      %dma_start3A_1729 = tpu.memref_slice %arg11[%dma_start3A_1727, %dma_start3A_1728] : memref<2624x16xf32, #tpu.memory_space<vmem>> -> memref<128x16xf32, #tpu.memory_space<vmem>>
      %dma_start3A_1730 = arith.constant 256 : i32
      %dma_start3A_1731 = tpu.memref_slice %arg10[%dma_start3A_1730] : memref<2624xi32, #tpu.memory_space<vmem>> -> memref<128xi32, #tpu.memory_space<vmem>>
      %dma_start3A_1732 = arith.constant 0 : i32
      %dma_start3A_1733 = arith.constant 0 : i32
      %dma_start3A_1734 = tpu.memref_slice %arg5[%dma_start3A_1732, %dma_start3A_1733] : memref<2704000x16xf32, #tpu.memory_space<hbm>> -> memref<2704000x16xf32, #tpu.memory_space<hbm>>
      tpu.enqueue_indirect_dma source(%dma_start3A_1734 : memref<2704000x16xf32, #tpu.memory_space<hbm>>) target(%dma_start3A_1729 : memref<128x16xf32, #tpu.memory_space<vmem>>) offsets(%dma_start3A_1731 : memref<128xi32, #tpu.memory_space<vmem>>) semaphore(%arg13 : memref<!tpu.dma_semaphore, #tpu.memory_space<semaphore_mem>>)
      %dma_start3A_1735 = arith.constant 384 : i32
      %dma_start3A_1736 = arith.constant 0 : i32
      %dma_start3A_1737 = tpu.memref_slice %arg11[%dma_start3A_1735, %dma_start3A_1736] : memref<2624x16xf32, #tpu.memory_space<vmem>> -> memref<128x16xf32, #tpu.memory_space<vmem>>
      %dma_start3A_1738 = arith.constant 384 : i32
      %dma_start3A_1739 = tpu.memref_slice %arg10[%dma_start3A_1738] : memref<2624xi32, #tpu.memory_space<vmem>> -> memref<128xi32, #tpu.memory_space<vmem>>
      %dma_start3A_1740 = arith.constant 0 : i32
      %dma_start3A_1741 = arith.constant 0 : i32
      %dma_start3A_1742 = tpu.memref_slice %arg5[%dma_start3A_1740, %dma_start3A_1741] : memref<2704000x16xf32, #tpu.memory_space<hbm>> -> memref<2704000x16xf32, #tpu.memory_space<hbm>>
      tpu.enqueue_indirect_dma source(%dma_start3A_1742 : memref<2704000x16xf32, #tpu.memory_space<hbm>>) target(%dma_start3A_1737 : memref<128x16xf32, #tpu.memory_space<vmem>>) offsets(%dma_start3A_1739 : memref<128xi32, #tpu.memory_space<vmem>>) semaphore(%arg13 : memref<!tpu.dma_semaphore, #tpu.memory_space<semaphore_mem>>)
      %dma_start3A_1743 = arith.constant 512 : i32
      %dma_start3A_1744 = arith.constant 0 : i32
      %dma_start3A_1745 = tpu.memref_slice %arg11[%dma_start3A_1743, %dma_start3A_1744] : memref<2624x16xf32, #tpu.memory_space<vmem>> -> memref<128x16xf32, #tpu.memory_space<vmem>>
      %dma_start3A_1746 = arith.constant 512 : i32
      %dma_start3A_1747 = tpu.memref_slice %arg10[%dma_start3A_1746] : memref<2624xi32, #tpu.memory_space<vmem>> -> memref<128xi32, #tpu.memory_space<vmem>>
      %dma_start3A_1748 = arith.constant 0 : i32
      %dma_start3A_1749 = arith.constant 0 : i32
      %dma_start3A_1750 = tpu.memref_slice %arg5[%dma_start3A_1748, %dma_start3A_1749] : memref<2704000x16xf32, #tpu.memory_space<hbm>> -> memref<2704000x16xf32, #tpu.memory_space<hbm>>
      tpu.enqueue_indirect_dma source(%dma_start3A_1750 : memref<2704000x16xf32, #tpu.memory_space<hbm>>) target(%dma_start3A_1745 : memref<128x16xf32, #tpu.memory_space<vmem>>) offsets(%dma_start3A_1747 : memref<128xi32, #tpu.memory_space<vmem>>) semaphore(%arg13 : memref<!tpu.dma_semaphore, #tpu.memory_space<semaphore_mem>>)
      %dma_start3A_1751 = arith.constant 640 : i32
      %dma_start3A_1752 = arith.constant 0 : i32
      %dma_start3A_1753 = tpu.memref_slice %arg11[%dma_start3A_1751, %dma_start3A_1752] : memref<2624x16xf32, #tpu.memory_space<vmem>> -> memref<10x16xf32, #tpu.memory_space<vmem>>
      %dma_start3A_1754 = arith.constant 640 : i32
      %dma_start3A_1755 = tpu.memref_slice %arg10[%dma_start3A_1754] : memref<2624xi32, #tpu.memory_space<vmem>> -> memref<10xi32, #tpu.memory_space<vmem>>
      %dma_start3A_1756 = arith.constant 0 : i32
      %dma_start3A_1757 = arith.constant 0 : i32
      %dma_start3A_1758 = tpu.memref_slice %arg5[%dma_start3A_1756, %dma_start3A_1757] : memref<2704000x16xf32, #tpu.memory_space<hbm>> -> memref<2704000x16xf32, #tpu.memory_space<hbm>>
      tpu.enqueue_indirect_dma source(%dma_start3A_1758 : memref<2704000x16xf32, #tpu.memory_space<hbm>>) target(%dma_start3A_1753 : memref<10x16xf32, #tpu.memory_space<vmem>>) offsets(%dma_start3A_1755 : memref<10xi32, #tpu.memory_space<vmem>>) semaphore(%arg13 : memref<!tpu.dma_semaphore, #tpu.memory_space<semaphore_mem>>)
      %dma_start3A_1759 = arith.constant 656 : i32
      %dma_start3A_1760 = arith.constant 0 : i32
      %dma_start3A_1761 = tpu.memref_slice %arg11[%dma_start3A_1759, %dma_start3A_1760] : memref<2624x16xf32, #tpu.memory_space<vmem>> -> memref<128x16xf32, #tpu.memory_space<vmem>>
      %dma_start3A_1762 = arith.constant 656 : i32
      %dma_start3A_1763 = tpu.memref_slice %arg10[%dma_start3A_1762] : memref<2624xi32, #tpu.memory_space<vmem>> -> memref<128xi32, #tpu.memory_space<vmem>>
      %dma_start3A_1764 = arith.constant 0 : i32
      %dma_start3A_1765 = arith.constant 0 : i32
      %dma_start3A_1766 = tpu.memref_slice %arg5[%dma_start3A_1764, %dma_start3A_1765] : memref<2704000x16xf32, #tpu.memory_space<hbm>> -> memref<2704000x16xf32, #tpu.memory_space<hbm>>
      tpu.enqueue_indirect_dma source(%dma_start3A_1766 : memref<2704000x16xf32, #tpu.memory_space<hbm>>) target(%dma_start3A_1761 : memref<128x16xf32, #tpu.memory_space<vmem>>) offsets(%dma_start3A_1763 : memref<128xi32, #tpu.memory_space<vmem>>) semaphore(%arg14 : memref<!tpu.dma_semaphore, #tpu.memory_space<semaphore_mem>>)
      %dma_start3A_1767 = arith.constant 784 : i32
      %dma_start3A_1768 = arith.constant 0 : i32
      %dma_start3A_1769 = tpu.memref_slice %arg11[%dma_start3A_1767, %dma_start3A_1768] : memref<2624x16xf32, #tpu.memory_space<vmem>> -> memref<128x16xf32, #tpu.memory_space<vmem>>
      %dma_start3A_1770 = arith.constant 784 : i32
      %dma_start3A_1771 = tpu.memref_slice %arg10[%dma_start3A_1770] : memref<2624xi32, #tpu.memory_space<vmem>> -> memref<128xi32, #tpu.memory_space<vmem>>
      %dma_start3A_1772 = arith.constant 0 : i32
      %dma_start3A_1773 = arith.constant 0 : i32
      %dma_start3A_1774 = tpu.memref_slice %arg5[%dma_start3A_1772, %dma_start3A_1773] : memref<2704000x16xf32, #tpu.memory_space<hbm>> -> memref<2704000x16xf32, #tpu.memory_space<hbm>>
      tpu.enqueue_indirect_dma source(%dma_start3A_1774 : memref<2704000x16xf32, #tpu.memory_space<hbm>>) target(%dma_start3A_1769 : memref<128x16xf32, #tpu.memory_space<vmem>>) offsets(%dma_start3A_1771 : memref<128xi32, #tpu.memory_space<vmem>>) semaphore(%arg14 : memref<!tpu.dma_semaphore, #tpu.memory_space<semaphore_mem>>)
      %dma_start3A_1775 = arith.constant 912 : i32
      %dma_start3A_1776 = arith.constant 0 : i32
      %dma_start3A_1777 = tpu.memref_slice %arg11[%dma_start3A_1775, %dma_start3A_1776] : memref<2624x16xf32, #tpu.memory_space<vmem>> -> memref<128x16xf32, #tpu.memory_space<vmem>>
      %dma_start3A_1778 = arith.constant 912 : i32
      %dma_start3A_1779 = tpu.memref_slice %arg10[%dma_start3A_1778] : memref<2624xi32, #tpu.memory_space<vmem>> -> memref<128xi32, #tpu.memory_space<vmem>>
      %dma_start3A_1780 = arith.constant 0 : i32
      %dma_start3A_1781 = arith.constant 0 : i32
      %dma_start3A_1782 = tpu.memref_slice %arg5[%dma_start3A_1780, %dma_start3A_1781] : memref<2704000x16xf32, #tpu.memory_space<hbm>> -> memref<2704000x16xf32, #tpu.memory_space<hbm>>
      tpu.enqueue_indirect_dma source(%dma_start3A_1782 : memref<2704000x16xf32, #tpu.memory_space<hbm>>) target(%dma_start3A_1777 : memref<128x16xf32, #tpu.memory_space<vmem>>) offsets(%dma_start3A_1779 : memref<128xi32, #tpu.memory_space<vmem>>) semaphore(%arg14 : memref<!tpu.dma_semaphore, #tpu.memory_space<semaphore_mem>>)
      %dma_start3A_1783 = arith.constant 1040 : i32
      %dma_start3A_1784 = arith.constant 0 : i32
      %dma_start3A_1785 = tpu.memref_slice %arg11[%dma_start3A_1783, %dma_start3A_1784] : memref<2624x16xf32, #tpu.memory_space<vmem>> -> memref<128x16xf32, #tpu.memory_space<vmem>>
      %dma_start3A_1786 = arith.constant 1040 : i32
      %dma_start3A_1787 = tpu.memref_slice %arg10[%dma_start3A_1786] : memref<2624xi32, #tpu.memory_space<vmem>> -> memref<128xi32, #tpu.memory_space<vmem>>
      %dma_start3A_1788 = arith.constant 0 : i32
      %dma_start3A_1789 = arith.constant 0 : i32
      %dma_start3A_1790 = tpu.memref_slice %arg5[%dma_start3A_1788, %dma_start3A_1789] : memref<2704000x16xf32, #tpu.memory_space<hbm>> -> memref<2704000x16xf32, #tpu.memory_space<hbm>>
      tpu.enqueue_indirect_dma source(%dma_start3A_1790 : memref<2704000x16xf32, #tpu.memory_space<hbm>>) target(%dma_start3A_1785 : memref<128x16xf32, #tpu.memory_space<vmem>>) offsets(%dma_start3A_1787 : memref<128xi32, #tpu.memory_space<vmem>>) semaphore(%arg14 : memref<!tpu.dma_semaphore, #tpu.memory_space<semaphore_mem>>)
      %dma_start3A_1791 = arith.constant 1168 : i32
      %dma_start3A_1792 = arith.constant 0 : i32
      %dma_start3A_1793 = tpu.memref_slice %arg11[%dma_start3A_1791, %dma_start3A_1792] : memref<2624x16xf32, #tpu.memory_space<vmem>> -> memref<128x16xf32, #tpu.memory_space<vmem>>
      %dma_start3A_1794 = arith.constant 1168 : i32
      %dma_start3A_1795 = tpu.memref_slice %arg10[%dma_start3A_1794] : memref<2624xi32, #tpu.memory_space<vmem>> -> memref<128xi32, #tpu.memory_space<vmem>>
      %dma_start3A_1796 = arith.constant 0 : i32
      %dma_start3A_1797 = arith.constant 0 : i32
      %dma_start3A_1798 = tpu.memref_slice %arg5[%dma_start3A_1796, %dma_start3A_1797] : memref<2704000x16xf32, #tpu.memory_space<hbm>> -> memref<2704000x16xf32, #tpu.memory_space<hbm>>
      tpu.enqueue_indirect_dma source(%dma_start3A_1798 : memref<2704000x16xf32, #tpu.memory_space<hbm>>) target(%dma_start3A_1793 : memref<128x16xf32, #tpu.memory_space<vmem>>) offsets(%dma_start3A_1795 : memref<128xi32, #tpu.memory_space<vmem>>) semaphore(%arg14 : memref<!tpu.dma_semaphore, #tpu.memory_space<semaphore_mem>>)
      %dma_start3A_1799 = arith.constant 1296 : i32
      %dma_start3A_1800 = arith.constant 0 : i32
      %dma_start3A_1801 = tpu.memref_slice %arg11[%dma_start3A_1799, %dma_start3A_1800] : memref<2624x16xf32, #tpu.memory_space<vmem>> -> memref<10x16xf32, #tpu.memory_space<vmem>>
      %dma_start3A_1802 = arith.constant 1296 : i32
      %dma_start3A_1803 = tpu.memref_slice %arg10[%dma_start3A_1802] : memref<2624xi32, #tpu.memory_space<vmem>> -> memref<10xi32, #tpu.memory_space<vmem>>
      %dma_start3A_1804 = arith.constant 0 : i32
      %dma_start3A_1805 = arith.constant 0 : i32
      %dma_start3A_1806 = tpu.memref_slice %arg5[%dma_start3A_1804, %dma_start3A_1805] : memref<2704000x16xf32, #tpu.memory_space<hbm>> -> memref<2704000x16xf32, #tpu.memory_space<hbm>>
      tpu.enqueue_indirect_dma source(%dma_start3A_1806 : memref<2704000x16xf32, #tpu.memory_space<hbm>>) target(%dma_start3A_1801 : memref<10x16xf32, #tpu.memory_space<vmem>>) offsets(%dma_start3A_1803 : memref<10xi32, #tpu.memory_space<vmem>>) semaphore(%arg14 : memref<!tpu.dma_semaphore, #tpu.memory_space<semaphore_mem>>)
      %dma_start3A_1807 = arith.constant 1312 : i32
      %dma_start3A_1808 = arith.constant 0 : i32
      %dma_start3A_1809 = tpu.memref_slice %arg11[%dma_start3A_1807, %dma_start3A_1808] : memref<2624x16xf32, #tpu.memory_space<vmem>> -> memref<128x16xf32, #tpu.memory_space<vmem>>
      %dma_start3A_1810 = arith.constant 1312 : i32
      %dma_start3A_1811 = tpu.memref_slice %arg10[%dma_start3A_1810] : memref<2624xi32, #tpu.memory_space<vmem>> -> memref<128xi32, #tpu.memory_space<vmem>>
      %dma_start3A_1812 = arith.constant 0 : i32
      %dma_start3A_1813 = arith.constant 0 : i32
      %dma_start3A_1814 = tpu.memref_slice %arg5[%dma_start3A_1812, %dma_start3A_1813] : memref<2704000x16xf32, #tpu.memory_space<hbm>> -> memref<2704000x16xf32, #tpu.memory_space<hbm>>
      tpu.enqueue_indirect_dma source(%dma_start3A_1814 : memref<2704000x16xf32, #tpu.memory_space<hbm>>) target(%dma_start3A_1809 : memref<128x16xf32, #tpu.memory_space<vmem>>) offsets(%dma_start3A_1811 : memref<128xi32, #tpu.memory_space<vmem>>) semaphore(%arg15 : memref<!tpu.dma_semaphore, #tpu.memory_space<semaphore_mem>>)
      %dma_start3A_1815 = arith.constant 1440 : i32
      %dma_start3A_1816 = arith.constant 0 : i32
      %dma_start3A_1817 = tpu.memref_slice %arg11[%dma_start3A_1815, %dma_start3A_1816] : memref<2624x16xf32, #tpu.memory_space<vmem>> -> memref<128x16xf32, #tpu.memory_space<vmem>>
      %dma_start3A_1818 = arith.constant 1440 : i32
      %dma_start3A_1819 = tpu.memref_slice %arg10[%dma_start3A_1818] : memref<2624xi32, #tpu.memory_space<vmem>> -> memref<128xi32, #tpu.memory_space<vmem>>
      %dma_start3A_1820 = arith.constant 0 : i32
      %dma_start3A_1821 = arith.constant 0 : i32
      %dma_start3A_1822 = tpu.memref_slice %arg5[%dma_start3A_1820, %dma_start3A_1821] : memref<2704000x16xf32, #tpu.memory_space<hbm>> -> memref<2704000x16xf32, #tpu.memory_space<hbm>>
      tpu.enqueue_indirect_dma source(%dma_start3A_1822 : memref<2704000x16xf32, #tpu.memory_space<hbm>>) target(%dma_start3A_1817 : memref<128x16xf32, #tpu.memory_space<vmem>>) offsets(%dma_start3A_1819 : memref<128xi32, #tpu.memory_space<vmem>>) semaphore(%arg15 : memref<!tpu.dma_semaphore, #tpu.memory_space<semaphore_mem>>)
      %dma_start3A_1823 = arith.constant 1568 : i32
      %dma_start3A_1824 = arith.constant 0 : i32
      %dma_start3A_1825 = tpu.memref_slice %arg11[%dma_start3A_1823, %dma_start3A_1824] : memref<2624x16xf32, #tpu.memory_space<vmem>> -> memref<128x16xf32, #tpu.memory_space<vmem>>
      %dma_start3A_1826 = arith.constant 1568 : i32
      %dma_start3A_1827 = tpu.memref_slice %arg10[%dma_start3A_1826] : memref<2624xi32, #tpu.memory_space<vmem>> -> memref<128xi32, #tpu.memory_space<vmem>>
      %dma_start3A_1828 = arith.constant 0 : i32
      %dma_start3A_1829 = arith.constant 0 : i32
      %dma_start3A_1830 = tpu.memref_slice %arg5[%dma_start3A_1828, %dma_start3A_1829] : memref<2704000x16xf32, #tpu.memory_space<hbm>> -> memref<2704000x16xf32, #tpu.memory_space<hbm>>
      tpu.enqueue_indirect_dma source(%dma_start3A_1830 : memref<2704000x16xf32, #tpu.memory_space<hbm>>) target(%dma_start3A_1825 : memref<128x16xf32, #tpu.memory_space<vmem>>) offsets(%dma_start3A_1827 : memref<128xi32, #tpu.memory_space<vmem>>) semaphore(%arg15 : memref<!tpu.dma_semaphore, #tpu.memory_space<semaphore_mem>>)
      %dma_start3A_1831 = arith.constant 1696 : i32
      %dma_start3A_1832 = arith.constant 0 : i32
      %dma_start3A_1833 = tpu.memref_slice %arg11[%dma_start3A_1831, %dma_start3A_1832] : memref<2624x16xf32, #tpu.memory_space<vmem>> -> memref<128x16xf32, #tpu.memory_space<vmem>>
      %dma_start3A_1834 = arith.constant 1696 : i32
      %dma_start3A_1835 = tpu.memref_slice %arg10[%dma_start3A_1834] : memref<2624xi32, #tpu.memory_space<vmem>> -> memref<128xi32, #tpu.memory_space<vmem>>
      %dma_start3A_1836 = arith.constant 0 : i32
      %dma_start3A_1837 = arith.constant 0 : i32
      %dma_start3A_1838 = tpu.memref_slice %arg5[%dma_start3A_1836, %dma_start3A_1837] : memref<2704000x16xf32, #tpu.memory_space<hbm>> -> memref<2704000x16xf32, #tpu.memory_space<hbm>>
      tpu.enqueue_indirect_dma source(%dma_start3A_1838 : memref<2704000x16xf32, #tpu.memory_space<hbm>>) target(%dma_start3A_1833 : memref<128x16xf32, #tpu.memory_space<vmem>>) offsets(%dma_start3A_1835 : memref<128xi32, #tpu.memory_space<vmem>>) semaphore(%arg15 : memref<!tpu.dma_semaphore, #tpu.memory_space<semaphore_mem>>)
      %dma_start3A_1839 = arith.constant 1824 : i32
      %dma_start3A_1840 = arith.constant 0 : i32
      %dma_start3A_1841 = tpu.memref_slice %arg11[%dma_start3A_1839, %dma_start3A_1840] : memref<2624x16xf32, #tpu.memory_space<vmem>> -> memref<128x16xf32, #tpu.memory_space<vmem>>
      %dma_start3A_1842 = arith.constant 1824 : i32
      %dma_start3A_1843 = tpu.memref_slice %arg10[%dma_start3A_1842] : memref<2624xi32, #tpu.memory_space<vmem>> -> memref<128xi32, #tpu.memory_space<vmem>>
      %dma_start3A_1844 = arith.constant 0 : i32
      %dma_start3A_1845 = arith.constant 0 : i32
      %dma_start3A_1846 = tpu.memref_slice %arg5[%dma_start3A_1844, %dma_start3A_1845] : memref<2704000x16xf32, #tpu.memory_space<hbm>> -> memref<2704000x16xf32, #tpu.memory_space<hbm>>
      tpu.enqueue_indirect_dma source(%dma_start3A_1846 : memref<2704000x16xf32, #tpu.memory_space<hbm>>) target(%dma_start3A_1841 : memref<128x16xf32, #tpu.memory_space<vmem>>) offsets(%dma_start3A_1843 : memref<128xi32, #tpu.memory_space<vmem>>) semaphore(%arg15 : memref<!tpu.dma_semaphore, #tpu.memory_space<semaphore_mem>>)
      %dma_start3A_1847 = arith.constant 1952 : i32
      %dma_start3A_1848 = arith.constant 0 : i32
      %dma_start3A_1849 = tpu.memref_slice %arg11[%dma_start3A_1847, %dma_start3A_1848] : memref<2624x16xf32, #tpu.memory_space<vmem>> -> memref<10x16xf32, #tpu.memory_space<vmem>>
      %dma_start3A_1850 = arith.constant 1952 : i32
      %dma_start3A_1851 = tpu.memref_slice %arg10[%dma_start3A_1850] : memref<2624xi32, #tpu.memory_space<vmem>> -> memref<10xi32, #tpu.memory_space<vmem>>
      %dma_start3A_1852 = arith.constant 0 : i32
      %dma_start3A_1853 = arith.constant 0 : i32
      %dma_start3A_1854 = tpu.memref_slice %arg5[%dma_start3A_1852, %dma_start3A_1853] : memref<2704000x16xf32, #tpu.memory_space<hbm>> -> memref<2704000x16xf32, #tpu.memory_space<hbm>>
      tpu.enqueue_indirect_dma source(%dma_start3A_1854 : memref<2704000x16xf32, #tpu.memory_space<hbm>>) target(%dma_start3A_1849 : memref<10x16xf32, #tpu.memory_space<vmem>>) offsets(%dma_start3A_1851 : memref<10xi32, #tpu.memory_space<vmem>>) semaphore(%arg15 : memref<!tpu.dma_semaphore, #tpu.memory_space<semaphore_mem>>)
      %dma_start3A_1855 = arith.constant 1968 : i32
      %dma_start3A_1856 = arith.constant 0 : i32
      %dma_start3A_1857 = tpu.memref_slice %arg11[%dma_start3A_1855, %dma_start3A_1856] : memref<2624x16xf32, #tpu.memory_space<vmem>> -> memref<128x16xf32, #tpu.memory_space<vmem>>
      %dma_start3A_1858 = arith.constant 1968 : i32
      %dma_start3A_1859 = tpu.memref_slice %arg10[%dma_start3A_1858] : memref<2624xi32, #tpu.memory_space<vmem>> -> memref<128xi32, #tpu.memory_space<vmem>>
      %dma_start3A_1860 = arith.constant 0 : i32
      %dma_start3A_1861 = arith.constant 0 : i32
      %dma_start3A_1862 = tpu.memref_slice %arg5[%dma_start3A_1860, %dma_start3A_1861] : memref<2704000x16xf32, #tpu.memory_space<hbm>> -> memref<2704000x16xf32, #tpu.memory_space<hbm>>
      tpu.enqueue_indirect_dma source(%dma_start3A_1862 : memref<2704000x16xf32, #tpu.memory_space<hbm>>) target(%dma_start3A_1857 : memref<128x16xf32, #tpu.memory_space<vmem>>) offsets(%dma_start3A_1859 : memref<128xi32, #tpu.memory_space<vmem>>) semaphore(%arg16 : memref<!tpu.dma_semaphore, #tpu.memory_space<semaphore_mem>>)
      %dma_start3A_1863 = arith.constant 2096 : i32
      %dma_start3A_1864 = arith.constant 0 : i32
      %dma_start3A_1865 = tpu.memref_slice %arg11[%dma_start3A_1863, %dma_start3A_1864] : memref<2624x16xf32, #tpu.memory_space<vmem>> -> memref<128x16xf32, #tpu.memory_space<vmem>>
      %dma_start3A_1866 = arith.constant 2096 : i32
      %dma_start3A_1867 = tpu.memref_slice %arg10[%dma_start3A_1866] : memref<2624xi32, #tpu.memory_space<vmem>> -> memref<128xi32, #tpu.memory_space<vmem>>
      %dma_start3A_1868 = arith.constant 0 : i32
      %dma_start3A_1869 = arith.constant 0 : i32
      %dma_start3A_1870 = tpu.memref_slice %arg5[%dma_start3A_1868, %dma_start3A_1869] : memref<2704000x16xf32, #tpu.memory_space<hbm>> -> memref<2704000x16xf32, #tpu.memory_space<hbm>>
      tpu.enqueue_indirect_dma source(%dma_start3A_1870 : memref<2704000x16xf32, #tpu.memory_space<hbm>>) target(%dma_start3A_1865 : memref<128x16xf32, #tpu.memory_space<vmem>>) offsets(%dma_start3A_1867 : memref<128xi32, #tpu.memory_space<vmem>>) semaphore(%arg16 : memref<!tpu.dma_semaphore, #tpu.memory_space<semaphore_mem>>)
      %dma_start3A_1871 = arith.constant 2224 : i32
      %dma_start3A_1872 = arith.constant 0 : i32
      %dma_start3A_1873 = tpu.memref_slice %arg11[%dma_start3A_1871, %dma_start3A_1872] : memref<2624x16xf32, #tpu.memory_space<vmem>> -> memref<128x16xf32, #tpu.memory_space<vmem>>
      %dma_start3A_1874 = arith.constant 2224 : i32
      %dma_start3A_1875 = tpu.memref_slice %arg10[%dma_start3A_1874] : memref<2624xi32, #tpu.memory_space<vmem>> -> memref<128xi32, #tpu.memory_space<vmem>>
      %dma_start3A_1876 = arith.constant 0 : i32
      %dma_start3A_1877 = arith.constant 0 : i32
      %dma_start3A_1878 = tpu.memref_slice %arg5[%dma_start3A_1876, %dma_start3A_1877] : memref<2704000x16xf32, #tpu.memory_space<hbm>> -> memref<2704000x16xf32, #tpu.memory_space<hbm>>
      tpu.enqueue_indirect_dma source(%dma_start3A_1878 : memref<2704000x16xf32, #tpu.memory_space<hbm>>) target(%dma_start3A_1873 : memref<128x16xf32, #tpu.memory_space<vmem>>) offsets(%dma_start3A_1875 : memref<128xi32, #tpu.memory_space<vmem>>) semaphore(%arg16 : memref<!tpu.dma_semaphore, #tpu.memory_space<semaphore_mem>>)
      %dma_start3A_1879 = arith.constant 2352 : i32
      %dma_start3A_1880 = arith.constant 0 : i32
      %dma_start3A_1881 = tpu.memref_slice %arg11[%dma_start3A_1879, %dma_start3A_1880] : memref<2624x16xf32, #tpu.memory_space<vmem>> -> memref<128x16xf32, #tpu.memory_space<vmem>>
      %dma_start3A_1882 = arith.constant 2352 : i32
      %dma_start3A_1883 = tpu.memref_slice %arg10[%dma_start3A_1882] : memref<2624xi32, #tpu.memory_space<vmem>> -> memref<128xi32, #tpu.memory_space<vmem>>
      %dma_start3A_1884 = arith.constant 0 : i32
      %dma_start3A_1885 = arith.constant 0 : i32
      %dma_start3A_1886 = tpu.memref_slice %arg5[%dma_start3A_1884, %dma_start3A_1885] : memref<2704000x16xf32, #tpu.memory_space<hbm>> -> memref<2704000x16xf32, #tpu.memory_space<hbm>>
      tpu.enqueue_indirect_dma source(%dma_start3A_1886 : memref<2704000x16xf32, #tpu.memory_space<hbm>>) target(%dma_start3A_1881 : memref<128x16xf32, #tpu.memory_space<vmem>>) offsets(%dma_start3A_1883 : memref<128xi32, #tpu.memory_space<vmem>>) semaphore(%arg16 : memref<!tpu.dma_semaphore, #tpu.memory_space<semaphore_mem>>)
      %dma_start3A_1887 = arith.constant 2480 : i32
      %dma_start3A_1888 = arith.constant 0 : i32
      %dma_start3A_1889 = tpu.memref_slice %arg11[%dma_start3A_1887, %dma_start3A_1888] : memref<2624x16xf32, #tpu.memory_space<vmem>> -> memref<128x16xf32, #tpu.memory_space<vmem>>
      %dma_start3A_1890 = arith.constant 2480 : i32
      %dma_start3A_1891 = tpu.memref_slice %arg10[%dma_start3A_1890] : memref<2624xi32, #tpu.memory_space<vmem>> -> memref<128xi32, #tpu.memory_space<vmem>>
      %dma_start3A_1892 = arith.constant 0 : i32
      %dma_start3A_1893 = arith.constant 0 : i32
      %dma_start3A_1894 = tpu.memref_slice %arg5[%dma_start3A_1892, %dma_start3A_1893] : memref<2704000x16xf32, #tpu.memory_space<hbm>> -> memref<2704000x16xf32, #tpu.memory_space<hbm>>
      tpu.enqueue_indirect_dma source(%dma_start3A_1894 : memref<2704000x16xf32, #tpu.memory_space<hbm>>) target(%dma_start3A_1889 : memref<128x16xf32, #tpu.memory_space<vmem>>) offsets(%dma_start3A_1891 : memref<128xi32, #tpu.memory_space<vmem>>) semaphore(%arg16 : memref<!tpu.dma_semaphore, #tpu.memory_space<semaphore_mem>>)
      %dma_start3A_1895 = arith.constant 2608 : i32
      %dma_start3A_1896 = arith.constant 0 : i32
      %dma_start3A_1897 = tpu.memref_slice %arg11[%dma_start3A_1895, %dma_start3A_1896] : memref<2624x16xf32, #tpu.memory_space<vmem>> -> memref<10x16xf32, #tpu.memory_space<vmem>>
      %dma_start3A_1898 = arith.constant 2608 : i32
      %dma_start3A_1899 = tpu.memref_slice %arg10[%dma_start3A_1898] : memref<2624xi32, #tpu.memory_space<vmem>> -> memref<10xi32, #tpu.memory_space<vmem>>
      %dma_start3A_1900 = arith.constant 0 : i32
      %dma_start3A_1901 = arith.constant 0 : i32
      %dma_start3A_1902 = tpu.memref_slice %arg5[%dma_start3A_1900, %dma_start3A_1901] : memref<2704000x16xf32, #tpu.memory_space<hbm>> -> memref<2704000x16xf32, #tpu.memory_space<hbm>>
      tpu.enqueue_indirect_dma source(%dma_start3A_1902 : memref<2704000x16xf32, #tpu.memory_space<hbm>>) target(%dma_start3A_1897 : memref<10x16xf32, #tpu.memory_space<vmem>>) offsets(%dma_start3A_1899 : memref<10xi32, #tpu.memory_space<vmem>>) semaphore(%arg16 : memref<!tpu.dma_semaphore, #tpu.memory_space<semaphore_mem>>)
      %dma_wait3A = arith.constant 0 : i32
      %dma_wait3A_1903 = arith.constant 0 : i32
      %dma_wait3A_1904 = tpu.memref_slice %arg11[%dma_wait3A, %dma_wait3A_1903] : memref<2624x16xf32, #tpu.memory_space<vmem>> -> memref<128x16xf32, #tpu.memory_space<vmem>>
      %dma_wait3A_1905 = arith.constant 0 : i32
      %dma_wait3A_1906 = tpu.memref_slice %arg10[%dma_wait3A_1905] : memref<2624xi32, #tpu.memory_space<vmem>> -> memref<128xi32, #tpu.memory_space<vmem>>
      %dma_wait3A_1907 = arith.constant 0 : i32
      %dma_wait3A_1908 = arith.constant 0 : i32
      %dma_wait3A_1909 = tpu.memref_slice %arg5[%dma_wait3A_1907, %dma_wait3A_1908] : memref<2704000x16xf32, #tpu.memory_space<hbm>> -> memref<2704000x16xf32, #tpu.memory_space<hbm>>
      tpu.wait_indirect_dma semaphore(%arg13 : memref<!tpu.dma_semaphore, #tpu.memory_space<semaphore_mem>>) src(%dma_wait3A_1909 : memref<2704000x16xf32, #tpu.memory_space<hbm>>) dst(%dma_wait3A_1904 : memref<128x16xf32, #tpu.memory_space<vmem>>)
      %dma_wait3A_1910 = arith.constant 128 : i32
      %dma_wait3A_1911 = arith.constant 0 : i32
      %dma_wait3A_1912 = tpu.memref_slice %arg11[%dma_wait3A_1910, %dma_wait3A_1911] : memref<2624x16xf32, #tpu.memory_space<vmem>> -> memref<128x16xf32, #tpu.memory_space<vmem>>
      %dma_wait3A_1913 = arith.constant 128 : i32
      %dma_wait3A_1914 = tpu.memref_slice %arg10[%dma_wait3A_1913] : memref<2624xi32, #tpu.memory_space<vmem>> -> memref<128xi32, #tpu.memory_space<vmem>>
      %dma_wait3A_1915 = arith.constant 0 : i32
      %dma_wait3A_1916 = arith.constant 0 : i32
      %dma_wait3A_1917 = tpu.memref_slice %arg5[%dma_wait3A_1915, %dma_wait3A_1916] : memref<2704000x16xf32, #tpu.memory_space<hbm>> -> memref<2704000x16xf32, #tpu.memory_space<hbm>>
      tpu.wait_indirect_dma semaphore(%arg13 : memref<!tpu.dma_semaphore, #tpu.memory_space<semaphore_mem>>) src(%dma_wait3A_1917 : memref<2704000x16xf32, #tpu.memory_space<hbm>>) dst(%dma_wait3A_1912 : memref<128x16xf32, #tpu.memory_space<vmem>>)
      %dma_wait3A_1918 = arith.constant 256 : i32
      %dma_wait3A_1919 = arith.constant 0 : i32
      %dma_wait3A_1920 = tpu.memref_slice %arg11[%dma_wait3A_1918, %dma_wait3A_1919] : memref<2624x16xf32, #tpu.memory_space<vmem>> -> memref<128x16xf32, #tpu.memory_space<vmem>>
      %dma_wait3A_1921 = arith.constant 256 : i32
      %dma_wait3A_1922 = tpu.memref_slice %arg10[%dma_wait3A_1921] : memref<2624xi32, #tpu.memory_space<vmem>> -> memref<128xi32, #tpu.memory_space<vmem>>
      %dma_wait3A_1923 = arith.constant 0 : i32
      %dma_wait3A_1924 = arith.constant 0 : i32
      %dma_wait3A_1925 = tpu.memref_slice %arg5[%dma_wait3A_1923, %dma_wait3A_1924] : memref<2704000x16xf32, #tpu.memory_space<hbm>> -> memref<2704000x16xf32, #tpu.memory_space<hbm>>
      tpu.wait_indirect_dma semaphore(%arg13 : memref<!tpu.dma_semaphore, #tpu.memory_space<semaphore_mem>>) src(%dma_wait3A_1925 : memref<2704000x16xf32, #tpu.memory_space<hbm>>) dst(%dma_wait3A_1920 : memref<128x16xf32, #tpu.memory_space<vmem>>)
      %dma_wait3A_1926 = arith.constant 384 : i32
      %dma_wait3A_1927 = arith.constant 0 : i32
      %dma_wait3A_1928 = tpu.memref_slice %arg11[%dma_wait3A_1926, %dma_wait3A_1927] : memref<2624x16xf32, #tpu.memory_space<vmem>> -> memref<128x16xf32, #tpu.memory_space<vmem>>
      %dma_wait3A_1929 = arith.constant 384 : i32
      %dma_wait3A_1930 = tpu.memref_slice %arg10[%dma_wait3A_1929] : memref<2624xi32, #tpu.memory_space<vmem>> -> memref<128xi32, #tpu.memory_space<vmem>>
      %dma_wait3A_1931 = arith.constant 0 : i32
      %dma_wait3A_1932 = arith.constant 0 : i32
      %dma_wait3A_1933 = tpu.memref_slice %arg5[%dma_wait3A_1931, %dma_wait3A_1932] : memref<2704000x16xf32, #tpu.memory_space<hbm>> -> memref<2704000x16xf32, #tpu.memory_space<hbm>>
      tpu.wait_indirect_dma semaphore(%arg13 : memref<!tpu.dma_semaphore, #tpu.memory_space<semaphore_mem>>) src(%dma_wait3A_1933 : memref<2704000x16xf32, #tpu.memory_space<hbm>>) dst(%dma_wait3A_1928 : memref<128x16xf32, #tpu.memory_space<vmem>>)
      %dma_wait3A_1934 = arith.constant 512 : i32
      %dma_wait3A_1935 = arith.constant 0 : i32
      %dma_wait3A_1936 = tpu.memref_slice %arg11[%dma_wait3A_1934, %dma_wait3A_1935] : memref<2624x16xf32, #tpu.memory_space<vmem>> -> memref<128x16xf32, #tpu.memory_space<vmem>>
      %dma_wait3A_1937 = arith.constant 512 : i32
      %dma_wait3A_1938 = tpu.memref_slice %arg10[%dma_wait3A_1937] : memref<2624xi32, #tpu.memory_space<vmem>> -> memref<128xi32, #tpu.memory_space<vmem>>
      %dma_wait3A_1939 = arith.constant 0 : i32
      %dma_wait3A_1940 = arith.constant 0 : i32
      %dma_wait3A_1941 = tpu.memref_slice %arg5[%dma_wait3A_1939, %dma_wait3A_1940] : memref<2704000x16xf32, #tpu.memory_space<hbm>> -> memref<2704000x16xf32, #tpu.memory_space<hbm>>
      tpu.wait_indirect_dma semaphore(%arg13 : memref<!tpu.dma_semaphore, #tpu.memory_space<semaphore_mem>>) src(%dma_wait3A_1941 : memref<2704000x16xf32, #tpu.memory_space<hbm>>) dst(%dma_wait3A_1936 : memref<128x16xf32, #tpu.memory_space<vmem>>)
      %dma_wait3A_1942 = arith.constant 640 : i32
      %dma_wait3A_1943 = arith.constant 0 : i32
      %dma_wait3A_1944 = tpu.memref_slice %arg11[%dma_wait3A_1942, %dma_wait3A_1943] : memref<2624x16xf32, #tpu.memory_space<vmem>> -> memref<10x16xf32, #tpu.memory_space<vmem>>
      %dma_wait3A_1945 = arith.constant 640 : i32
      %dma_wait3A_1946 = tpu.memref_slice %arg10[%dma_wait3A_1945] : memref<2624xi32, #tpu.memory_space<vmem>> -> memref<10xi32, #tpu.memory_space<vmem>>
      %dma_wait3A_1947 = arith.constant 0 : i32
      %dma_wait3A_1948 = arith.constant 0 : i32
      %dma_wait3A_1949 = tpu.memref_slice %arg5[%dma_wait3A_1947, %dma_wait3A_1948] : memref<2704000x16xf32, #tpu.memory_space<hbm>> -> memref<2704000x16xf32, #tpu.memory_space<hbm>>
      tpu.wait_indirect_dma semaphore(%arg13 : memref<!tpu.dma_semaphore, #tpu.memory_space<semaphore_mem>>) src(%dma_wait3A_1949 : memref<2704000x16xf32, #tpu.memory_space<hbm>>) dst(%dma_wait3A_1944 : memref<10x16xf32, #tpu.memory_space<vmem>>)
      %broadcast_in_dim3A = arith.constant 0 : i32
      %broadcast_in_dim3A_1950 = vector.broadcast %broadcast_in_dim3A : i32 to vector<16xi32>
      %scan3A_1951 = arith.constant 0 : i32
      %scan3A_1952 = arith.constant 0 : i32
      %scan3A_1953 = arith.constant 324 : i32
      %scan3A_1954 = arith.addi %scan3A_1952, %scan3A_1953 : i32
      %scan3A_1955 = arith.constant 4 : i32
      %scan3A_1956:2 = scf.for %scan3A_2196 = %scan3A_1952 to %scan3A_1954 step %scan3A_1955 iter_args(%scan3A_2197 = %broadcast_in_dim3A_1950, %scan3A_2198 = %scan3A_1951) -> (vector<16xi32>, i32)  : i32 {
        %gather3A_2199 = tpu.vector_load_idx %arg11[%scan3A_2197, %iota3A] : memref<2624x16xf32, #tpu.memory_space<vmem>>[vector<16xi32>, vector<16xi32>], vector<16xf32>,
        %add3A_2200 = arith.constant 325 : i32
        %add3A_2201 = vector.broadcast %add3A_2200 : i32 to vector<16xi32>
        %add3A_2202 = arith.addi %scan3A_2197, %add3A_2201 : vector<16xi32>
        %gather3A_2203 = tpu.vector_load_idx %arg11[%add3A_2202, %iota3A] : memref<2624x16xf32, #tpu.memory_space<vmem>>[vector<16xi32>, vector<16xi32>], vector<16xf32>,
        %mul3A_2204 = arith.mulf %gather3A_2199, %gather3A_2203 : vector<16xf32>
        %swap3A_2205 = arith.index_cast %scan3A_2198 : i32 to index
        %swap3A_2206 = tpu.vector_load %arg12[%swap3A_2205] {strides = array<i32>} : memref<20800xf32, #tpu.memory_space<vmem>>, vector<16xf32>,
        tpu.vector_store %arg12[%swap3A_2205], %mul3A_2204 {strides = array<i32>} : memref<20800xf32, #tpu.memory_space<vmem>>, vector<16xf32>,
        %add3A_2207 = arith.constant 1 : i32
        %add3A_2208 = vector.broadcast %add3A_2207 : i32 to vector<16xi32>
        %add3A_2209 = arith.addi %scan3A_2197, %add3A_2208 : vector<16xi32>
        %add3A_2210 = arith.constant 16 : i32
        %add3A_2211 = arith.addi %scan3A_2198, %add3A_2210 : i32
        %scan3A_2212 = arith.constant 1 : i32
        %scan3A_2213 = arith.addi %scan3A_2196, %scan3A_2212 : i32
        %gather3A_2214 = tpu.vector_load_idx %arg11[%add3A_2209, %iota3A] : memref<2624x16xf32, #tpu.memory_space<vmem>>[vector<16xi32>, vector<16xi32>], vector<16xf32>,
        %add3A_2215 = arith.constant 325 : i32
        %add3A_2216 = vector.broadcast %add3A_2215 : i32 to vector<16xi32>
        %add3A_2217 = arith.addi %add3A_2209, %add3A_2216 : vector<16xi32>
        %gather3A_2218 = tpu.vector_load_idx %arg11[%add3A_2217, %iota3A] : memref<2624x16xf32, #tpu.memory_space<vmem>>[vector<16xi32>, vector<16xi32>], vector<16xf32>,
        %mul3A_2219 = arith.mulf %gather3A_2214, %gather3A_2218 : vector<16xf32>
        %swap3A_2220 = arith.index_cast %add3A_2211 : i32 to index
        %swap3A_2221 = tpu.vector_load %arg12[%swap3A_2220] {strides = array<i32>} : memref<20800xf32, #tpu.memory_space<vmem>>, vector<16xf32>,
        tpu.vector_store %arg12[%swap3A_2220], %mul3A_2219 {strides = array<i32>} : memref<20800xf32, #tpu.memory_space<vmem>>, vector<16xf32>,
        %add3A_2222 = arith.constant 1 : i32
        %add3A_2223 = vector.broadcast %add3A_2222 : i32 to vector<16xi32>
        %add3A_2224 = arith.addi %add3A_2209, %add3A_2223 : vector<16xi32>
        %add3A_2225 = arith.constant 16 : i32
        %add3A_2226 = arith.addi %add3A_2211, %add3A_2225 : i32
        %scan3A_2227 = arith.constant 2 : i32
        %scan3A_2228 = arith.addi %scan3A_2196, %scan3A_2227 : i32
        %gather3A_2229 = tpu.vector_load_idx %arg11[%add3A_2224, %iota3A] : memref<2624x16xf32, #tpu.memory_space<vmem>>[vector<16xi32>, vector<16xi32>], vector<16xf32>,
        %add3A_2230 = arith.constant 325 : i32
        %add3A_2231 = vector.broadcast %add3A_2230 : i32 to vector<16xi32>
        %add3A_2232 = arith.addi %add3A_2224, %add3A_2231 : vector<16xi32>
        %gather3A_2233 = tpu.vector_load_idx %arg11[%add3A_2232, %iota3A] : memref<2624x16xf32, #tpu.memory_space<vmem>>[vector<16xi32>, vector<16xi32>], vector<16xf32>,
        %mul3A_2234 = arith.mulf %gather3A_2229, %gather3A_2233 : vector<16xf32>
        %swap3A_2235 = arith.index_cast %add3A_2226 : i32 to index
        %swap3A_2236 = tpu.vector_load %arg12[%swap3A_2235] {strides = array<i32>} : memref<20800xf32, #tpu.memory_space<vmem>>, vector<16xf32>,
        tpu.vector_store %arg12[%swap3A_2235], %mul3A_2234 {strides = array<i32>} : memref<20800xf32, #tpu.memory_space<vmem>>, vector<16xf32>,
        %add3A_2237 = arith.constant 1 : i32
        %add3A_2238 = vector.broadcast %add3A_2237 : i32 to vector<16xi32>
        %add3A_2239 = arith.addi %add3A_2224, %add3A_2238 : vector<16xi32>
        %add3A_2240 = arith.constant 16 : i32
        %add3A_2241 = arith.addi %add3A_2226, %add3A_2240 : i32
        %scan3A_2242 = arith.constant 3 : i32
        %scan3A_2243 = arith.addi %scan3A_2196, %scan3A_2242 : i32
        %gather3A_2244 = tpu.vector_load_idx %arg11[%add3A_2239, %iota3A] : memref<2624x16xf32, #tpu.memory_space<vmem>>[vector<16xi32>, vector<16xi32>], vector<16xf32>,
        %add3A_2245 = arith.constant 325 : i32
        %add3A_2246 = vector.broadcast %add3A_2245 : i32 to vector<16xi32>
        %add3A_2247 = arith.addi %add3A_2239, %add3A_2246 : vector<16xi32>
        %gather3A_2248 = tpu.vector_load_idx %arg11[%add3A_2247, %iota3A] : memref<2624x16xf32, #tpu.memory_space<vmem>>[vector<16xi32>, vector<16xi32>], vector<16xf32>,
        %mul3A_2249 = arith.mulf %gather3A_2244, %gather3A_2248 : vector<16xf32>
        %swap3A_2250 = arith.index_cast %add3A_2241 : i32 to index
        %swap3A_2251 = tpu.vector_load %arg12[%swap3A_2250] {strides = array<i32>} : memref<20800xf32, #tpu.memory_space<vmem>>, vector<16xf32>,
        tpu.vector_store %arg12[%swap3A_2250], %mul3A_2249 {strides = array<i32>} : memref<20800xf32, #tpu.memory_space<vmem>>, vector<16xf32>,
        %add3A_2252 = arith.constant 1 : i32
        %add3A_2253 = vector.broadcast %add3A_2252 : i32 to vector<16xi32>
        %add3A_2254 = arith.addi %add3A_2239, %add3A_2253 : vector<16xi32>
        %add3A_2255 = arith.constant 16 : i32
        %add3A_2256 = arith.addi %add3A_2241, %add3A_2255 : i32
        scf.yield %add3A_2254, %add3A_2256 : vector<16xi32>, i32
      }
      %scan3A_1957 = arith.constant 324 : i32
      %scan3A_1958 = arith.addi %scan3A_1952, %scan3A_1957 : i32
      %gather3A_1959 = tpu.vector_load_idx %arg11[%scan3A_1956#0, %iota3A] : memref<2624x16xf32, #tpu.memory_space<vmem>>[vector<16xi32>, vector<16xi32>], vector<16xf32>,
      %add3A_1960 = arith.constant 325 : i32
      %add3A_1961 = vector.broadcast %add3A_1960 : i32 to vector<16xi32>
      %add3A_1962 = arith.addi %scan3A_1956#0, %add3A_1961 : vector<16xi32>
      %gather3A_1963 = tpu.vector_load_idx %arg11[%add3A_1962, %iota3A] : memref<2624x16xf32, #tpu.memory_space<vmem>>[vector<16xi32>, vector<16xi32>], vector<16xf32>,
      %mul3A_1964 = arith.mulf %gather3A_1959, %gather3A_1963 : vector<16xf32>
      %swap3A_1965 = arith.index_cast %scan3A_1956#1 : i32 to index
      %swap3A_1966 = tpu.vector_load %arg12[%swap3A_1965] {strides = array<i32>} : memref<20800xf32, #tpu.memory_space<vmem>>, vector<16xf32>,
      tpu.vector_store %arg12[%swap3A_1965], %mul3A_1964 {strides = array<i32>} : memref<20800xf32, #tpu.memory_space<vmem>>, vector<16xf32>,
      %add3A_1967 = arith.constant 1 : i32
      %add3A_1968 = vector.broadcast %add3A_1967 : i32 to vector<16xi32>
      %add3A_1969 = arith.addi %scan3A_1956#0, %add3A_1968 : vector<16xi32>
      %add3A_1970 = arith.constant 16 : i32
      %add3A_1971 = arith.addi %scan3A_1956#1, %add3A_1970 : i32
      %scan3A_1972 = arith.constant 325 : i32
      %dma_wait3A_1973 = arith.constant 656 : i32
      %dma_wait3A_1974 = arith.constant 0 : i32
      %dma_wait3A_1975 = tpu.memref_slice %arg11[%dma_wait3A_1973, %dma_wait3A_1974] : memref<2624x16xf32, #tpu.memory_space<vmem>> -> memref<128x16xf32, #tpu.memory_space<vmem>>
      %dma_wait3A_1976 = arith.constant 656 : i32
      %dma_wait3A_1977 = tpu.memref_slice %arg10[%dma_wait3A_1976] : memref<2624xi32, #tpu.memory_space<vmem>> -> memref<128xi32, #tpu.memory_space<vmem>>
      %dma_wait3A_1978 = arith.constant 0 : i32
      %dma_wait3A_1979 = arith.constant 0 : i32
      %dma_wait3A_1980 = tpu.memref_slice %arg5[%dma_wait3A_1978, %dma_wait3A_1979] : memref<2704000x16xf32, #tpu.memory_space<hbm>> -> memref<2704000x16xf32, #tpu.memory_space<hbm>>
      tpu.wait_indirect_dma semaphore(%arg14 : memref<!tpu.dma_semaphore, #tpu.memory_space<semaphore_mem>>) src(%dma_wait3A_1980 : memref<2704000x16xf32, #tpu.memory_space<hbm>>) dst(%dma_wait3A_1975 : memref<128x16xf32, #tpu.memory_space<vmem>>)
      %dma_wait3A_1981 = arith.constant 784 : i32
      %dma_wait3A_1982 = arith.constant 0 : i32
      %dma_wait3A_1983 = tpu.memref_slice %arg11[%dma_wait3A_1981, %dma_wait3A_1982] : memref<2624x16xf32, #tpu.memory_space<vmem>> -> memref<128x16xf32, #tpu.memory_space<vmem>>
      %dma_wait3A_1984 = arith.constant 784 : i32
      %dma_wait3A_1985 = tpu.memref_slice %arg10[%dma_wait3A_1984] : memref<2624xi32, #tpu.memory_space<vmem>> -> memref<128xi32, #tpu.memory_space<vmem>>
      %dma_wait3A_1986 = arith.constant 0 : i32
      %dma_wait3A_1987 = arith.constant 0 : i32
      %dma_wait3A_1988 = tpu.memref_slice %arg5[%dma_wait3A_1986, %dma_wait3A_1987] : memref<2704000x16xf32, #tpu.memory_space<hbm>> -> memref<2704000x16xf32, #tpu.memory_space<hbm>>
      tpu.wait_indirect_dma semaphore(%arg14 : memref<!tpu.dma_semaphore, #tpu.memory_space<semaphore_mem>>) src(%dma_wait3A_1988 : memref<2704000x16xf32, #tpu.memory_space<hbm>>) dst(%dma_wait3A_1983 : memref<128x16xf32, #tpu.memory_space<vmem>>)
      %dma_wait3A_1989 = arith.constant 912 : i32
      %dma_wait3A_1990 = arith.constant 0 : i32
      %dma_wait3A_1991 = tpu.memref_slice %arg11[%dma_wait3A_1989, %dma_wait3A_1990] : memref<2624x16xf32, #tpu.memory_space<vmem>> -> memref<128x16xf32, #tpu.memory_space<vmem>>
      %dma_wait3A_1992 = arith.constant 912 : i32
      %dma_wait3A_1993 = tpu.memref_slice %arg10[%dma_wait3A_1992] : memref<2624xi32, #tpu.memory_space<vmem>> -> memref<128xi32, #tpu.memory_space<vmem>>
      %dma_wait3A_1994 = arith.constant 0 : i32
      %dma_wait3A_1995 = arith.constant 0 : i32
      %dma_wait3A_1996 = tpu.memref_slice %arg5[%dma_wait3A_1994, %dma_wait3A_1995] : memref<2704000x16xf32, #tpu.memory_space<hbm>> -> memref<2704000x16xf32, #tpu.memory_space<hbm>>
      tpu.wait_indirect_dma semaphore(%arg14 : memref<!tpu.dma_semaphore, #tpu.memory_space<semaphore_mem>>) src(%dma_wait3A_1996 : memref<2704000x16xf32, #tpu.memory_space<hbm>>) dst(%dma_wait3A_1991 : memref<128x16xf32, #tpu.memory_space<vmem>>)
      %dma_wait3A_1997 = arith.constant 1040 : i32
      %dma_wait3A_1998 = arith.constant 0 : i32
      %dma_wait3A_1999 = tpu.memref_slice %arg11[%dma_wait3A_1997, %dma_wait3A_1998] : memref<2624x16xf32, #tpu.memory_space<vmem>> -> memref<128x16xf32, #tpu.memory_space<vmem>>
      %dma_wait3A_2000 = arith.constant 1040 : i32
      %dma_wait3A_2001 = tpu.memref_slice %arg10[%dma_wait3A_2000] : memref<2624xi32, #tpu.memory_space<vmem>> -> memref<128xi32, #tpu.memory_space<vmem>>
      %dma_wait3A_2002 = arith.constant 0 : i32
      %dma_wait3A_2003 = arith.constant 0 : i32
      %dma_wait3A_2004 = tpu.memref_slice %arg5[%dma_wait3A_2002, %dma_wait3A_2003] : memref<2704000x16xf32, #tpu.memory_space<hbm>> -> memref<2704000x16xf32, #tpu.memory_space<hbm>>
      tpu.wait_indirect_dma semaphore(%arg14 : memref<!tpu.dma_semaphore, #tpu.memory_space<semaphore_mem>>) src(%dma_wait3A_2004 : memref<2704000x16xf32, #tpu.memory_space<hbm>>) dst(%dma_wait3A_1999 : memref<128x16xf32, #tpu.memory_space<vmem>>)
      %dma_wait3A_2005 = arith.constant 1168 : i32
      %dma_wait3A_2006 = arith.constant 0 : i32
      %dma_wait3A_2007 = tpu.memref_slice %arg11[%dma_wait3A_2005, %dma_wait3A_2006] : memref<2624x16xf32, #tpu.memory_space<vmem>> -> memref<128x16xf32, #tpu.memory_space<vmem>>
      %dma_wait3A_2008 = arith.constant 1168 : i32
      %dma_wait3A_2009 = tpu.memref_slice %arg10[%dma_wait3A_2008] : memref<2624xi32, #tpu.memory_space<vmem>> -> memref<128xi32, #tpu.memory_space<vmem>>
      %dma_wait3A_2010 = arith.constant 0 : i32
      %dma_wait3A_2011 = arith.constant 0 : i32
      %dma_wait3A_2012 = tpu.memref_slice %arg5[%dma_wait3A_2010, %dma_wait3A_2011] : memref<2704000x16xf32, #tpu.memory_space<hbm>> -> memref<2704000x16xf32, #tpu.memory_space<hbm>>
      tpu.wait_indirect_dma semaphore(%arg14 : memref<!tpu.dma_semaphore, #tpu.memory_space<semaphore_mem>>) src(%dma_wait3A_2012 : memref<2704000x16xf32, #tpu.memory_space<hbm>>) dst(%dma_wait3A_2007 : memref<128x16xf32, #tpu.memory_space<vmem>>)
      %dma_wait3A_2013 = arith.constant 1296 : i32
      %dma_wait3A_2014 = arith.constant 0 : i32
      %dma_wait3A_2015 = tpu.memref_slice %arg11[%dma_wait3A_2013, %dma_wait3A_2014] : memref<2624x16xf32, #tpu.memory_space<vmem>> -> memref<10x16xf32, #tpu.memory_space<vmem>>
      %dma_wait3A_2016 = arith.constant 1296 : i32
      %dma_wait3A_2017 = tpu.memref_slice %arg10[%dma_wait3A_2016] : memref<2624xi32, #tpu.memory_space<vmem>> -> memref<10xi32, #tpu.memory_space<vmem>>
      %dma_wait3A_2018 = arith.constant 0 : i32
      %dma_wait3A_2019 = arith.constant 0 : i32
      %dma_wait3A_2020 = tpu.memref_slice %arg5[%dma_wait3A_2018, %dma_wait3A_2019] : memref<2704000x16xf32, #tpu.memory_space<hbm>> -> memref<2704000x16xf32, #tpu.memory_space<hbm>>
      tpu.wait_indirect_dma semaphore(%arg14 : memref<!tpu.dma_semaphore, #tpu.memory_space<semaphore_mem>>) src(%dma_wait3A_2020 : memref<2704000x16xf32, #tpu.memory_space<hbm>>) dst(%dma_wait3A_2015 : memref<10x16xf32, #tpu.memory_space<vmem>>)
      %broadcast_in_dim3A_2021 = arith.constant 656 : i32
      %broadcast_in_dim3A_2022 = vector.broadcast %broadcast_in_dim3A_2021 : i32 to vector<16xi32>
      %scan3A_2023 = arith.constant 5200 : i32
      %scan3A_2024 = arith.constant 0 : i32
      %scan3A_2025 = arith.constant 324 : i32
      %scan3A_2026 = arith.addi %scan3A_2024, %scan3A_2025 : i32
      %scan3A_2027 = arith.constant 4 : i32
      %scan3A_2028:2 = scf.for %scan3A_2196 = %scan3A_2024 to %scan3A_2026 step %scan3A_2027 iter_args(%scan3A_2197 = %broadcast_in_dim3A_2022, %scan3A_2198 = %scan3A_2023) -> (vector<16xi32>, i32)  : i32 {
        %gather3A_2199 = tpu.vector_load_idx %arg11[%scan3A_2197, %iota3A] : memref<2624x16xf32, #tpu.memory_space<vmem>>[vector<16xi32>, vector<16xi32>], vector<16xf32>,
        %add3A_2200 = arith.constant 325 : i32
        %add3A_2201 = vector.broadcast %add3A_2200 : i32 to vector<16xi32>
        %add3A_2202 = arith.addi %scan3A_2197, %add3A_2201 : vector<16xi32>
        %gather3A_2203 = tpu.vector_load_idx %arg11[%add3A_2202, %iota3A] : memref<2624x16xf32, #tpu.memory_space<vmem>>[vector<16xi32>, vector<16xi32>], vector<16xf32>,
        %mul3A_2204 = arith.mulf %gather3A_2199, %gather3A_2203 : vector<16xf32>
        %swap3A_2205 = arith.index_cast %scan3A_2198 : i32 to index
        %swap3A_2206 = tpu.vector_load %arg12[%swap3A_2205] {strides = array<i32>} : memref<20800xf32, #tpu.memory_space<vmem>>, vector<16xf32>,
        tpu.vector_store %arg12[%swap3A_2205], %mul3A_2204 {strides = array<i32>} : memref<20800xf32, #tpu.memory_space<vmem>>, vector<16xf32>,
        %add3A_2207 = arith.constant 1 : i32
        %add3A_2208 = vector.broadcast %add3A_2207 : i32 to vector<16xi32>
        %add3A_2209 = arith.addi %scan3A_2197, %add3A_2208 : vector<16xi32>
        %add3A_2210 = arith.constant 16 : i32
        %add3A_2211 = arith.addi %scan3A_2198, %add3A_2210 : i32
        %scan3A_2212 = arith.constant 1 : i32
        %scan3A_2213 = arith.addi %scan3A_2196, %scan3A_2212 : i32
        %gather3A_2214 = tpu.vector_load_idx %arg11[%add3A_2209, %iota3A] : memref<2624x16xf32, #tpu.memory_space<vmem>>[vector<16xi32>, vector<16xi32>], vector<16xf32>,
        %add3A_2215 = arith.constant 325 : i32
        %add3A_2216 = vector.broadcast %add3A_2215 : i32 to vector<16xi32>
        %add3A_2217 = arith.addi %add3A_2209, %add3A_2216 : vector<16xi32>
        %gather3A_2218 = tpu.vector_load_idx %arg11[%add3A_2217, %iota3A] : memref<2624x16xf32, #tpu.memory_space<vmem>>[vector<16xi32>, vector<16xi32>], vector<16xf32>,
        %mul3A_2219 = arith.mulf %gather3A_2214, %gather3A_2218 : vector<16xf32>
        %swap3A_2220 = arith.index_cast %add3A_2211 : i32 to index
        %swap3A_2221 = tpu.vector_load %arg12[%swap3A_2220] {strides = array<i32>} : memref<20800xf32, #tpu.memory_space<vmem>>, vector<16xf32>,
        tpu.vector_store %arg12[%swap3A_2220], %mul3A_2219 {strides = array<i32>} : memref<20800xf32, #tpu.memory_space<vmem>>, vector<16xf32>,
        %add3A_2222 = arith.constant 1 : i32
        %add3A_2223 = vector.broadcast %add3A_2222 : i32 to vector<16xi32>
        %add3A_2224 = arith.addi %add3A_2209, %add3A_2223 : vector<16xi32>
        %add3A_2225 = arith.constant 16 : i32
        %add3A_2226 = arith.addi %add3A_2211, %add3A_2225 : i32
        %scan3A_2227 = arith.constant 2 : i32
        %scan3A_2228 = arith.addi %scan3A_2196, %scan3A_2227 : i32
        %gather3A_2229 = tpu.vector_load_idx %arg11[%add3A_2224, %iota3A] : memref<2624x16xf32, #tpu.memory_space<vmem>>[vector<16xi32>, vector<16xi32>], vector<16xf32>,
        %add3A_2230 = arith.constant 325 : i32
        %add3A_2231 = vector.broadcast %add3A_2230 : i32 to vector<16xi32>
        %add3A_2232 = arith.addi %add3A_2224, %add3A_2231 : vector<16xi32>
        %gather3A_2233 = tpu.vector_load_idx %arg11[%add3A_2232, %iota3A] : memref<2624x16xf32, #tpu.memory_space<vmem>>[vector<16xi32>, vector<16xi32>], vector<16xf32>,
        %mul3A_2234 = arith.mulf %gather3A_2229, %gather3A_2233 : vector<16xf32>
        %swap3A_2235 = arith.index_cast %add3A_2226 : i32 to index
        %swap3A_2236 = tpu.vector_load %arg12[%swap3A_2235] {strides = array<i32>} : memref<20800xf32, #tpu.memory_space<vmem>>, vector<16xf32>,
        tpu.vector_store %arg12[%swap3A_2235], %mul3A_2234 {strides = array<i32>} : memref<20800xf32, #tpu.memory_space<vmem>>, vector<16xf32>,
        %add3A_2237 = arith.constant 1 : i32
        %add3A_2238 = vector.broadcast %add3A_2237 : i32 to vector<16xi32>
        %add3A_2239 = arith.addi %add3A_2224, %add3A_2238 : vector<16xi32>
        %add3A_2240 = arith.constant 16 : i32
        %add3A_2241 = arith.addi %add3A_2226, %add3A_2240 : i32
        %scan3A_2242 = arith.constant 3 : i32
        %scan3A_2243 = arith.addi %scan3A_2196, %scan3A_2242 : i32
        %gather3A_2244 = tpu.vector_load_idx %arg11[%add3A_2239, %iota3A] : memref<2624x16xf32, #tpu.memory_space<vmem>>[vector<16xi32>, vector<16xi32>], vector<16xf32>,
        %add3A_2245 = arith.constant 325 : i32
        %add3A_2246 = vector.broadcast %add3A_2245 : i32 to vector<16xi32>
        %add3A_2247 = arith.addi %add3A_2239, %add3A_2246 : vector<16xi32>
        %gather3A_2248 = tpu.vector_load_idx %arg11[%add3A_2247, %iota3A] : memref<2624x16xf32, #tpu.memory_space<vmem>>[vector<16xi32>, vector<16xi32>], vector<16xf32>,
        %mul3A_2249 = arith.mulf %gather3A_2244, %gather3A_2248 : vector<16xf32>
        %swap3A_2250 = arith.index_cast %add3A_2241 : i32 to index
        %swap3A_2251 = tpu.vector_load %arg12[%swap3A_2250] {strides = array<i32>} : memref<20800xf32, #tpu.memory_space<vmem>>, vector<16xf32>,
        tpu.vector_store %arg12[%swap3A_2250], %mul3A_2249 {strides = array<i32>} : memref<20800xf32, #tpu.memory_space<vmem>>, vector<16xf32>,
        %add3A_2252 = arith.constant 1 : i32
        %add3A_2253 = vector.broadcast %add3A_2252 : i32 to vector<16xi32>
        %add3A_2254 = arith.addi %add3A_2239, %add3A_2253 : vector<16xi32>
        %add3A_2255 = arith.constant 16 : i32
        %add3A_2256 = arith.addi %add3A_2241, %add3A_2255 : i32
        scf.yield %add3A_2254, %add3A_2256 : vector<16xi32>, i32
      }
      %scan3A_2029 = arith.constant 324 : i32
      %scan3A_2030 = arith.addi %scan3A_2024, %scan3A_2029 : i32
      %gather3A_2031 = tpu.vector_load_idx %arg11[%scan3A_2028#0, %iota3A] : memref<2624x16xf32, #tpu.memory_space<vmem>>[vector<16xi32>, vector<16xi32>], vector<16xf32>,
      %add3A_2032 = arith.constant 325 : i32
      %add3A_2033 = vector.broadcast %add3A_2032 : i32 to vector<16xi32>
      %add3A_2034 = arith.addi %scan3A_2028#0, %add3A_2033 : vector<16xi32>
      %gather3A_2035 = tpu.vector_load_idx %arg11[%add3A_2034, %iota3A] : memref<2624x16xf32, #tpu.memory_space<vmem>>[vector<16xi32>, vector<16xi32>], vector<16xf32>,
      %mul3A_2036 = arith.mulf %gather3A_2031, %gather3A_2035 : vector<16xf32>
      %swap3A_2037 = arith.index_cast %scan3A_2028#1 : i32 to index
      %swap3A_2038 = tpu.vector_load %arg12[%swap3A_2037] {strides = array<i32>} : memref<20800xf32, #tpu.memory_space<vmem>>, vector<16xf32>,
      tpu.vector_store %arg12[%swap3A_2037], %mul3A_2036 {strides = array<i32>} : memref<20800xf32, #tpu.memory_space<vmem>>, vector<16xf32>,
      %add3A_2039 = arith.constant 1 : i32
      %add3A_2040 = vector.broadcast %add3A_2039 : i32 to vector<16xi32>
      %add3A_2041 = arith.addi %scan3A_2028#0, %add3A_2040 : vector<16xi32>
      %add3A_2042 = arith.constant 16 : i32
      %add3A_2043 = arith.addi %scan3A_2028#1, %add3A_2042 : i32
      %scan3A_2044 = arith.constant 325 : i32
      %dma_wait3A_2045 = arith.constant 1312 : i32
      %dma_wait3A_2046 = arith.constant 0 : i32
      %dma_wait3A_2047 = tpu.memref_slice %arg11[%dma_wait3A_2045, %dma_wait3A_2046] : memref<2624x16xf32, #tpu.memory_space<vmem>> -> memref<128x16xf32, #tpu.memory_space<vmem>>
      %dma_wait3A_2048 = arith.constant 1312 : i32
      %dma_wait3A_2049 = tpu.memref_slice %arg10[%dma_wait3A_2048] : memref<2624xi32, #tpu.memory_space<vmem>> -> memref<128xi32, #tpu.memory_space<vmem>>
      %dma_wait3A_2050 = arith.constant 0 : i32
      %dma_wait3A_2051 = arith.constant 0 : i32
      %dma_wait3A_2052 = tpu.memref_slice %arg5[%dma_wait3A_2050, %dma_wait3A_2051] : memref<2704000x16xf32, #tpu.memory_space<hbm>> -> memref<2704000x16xf32, #tpu.memory_space<hbm>>
      tpu.wait_indirect_dma semaphore(%arg15 : memref<!tpu.dma_semaphore, #tpu.memory_space<semaphore_mem>>) src(%dma_wait3A_2052 : memref<2704000x16xf32, #tpu.memory_space<hbm>>) dst(%dma_wait3A_2047 : memref<128x16xf32, #tpu.memory_space<vmem>>)
      %dma_wait3A_2053 = arith.constant 1440 : i32
      %dma_wait3A_2054 = arith.constant 0 : i32
      %dma_wait3A_2055 = tpu.memref_slice %arg11[%dma_wait3A_2053, %dma_wait3A_2054] : memref<2624x16xf32, #tpu.memory_space<vmem>> -> memref<128x16xf32, #tpu.memory_space<vmem>>
      %dma_wait3A_2056 = arith.constant 1440 : i32
      %dma_wait3A_2057 = tpu.memref_slice %arg10[%dma_wait3A_2056] : memref<2624xi32, #tpu.memory_space<vmem>> -> memref<128xi32, #tpu.memory_space<vmem>>
      %dma_wait3A_2058 = arith.constant 0 : i32
      %dma_wait3A_2059 = arith.constant 0 : i32
      %dma_wait3A_2060 = tpu.memref_slice %arg5[%dma_wait3A_2058, %dma_wait3A_2059] : memref<2704000x16xf32, #tpu.memory_space<hbm>> -> memref<2704000x16xf32, #tpu.memory_space<hbm>>
      tpu.wait_indirect_dma semaphore(%arg15 : memref<!tpu.dma_semaphore, #tpu.memory_space<semaphore_mem>>) src(%dma_wait3A_2060 : memref<2704000x16xf32, #tpu.memory_space<hbm>>) dst(%dma_wait3A_2055 : memref<128x16xf32, #tpu.memory_space<vmem>>)
      %dma_wait3A_2061 = arith.constant 1568 : i32
      %dma_wait3A_2062 = arith.constant 0 : i32
      %dma_wait3A_2063 = tpu.memref_slice %arg11[%dma_wait3A_2061, %dma_wait3A_2062] : memref<2624x16xf32, #tpu.memory_space<vmem>> -> memref<128x16xf32, #tpu.memory_space<vmem>>
      %dma_wait3A_2064 = arith.constant 1568 : i32
      %dma_wait3A_2065 = tpu.memref_slice %arg10[%dma_wait3A_2064] : memref<2624xi32, #tpu.memory_space<vmem>> -> memref<128xi32, #tpu.memory_space<vmem>>
      %dma_wait3A_2066 = arith.constant 0 : i32
      %dma_wait3A_2067 = arith.constant 0 : i32
      %dma_wait3A_2068 = tpu.memref_slice %arg5[%dma_wait3A_2066, %dma_wait3A_2067] : memref<2704000x16xf32, #tpu.memory_space<hbm>> -> memref<2704000x16xf32, #tpu.memory_space<hbm>>
      tpu.wait_indirect_dma semaphore(%arg15 : memref<!tpu.dma_semaphore, #tpu.memory_space<semaphore_mem>>) src(%dma_wait3A_2068 : memref<2704000x16xf32, #tpu.memory_space<hbm>>) dst(%dma_wait3A_2063 : memref<128x16xf32, #tpu.memory_space<vmem>>)
      %dma_wait3A_2069 = arith.constant 1696 : i32
      %dma_wait3A_2070 = arith.constant 0 : i32
      %dma_wait3A_2071 = tpu.memref_slice %arg11[%dma_wait3A_2069, %dma_wait3A_2070] : memref<2624x16xf32, #tpu.memory_space<vmem>> -> memref<128x16xf32, #tpu.memory_space<vmem>>
      %dma_wait3A_2072 = arith.constant 1696 : i32
      %dma_wait3A_2073 = tpu.memref_slice %arg10[%dma_wait3A_2072] : memref<2624xi32, #tpu.memory_space<vmem>> -> memref<128xi32, #tpu.memory_space<vmem>>
      %dma_wait3A_2074 = arith.constant 0 : i32
      %dma_wait3A_2075 = arith.constant 0 : i32
      %dma_wait3A_2076 = tpu.memref_slice %arg5[%dma_wait3A_2074, %dma_wait3A_2075] : memref<2704000x16xf32, #tpu.memory_space<hbm>> -> memref<2704000x16xf32, #tpu.memory_space<hbm>>
      tpu.wait_indirect_dma semaphore(%arg15 : memref<!tpu.dma_semaphore, #tpu.memory_space<semaphore_mem>>) src(%dma_wait3A_2076 : memref<2704000x16xf32, #tpu.memory_space<hbm>>) dst(%dma_wait3A_2071 : memref<128x16xf32, #tpu.memory_space<vmem>>)
      %dma_wait3A_2077 = arith.constant 1824 : i32
      %dma_wait3A_2078 = arith.constant 0 : i32
      %dma_wait3A_2079 = tpu.memref_slice %arg11[%dma_wait3A_2077, %dma_wait3A_2078] : memref<2624x16xf32, #tpu.memory_space<vmem>> -> memref<128x16xf32, #tpu.memory_space<vmem>>
      %dma_wait3A_2080 = arith.constant 1824 : i32
      %dma_wait3A_2081 = tpu.memref_slice %arg10[%dma_wait3A_2080] : memref<2624xi32, #tpu.memory_space<vmem>> -> memref<128xi32, #tpu.memory_space<vmem>>
      %dma_wait3A_2082 = arith.constant 0 : i32
      %dma_wait3A_2083 = arith.constant 0 : i32
      %dma_wait3A_2084 = tpu.memref_slice %arg5[%dma_wait3A_2082, %dma_wait3A_2083] : memref<2704000x16xf32, #tpu.memory_space<hbm>> -> memref<2704000x16xf32, #tpu.memory_space<hbm>>
      tpu.wait_indirect_dma semaphore(%arg15 : memref<!tpu.dma_semaphore, #tpu.memory_space<semaphore_mem>>) src(%dma_wait3A_2084 : memref<2704000x16xf32, #tpu.memory_space<hbm>>) dst(%dma_wait3A_2079 : memref<128x16xf32, #tpu.memory_space<vmem>>)
      %dma_wait3A_2085 = arith.constant 1952 : i32
      %dma_wait3A_2086 = arith.constant 0 : i32
      %dma_wait3A_2087 = tpu.memref_slice %arg11[%dma_wait3A_2085, %dma_wait3A_2086] : memref<2624x16xf32, #tpu.memory_space<vmem>> -> memref<10x16xf32, #tpu.memory_space<vmem>>
      %dma_wait3A_2088 = arith.constant 1952 : i32
      %dma_wait3A_2089 = tpu.memref_slice %arg10[%dma_wait3A_2088] : memref<2624xi32, #tpu.memory_space<vmem>> -> memref<10xi32, #tpu.memory_space<vmem>>
      %dma_wait3A_2090 = arith.constant 0 : i32
      %dma_wait3A_2091 = arith.constant 0 : i32
      %dma_wait3A_2092 = tpu.memref_slice %arg5[%dma_wait3A_2090, %dma_wait3A_2091] : memref<2704000x16xf32, #tpu.memory_space<hbm>> -> memref<2704000x16xf32, #tpu.memory_space<hbm>>
      tpu.wait_indirect_dma semaphore(%arg15 : memref<!tpu.dma_semaphore, #tpu.memory_space<semaphore_mem>>) src(%dma_wait3A_2092 : memref<2704000x16xf32, #tpu.memory_space<hbm>>) dst(%dma_wait3A_2087 : memref<10x16xf32, #tpu.memory_space<vmem>>)
      %broadcast_in_dim3A_2093 = arith.constant 1312 : i32
      %broadcast_in_dim3A_2094 = vector.broadcast %broadcast_in_dim3A_2093 : i32 to vector<16xi32>
      %scan3A_2095 = arith.constant 10400 : i32
      %scan3A_2096 = arith.constant 0 : i32
      %scan3A_2097 = arith.constant 324 : i32
      %scan3A_2098 = arith.addi %scan3A_2096, %scan3A_2097 : i32
      %scan3A_2099 = arith.constant 4 : i32
      %scan3A_2100:2 = scf.for %scan3A_2196 = %scan3A_2096 to %scan3A_2098 step %scan3A_2099 iter_args(%scan3A_2197 = %broadcast_in_dim3A_2094, %scan3A_2198 = %scan3A_2095) -> (vector<16xi32>, i32)  : i32 {
        %gather3A_2199 = tpu.vector_load_idx %arg11[%scan3A_2197, %iota3A] : memref<2624x16xf32, #tpu.memory_space<vmem>>[vector<16xi32>, vector<16xi32>], vector<16xf32>,
        %add3A_2200 = arith.constant 325 : i32
        %add3A_2201 = vector.broadcast %add3A_2200 : i32 to vector<16xi32>
        %add3A_2202 = arith.addi %scan3A_2197, %add3A_2201 : vector<16xi32>
        %gather3A_2203 = tpu.vector_load_idx %arg11[%add3A_2202, %iota3A] : memref<2624x16xf32, #tpu.memory_space<vmem>>[vector<16xi32>, vector<16xi32>], vector<16xf32>,
        %mul3A_2204 = arith.mulf %gather3A_2199, %gather3A_2203 : vector<16xf32>
        %swap3A_2205 = arith.index_cast %scan3A_2198 : i32 to index
        %swap3A_2206 = tpu.vector_load %arg12[%swap3A_2205] {strides = array<i32>} : memref<20800xf32, #tpu.memory_space<vmem>>, vector<16xf32>,
        tpu.vector_store %arg12[%swap3A_2205], %mul3A_2204 {strides = array<i32>} : memref<20800xf32, #tpu.memory_space<vmem>>, vector<16xf32>,
        %add3A_2207 = arith.constant 1 : i32
        %add3A_2208 = vector.broadcast %add3A_2207 : i32 to vector<16xi32>
        %add3A_2209 = arith.addi %scan3A_2197, %add3A_2208 : vector<16xi32>
        %add3A_2210 = arith.constant 16 : i32
        %add3A_2211 = arith.addi %scan3A_2198, %add3A_2210 : i32
        %scan3A_2212 = arith.constant 1 : i32
        %scan3A_2213 = arith.addi %scan3A_2196, %scan3A_2212 : i32
        %gather3A_2214 = tpu.vector_load_idx %arg11[%add3A_2209, %iota3A] : memref<2624x16xf32, #tpu.memory_space<vmem>>[vector<16xi32>, vector<16xi32>], vector<16xf32>,
        %add3A_2215 = arith.constant 325 : i32
        %add3A_2216 = vector.broadcast %add3A_2215 : i32 to vector<16xi32>
        %add3A_2217 = arith.addi %add3A_2209, %add3A_2216 : vector<16xi32>
        %gather3A_2218 = tpu.vector_load_idx %arg11[%add3A_2217, %iota3A] : memref<2624x16xf32, #tpu.memory_space<vmem>>[vector<16xi32>, vector<16xi32>], vector<16xf32>,
        %mul3A_2219 = arith.mulf %gather3A_2214, %gather3A_2218 : vector<16xf32>
        %swap3A_2220 = arith.index_cast %add3A_2211 : i32 to index
        %swap3A_2221 = tpu.vector_load %arg12[%swap3A_2220] {strides = array<i32>} : memref<20800xf32, #tpu.memory_space<vmem>>, vector<16xf32>,
        tpu.vector_store %arg12[%swap3A_2220], %mul3A_2219 {strides = array<i32>} : memref<20800xf32, #tpu.memory_space<vmem>>, vector<16xf32>,
        %add3A_2222 = arith.constant 1 : i32
        %add3A_2223 = vector.broadcast %add3A_2222 : i32 to vector<16xi32>
        %add3A_2224 = arith.addi %add3A_2209, %add3A_2223 : vector<16xi32>
        %add3A_2225 = arith.constant 16 : i32
        %add3A_2226 = arith.addi %add3A_2211, %add3A_2225 : i32
        %scan3A_2227 = arith.constant 2 : i32
        %scan3A_2228 = arith.addi %scan3A_2196, %scan3A_2227 : i32
        %gather3A_2229 = tpu.vector_load_idx %arg11[%add3A_2224, %iota3A] : memref<2624x16xf32, #tpu.memory_space<vmem>>[vector<16xi32>, vector<16xi32>], vector<16xf32>,
        %add3A_2230 = arith.constant 325 : i32
        %add3A_2231 = vector.broadcast %add3A_2230 : i32 to vector<16xi32>
        %add3A_2232 = arith.addi %add3A_2224, %add3A_2231 : vector<16xi32>
        %gather3A_2233 = tpu.vector_load_idx %arg11[%add3A_2232, %iota3A] : memref<2624x16xf32, #tpu.memory_space<vmem>>[vector<16xi32>, vector<16xi32>], vector<16xf32>,
        %mul3A_2234 = arith.mulf %gather3A_2229, %gather3A_2233 : vector<16xf32>
        %swap3A_2235 = arith.index_cast %add3A_2226 : i32 to index
        %swap3A_2236 = tpu.vector_load %arg12[%swap3A_2235] {strides = array<i32>} : memref<20800xf32, #tpu.memory_space<vmem>>, vector<16xf32>,
        tpu.vector_store %arg12[%swap3A_2235], %mul3A_2234 {strides = array<i32>} : memref<20800xf32, #tpu.memory_space<vmem>>, vector<16xf32>,
        %add3A_2237 = arith.constant 1 : i32
        %add3A_2238 = vector.broadcast %add3A_2237 : i32 to vector<16xi32>
        %add3A_2239 = arith.addi %add3A_2224, %add3A_2238 : vector<16xi32>
        %add3A_2240 = arith.constant 16 : i32
        %add3A_2241 = arith.addi %add3A_2226, %add3A_2240 : i32
        %scan3A_2242 = arith.constant 3 : i32
        %scan3A_2243 = arith.addi %scan3A_2196, %scan3A_2242 : i32
        %gather3A_2244 = tpu.vector_load_idx %arg11[%add3A_2239, %iota3A] : memref<2624x16xf32, #tpu.memory_space<vmem>>[vector<16xi32>, vector<16xi32>], vector<16xf32>,
        %add3A_2245 = arith.constant 325 : i32
        %add3A_2246 = vector.broadcast %add3A_2245 : i32 to vector<16xi32>
        %add3A_2247 = arith.addi %add3A_2239, %add3A_2246 : vector<16xi32>
        %gather3A_2248 = tpu.vector_load_idx %arg11[%add3A_2247, %iota3A] : memref<2624x16xf32, #tpu.memory_space<vmem>>[vector<16xi32>, vector<16xi32>], vector<16xf32>,
        %mul3A_2249 = arith.mulf %gather3A_2244, %gather3A_2248 : vector<16xf32>
        %swap3A_2250 = arith.index_cast %add3A_2241 : i32 to index
        %swap3A_2251 = tpu.vector_load %arg12[%swap3A_2250] {strides = array<i32>} : memref<20800xf32, #tpu.memory_space<vmem>>, vector<16xf32>,
        tpu.vector_store %arg12[%swap3A_2250], %mul3A_2249 {strides = array<i32>} : memref<20800xf32, #tpu.memory_space<vmem>>, vector<16xf32>,
        %add3A_2252 = arith.constant 1 : i32
        %add3A_2253 = vector.broadcast %add3A_2252 : i32 to vector<16xi32>
        %add3A_2254 = arith.addi %add3A_2239, %add3A_2253 : vector<16xi32>
        %add3A_2255 = arith.constant 16 : i32
        %add3A_2256 = arith.addi %add3A_2241, %add3A_2255 : i32
        scf.yield %add3A_2254, %add3A_2256 : vector<16xi32>, i32
      }
      %scan3A_2101 = arith.constant 324 : i32
      %scan3A_2102 = arith.addi %scan3A_2096, %scan3A_2101 : i32
      %gather3A_2103 = tpu.vector_load_idx %arg11[%scan3A_2100#0, %iota3A] : memref<2624x16xf32, #tpu.memory_space<vmem>>[vector<16xi32>, vector<16xi32>], vector<16xf32>,
      %add3A_2104 = arith.constant 325 : i32
      %add3A_2105 = vector.broadcast %add3A_2104 : i32 to vector<16xi32>
      %add3A_2106 = arith.addi %scan3A_2100#0, %add3A_2105 : vector<16xi32>
      %gather3A_2107 = tpu.vector_load_idx %arg11[%add3A_2106, %iota3A] : memref<2624x16xf32, #tpu.memory_space<vmem>>[vector<16xi32>, vector<16xi32>], vector<16xf32>,
      %mul3A_2108 = arith.mulf %gather3A_2103, %gather3A_2107 : vector<16xf32>
      %swap3A_2109 = arith.index_cast %scan3A_2100#1 : i32 to index
      %swap3A_2110 = tpu.vector_load %arg12[%swap3A_2109] {strides = array<i32>} : memref<20800xf32, #tpu.memory_space<vmem>>, vector<16xf32>,
      tpu.vector_store %arg12[%swap3A_2109], %mul3A_2108 {strides = array<i32>} : memref<20800xf32, #tpu.memory_space<vmem>>, vector<16xf32>,
      %add3A_2111 = arith.constant 1 : i32
      %add3A_2112 = vector.broadcast %add3A_2111 : i32 to vector<16xi32>
      %add3A_2113 = arith.addi %scan3A_2100#0, %add3A_2112 : vector<16xi32>
      %add3A_2114 = arith.constant 16 : i32
      %add3A_2115 = arith.addi %scan3A_2100#1, %add3A_2114 : i32
      %scan3A_2116 = arith.constant 325 : i32
      %dma_wait3A_2117 = arith.constant 1968 : i32
      %dma_wait3A_2118 = arith.constant 0 : i32
      %dma_wait3A_2119 = tpu.memref_slice %arg11[%dma_wait3A_2117, %dma_wait3A_2118] : memref<2624x16xf32, #tpu.memory_space<vmem>> -> memref<128x16xf32, #tpu.memory_space<vmem>>
      %dma_wait3A_2120 = arith.constant 1968 : i32
      %dma_wait3A_2121 = tpu.memref_slice %arg10[%dma_wait3A_2120] : memref<2624xi32, #tpu.memory_space<vmem>> -> memref<128xi32, #tpu.memory_space<vmem>>
      %dma_wait3A_2122 = arith.constant 0 : i32
      %dma_wait3A_2123 = arith.constant 0 : i32
      %dma_wait3A_2124 = tpu.memref_slice %arg5[%dma_wait3A_2122, %dma_wait3A_2123] : memref<2704000x16xf32, #tpu.memory_space<hbm>> -> memref<2704000x16xf32, #tpu.memory_space<hbm>>
      tpu.wait_indirect_dma semaphore(%arg16 : memref<!tpu.dma_semaphore, #tpu.memory_space<semaphore_mem>>) src(%dma_wait3A_2124 : memref<2704000x16xf32, #tpu.memory_space<hbm>>) dst(%dma_wait3A_2119 : memref<128x16xf32, #tpu.memory_space<vmem>>)
      %dma_wait3A_2125 = arith.constant 2096 : i32
      %dma_wait3A_2126 = arith.constant 0 : i32
      %dma_wait3A_2127 = tpu.memref_slice %arg11[%dma_wait3A_2125, %dma_wait3A_2126] : memref<2624x16xf32, #tpu.memory_space<vmem>> -> memref<128x16xf32, #tpu.memory_space<vmem>>
      %dma_wait3A_2128 = arith.constant 2096 : i32
      %dma_wait3A_2129 = tpu.memref_slice %arg10[%dma_wait3A_2128] : memref<2624xi32, #tpu.memory_space<vmem>> -> memref<128xi32, #tpu.memory_space<vmem>>
      %dma_wait3A_2130 = arith.constant 0 : i32
      %dma_wait3A_2131 = arith.constant 0 : i32
      %dma_wait3A_2132 = tpu.memref_slice %arg5[%dma_wait3A_2130, %dma_wait3A_2131] : memref<2704000x16xf32, #tpu.memory_space<hbm>> -> memref<2704000x16xf32, #tpu.memory_space<hbm>>
      tpu.wait_indirect_dma semaphore(%arg16 : memref<!tpu.dma_semaphore, #tpu.memory_space<semaphore_mem>>) src(%dma_wait3A_2132 : memref<2704000x16xf32, #tpu.memory_space<hbm>>) dst(%dma_wait3A_2127 : memref<128x16xf32, #tpu.memory_space<vmem>>)
      %dma_wait3A_2133 = arith.constant 2224 : i32
      %dma_wait3A_2134 = arith.constant 0 : i32
      %dma_wait3A_2135 = tpu.memref_slice %arg11[%dma_wait3A_2133, %dma_wait3A_2134] : memref<2624x16xf32, #tpu.memory_space<vmem>> -> memref<128x16xf32, #tpu.memory_space<vmem>>
      %dma_wait3A_2136 = arith.constant 2224 : i32
      %dma_wait3A_2137 = tpu.memref_slice %arg10[%dma_wait3A_2136] : memref<2624xi32, #tpu.memory_space<vmem>> -> memref<128xi32, #tpu.memory_space<vmem>>
      %dma_wait3A_2138 = arith.constant 0 : i32
      %dma_wait3A_2139 = arith.constant 0 : i32
      %dma_wait3A_2140 = tpu.memref_slice %arg5[%dma_wait3A_2138, %dma_wait3A_2139] : memref<2704000x16xf32, #tpu.memory_space<hbm>> -> memref<2704000x16xf32, #tpu.memory_space<hbm>>
      tpu.wait_indirect_dma semaphore(%arg16 : memref<!tpu.dma_semaphore, #tpu.memory_space<semaphore_mem>>) src(%dma_wait3A_2140 : memref<2704000x16xf32, #tpu.memory_space<hbm>>) dst(%dma_wait3A_2135 : memref<128x16xf32, #tpu.memory_space<vmem>>)
      %dma_wait3A_2141 = arith.constant 2352 : i32
      %dma_wait3A_2142 = arith.constant 0 : i32
      %dma_wait3A_2143 = tpu.memref_slice %arg11[%dma_wait3A_2141, %dma_wait3A_2142] : memref<2624x16xf32, #tpu.memory_space<vmem>> -> memref<128x16xf32, #tpu.memory_space<vmem>>
      %dma_wait3A_2144 = arith.constant 2352 : i32
      %dma_wait3A_2145 = tpu.memref_slice %arg10[%dma_wait3A_2144] : memref<2624xi32, #tpu.memory_space<vmem>> -> memref<128xi32, #tpu.memory_space<vmem>>
      %dma_wait3A_2146 = arith.constant 0 : i32
      %dma_wait3A_2147 = arith.constant 0 : i32
      %dma_wait3A_2148 = tpu.memref_slice %arg5[%dma_wait3A_2146, %dma_wait3A_2147] : memref<2704000x16xf32, #tpu.memory_space<hbm>> -> memref<2704000x16xf32, #tpu.memory_space<hbm>>
      tpu.wait_indirect_dma semaphore(%arg16 : memref<!tpu.dma_semaphore, #tpu.memory_space<semaphore_mem>>) src(%dma_wait3A_2148 : memref<2704000x16xf32, #tpu.memory_space<hbm>>) dst(%dma_wait3A_2143 : memref<128x16xf32, #tpu.memory_space<vmem>>)
      %dma_wait3A_2149 = arith.constant 2480 : i32
      %dma_wait3A_2150 = arith.constant 0 : i32
      %dma_wait3A_2151 = tpu.memref_slice %arg11[%dma_wait3A_2149, %dma_wait3A_2150] : memref<2624x16xf32, #tpu.memory_space<vmem>> -> memref<128x16xf32, #tpu.memory_space<vmem>>
      %dma_wait3A_2152 = arith.constant 2480 : i32
      %dma_wait3A_2153 = tpu.memref_slice %arg10[%dma_wait3A_2152] : memref<2624xi32, #tpu.memory_space<vmem>> -> memref<128xi32, #tpu.memory_space<vmem>>
      %dma_wait3A_2154 = arith.constant 0 : i32
      %dma_wait3A_2155 = arith.constant 0 : i32
      %dma_wait3A_2156 = tpu.memref_slice %arg5[%dma_wait3A_2154, %dma_wait3A_2155] : memref<2704000x16xf32, #tpu.memory_space<hbm>> -> memref<2704000x16xf32, #tpu.memory_space<hbm>>
      tpu.wait_indirect_dma semaphore(%arg16 : memref<!tpu.dma_semaphore, #tpu.memory_space<semaphore_mem>>) src(%dma_wait3A_2156 : memref<2704000x16xf32, #tpu.memory_space<hbm>>) dst(%dma_wait3A_2151 : memref<128x16xf32, #tpu.memory_space<vmem>>)
      %dma_wait3A_2157 = arith.constant 2608 : i32
      %dma_wait3A_2158 = arith.constant 0 : i32
      %dma_wait3A_2159 = tpu.memref_slice %arg11[%dma_wait3A_2157, %dma_wait3A_2158] : memref<2624x16xf32, #tpu.memory_space<vmem>> -> memref<10x16xf32, #tpu.memory_space<vmem>>
      %dma_wait3A_2160 = arith.constant 2608 : i32
      %dma_wait3A_2161 = tpu.memref_slice %arg10[%dma_wait3A_2160] : memref<2624xi32, #tpu.memory_space<vmem>> -> memref<10xi32, #tpu.memory_space<vmem>>
      %dma_wait3A_2162 = arith.constant 0 : i32
      %dma_wait3A_2163 = arith.constant 0 : i32
      %dma_wait3A_2164 = tpu.memref_slice %arg5[%dma_wait3A_2162, %dma_wait3A_2163] : memref<2704000x16xf32, #tpu.memory_space<hbm>> -> memref<2704000x16xf32, #tpu.memory_space<hbm>>
      tpu.wait_indirect_dma semaphore(%arg16 : memref<!tpu.dma_semaphore, #tpu.memory_space<semaphore_mem>>) src(%dma_wait3A_2164 : memref<2704000x16xf32, #tpu.memory_space<hbm>>) dst(%dma_wait3A_2159 : memref<10x16xf32, #tpu.memory_space<vmem>>)
      %broadcast_in_dim3A_2165 = arith.constant 1968 : i32
      %broadcast_in_dim3A_2166 = vector.broadcast %broadcast_in_dim3A_2165 : i32 to vector<16xi32>
      %scan3A_2167 = arith.constant 15600 : i32
      %scan3A_2168 = arith.constant 0 : i32
      %scan3A_2169 = arith.constant 324 : i32
      %scan3A_2170 = arith.addi %scan3A_2168, %scan3A_2169 : i32
      %scan3A_2171 = arith.constant 4 : i32
      %scan3A_2172:2 = scf.for %scan3A_2196 = %scan3A_2168 to %scan3A_2170 step %scan3A_2171 iter_args(%scan3A_2197 = %broadcast_in_dim3A_2166, %scan3A_2198 = %scan3A_2167) -> (vector<16xi32>, i32)  : i32 {
        %gather3A_2199 = tpu.vector_load_idx %arg11[%scan3A_2197, %iota3A] : memref<2624x16xf32, #tpu.memory_space<vmem>>[vector<16xi32>, vector<16xi32>], vector<16xf32>,
        %add3A_2200 = arith.constant 325 : i32
        %add3A_2201 = vector.broadcast %add3A_2200 : i32 to vector<16xi32>
        %add3A_2202 = arith.addi %scan3A_2197, %add3A_2201 : vector<16xi32>
        %gather3A_2203 = tpu.vector_load_idx %arg11[%add3A_2202, %iota3A] : memref<2624x16xf32, #tpu.memory_space<vmem>>[vector<16xi32>, vector<16xi32>], vector<16xf32>,
        %mul3A_2204 = arith.mulf %gather3A_2199, %gather3A_2203 : vector<16xf32>
        %swap3A_2205 = arith.index_cast %scan3A_2198 : i32 to index
        %swap3A_2206 = tpu.vector_load %arg12[%swap3A_2205] {strides = array<i32>} : memref<20800xf32, #tpu.memory_space<vmem>>, vector<16xf32>,
        tpu.vector_store %arg12[%swap3A_2205], %mul3A_2204 {strides = array<i32>} : memref<20800xf32, #tpu.memory_space<vmem>>, vector<16xf32>,
        %add3A_2207 = arith.constant 1 : i32
        %add3A_2208 = vector.broadcast %add3A_2207 : i32 to vector<16xi32>
        %add3A_2209 = arith.addi %scan3A_2197, %add3A_2208 : vector<16xi32>
        %add3A_2210 = arith.constant 16 : i32
        %add3A_2211 = arith.addi %scan3A_2198, %add3A_2210 : i32
        %scan3A_2212 = arith.constant 1 : i32
        %scan3A_2213 = arith.addi %scan3A_2196, %scan3A_2212 : i32
        %gather3A_2214 = tpu.vector_load_idx %arg11[%add3A_2209, %iota3A] : memref<2624x16xf32, #tpu.memory_space<vmem>>[vector<16xi32>, vector<16xi32>], vector<16xf32>,
        %add3A_2215 = arith.constant 325 : i32
        %add3A_2216 = vector.broadcast %add3A_2215 : i32 to vector<16xi32>
        %add3A_2217 = arith.addi %add3A_2209, %add3A_2216 : vector<16xi32>
        %gather3A_2218 = tpu.vector_load_idx %arg11[%add3A_2217, %iota3A] : memref<2624x16xf32, #tpu.memory_space<vmem>>[vector<16xi32>, vector<16xi32>], vector<16xf32>,
        %mul3A_2219 = arith.mulf %gather3A_2214, %gather3A_2218 : vector<16xf32>
        %swap3A_2220 = arith.index_cast %add3A_2211 : i32 to index
        %swap3A_2221 = tpu.vector_load %arg12[%swap3A_2220] {strides = array<i32>} : memref<20800xf32, #tpu.memory_space<vmem>>, vector<16xf32>,
        tpu.vector_store %arg12[%swap3A_2220], %mul3A_2219 {strides = array<i32>} : memref<20800xf32, #tpu.memory_space<vmem>>, vector<16xf32>,
        %add3A_2222 = arith.constant 1 : i32
        %add3A_2223 = vector.broadcast %add3A_2222 : i32 to vector<16xi32>
        %add3A_2224 = arith.addi %add3A_2209, %add3A_2223 : vector<16xi32>
        %add3A_2225 = arith.constant 16 : i32
        %add3A_2226 = arith.addi %add3A_2211, %add3A_2225 : i32
        %scan3A_2227 = arith.constant 2 : i32
        %scan3A_2228 = arith.addi %scan3A_2196, %scan3A_2227 : i32
        %gather3A_2229 = tpu.vector_load_idx %arg11[%add3A_2224, %iota3A] : memref<2624x16xf32, #tpu.memory_space<vmem>>[vector<16xi32>, vector<16xi32>], vector<16xf32>,
        %add3A_2230 = arith.constant 325 : i32
        %add3A_2231 = vector.broadcast %add3A_2230 : i32 to vector<16xi32>
        %add3A_2232 = arith.addi %add3A_2224, %add3A_2231 : vector<16xi32>
        %gather3A_2233 = tpu.vector_load_idx %arg11[%add3A_2232, %iota3A] : memref<2624x16xf32, #tpu.memory_space<vmem>>[vector<16xi32>, vector<16xi32>], vector<16xf32>,
        %mul3A_2234 = arith.mulf %gather3A_2229, %gather3A_2233 : vector<16xf32>
        %swap3A_2235 = arith.index_cast %add3A_2226 : i32 to index
        %swap3A_2236 = tpu.vector_load %arg12[%swap3A_2235] {strides = array<i32>} : memref<20800xf32, #tpu.memory_space<vmem>>, vector<16xf32>,
        tpu.vector_store %arg12[%swap3A_2235], %mul3A_2234 {strides = array<i32>} : memref<20800xf32, #tpu.memory_space<vmem>>, vector<16xf32>,
        %add3A_2237 = arith.constant 1 : i32
        %add3A_2238 = vector.broadcast %add3A_2237 : i32 to vector<16xi32>
        %add3A_2239 = arith.addi %add3A_2224, %add3A_2238 : vector<16xi32>
        %add3A_2240 = arith.constant 16 : i32
        %add3A_2241 = arith.addi %add3A_2226, %add3A_2240 : i32
        %scan3A_2242 = arith.constant 3 : i32
        %scan3A_2243 = arith.addi %scan3A_2196, %scan3A_2242 : i32
        %gather3A_2244 = tpu.vector_load_idx %arg11[%add3A_2239, %iota3A] : memref<2624x16xf32, #tpu.memory_space<vmem>>[vector<16xi32>, vector<16xi32>], vector<16xf32>,
        %add3A_2245 = arith.constant 325 : i32
        %add3A_2246 = vector.broadcast %add3A_2245 : i32 to vector<16xi32>
        %add3A_2247 = arith.addi %add3A_2239, %add3A_2246 : vector<16xi32>
        %gather3A_2248 = tpu.vector_load_idx %arg11[%add3A_2247, %iota3A] : memref<2624x16xf32, #tpu.memory_space<vmem>>[vector<16xi32>, vector<16xi32>], vector<16xf32>,
        %mul3A_2249 = arith.mulf %gather3A_2244, %gather3A_2248 : vector<16xf32>
        %swap3A_2250 = arith.index_cast %add3A_2241 : i32 to index
        %swap3A_2251 = tpu.vector_load %arg12[%swap3A_2250] {strides = array<i32>} : memref<20800xf32, #tpu.memory_space<vmem>>, vector<16xf32>,
        tpu.vector_store %arg12[%swap3A_2250], %mul3A_2249 {strides = array<i32>} : memref<20800xf32, #tpu.memory_space<vmem>>, vector<16xf32>,
        %add3A_2252 = arith.constant 1 : i32
        %add3A_2253 = vector.broadcast %add3A_2252 : i32 to vector<16xi32>
        %add3A_2254 = arith.addi %add3A_2239, %add3A_2253 : vector<16xi32>
        %add3A_2255 = arith.constant 16 : i32
        %add3A_2256 = arith.addi %add3A_2241, %add3A_2255 : i32
        scf.yield %add3A_2254, %add3A_2256 : vector<16xi32>, i32
      }
      %scan3A_2173 = arith.constant 324 : i32
      %scan3A_2174 = arith.addi %scan3A_2168, %scan3A_2173 : i32
      %gather3A_2175 = tpu.vector_load_idx %arg11[%scan3A_2172#0, %iota3A] : memref<2624x16xf32, #tpu.memory_space<vmem>>[vector<16xi32>, vector<16xi32>], vector<16xf32>,
      %add3A_2176 = arith.constant 325 : i32
      %add3A_2177 = vector.broadcast %add3A_2176 : i32 to vector<16xi32>
      %add3A_2178 = arith.addi %scan3A_2172#0, %add3A_2177 : vector<16xi32>
      %gather3A_2179 = tpu.vector_load_idx %arg11[%add3A_2178, %iota3A] : memref<2624x16xf32, #tpu.memory_space<vmem>>[vector<16xi32>, vector<16xi32>], vector<16xf32>,
      %mul3A_2180 = arith.mulf %gather3A_2175, %gather3A_2179 : vector<16xf32>
      %swap3A_2181 = arith.index_cast %scan3A_2172#1 : i32 to index
      %swap3A_2182 = tpu.vector_load %arg12[%swap3A_2181] {strides = array<i32>} : memref<20800xf32, #tpu.memory_space<vmem>>, vector<16xf32>,
      tpu.vector_store %arg12[%swap3A_2181], %mul3A_2180 {strides = array<i32>} : memref<20800xf32, #tpu.memory_space<vmem>>, vector<16xf32>,
      %add3A_2183 = arith.constant 1 : i32
      %add3A_2184 = vector.broadcast %add3A_2183 : i32 to vector<16xi32>
      %add3A_2185 = arith.addi %scan3A_2172#0, %add3A_2184 : vector<16xi32>
      %add3A_2186 = arith.constant 16 : i32
      %add3A_2187 = arith.addi %scan3A_2172#1, %add3A_2186 : i32
      %scan3A_2188 = arith.constant 325 : i32
      %mul3A_2189 = arith.constant 4 : i32
      %mul3A_2190 = arith.muli %scan3A_10, %mul3A_2189 : i32
      %add3A_2191 = arith.addi %mul3A_2, %mul3A_2190 : i32
      %mul3A_2192 = arith.constant 325 : i32
      %mul3A_2193 = arith.muli %add3A_2191, %mul3A_2192 : i32
      %mul3A_2194 = arith.constant 16 : i32
      %mul3A_2195 = arith.muli %mul3A_2193, %mul3A_2194 : i32
      "tpu.region"() ({
        %run_scoped3A = tpu.sem_alloc : memref<!tpu.dma_semaphore, #tpu.memory_space<semaphore_mem>>
        %dma_start3A_2196 = tpu.memref_slice %arg6[%mul3A_2195] : memref<21299200xf32, #tpu.memory_space<hbm>> -> memref<20800xf32, #tpu.memory_space<hbm>>
        %dma_start3A_2197 = tpu.memref_slice %arg6[%mul3A_2195] : memref<21299200xf32, #tpu.memory_space<hbm>> -> memref<20800xf32, #tpu.memory_space<hbm>>
        tpu.enqueue_dma source(%arg12 : memref<20800xf32, #tpu.memory_space<vmem>>) target(%dma_start3A_2197 : memref<20800xf32, #tpu.memory_space<hbm>>) target_semaphore(%run_scoped3A : memref<!tpu.dma_semaphore, #tpu.memory_space<semaphore_mem>>)
        %dma_wait3A_2198 = tpu.memref_slice %arg6[%mul3A_2195] : memref<21299200xf32, #tpu.memory_space<hbm>> -> memref<20800xf32, #tpu.memory_space<hbm>>
        %dma_wait3A_2199 = tpu.memref_slice %arg6[%mul3A_2195] : memref<21299200xf32, #tpu.memory_space<hbm>> -> memref<20800xf32, #tpu.memory_space<hbm>>
        tpu.wait_dma2 semaphore(%run_scoped3A : memref<!tpu.dma_semaphore, #tpu.memory_space<semaphore_mem>>) src(%arg12 : memref<20800xf32, #tpu.memory_space<vmem>>) dst(%dma_wait3A_2199 : memref<20800xf32, #tpu.memory_space<hbm>>)
        tpu.yield
      }) : () -> ()
    }
    %scan3A_9 = arith.constant 32 : i32
    return
  }
}

</mosaic_0001>

<sc_bundles>
// kernel: kernel.3.cloned.1.call-start
scs
__scs_entry_jumppad:
0x0: {  	(pc) =	sbr.rel $0x88, $3  }
0x1: {  	(tag) =	ssettag $0x0;
	lr =	simm.s32 $0x1  }
0x2: {  	[smem:$0x3F9F] =	sst lr;
	_ =	strace $0xD0000000  }
0x3: {  	_ = 	snop  }
0x4: {  	_ = 	snop  }
0x5: {  	_ = 	snop  }
0x6: {  	_ = 	snop  }
0x7: {  	_ = 	snop  }
__scs_overlays_trampoline_lowered:
0x8: {  	[smem:$0x3FAE] =	sst s0  }
0x9: {  	[smem:$0x3FAF] =	sst s1  }
0xa: {  	[smem:$0x3FB0] =	sst s2  }
0xb: {  	[smem:$0x3FB1] =	sst s3  }
0xc: {  	[smem:$0x3FB2] =	sst s4  }
0xd: {  	[smem:$0x3FB3] =	sst s5  }
0xe: {  	[smem:$0x3FB4] =	sst s6  }
0xf: {  	[smem:$0x3FB5] =	sst s7  }
0x10: {  	[smem:$0x3FB6] =	sst s8  }
0x11: {  	[smem:$0x3FB7] =	sst s9;
	s0 =	simm.s32 @!p0 $0x0  }
0x12: {  	s1 =	sld [smem:$0x3F9D];
	s0 =	simm.s32 @p0 $0x1  }
0x13: {  	[smem:$0x3FB8] =	sst s0;
	s0 =	simm.s32 @!p1 $0x0  }
0x14: {  	s2 =	sld [smem:$0x3F9C];
	s0 =	simm.s32 @p1 $0x1  }
0x15: {  	[smem:$0x3FB9] =	sst s0;
	s0 =	simm.s32 @!p2 $0x0  }
0x16: {  	s3 =	sld [smem:$0x3FDB];
	s0 =	simm.s32 @p2 $0x1  }
0x17: {  	s4 =	simm.s32 $0x1BF5;
	[smem:$0x3FBB] =	sst s0  }
0x18: {  	s0 =	sld [smem:$0x3F9E];
	_ =	swait.ge [sflag:s4], $0x0  }
0x19: {  	s7 =	sld [smem:$0x3F9F]  }
0x1a: {  	s8 =	sadd.s32 $0xFFFFE003, lr  }
0x1b: {  	s9 =	sadd.s32 $0xFFFFFEF7, lr;
	s5 =	simm.s32 $0xFFFFFFFF;
	p2 =	slt.u32 s8, $0xFFFFF086  }
0x1c: {  	p1 =	slt.u32 s9, $0xF7A;
	s5 =	simm.s32 @!p2 $0x0  }
0x1d: {  	s5 =	simm.s32 @p1 $0x1;
	p0 =	seq.s32 s7, s2  }
0x1e: {  	s7 =	smul.u32 @!p0 $0xF7A, s2;
	p2 =	seq.s32 @!p0 s5, $0x0  }
0x1f: {  	s9 =	smul.u32 $0xF7A, s1;
	s8 =	simm.s32 @!p0 $0x1BF5;
	p2 =	por !p2, p0  }
0x20: {  	[sflag:s8] =	ssyncset.s32 @!p0 $0xFFFFF086;
	s6 =	sadd.s32 @!p0 s3, s7;
	s7 =	simm.s32 @!p0 $0x108  }
0x21: {  	s3 =	sadd.s32 s3, s9;
	s6 =	sadd.s32 @!p0 $0x88, s6;
	s7 =	simm.s32 @p2 $0x1082  }
0x22: {  	[simem:s7], [sflag:s8] =	dma.local @!p0 [hbm:s6], $0xF7A  }
0x23: {  	s9 =	sor.u32 $0xD0000000, s2;
	s6 =	simm.s32 $0x108;
	_ =	swait.ge @!p0 [sflag:s8], $0x0  }
0x24: {  	s3 =	sadd.s32 $0x88, s3;
	s6 =	simm.s32 @!p1 $0x1082;
	[sflag:s4] =	ssyncset.s32 $0xFFFFF086  }
0x25: {  	[simem:s6], [sflag:s4] =	dma.local [hbm:s3], $0xF7A  }
0x26: {  	[smem:$0x3F9F] =	sst s1;
	(tag) =	ssettag s2;
	_ =	strace s9  }
0x27: {  	s1 =	sld [smem:$0x3FAF]  }
0x28: {  	s2 =	sld [smem:$0x3FB0]  }
0x29: {  	s4 =	sld [smem:$0x3FB2]  }
0x2a: {  	p0 =	seq.s32 s5, $0x0;
	s5 =	sld [smem:$0x3FB3]  }
0x2b: {  	s6 =	sld [smem:$0x3FB4]  }
0x2c: {  	s7 =	sld [smem:$0x3FB5]  }
0x2d: {  	s3 =	simm.s32 $0x108;
	s8 =	sld [smem:$0x3FB6]  }
0x2e: {  	s3 =	simm.s32 @!p0 $0x1082;
	s9 =	sld [smem:$0x3FB7]  }
0x2f: {  	lr =	sadd.s32 s0, s3;
	s0 =	sld [smem:$0x3FAE]  }
0x30: {  	s3 =	sld [smem:$0x3FB1]  }
0x31: {  	[smem:$0x3FBA] =	sst s10  }
0x32: {  	s10 =	sld [smem:$0x3FB8];
	_ =	sdelay $0x3  }
0x33: {  	p0 =	seq.s32 s10, $0x1;
	s10 =	sld [smem:$0x3FBA];
	_ =	sdelay $0x3  }
0x34: {  	[smem:$0x3FBA] =	sst s10  }
0x35: {  	s10 =	sld [smem:$0x3FB9];
	_ =	sdelay $0x3  }
0x36: {  	p1 =	seq.s32 s10, $0x1;
	s10 =	sld [smem:$0x3FBA];
	_ =	sdelay $0x3  }
0x37: {  	[smem:$0x3FBA] =	sst s10  }
0x38: {  	s10 =	sld [smem:$0x3FBB]  }
0x39: {  	_ = 	snop;
	(pc) =	sbr.ind lr, $3  }
0x3a: {  	_ = 	snop  }
0x3b: {  	_ = 	snop  }
0x3c: {  	p2 =	seq.s32 s10, $0x1;
	s10 =	sld [smem:$0x3FBA]  }
0x3d: {  	_ =	shalt  }
0x3e: {  	_ =	shalt  }
0x3f: {  	_ =	shalt  }
0x40: {  	_ =	shalt  }
0x41: {  	_ =	shalt  }
0x42: {  	_ =	shalt  }
0x43: {  	_ =	shalt  }
0x44: {  	_ =	shalt  }
0x45: {  	_ =	shalt  }
0x46: {  	_ =	shalt  }
0x47: {  	_ =	shalt  }
0x48: {  	_ =	shalt  }
0x49: {  	_ =	shalt  }
0x4a: {  	_ =	shalt  }
0x4b: {  	_ =	shalt  }
0x4c: {  	_ =	shalt  }
0x4d: {  	_ =	shalt  }
0x4e: {  	_ =	shalt  }
0x4f: {  	_ =	shalt  }
0x50: {  	_ =	shalt  }
0x51: {  	_ =	shalt  }
0x52: {  	_ =	shalt  }
0x53: {  	_ =	shalt  }
0x54: {  	_ =	shalt  }
0x55: {  	_ =	shalt  }
0x56: {  	_ =	shalt  }
0x57: {  	_ =	shalt  }
0x58: {  	_ =	shalt  }
0x59: {  	_ =	shalt  }
0x5a: {  	_ =	shalt  }
0x5b: {  	_ =	shalt  }
0x5c: {  	_ =	shalt  }
0x5d: {  	_ =	shalt  }
0x5e: {  	_ =	shalt  }
0x5f: {  	_ =	shalt  }
0x60: {  	_ =	shalt  }
0x61: {  	_ =	shalt  }
0x62: {  	_ =	shalt  }
0x63: {  	_ =	shalt  }
0x64: {  	_ =	shalt  }
0x65: {  	_ =	shalt  }
0x66: {  	_ =	shalt  }
0x67: {  	_ =	shalt  }
0x68: {  	_ =	shalt  }
0x69: {  	_ =	shalt  }
0x6a: {  	_ =	shalt  }
0x6b: {  	_ =	shalt  }
0x6c: {  	_ =	shalt  }
0x6d: {  	_ =	shalt  }
0x6e: {  	_ =	shalt  }
0x6f: {  	_ =	shalt  }
0x70: {  	_ =	shalt  }
0x71: {  	_ =	shalt  }
0x72: {  	_ =	shalt  }
0x73: {  	_ =	shalt  }
0x74: {  	_ =	shalt  }
0x75: {  	_ =	shalt  }
0x76: {  	_ =	shalt  }
0x77: {  	_ =	shalt  }
0x78: {  	_ =	shalt  }
0x79: {  	_ =	shalt  }
0x7a: {  	_ =	shalt  }
0x7b: {  	_ =	shalt  }
0x7c: {  	_ =	shalt  }
0x7d: {  	_ =	shalt  }
0x7e: {  	_ =	shalt  }
0x7f: {  	_ =	shalt  }
0x80: {  	_ =	shalt  }
0x81: {  	_ =	shalt  }
0x82: {  	_ =	shalt  }
0x83: {  	_ =	shalt  }
0x84: {  	_ =	shalt  }
0x85: {  	_ =	shalt  }
0x86: {  	_ =	shalt  }
0x87: {  	_ =	shalt  }
.Lfunc_end0:
.L_simem_size_0:
called_computation.1_lowered:
.L_overlay_start_0:
0x88: {  	s2 =	sld [smem:$0x3FD9]  }
0x89: {  	s3 =	sld [smem:$0x3FFE];
	_ =	sdelay $0x1  }
0x8a: {  	s1 =	srdreg.scid  }
0x8b: {  	s0 =	sand.u32 $0x1, s1  }
0x8c: {  	s17 =	sshll.u32 s0, $0xA;
	s2 =	sadd.s32 s3, s2  }
0x8d: {  	s2 =	sadd.s32 s2, s17  }
0x8e: {  	[smem:$0x3FC6] =	sst s2  }
0x8f: {  	_ = 	snop  }
0x90: {  	s2 =	sld [smem:$0x3FD0];
	(tm) =	ssettm $0x1  }
0x91: {  	s18 =	sld [smem:$0x3FFB];
	_ =	sdelay $0x3  }
0x92: {  	_ =	strace s18  }
0x93: {  	s3 =	sld [smem:$0x3FFC];
	_ =	sdelay $0x3  }
0x94: {  	_ =	strace s3  }
0x95: {  	s3 =	sld [smem:$0x3FFD];
	_ =	sdelay $0x3  }
0x96: {  	_ =	strace s3  }
0x97: {  	_ =	strace $0x8FFFFFFF  }
0x98: {  	s19 =	sld [smem:$0x3FDB];
	_ =	sdelay $0x1  }
0x99: {  	s4 =	simm.s32 $_scs_section_size  }
0x9a: {  	s5 =	simm.s32 $_size__tile_overlayer_lowered;
	s6 =	simm.s32 $_tile_overlayer_lowered  }
0x9b: {  	s22 =	simm.s32 $0x1BFF;
	s21 =	sshll.u32 s6, $0x1;
	s3 =	sadd.s32 s4, s19  }
0x9c: {  	s7 =	simm.s32 $0x0;
	s20 =	sshll.u32 s5, $0x1;
	s5 =	sadd.s32 s21, s3  }
0x9d: {  	[timem:s7], [sflag:s22] =	dma.local [hbm:s5], s20  }
0x9e: {  	_ =	swait.ge [sflag:s22], s20  }
0x9f: {  	s4 =	ssub.s32 $0x0, s20;
	[sflag:s22] =	ssyncset.done $0x0  }
0xa0: {  	[sflag:s22] =	ssyncadd.s32 s4;
	_ =	sdelay $0x1  }
0xa1: {  	s23 =	simm.s32 $0x1B8B  }
0xa2: {  	_ =	swait.ge [sflag:s23], $0x1  }
0xa3: {  	[sflag:s23] =	ssyncset.done $0x0  }
0xa4: {  	s25 =	simm.s32 $0x1B8E;
	s24 =	sld [smem:$0x3FFE];
	[sflag:s23] =	ssyncadd.s32 $0xFFFFFFFF  }
0xa5: {  	s26 =	simm.s32 $execute0_lowered;
	[smem:$0x3FD2] =	sst s25  }
0xa6: {  	s5 =	sshll.u32 s26, $0x1;
	_ =	strace $0x80000046;
	[dreg:$0x1] =	wrdreg $0xFFFFFFFF  }
0xa7: {  	s28 =	simm.s32 $_size_execute0_lowered;
	s3 =	sadd.s32 s3, s5;
	[dreg:$0x0] =	wrdreg $0x0  }
0xa8: {  	s5 =	sshll.u32 s28, $0x1;
	[dreg:$0x2] =	wrdreg s3  }
0xa9: {  	[dreg:$0x3] =	wrdreg s5  }
0xaa: {  	[dreg:$0x4] =	wrdreg $0xC0  }
0xab: {  	_ =	task [dreg:s7], $0x5FFFF  }
0xac: {  	[dreg:$0x1] =	wrdreg $0xFFFFFFFF  }
0xad: {  	[dreg:$0x0] =	wrdreg $0x60  }
0xae: {  	[dreg:$0x2] =	wrdreg s24  }
0xaf: {  	[dreg:$0x3] =	wrdreg s2  }
0xb0: {  	[dreg:$0x4] =	wrdreg $0x9  }
0xb1: {  	_ =	task.clear_ibuf [dreg:s7], $0x5FFFF;
	_ =	strace $0x90000046  }
0xb2: {  	s29 =	simm.s32 $0x9;
	_ =	strace $0x80000048  }
0xb3: {  	_ =	swait.ge [sflag:s29], $0x1  }
0xb4: {  	[sflag:s29] =	ssyncadd.s32 $0xFFFFFFFF  }
0xb5: {  	_ =	strace $0x90000048  }
0xb6: {  	_ =	sfence  }
0xb7: {  	s30 =	sld [smem:$0x0];
	_ =	sdelay $0x2  }
0xb8: {  	s31 =	sshll.u32 s1, $0xD;
	s1 =	sshrl.u32 s1, $0x2  }
0xb9: {  	s3 =	sand.u32 $0x4000, s31;
	s1 =	sadd.s32 s1, s30  }
0xba: {  	s0 =	sor.u32 s3, s0;
	s1 =	sshll.u32 s1, $0x11  }
0xbb: {  	s0 =	sor.u32 s1, s0  }
0xbc: {  	s0 =	sadd.s32 $0x8F2B, s0  }
0xbd: {  	[sflag:s0] =	ssyncadd.remote.s32 $0x1  }
0xbe: {  	_ =	sfence.sel $0xFFFF  }
0xbf: {  	[dreg:$0x0] =	wrdreg $0xFFFFFFFF;
	(pc) =	sbr.abs _section_cstart, $3  }
0xc0: {  	[dreg:$0x1] =	wrdreg $0xFFFFFFFF  }
0xc1: {  	_ =	task.clear_ibuf [dreg:s7], $0x2FFFF;
	_ =	strace $0x9FFFFFFF  }
0xc2: {  	(tm) =	ssettm $0x7FFFFFFF  }
0xc3: {  	_ =	shalt  }
tec
execute0_lowered:
.L_overlay_start_1:
0x0: {  	(tag) =	ssettag $0x1  }
0x1: {  	s0 =	rddreg [dreg:$0x0]  }
0x2: {  	s1 =	srdreg.scid;
	s2 =	stileid.u32;
	s3 =	simm.s32 $0x0  }
0x3: {  	s10 =	simm.s32 $0x5;
	s13 =	simm.s32 $0x80;
	s15 =	simm.s32 $0x1C80  }
0x4: {  	s23 =	simm.s32 $0x8E80;
	s28 =	simm.s32 $0x19F0;
	s29 =	simm.s32 $0x9780  }
0x5: {  	s30 =	simm.s32 $0x1A70;
	s31 =	simm.s32 $0x9F80;
	s11 =	simm.s32 $0x1B70  }
0x6: {  	s12 =	simm.s32 $0xAF80;
	s8 =	simm.s32 $0x1C70;
	s9 =	simm.s32 $0xBF80  }
0x7: {  	s14 =	simm.s32 $0x2;
	s16 =	simm.s32 $0x3;
	s17 =	simm.s32 $0x4  }
0x8: {  	s18 =	simm.s32 $0xC080;
	s20 =	simm.s32 $0x0;
	s1 =	sand.u32 $0x1, s1  }
0x9: {  	s2 =	sshll.u32 s2, $0x1;
	[smem:$0x7FF] =	sst s3;
	s5 =	sadd.s32 $0x4400, s0  }
0xa: {  	s24 =	sadd.s32 $0x4200, s0;
	s6 =	sadd.s32 $0x2943600, s0;
	s2 =	sor.u32 s1, s2  }
0xb: {  	_ =	strace $0x80000047;
	[dreg:$0x3] =	wrdreg s5;
	s1 =	ssub.s32 $0x2, s1  }
0xc: {  	[dreg:$0x4] =	wrdreg s24;
	s24 =	simm.s32 $0xA;
	s4 =	smul.u32 $0x1A0, s2  }
0xd: {  	s5 =	simm.s32 $0xB780;
	s25 =	sshrl.u32 s1, $0x1;
	s7 =	sshll.u32 s2, $0x7  }
0xe: {  	v0 =	vlaneseq.u32;
	s2 =	simm.s32 $0x1;
	s4 =	sadd.s32 s4, s0;
	s0 =	ssub.s32 s1, s25  }
0xf: {  	v1 =	vor.u32 $0x1450, v0;
	s25 =	simm.s32 $0x19E0;
	s1 =	simm.s32 $0x1AF0;
	s26 =	sadd.s32 $0xE00, s4  }
0x10: {  	v2 =	vor.u32 $0x10, v0;
	v3 =	vor.u32 $0x1460, v0;
	v4 =	vor.u32 $0x20, v0;
	s0 =	smax.u32 s0, $0x1;
	s4 =	simm.s32 $0x1BF0;
	[dreg:$0x5] =	wrdreg s26  }
0x11: {  	v5 =	vor.u32 $0x1470, v0;
	v6 =	vor.u32 $0x30, v0;
	v7 =	vor.u32 $0x1480, v0;
	[dreg:$0x6] =	wrdreg s0;
	s26 =	simm.s32 $0x9680;
	s0 =	simm.s32 $0xA780  }
.LBB2_1:
0x12: {  	[dreg:$0x7] =	wrdreg s20  }
0x13: {  	s19 =	rddreg [dreg:$0x5]  }
0x14: {  	[tilespmem:s3], [sflag:$0x5] =	stream.linear.gather [hbm4b:s19+s3], $0xD00, $0x38;
	[tilespmem:$0x111C0] =	vst v63  }
0x15: {  	_ =	swait.ge [sflag:s10], $0xD00  }
0x16: {  	[sflag:s10] =	ssyncset.done $0x0  }
0x17: {  	s22 =	simm.s32 $0xD00;
	s21 =	rddreg [dreg:$0x3];
	[sflag:s10] =	ssyncadd.s32 $0xFFFFF300  }
0x18: {  	[tilespmem:s22], [sflag:$0x5] =	stream.linear.gather [hbm4b:s21+s3], $0x2A0, $0x38;
	[tilespmem:$0x111C0] =	vst v63  }
0x19: {  	_ =	swait.ge [sflag:s10], $0x2A0  }
0x1a: {  	[sflag:s10] =	ssyncset.done $0x0  }
0x1b: {  	s22 =	simm.s32 $0xFA0;
	s21 =	rddreg [dreg:$0x4];
	[sflag:s10] =	ssyncadd.s32 $0xFFFFFD60  }
0x1c: {  	[tilespmem:s22], [sflag:$0x5] =	stream.linear.gather [hbm4b:s21+s3], $0x2A0, $0x38;
	[tilespmem:$0x111C0] =	vst v63  }
0x1d: {  	_ =	swait.ge [sflag:s10], $0x2A0  }
0x1e: {  	[sflag:s10] =	ssyncset.done $0x0  }
0x1f: {  	s19 =	simm.s32 $0x0;
	[sflag:s10] =	ssyncadd.s32 $0xFFFFFD60  }
.LBB2_2:
0x20: {  	v8 =	vld [tilespmem:$0xD00];
	_ =	sdelay $0x2  }
0x21: {  	s20 =	smul.u32 $0x68, s19;
	_ =	sdelay $0x1  }
0x22: {  	v8 =	vadd.s32 s20, v8;
	_ =	sdelay $0x1  }
0x23: {  	v9 =	vld [tilespmem:$0xD10];
	_ =	sdelay $0x1  }
0x24: {  	v10 =	vld [tilespmem:$0xFA0]  }
0x25: {  	v8 =	vld.idx.msk [tilespmem:v8+s3+$0x0], $0xffff;
	_ =	sdelay $0x1  }
0x26: {  	v9 =	vadd.s32 s20, v9;
	_ =	sdelay $0x2  }
0x27: {  	v8 =	vadd.s32 v8, v10;
	v10 =	vld [tilespmem:$0xD20]  }
0x28: {  	[tilespmem:$0x1240] =	vst v8  }
0x29: {  	v8 =	vld.idx.msk [tilespmem:v9+s3+$0x0], $0xffff  }
0x2a: {  	v9 =	vld [tilespmem:$0xFB0];
	_ =	sdelay $0x1  }
0x2b: {  	v10 =	vadd.s32 s20, v10;
	_ =	sdelay $0x2  }
0x2c: {  	v8 =	vadd.s32 v8, v9;
	v9 =	vld [tilespmem:$0xD30]  }
0x2d: {  	[tilespmem:$0x1250] =	vst v8  }
0x2e: {  	v8 =	vld.idx.msk [tilespmem:v10+s3+$0x0], $0xffff  }
0x2f: {  	v10 =	vld [tilespmem:$0xFC0];
	_ =	sdelay $0x1  }
0x30: {  	v9 =	vadd.s32 s20, v9;
	_ =	sdelay $0x2  }
0x31: {  	v8 =	vadd.s32 v8, v10;
	v10 =	vld [tilespmem:$0xD40]  }
0x32: {  	[tilespmem:$0x1260] =	vst v8  }
0x33: {  	v8 =	vld.idx.msk [tilespmem:v9+s3+$0x0], $0xffff  }
0x34: {  	v9 =	vld [tilespmem:$0xFD0];
	_ =	sdelay $0x1  }
0x35: {  	v10 =	vadd.s32 s20, v10;
	_ =	sdelay $0x2  }
0x36: {  	v8 =	vadd.s32 v8, v9;
	v9 =	vld [tilespmem:$0xD50]  }
0x37: {  	[tilespmem:$0x1270] =	vst v8  }
0x38: {  	v8 =	vld.idx.msk [tilespmem:v10+s3+$0x0], $0xffff  }
0x39: {  	v10 =	vld [tilespmem:$0xFE0];
	_ =	sdelay $0x1  }
0x3a: {  	v9 =	vadd.s32 s20, v9;
	_ =	sdelay $0x2  }
0x3b: {  	v8 =	vadd.s32 v8, v10;
	v10 =	vld [tilespmem:$0xD60]  }
0x3c: {  	[tilespmem:$0x1280] =	vst v8  }
0x3d: {  	v8 =	vld.idx.msk [tilespmem:v9+s3+$0x0], $0xffff  }
0x3e: {  	v9 =	vld [tilespmem:$0xFF0];
	_ =	sdelay $0x1  }
0x3f: {  	v10 =	vadd.s32 s20, v10;
	_ =	sdelay $0x2  }
0x40: {  	v8 =	vadd.s32 v8, v9;
	v9 =	vld [tilespmem:$0xD70]  }
0x41: {  	[tilespmem:$0x1290] =	vst v8  }
0x42: {  	v8 =	vld.idx.msk [tilespmem:v10+s3+$0x0], $0xffff  }
0x43: {  	v10 =	vld [tilespmem:$0x1000];
	_ =	sdelay $0x1  }
0x44: {  	v9 =	vadd.s32 s20, v9;
	_ =	sdelay $0x2  }
0x45: {  	v8 =	vadd.s32 v8, v10;
	v10 =	vld [tilespmem:$0xD80]  }
0x46: {  	[tilespmem:$0x12A0] =	vst v8  }
0x47: {  	v8 =	vld.idx.msk [tilespmem:v9+s3+$0x0], $0xffff  }
0x48: {  	v9 =	vld [tilespmem:$0x1010];
	_ =	sdelay $0x1  }
0x49: {  	v10 =	vadd.s32 s20, v10;
	_ =	sdelay $0x2  }
0x4a: {  	v8 =	vadd.s32 v8, v9;
	v9 =	vld [tilespmem:$0xD90]  }
0x4b: {  	[tilespmem:$0x12B0] =	vst v8  }
0x4c: {  	v8 =	vld.idx.msk [tilespmem:v10+s3+$0x0], $0xffff  }
0x4d: {  	v10 =	vld [tilespmem:$0x1020];
	_ =	sdelay $0x1  }
0x4e: {  	v9 =	vadd.s32 s20, v9;
	_ =	sdelay $0x2  }
0x4f: {  	v8 =	vadd.s32 v8, v10;
	v10 =	vld [tilespmem:$0xDA0]  }
0x50: {  	[tilespmem:$0x12C0] =	vst v8  }
0x51: {  	v8 =	vld.idx.msk [tilespmem:v9+s3+$0x0], $0xffff  }
0x52: {  	v9 =	vld [tilespmem:$0x1030];
	_ =	sdelay $0x1  }
0x53: {  	v10 =	vadd.s32 s20, v10;
	_ =	sdelay $0x2  }
0x54: {  	v8 =	vadd.s32 v8, v9;
	v9 =	vld [tilespmem:$0xDB0]  }
0x55: {  	[tilespmem:$0x12D0] =	vst v8  }
0x56: {  	v8 =	vld.idx.msk [tilespmem:v10+s3+$0x0], $0xffff  }
0x57: {  	v10 =	vld [tilespmem:$0x1040];
	_ =	sdelay $0x1  }
0x58: {  	v9 =	vadd.s32 s20, v9;
	_ =	sdelay $0x2  }
0x59: {  	v8 =	vadd.s32 v8, v10;
	v10 =	vld [tilespmem:$0xDC0]  }
0x5a: {  	[tilespmem:$0x12E0] =	vst v8  }
0x5b: {  	v8 =	vld.idx.msk [tilespmem:v9+s3+$0x0], $0xffff  }
0x5c: {  	v9 =	vld [tilespmem:$0x1050];
	_ =	sdelay $0x1  }
0x5d: {  	v10 =	vadd.s32 s20, v10;
	_ =	sdelay $0x2  }
0x5e: {  	v8 =	vadd.s32 v8, v9;
	v9 =	vld [tilespmem:$0xDD0]  }
0x5f: {  	[tilespmem:$0x12F0] =	vst v8  }
0x60: {  	v8 =	vld.idx.msk [tilespmem:v10+s3+$0x0], $0xffff  }
0x61: {  	v10 =	vld [tilespmem:$0x1060];
	_ =	sdelay $0x1  }
0x62: {  	v9 =	vadd.s32 s20, v9;
	_ =	sdelay $0x2  }
0x63: {  	v8 =	vadd.s32 v8, v10;
	v10 =	vld [tilespmem:$0xDE0]  }
0x64: {  	[tilespmem:$0x1300] =	vst v8  }
0x65: {  	v8 =	vld.idx.msk [tilespmem:v9+s3+$0x0], $0xffff  }
0x66: {  	v9 =	vld [tilespmem:$0x1070];
	_ =	sdelay $0x1  }
0x67: {  	v10 =	vadd.s32 s20, v10;
	_ =	sdelay $0x2  }
0x68: {  	v8 =	vadd.s32 v8, v9;
	v9 =	vld [tilespmem:$0xDF0]  }
0x69: {  	[tilespmem:$0x1310] =	vst v8  }
0x6a: {  	v8 =	vld.idx.msk [tilespmem:v10+s3+$0x0], $0xffff  }
0x6b: {  	v10 =	vld [tilespmem:$0x1080];
	_ =	sdelay $0x1  }
0x6c: {  	v9 =	vadd.s32 s20, v9;
	_ =	sdelay $0x2  }
0x6d: {  	v8 =	vadd.s32 v8, v10;
	v10 =	vld [tilespmem:$0xE00]  }
0x6e: {  	[tilespmem:$0x1320] =	vst v8  }
0x6f: {  	v8 =	vld.idx.msk [tilespmem:v9+s3+$0x0], $0xffff  }
0x70: {  	v9 =	vld [tilespmem:$0x1090];
	_ =	sdelay $0x1  }
0x71: {  	v10 =	vadd.s32 s20, v10;
	_ =	sdelay $0x2  }
0x72: {  	v8 =	vadd.s32 v8, v9;
	v9 =	vld [tilespmem:$0xE10]  }
0x73: {  	[tilespmem:$0x1330] =	vst v8  }
0x74: {  	v8 =	vld.idx.msk [tilespmem:v10+s3+$0x0], $0xffff  }
0x75: {  	v10 =	vld [tilespmem:$0x10A0];
	_ =	sdelay $0x1  }
0x76: {  	v9 =	vadd.s32 s20, v9;
	_ =	sdelay $0x2  }
0x77: {  	v8 =	vadd.s32 v8, v10;
	v10 =	vld [tilespmem:$0xE20]  }
0x78: {  	[tilespmem:$0x1340] =	vst v8  }
0x79: {  	v8 =	vld.idx.msk [tilespmem:v9+s3+$0x0], $0xffff  }
0x7a: {  	v9 =	vld [tilespmem:$0x10B0];
	_ =	sdelay $0x1  }
0x7b: {  	v10 =	vadd.s32 s20, v10;
	_ =	sdelay $0x2  }
0x7c: {  	v8 =	vadd.s32 v8, v9;
	v9 =	vld [tilespmem:$0xE30]  }
0x7d: {  	[tilespmem:$0x1350] =	vst v8  }
0x7e: {  	v8 =	vld.idx.msk [tilespmem:v10+s3+$0x0], $0xffff  }
0x7f: {  	v10 =	vld [tilespmem:$0x10C0];
	_ =	sdelay $0x1  }
0x80: {  	v9 =	vadd.s32 s20, v9;
	_ =	sdelay $0x2  }
0x81: {  	v8 =	vadd.s32 v8, v10;
	v10 =	vld [tilespmem:$0xE40]  }
0x82: {  	[tilespmem:$0x1360] =	vst v8  }
0x83: {  	v8 =	vld.idx.msk [tilespmem:v9+s3+$0x0], $0xffff  }
0x84: {  	v9 =	vld [tilespmem:$0x10D0];
	_ =	sdelay $0x1  }
0x85: {  	v10 =	vadd.s32 s20, v10;
	_ =	sdelay $0x2  }
0x86: {  	v8 =	vadd.s32 v8, v9;
	v9 =	vld [tilespmem:$0xE50]  }
0x87: {  	[tilespmem:$0x1370] =	vst v8  }
0x88: {  	v8 =	vld.idx.msk [tilespmem:v10+s3+$0x0], $0xffff  }
0x89: {  	v10 =	vld [tilespmem:$0x10E0];
	_ =	sdelay $0x1  }
0x8a: {  	v9 =	vadd.s32 s20, v9;
	_ =	sdelay $0x2  }
0x8b: {  	v8 =	vadd.s32 v8, v10;
	v10 =	vld [tilespmem:$0xE60]  }
0x8c: {  	[tilespmem:$0x1375] =	vst v8  }
0x8d: {  	v8 =	vld.idx.msk [tilespmem:v9+s3+$0x0], $0xffff  }
0x8e: {  	v9 =	vld [tilespmem:$0x10F0];
	_ =	sdelay $0x1  }
0x8f: {  	v10 =	vadd.s32 s20, v10;
	_ =	sdelay $0x2  }
0x90: {  	v8 =	vadd.s32 v8, v9;
	v9 =	vld [tilespmem:$0xE70]  }
0x91: {  	[tilespmem:$0x1385] =	vst v8  }
0x92: {  	v8 =	vld.idx.msk [tilespmem:v10+s3+$0x0], $0xffff  }
0x93: {  	v10 =	vld [tilespmem:$0x1100];
	_ =	sdelay $0x1  }
0x94: {  	v9 =	vadd.s32 s20, v9;
	_ =	sdelay $0x2  }
0x95: {  	v8 =	vadd.s32 v8, v10;
	v10 =	vld [tilespmem:$0xE80]  }
0x96: {  	[tilespmem:$0x1395] =	vst v8  }
0x97: {  	v8 =	vld.idx.msk [tilespmem:v9+s3+$0x0], $0xffff  }
0x98: {  	v9 =	vld [tilespmem:$0x1110];
	_ =	sdelay $0x1  }
0x99: {  	v10 =	vadd.s32 s20, v10;
	_ =	sdelay $0x2  }
0x9a: {  	v8 =	vadd.s32 v8, v9;
	v9 =	vld [tilespmem:$0xE90]  }
0x9b: {  	[tilespmem:$0x13A5] =	vst v8  }
0x9c: {  	v8 =	vld.idx.msk [tilespmem:v10+s3+$0x0], $0xffff  }
0x9d: {  	v10 =	vld [tilespmem:$0x1120];
	_ =	sdelay $0x1  }
0x9e: {  	v9 =	vadd.s32 s20, v9;
	_ =	sdelay $0x2  }
0x9f: {  	v8 =	vadd.s32 v8, v10;
	v10 =	vld [tilespmem:$0xEA0]  }
0xa0: {  	[tilespmem:$0x13B5] =	vst v8  }
0xa1: {  	v8 =	vld.idx.msk [tilespmem:v9+s3+$0x0], $0xffff  }
0xa2: {  	v9 =	vld [tilespmem:$0x1130];
	_ =	sdelay $0x1  }
0xa3: {  	v10 =	vadd.s32 s20, v10;
	_ =	sdelay $0x2  }
0xa4: {  	v8 =	vadd.s32 v8, v9;
	v9 =	vld [tilespmem:$0xEB0]  }
0xa5: {  	[tilespmem:$0x13C5] =	vst v8  }
0xa6: {  	v8 =	vld.idx.msk [tilespmem:v10+s3+$0x0], $0xffff  }
0xa7: {  	v10 =	vld [tilespmem:$0x1140];
	_ =	sdelay $0x1  }
0xa8: {  	v9 =	vadd.s32 s20, v9;
	_ =	sdelay $0x2  }
0xa9: {  	v8 =	vadd.s32 v8, v10;
	v10 =	vld [tilespmem:$0xEC0]  }
0xaa: {  	[tilespmem:$0x13D5] =	vst v8  }
0xab: {  	v8 =	vld.idx.msk [tilespmem:v9+s3+$0x0], $0xffff  }
0xac: {  	v9 =	vld [tilespmem:$0x1150];
	_ =	sdelay $0x1  }
0xad: {  	v10 =	vadd.s32 s20, v10;
	_ =	sdelay $0x2  }
0xae: {  	v8 =	vadd.s32 v8, v9;
	v9 =	vld [tilespmem:$0xED0]  }
0xaf: {  	[tilespmem:$0x13E5] =	vst v8  }
0xb0: {  	v8 =	vld.idx.msk [tilespmem:v10+s3+$0x0], $0xffff  }
0xb1: {  	v10 =	vld [tilespmem:$0x1160];
	_ =	sdelay $0x1  }
0xb2: {  	v9 =	vadd.s32 s20, v9;
	_ =	sdelay $0x2  }
0xb3: {  	v8 =	vadd.s32 v8, v10;
	v10 =	vld [tilespmem:$0xEE0]  }
0xb4: {  	[tilespmem:$0x13F5] =	vst v8  }
0xb5: {  	v8 =	vld.idx.msk [tilespmem:v9+s3+$0x0], $0xffff  }
0xb6: {  	v9 =	vld [tilespmem:$0x1170];
	_ =	sdelay $0x1  }
0xb7: {  	v10 =	vadd.s32 s20, v10;
	_ =	sdelay $0x2  }
0xb8: {  	v8 =	vadd.s32 v8, v9;
	v9 =	vld [tilespmem:$0xEF0]  }
0xb9: {  	[tilespmem:$0x1405] =	vst v8  }
0xba: {  	v8 =	vld.idx.msk [tilespmem:v10+s3+$0x0], $0xffff  }
0xbb: {  	v10 =	vld [tilespmem:$0x1180];
	_ =	sdelay $0x1  }
0xbc: {  	v9 =	vadd.s32 s20, v9;
	_ =	sdelay $0x2  }
0xbd: {  	v8 =	vadd.s32 v8, v10;
	v10 =	vld [tilespmem:$0xF00]  }
0xbe: {  	[tilespmem:$0x1415] =	vst v8  }
0xbf: {  	v8 =	vld.idx.msk [tilespmem:v9+s3+$0x0], $0xffff  }
0xc0: {  	v9 =	vld [tilespmem:$0x1190];
	_ =	sdelay $0x1  }
0xc1: {  	v10 =	vadd.s32 s20, v10;
	_ =	sdelay $0x2  }
0xc2: {  	v8 =	vadd.s32 v8, v9;
	v9 =	vld [tilespmem:$0xF10]  }
0xc3: {  	[tilespmem:$0x1425] =	vst v8  }
0xc4: {  	v8 =	vld.idx.msk [tilespmem:v10+s3+$0x0], $0xffff  }
0xc5: {  	v10 =	vld [tilespmem:$0x11A0];
	_ =	sdelay $0x1  }
0xc6: {  	v9 =	vadd.s32 s20, v9;
	_ =	sdelay $0x2  }
0xc7: {  	v8 =	vadd.s32 v8, v10;
	v10 =	vld [tilespmem:$0xF20]  }
0xc8: {  	[tilespmem:$0x1435] =	vst v8  }
0xc9: {  	v8 =	vld.idx.msk [tilespmem:v9+s3+$0x0], $0xffff  }
0xca: {  	v9 =	vld [tilespmem:$0x11B0];
	_ =	sdelay $0x1  }
0xcb: {  	v10 =	vadd.s32 s20, v10;
	_ =	sdelay $0x2  }
0xcc: {  	v8 =	vadd.s32 v8, v9;
	v9 =	vld [tilespmem:$0xF30]  }
0xcd: {  	[tilespmem:$0x1445] =	vst v8  }
0xce: {  	v8 =	vld.idx.msk [tilespmem:v10+s3+$0x0], $0xffff  }
0xcf: {  	v10 =	vld [tilespmem:$0x11C0];
	_ =	sdelay $0x1  }
0xd0: {  	v9 =	vadd.s32 s20, v9;
	_ =	sdelay $0x2  }
0xd1: {  	v8 =	vadd.s32 v8, v10;
	v10 =	vld [tilespmem:$0xF40]  }
0xd2: {  	[tilespmem:$0x1455] =	vst v8  }
0xd3: {  	v8 =	vld.idx.msk [tilespmem:v9+s3+$0x0], $0xffff  }
0xd4: {  	v9 =	vld [tilespmem:$0x11D0];
	_ =	sdelay $0x1  }
0xd5: {  	v10 =	vadd.s32 s20, v10;
	_ =	sdelay $0x2  }
0xd6: {  	v8 =	vadd.s32 v8, v9;
	v9 =	vld [tilespmem:$0xF50]  }
0xd7: {  	[tilespmem:$0x1465] =	vst v8  }
0xd8: {  	v8 =	vld.idx.msk [tilespmem:v10+s3+$0x0], $0xffff  }
0xd9: {  	v10 =	vld [tilespmem:$0x11E0];
	_ =	sdelay $0x1  }
0xda: {  	v9 =	vadd.s32 s20, v9;
	_ =	sdelay $0x2  }
0xdb: {  	v8 =	vadd.s32 v8, v10;
	v10 =	vld [tilespmem:$0xF60]  }
0xdc: {  	[tilespmem:$0x1475] =	vst v8  }
0xdd: {  	v8 =	vld.idx.msk [tilespmem:v9+s3+$0x0], $0xffff  }
0xde: {  	v9 =	vld [tilespmem:$0x11F0];
	_ =	sdelay $0x1  }
0xdf: {  	v10 =	vadd.s32 s20, v10;
	_ =	sdelay $0x2  }
0xe0: {  	v8 =	vadd.s32 v8, v9;
	v9 =	vld [tilespmem:$0xF70]  }
0xe1: {  	[tilespmem:$0x1485] =	vst v8  }
0xe2: {  	v8 =	vld.idx.msk [tilespmem:v10+s3+$0x0], $0xffff  }
0xe3: {  	v10 =	vld [tilespmem:$0x1200];
	_ =	sdelay $0x1  }
0xe4: {  	v9 =	vadd.s32 s20, v9;
	_ =	sdelay $0x2  }
0xe5: {  	v8 =	vadd.s32 v8, v10;
	v10 =	vld [tilespmem:$0xF80]  }
0xe6: {  	[tilespmem:$0x1495] =	vst v8  }
0xe7: {  	v8 =	vld.idx.msk [tilespmem:v9+s3+$0x0], $0xffff  }
0xe8: {  	v9 =	vld [tilespmem:$0x1210];
	_ =	sdelay $0x1  }
0xe9: {  	v10 =	vadd.s32 s20, v10;
	_ =	sdelay $0x2  }
0xea: {  	v8 =	vadd.s32 v8, v9;
	v9 =	vld [tilespmem:$0xF90]  }
0xeb: {  	[tilespmem:$0x14A5] =	vst v8  }
0xec: {  	v8 =	vld.idx.msk [tilespmem:v10+s3+$0x0], $0xffff  }
0xed: {  	v10 =	vld [tilespmem:$0x1220];
	_ =	sdelay $0x1  }
0xee: {  	v9 =	vadd.s32 s20, v9;
	_ =	sdelay $0x2  }
0xef: {  	v8 =	vadd.s32 v8, v10;
	v10 =	vld [tilespmem:$0xD00]  }
0xf0: {  	[tilespmem:$0x14B5] =	vst v8  }
0xf1: {  	v8 =	vld.idx.msk [tilespmem:v9+s3+$0x0], $0xffff  }
0xf2: {  	v9 =	vld [tilespmem:$0x1230]  }
0xf3: {  	s21 =	sadd.s32 $0x1A, s20  }
0xf4: {  	v10 =	vadd.s32 s21, v10;
	_ =	sdelay $0x2  }
0xf5: {  	v8 =	vadd.s32 v8, v9;
	v9 =	vld [tilespmem:$0xD10]  }
0xf6: {  	[tilespmem:$0x14BA] =	vst v8  }
0xf7: {  	v8 =	vld.idx.msk [tilespmem:v10+s3+$0x0], $0xffff  }
0xf8: {  	v10 =	vld [tilespmem:$0xFA0];
	_ =	sdelay $0x1  }
0xf9: {  	v9 =	vadd.s32 s21, v9;
	_ =	sdelay $0x2  }
0xfa: {  	v8 =	vadd.s32 v8, v10;
	v10 =	vld [tilespmem:$0xD20]  }
0xfb: {  	[tilespmem:$0x14D0] =	vst v8  }
0xfc: {  	v8 =	vld.idx.msk [tilespmem:v9+s3+$0x0], $0xffff  }
0xfd: {  	v9 =	vld [tilespmem:$0xFB0];
	_ =	sdelay $0x1  }
0xfe: {  	v10 =	vadd.s32 s21, v10;
	_ =	sdelay $0x2  }
0xff: {  	v8 =	vadd.s32 v8, v9;
	v9 =	vld [tilespmem:$0xD30]  }
0x100: {  	[tilespmem:$0x14E0] =	vst v8  }
0x101: {  	v8 =	vld.idx.msk [tilespmem:v10+s3+$0x0], $0xffff  }
0x102: {  	v10 =	vld [tilespmem:$0xFC0];
	_ =	sdelay $0x1  }
0x103: {  	v9 =	vadd.s32 s21, v9;
	_ =	sdelay $0x2  }
0x104: {  	v8 =	vadd.s32 v8, v10;
	v10 =	vld [tilespmem:$0xD40]  }
0x105: {  	[tilespmem:$0x14F0] =	vst v8  }
0x106: {  	v8 =	vld.idx.msk [tilespmem:v9+s3+$0x0], $0xffff  }
0x107: {  	v9 =	vld [tilespmem:$0xFD0];
	_ =	sdelay $0x1  }
0x108: {  	v10 =	vadd.s32 s21, v10;
	_ =	sdelay $0x2  }
0x109: {  	v8 =	vadd.s32 v8, v9;
	v9 =	vld [tilespmem:$0xD50]  }
0x10a: {  	[tilespmem:$0x1500] =	vst v8  }
0x10b: {  	v8 =	vld.idx.msk [tilespmem:v10+s3+$0x0], $0xffff  }
0x10c: {  	v10 =	vld [tilespmem:$0xFE0];
	_ =	sdelay $0x1  }
0x10d: {  	v9 =	vadd.s32 s21, v9;
	_ =	sdelay $0x2  }
0x10e: {  	v8 =	vadd.s32 v8, v10;
	v10 =	vld [tilespmem:$0xD60]  }
0x10f: {  	[tilespmem:$0x1510] =	vst v8  }
0x110: {  	v8 =	vld.idx.msk [tilespmem:v9+s3+$0x0], $0xffff  }
0x111: {  	v9 =	vld [tilespmem:$0xFF0];
	_ =	sdelay $0x1  }
0x112: {  	v10 =	vadd.s32 s21, v10;
	_ =	sdelay $0x2  }
0x113: {  	v8 =	vadd.s32 v8, v9;
	v9 =	vld [tilespmem:$0xD70]  }
0x114: {  	[tilespmem:$0x1520] =	vst v8  }
0x115: {  	v8 =	vld.idx.msk [tilespmem:v10+s3+$0x0], $0xffff  }
0x116: {  	v10 =	vld [tilespmem:$0x1000];
	_ =	sdelay $0x1  }
0x117: {  	v9 =	vadd.s32 s21, v9;
	_ =	sdelay $0x2  }
0x118: {  	v8 =	vadd.s32 v8, v10;
	v10 =	vld [tilespmem:$0xD80]  }
0x119: {  	[tilespmem:$0x1530] =	vst v8  }
0x11a: {  	v8 =	vld.idx.msk [tilespmem:v9+s3+$0x0], $0xffff  }
0x11b: {  	v9 =	vld [tilespmem:$0x1010];
	_ =	sdelay $0x1  }
0x11c: {  	v10 =	vadd.s32 s21, v10;
	_ =	sdelay $0x2  }
0x11d: {  	v8 =	vadd.s32 v8, v9;
	v9 =	vld [tilespmem:$0xD90]  }
0x11e: {  	[tilespmem:$0x1540] =	vst v8  }
0x11f: {  	v8 =	vld.idx.msk [tilespmem:v10+s3+$0x0], $0xffff  }
0x120: {  	v10 =	vld [tilespmem:$0x1020];
	_ =	sdelay $0x1  }
0x121: {  	v9 =	vadd.s32 s21, v9;
	_ =	sdelay $0x2  }
0x122: {  	v8 =	vadd.s32 v8, v10;
	v10 =	vld [tilespmem:$0xDA0]  }
0x123: {  	[tilespmem:$0x1550] =	vst v8  }
0x124: {  	v8 =	vld.idx.msk [tilespmem:v9+s3+$0x0], $0xffff  }
0x125: {  	v9 =	vld [tilespmem:$0x1030];
	_ =	sdelay $0x1  }
0x126: {  	v10 =	vadd.s32 s21, v10;
	_ =	sdelay $0x2  }
0x127: {  	v8 =	vadd.s32 v8, v9;
	v9 =	vld [tilespmem:$0xDB0]  }
0x128: {  	[tilespmem:$0x1560] =	vst v8  }
0x129: {  	v8 =	vld.idx.msk [tilespmem:v10+s3+$0x0], $0xffff  }
0x12a: {  	v10 =	vld [tilespmem:$0x1040];
	_ =	sdelay $0x1  }
0x12b: {  	v9 =	vadd.s32 s21, v9;
	_ =	sdelay $0x2  }
0x12c: {  	v8 =	vadd.s32 v8, v10;
	v10 =	vld [tilespmem:$0xDC0]  }
0x12d: {  	[tilespmem:$0x1570] =	vst v8  }
0x12e: {  	v8 =	vld.idx.msk [tilespmem:v9+s3+$0x0], $0xffff  }
0x12f: {  	v9 =	vld [tilespmem:$0x1050];
	_ =	sdelay $0x1  }
0x130: {  	v10 =	vadd.s32 s21, v10;
	_ =	sdelay $0x2  }
0x131: {  	v8 =	vadd.s32 v8, v9  }
0x132: {  	v9 =	vld [tilespmem:$0x1060];
	[tilespmem:$0x1580] =	vst v8  }
0x133: {  	v8 =	vld.idx.msk [tilespmem:v10+s3+$0x0], $0xffff;
	_ =	sdelay $0x4  }
0x134: {  	v8 =	vadd.s32 v8, v9  }
0x135: {  	[tilespmem:$0x1590] =	vst v8  }
0x136: {  	v8 =	vld [tilespmem:$0xDD0];
	_ =	sdelay $0x4  }
0x137: {  	v8 =	vadd.s32 s21, v8;
	_ =	sdelay $0x1  }
0x138: {  	v9 =	vld [tilespmem:$0xDE0];
	_ =	sdelay $0x1  }
0x139: {  	v10 =	vld [tilespmem:$0x1070]  }
0x13a: {  	v8 =	vld.idx.msk [tilespmem:v8+s3+$0x0], $0xffff;
	_ =	sdelay $0x1  }
0x13b: {  	v9 =	vadd.s32 s21, v9;
	_ =	sdelay $0x2  }
0x13c: {  	v8 =	vadd.s32 v8, v10;
	v10 =	vld [tilespmem:$0xDF0]  }
0x13d: {  	[tilespmem:$0x15A0] =	vst v8  }
0x13e: {  	v8 =	vld.idx.msk [tilespmem:v9+s3+$0x0], $0xffff  }
0x13f: {  	v9 =	vld [tilespmem:$0x1080];
	_ =	sdelay $0x1  }
0x140: {  	v10 =	vadd.s32 s21, v10;
	_ =	sdelay $0x2  }
0x141: {  	v8 =	vadd.s32 v8, v9;
	v9 =	vld [tilespmem:$0xE00]  }
0x142: {  	[tilespmem:$0x15B0] =	vst v8  }
0x143: {  	v8 =	vld.idx.msk [tilespmem:v10+s3+$0x0], $0xffff  }
0x144: {  	v10 =	vld [tilespmem:$0x1090];
	_ =	sdelay $0x1  }
0x145: {  	v9 =	vadd.s32 s21, v9;
	_ =	sdelay $0x2  }
0x146: {  	v8 =	vadd.s32 v8, v10;
	v10 =	vld [tilespmem:$0xE10]  }
0x147: {  	[tilespmem:$0x15C0] =	vst v8  }
0x148: {  	v8 =	vld.idx.msk [tilespmem:v9+s3+$0x0], $0xffff  }
0x149: {  	v9 =	vld [tilespmem:$0x10A0];
	_ =	sdelay $0x1  }
0x14a: {  	v10 =	vadd.s32 s21, v10;
	_ =	sdelay $0x2  }
0x14b: {  	v8 =	vadd.s32 v8, v9;
	v9 =	vld [tilespmem:$0xE20]  }
0x14c: {  	[tilespmem:$0x15D0] =	vst v8  }
0x14d: {  	v8 =	vld.idx.msk [tilespmem:v10+s3+$0x0], $0xffff  }
0x14e: {  	v10 =	vld [tilespmem:$0x10B0];
	_ =	sdelay $0x1  }
0x14f: {  	v9 =	vadd.s32 s21, v9;
	_ =	sdelay $0x2  }
0x150: {  	v8 =	vadd.s32 v8, v10;
	v10 =	vld [tilespmem:$0xE30]  }
0x151: {  	[tilespmem:$0x15E0] =	vst v8  }
0x152: {  	v8 =	vld.idx.msk [tilespmem:v9+s3+$0x0], $0xffff  }
0x153: {  	v9 =	vld [tilespmem:$0x10C0];
	_ =	sdelay $0x1  }
0x154: {  	v10 =	vadd.s32 s21, v10;
	_ =	sdelay $0x2  }
0x155: {  	v8 =	vadd.s32 v8, v9;
	v9 =	vld [tilespmem:$0xE40]  }
0x156: {  	[tilespmem:$0x15F0] =	vst v8  }
0x157: {  	v8 =	vld.idx.msk [tilespmem:v10+s3+$0x0], $0xffff  }
0x158: {  	v10 =	vld [tilespmem:$0x10D0];
	_ =	sdelay $0x1  }
0x159: {  	v9 =	vadd.s32 s21, v9;
	_ =	sdelay $0x2  }
0x15a: {  	v8 =	vadd.s32 v8, v10;
	v10 =	vld [tilespmem:$0xE50]  }
0x15b: {  	[tilespmem:$0x1600] =	vst v8  }
0x15c: {  	v8 =	vld.idx.msk [tilespmem:v9+s3+$0x0], $0xffff  }
0x15d: {  	v9 =	vld [tilespmem:$0x10E0];
	_ =	sdelay $0x1  }
0x15e: {  	v10 =	vadd.s32 s21, v10;
	_ =	sdelay $0x2  }
0x15f: {  	v8 =	vadd.s32 v8, v9;
	v9 =	vld [tilespmem:$0xE60]  }
0x160: {  	[tilespmem:$0x1605] =	vst v8  }
0x161: {  	v8 =	vld.idx.msk [tilespmem:v10+s3+$0x0], $0xffff  }
0x162: {  	v10 =	vld [tilespmem:$0x10F0];
	_ =	sdelay $0x1  }
0x163: {  	v9 =	vadd.s32 s21, v9;
	_ =	sdelay $0x2  }
0x164: {  	v8 =	vadd.s32 v8, v10;
	v10 =	vld [tilespmem:$0xE70]  }
0x165: {  	[tilespmem:$0x1615] =	vst v8  }
0x166: {  	v8 =	vld.idx.msk [tilespmem:v9+s3+$0x0], $0xffff  }
0x167: {  	v9 =	vld [tilespmem:$0x1100];
	_ =	sdelay $0x1  }
0x168: {  	v10 =	vadd.s32 s21, v10;
	_ =	sdelay $0x2  }
0x169: {  	v8 =	vadd.s32 v8, v9;
	v9 =	vld [tilespmem:$0xE80]  }
0x16a: {  	[tilespmem:$0x1625] =	vst v8  }
0x16b: {  	v8 =	vld.idx.msk [tilespmem:v10+s3+$0x0], $0xffff  }
0x16c: {  	v10 =	vld [tilespmem:$0x1110];
	_ =	sdelay $0x1  }
0x16d: {  	v9 =	vadd.s32 s21, v9;
	_ =	sdelay $0x2  }
0x16e: {  	v8 =	vadd.s32 v8, v10;
	v10 =	vld [tilespmem:$0xE90]  }
0x16f: {  	[tilespmem:$0x1635] =	vst v8  }
0x170: {  	v8 =	vld.idx.msk [tilespmem:v9+s3+$0x0], $0xffff  }
0x171: {  	v9 =	vld [tilespmem:$0x1120];
	_ =	sdelay $0x1  }
0x172: {  	v10 =	vadd.s32 s21, v10;
	_ =	sdelay $0x2  }
0x173: {  	v8 =	vadd.s32 v8, v9;
	v9 =	vld [tilespmem:$0xEA0]  }
0x174: {  	[tilespmem:$0x1645] =	vst v8  }
0x175: {  	v8 =	vld.idx.msk [tilespmem:v10+s3+$0x0], $0xffff  }
0x176: {  	v10 =	vld [tilespmem:$0x1130];
	_ =	sdelay $0x1  }
0x177: {  	v9 =	vadd.s32 s21, v9;
	_ =	sdelay $0x2  }
0x178: {  	v8 =	vadd.s32 v8, v10;
	v10 =	vld [tilespmem:$0xEB0]  }
0x179: {  	[tilespmem:$0x1655] =	vst v8  }
0x17a: {  	v8 =	vld.idx.msk [tilespmem:v9+s3+$0x0], $0xffff  }
0x17b: {  	v9 =	vld [tilespmem:$0x1140];
	_ =	sdelay $0x1  }
0x17c: {  	v10 =	vadd.s32 s21, v10;
	_ =	sdelay $0x2  }
0x17d: {  	v8 =	vadd.s32 v8, v9;
	v9 =	vld [tilespmem:$0xEC0]  }
0x17e: {  	[tilespmem:$0x1665] =	vst v8  }
0x17f: {  	v8 =	vld.idx.msk [tilespmem:v10+s3+$0x0], $0xffff  }
0x180: {  	v10 =	vld [tilespmem:$0x1150];
	_ =	sdelay $0x1  }
0x181: {  	v9 =	vadd.s32 s21, v9;
	_ =	sdelay $0x2  }
0x182: {  	v8 =	vadd.s32 v8, v10;
	v10 =	vld [tilespmem:$0xED0]  }
0x183: {  	[tilespmem:$0x1675] =	vst v8  }
0x184: {  	v8 =	vld.idx.msk [tilespmem:v9+s3+$0x0], $0xffff  }
0x185: {  	v9 =	vld [tilespmem:$0x1160];
	_ =	sdelay $0x1  }
0x186: {  	v10 =	vadd.s32 s21, v10;
	_ =	sdelay $0x2  }
0x187: {  	v8 =	vadd.s32 v8, v9;
	v9 =	vld [tilespmem:$0xEE0]  }
0x188: {  	[tilespmem:$0x1685] =	vst v8  }
0x189: {  	v8 =	vld.idx.msk [tilespmem:v10+s3+$0x0], $0xffff  }
0x18a: {  	v10 =	vld [tilespmem:$0x1170];
	_ =	sdelay $0x1  }
0x18b: {  	v9 =	vadd.s32 s21, v9;
	_ =	sdelay $0x2  }
0x18c: {  	v8 =	vadd.s32 v8, v10;
	v10 =	vld [tilespmem:$0xEF0]  }
0x18d: {  	[tilespmem:$0x1695] =	vst v8  }
0x18e: {  	v8 =	vld.idx.msk [tilespmem:v9+s3+$0x0], $0xffff  }
0x18f: {  	v9 =	vld [tilespmem:$0x1180];
	_ =	sdelay $0x1  }
0x190: {  	v10 =	vadd.s32 s21, v10;
	_ =	sdelay $0x2  }
0x191: {  	v8 =	vadd.s32 v8, v9;
	v9 =	vld [tilespmem:$0xF00]  }
0x192: {  	[tilespmem:$0x16A5] =	vst v8  }
0x193: {  	v8 =	vld.idx.msk [tilespmem:v10+s3+$0x0], $0xffff  }
0x194: {  	v10 =	vld [tilespmem:$0x1190];
	_ =	sdelay $0x1  }
0x195: {  	v9 =	vadd.s32 s21, v9;
	_ =	sdelay $0x2  }
0x196: {  	v8 =	vadd.s32 v8, v10;
	v10 =	vld [tilespmem:$0xF10]  }
0x197: {  	[tilespmem:$0x16B5] =	vst v8  }
0x198: {  	v8 =	vld.idx.msk [tilespmem:v9+s3+$0x0], $0xffff  }
0x199: {  	v9 =	vld [tilespmem:$0x11A0];
	_ =	sdelay $0x1  }
0x19a: {  	v10 =	vadd.s32 s21, v10;
	_ =	sdelay $0x2  }
0x19b: {  	v8 =	vadd.s32 v8, v9;
	v9 =	vld [tilespmem:$0xF20]  }
0x19c: {  	[tilespmem:$0x16C5] =	vst v8  }
0x19d: {  	v8 =	vld.idx.msk [tilespmem:v10+s3+$0x0], $0xffff  }
0x19e: {  	v10 =	vld [tilespmem:$0x11B0];
	_ =	sdelay $0x1  }
0x19f: {  	v9 =	vadd.s32 s21, v9;
	_ =	sdelay $0x2  }
0x1a0: {  	v8 =	vadd.s32 v8, v10;
	v10 =	vld [tilespmem:$0xF30]  }
0x1a1: {  	[tilespmem:$0x16D5] =	vst v8  }
0x1a2: {  	v8 =	vld.idx.msk [tilespmem:v9+s3+$0x0], $0xffff  }
0x1a3: {  	v9 =	vld [tilespmem:$0x11C0];
	_ =	sdelay $0x1  }
0x1a4: {  	v10 =	vadd.s32 s21, v10;
	_ =	sdelay $0x2  }
0x1a5: {  	v8 =	vadd.s32 v8, v9;
	v9 =	vld [tilespmem:$0xF40]  }
0x1a6: {  	[tilespmem:$0x16E5] =	vst v8  }
0x1a7: {  	v8 =	vld.idx.msk [tilespmem:v10+s3+$0x0], $0xffff  }
0x1a8: {  	v10 =	vld [tilespmem:$0x11D0];
	_ =	sdelay $0x1  }
0x1a9: {  	v9 =	vadd.s32 s21, v9;
	_ =	sdelay $0x2  }
0x1aa: {  	v8 =	vadd.s32 v8, v10;
	v10 =	vld [tilespmem:$0xF50]  }
0x1ab: {  	[tilespmem:$0x16F5] =	vst v8  }
0x1ac: {  	v8 =	vld.idx.msk [tilespmem:v9+s3+$0x0], $0xffff  }
0x1ad: {  	v9 =	vld [tilespmem:$0x11E0];
	_ =	sdelay $0x1  }
0x1ae: {  	v10 =	vadd.s32 s21, v10;
	_ =	sdelay $0x2  }
0x1af: {  	v8 =	vadd.s32 v8, v9;
	v9 =	vld [tilespmem:$0xF60]  }
0x1b0: {  	[tilespmem:$0x1705] =	vst v8  }
0x1b1: {  	v8 =	vld.idx.msk [tilespmem:v10+s3+$0x0], $0xffff  }
0x1b2: {  	v10 =	vld [tilespmem:$0x11F0];
	_ =	sdelay $0x1  }
0x1b3: {  	v9 =	vadd.s32 s21, v9;
	_ =	sdelay $0x2  }
0x1b4: {  	v8 =	vadd.s32 v8, v10;
	v10 =	vld [tilespmem:$0xF70]  }
0x1b5: {  	[tilespmem:$0x1715] =	vst v8  }
0x1b6: {  	v8 =	vld.idx.msk [tilespmem:v9+s3+$0x0], $0xffff  }
0x1b7: {  	v9 =	vld [tilespmem:$0x1200];
	_ =	sdelay $0x1  }
0x1b8: {  	v10 =	vadd.s32 s21, v10;
	_ =	sdelay $0x2  }
0x1b9: {  	v8 =	vadd.s32 v8, v9;
	v9 =	vld [tilespmem:$0xF80]  }
0x1ba: {  	[tilespmem:$0x1725] =	vst v8  }
0x1bb: {  	v8 =	vld.idx.msk [tilespmem:v10+s3+$0x0], $0xffff  }
0x1bc: {  	v10 =	vld [tilespmem:$0x1210];
	_ =	sdelay $0x1  }
0x1bd: {  	v9 =	vadd.s32 s21, v9;
	_ =	sdelay $0x2  }
0x1be: {  	v8 =	vadd.s32 v8, v10;
	v10 =	vld [tilespmem:$0xF90]  }
0x1bf: {  	[tilespmem:$0x1735] =	vst v8  }
0x1c0: {  	v8 =	vld.idx.msk [tilespmem:v9+s3+$0x0], $0xffff  }
0x1c1: {  	v9 =	vld [tilespmem:$0x1220];
	_ =	sdelay $0x1  }
0x1c2: {  	v10 =	vadd.s32 s21, v10;
	_ =	sdelay $0x2  }
0x1c3: {  	v8 =	vadd.s32 v8, v9;
	v9 =	vld [tilespmem:$0xD00]  }
0x1c4: {  	[tilespmem:$0x1745] =	vst v8  }
0x1c5: {  	v8 =	vld.idx.msk [tilespmem:v10+s3+$0x0], $0xffff  }
0x1c6: {  	v10 =	vld [tilespmem:$0x1230]  }
0x1c7: {  	s22 =	sadd.s32 $0x34, s20  }
0x1c8: {  	v9 =	vadd.s32 s22, v9;
	_ =	sdelay $0x2  }
0x1c9: {  	v8 =	vadd.s32 v8, v10;
	v10 =	vld [tilespmem:$0xD10]  }
0x1ca: {  	[tilespmem:$0x174A] =	vst v8  }
0x1cb: {  	v8 =	vld.idx.msk [tilespmem:v9+s3+$0x0], $0xffff  }
0x1cc: {  	v9 =	vld [tilespmem:$0xFA0];
	_ =	sdelay $0x1  }
0x1cd: {  	v10 =	vadd.s32 s22, v10;
	_ =	sdelay $0x2  }
0x1ce: {  	v8 =	vadd.s32 v8, v9;
	v9 =	vld [tilespmem:$0xD20]  }
0x1cf: {  	[tilespmem:$0x1760] =	vst v8  }
0x1d0: {  	v8 =	vld.idx.msk [tilespmem:v10+s3+$0x0], $0xffff  }
0x1d1: {  	v10 =	vld [tilespmem:$0xFB0];
	_ =	sdelay $0x1  }
0x1d2: {  	v9 =	vadd.s32 s22, v9;
	_ =	sdelay $0x2  }
0x1d3: {  	v8 =	vadd.s32 v8, v10;
	v10 =	vld [tilespmem:$0xD30]  }
0x1d4: {  	[tilespmem:$0x1770] =	vst v8  }
0x1d5: {  	v8 =	vld.idx.msk [tilespmem:v9+s3+$0x0], $0xffff  }
0x1d6: {  	v9 =	vld [tilespmem:$0xFC0];
	_ =	sdelay $0x1  }
0x1d7: {  	v10 =	vadd.s32 s22, v10;
	_ =	sdelay $0x2  }
0x1d8: {  	v8 =	vadd.s32 v8, v9;
	v9 =	vld [tilespmem:$0xD40]  }
0x1d9: {  	[tilespmem:$0x1780] =	vst v8  }
0x1da: {  	v8 =	vld.idx.msk [tilespmem:v10+s3+$0x0], $0xffff  }
0x1db: {  	v10 =	vld [tilespmem:$0xFD0];
	_ =	sdelay $0x1  }
0x1dc: {  	v9 =	vadd.s32 s22, v9;
	_ =	sdelay $0x2  }
0x1dd: {  	v8 =	vadd.s32 v8, v10;
	v10 =	vld [tilespmem:$0xD50]  }
0x1de: {  	[tilespmem:$0x1790] =	vst v8  }
0x1df: {  	v8 =	vld.idx.msk [tilespmem:v9+s3+$0x0], $0xffff  }
0x1e0: {  	v9 =	vld [tilespmem:$0xFE0];
	_ =	sdelay $0x1  }
0x1e1: {  	v10 =	vadd.s32 s22, v10;
	_ =	sdelay $0x2  }
0x1e2: {  	v8 =	vadd.s32 v8, v9;
	v9 =	vld [tilespmem:$0xD60]  }
0x1e3: {  	[tilespmem:$0x17A0] =	vst v8  }
0x1e4: {  	v8 =	vld.idx.msk [tilespmem:v10+s3+$0x0], $0xffff  }
0x1e5: {  	v10 =	vld [tilespmem:$0xFF0];
	_ =	sdelay $0x1  }
0x1e6: {  	v9 =	vadd.s32 s22, v9;
	_ =	sdelay $0x2  }
0x1e7: {  	v8 =	vadd.s32 v8, v10;
	v10 =	vld [tilespmem:$0xD70]  }
0x1e8: {  	[tilespmem:$0x17B0] =	vst v8  }
0x1e9: {  	v8 =	vld.idx.msk [tilespmem:v9+s3+$0x0], $0xffff  }
0x1ea: {  	v9 =	vld [tilespmem:$0x1000];
	_ =	sdelay $0x1  }
0x1eb: {  	v10 =	vadd.s32 s22, v10;
	_ =	sdelay $0x2  }
0x1ec: {  	v8 =	vadd.s32 v8, v9;
	v9 =	vld [tilespmem:$0xD80]  }
0x1ed: {  	[tilespmem:$0x17C0] =	vst v8  }
0x1ee: {  	v8 =	vld.idx.msk [tilespmem:v10+s3+$0x0], $0xffff  }
0x1ef: {  	v10 =	vld [tilespmem:$0x1010];
	_ =	sdelay $0x1  }
0x1f0: {  	v9 =	vadd.s32 s22, v9;
	_ =	sdelay $0x2  }
0x1f1: {  	v8 =	vadd.s32 v8, v10;
	v10 =	vld [tilespmem:$0xD90]  }
0x1f2: {  	[tilespmem:$0x17D0] =	vst v8  }
0x1f3: {  	v8 =	vld.idx.msk [tilespmem:v9+s3+$0x0], $0xffff  }
0x1f4: {  	v9 =	vld [tilespmem:$0x1020];
	_ =	sdelay $0x1  }
0x1f5: {  	v10 =	vadd.s32 s22, v10;
	_ =	sdelay $0x2  }
0x1f6: {  	v8 =	vadd.s32 v8, v9;
	v9 =	vld [tilespmem:$0xDA0]  }
0x1f7: {  	[tilespmem:$0x17E0] =	vst v8  }
0x1f8: {  	v8 =	vld.idx.msk [tilespmem:v10+s3+$0x0], $0xffff  }
0x1f9: {  	v10 =	vld [tilespmem:$0x1030];
	_ =	sdelay $0x1  }
0x1fa: {  	v9 =	vadd.s32 s22, v9;
	_ =	sdelay $0x2  }
0x1fb: {  	v8 =	vadd.s32 v8, v10;
	v10 =	vld [tilespmem:$0xDB0]  }
0x1fc: {  	[tilespmem:$0x17F0] =	vst v8  }
0x1fd: {  	v8 =	vld.idx.msk [tilespmem:v9+s3+$0x0], $0xffff  }
0x1fe: {  	v9 =	vld [tilespmem:$0x1040];
	_ =	sdelay $0x1  }
0x1ff: {  	v10 =	vadd.s32 s22, v10;
	_ =	sdelay $0x2  }
0x200: {  	v8 =	vadd.s32 v8, v9;
	v9 =	vld [tilespmem:$0xDC0]  }
0x201: {  	[tilespmem:$0x1800] =	vst v8  }
0x202: {  	v8 =	vld.idx.msk [tilespmem:v10+s3+$0x0], $0xffff  }
0x203: {  	v10 =	vld [tilespmem:$0x1050];
	_ =	sdelay $0x1  }
0x204: {  	v9 =	vadd.s32 s22, v9;
	_ =	sdelay $0x2  }
0x205: {  	v8 =	vadd.s32 v8, v10;
	v10 =	vld [tilespmem:$0xDD0]  }
0x206: {  	[tilespmem:$0x1810] =	vst v8  }
0x207: {  	v8 =	vld.idx.msk [tilespmem:v9+s3+$0x0], $0xffff  }
0x208: {  	v9 =	vld [tilespmem:$0x1060];
	_ =	sdelay $0x1  }
0x209: {  	v10 =	vadd.s32 s22, v10;
	_ =	sdelay $0x2  }
0x20a: {  	v8 =	vadd.s32 v8, v9;
	v9 =	vld [tilespmem:$0xDE0]  }
0x20b: {  	[tilespmem:$0x1820] =	vst v8  }
0x20c: {  	v8 =	vld.idx.msk [tilespmem:v10+s3+$0x0], $0xffff  }
0x20d: {  	v10 =	vld [tilespmem:$0x1070];
	_ =	sdelay $0x1  }
0x20e: {  	v9 =	vadd.s32 s22, v9;
	_ =	sdelay $0x2  }
0x20f: {  	v8 =	vadd.s32 v8, v10;
	v10 =	vld [tilespmem:$0xDF0]  }
0x210: {  	[tilespmem:$0x1830] =	vst v8  }
0x211: {  	v8 =	vld.idx.msk [tilespmem:v9+s3+$0x0], $0xffff  }
0x212: {  	v9 =	vld [tilespmem:$0x1080];
	_ =	sdelay $0x1  }
0x213: {  	v10 =	vadd.s32 s22, v10;
	_ =	sdelay $0x2  }
0x214: {  	v8 =	vadd.s32 v8, v9;
	v9 =	vld [tilespmem:$0xE00]  }
0x215: {  	[tilespmem:$0x1840] =	vst v8  }
0x216: {  	v8 =	vld.idx.msk [tilespmem:v10+s3+$0x0], $0xffff  }
0x217: {  	v10 =	vld [tilespmem:$0x1090];
	_ =	sdelay $0x1  }
0x218: {  	v9 =	vadd.s32 s22, v9;
	_ =	sdelay $0x2  }
0x219: {  	v8 =	vadd.s32 v8, v10;
	v10 =	vld [tilespmem:$0xE10]  }
0x21a: {  	[tilespmem:$0x1850] =	vst v8  }
0x21b: {  	v8 =	vld.idx.msk [tilespmem:v9+s3+$0x0], $0xffff  }
0x21c: {  	v9 =	vld [tilespmem:$0x10A0];
	_ =	sdelay $0x1  }
0x21d: {  	v10 =	vadd.s32 s22, v10;
	_ =	sdelay $0x2  }
0x21e: {  	v8 =	vadd.s32 v8, v9;
	v9 =	vld [tilespmem:$0xE20]  }
0x21f: {  	[tilespmem:$0x1860] =	vst v8  }
0x220: {  	v8 =	vld.idx.msk [tilespmem:v10+s3+$0x0], $0xffff  }
0x221: {  	v10 =	vld [tilespmem:$0x10B0];
	_ =	sdelay $0x1  }
0x222: {  	v9 =	vadd.s32 s22, v9;
	_ =	sdelay $0x2  }
0x223: {  	v8 =	vadd.s32 v8, v10;
	v10 =	vld [tilespmem:$0xE30]  }
0x224: {  	[tilespmem:$0x1870] =	vst v8  }
0x225: {  	v8 =	vld.idx.msk [tilespmem:v9+s3+$0x0], $0xffff  }
0x226: {  	v9 =	vld [tilespmem:$0x10C0];
	_ =	sdelay $0x1  }
0x227: {  	v10 =	vadd.s32 s22, v10;
	_ =	sdelay $0x2  }
0x228: {  	v8 =	vadd.s32 v8, v9;
	v9 =	vld [tilespmem:$0xE40]  }
0x229: {  	[tilespmem:$0x1880] =	vst v8  }
0x22a: {  	v8 =	vld.idx.msk [tilespmem:v10+s3+$0x0], $0xffff  }
0x22b: {  	v10 =	vld [tilespmem:$0x10D0];
	_ =	sdelay $0x1  }
0x22c: {  	v9 =	vadd.s32 s22, v9;
	_ =	sdelay $0x2  }
0x22d: {  	v8 =	vadd.s32 v8, v10;
	v10 =	vld [tilespmem:$0xE50]  }
0x22e: {  	[tilespmem:$0x1890] =	vst v8  }
0x22f: {  	v8 =	vld.idx.msk [tilespmem:v9+s3+$0x0], $0xffff  }
0x230: {  	v9 =	vld [tilespmem:$0x10E0];
	_ =	sdelay $0x1  }
0x231: {  	v10 =	vadd.s32 s22, v10;
	_ =	sdelay $0x2  }
0x232: {  	v8 =	vadd.s32 v8, v9;
	v9 =	vld [tilespmem:$0xE60]  }
0x233: {  	[tilespmem:$0x1895] =	vst v8  }
0x234: {  	v8 =	vld.idx.msk [tilespmem:v10+s3+$0x0], $0xffff  }
0x235: {  	v10 =	vld [tilespmem:$0x10F0];
	_ =	sdelay $0x1  }
0x236: {  	v9 =	vadd.s32 s22, v9;
	_ =	sdelay $0x2  }
0x237: {  	v8 =	vadd.s32 v8, v10;
	v10 =	vld [tilespmem:$0xE70]  }
0x238: {  	[tilespmem:$0x18A5] =	vst v8  }
0x239: {  	v8 =	vld.idx.msk [tilespmem:v9+s3+$0x0], $0xffff  }
0x23a: {  	v9 =	vld [tilespmem:$0x1100];
	_ =	sdelay $0x1  }
0x23b: {  	v10 =	vadd.s32 s22, v10;
	_ =	sdelay $0x2  }
0x23c: {  	v8 =	vadd.s32 v8, v9;
	v9 =	vld [tilespmem:$0xE80]  }
0x23d: {  	[tilespmem:$0x18B5] =	vst v8  }
0x23e: {  	v8 =	vld.idx.msk [tilespmem:v10+s3+$0x0], $0xffff  }
0x23f: {  	v10 =	vld [tilespmem:$0x1110];
	_ =	sdelay $0x1  }
0x240: {  	v9 =	vadd.s32 s22, v9;
	_ =	sdelay $0x2  }
0x241: {  	v8 =	vadd.s32 v8, v10;
	v10 =	vld [tilespmem:$0xE90]  }
0x242: {  	[tilespmem:$0x18C5] =	vst v8  }
0x243: {  	v8 =	vld.idx.msk [tilespmem:v9+s3+$0x0], $0xffff  }
0x244: {  	v9 =	vld [tilespmem:$0x1120];
	_ =	sdelay $0x1  }
0x245: {  	v10 =	vadd.s32 s22, v10;
	_ =	sdelay $0x2  }
0x246: {  	v8 =	vadd.s32 v8, v9;
	v9 =	vld [tilespmem:$0xEA0]  }
0x247: {  	[tilespmem:$0x18D5] =	vst v8  }
0x248: {  	v8 =	vld.idx.msk [tilespmem:v10+s3+$0x0], $0xffff  }
0x249: {  	v10 =	vld [tilespmem:$0x1130];
	_ =	sdelay $0x1  }
0x24a: {  	v9 =	vadd.s32 s22, v9;
	_ =	sdelay $0x2  }
0x24b: {  	v8 =	vadd.s32 v8, v10;
	v10 =	vld [tilespmem:$0xEB0]  }
0x24c: {  	[tilespmem:$0x18E5] =	vst v8  }
0x24d: {  	v8 =	vld.idx.msk [tilespmem:v9+s3+$0x0], $0xffff  }
0x24e: {  	v9 =	vld [tilespmem:$0x1140];
	_ =	sdelay $0x1  }
0x24f: {  	v10 =	vadd.s32 s22, v10;
	_ =	sdelay $0x2  }
0x250: {  	v8 =	vadd.s32 v8, v9;
	v9 =	vld [tilespmem:$0xEC0]  }
0x251: {  	[tilespmem:$0x18F5] =	vst v8  }
0x252: {  	v8 =	vld.idx.msk [tilespmem:v10+s3+$0x0], $0xffff  }
0x253: {  	v10 =	vld [tilespmem:$0x1150];
	_ =	sdelay $0x1  }
0x254: {  	v9 =	vadd.s32 s22, v9;
	_ =	sdelay $0x2  }
0x255: {  	v8 =	vadd.s32 v8, v10;
	v10 =	vld [tilespmem:$0xED0]  }
0x256: {  	[tilespmem:$0x1905] =	vst v8  }
0x257: {  	v8 =	vld.idx.msk [tilespmem:v9+s3+$0x0], $0xffff  }
0x258: {  	v9 =	vld [tilespmem:$0x1160];
	_ =	sdelay $0x1  }
0x259: {  	v10 =	vadd.s32 s22, v10;
	_ =	sdelay $0x2  }
0x25a: {  	v8 =	vadd.s32 v8, v9;
	v9 =	vld [tilespmem:$0xEE0]  }
0x25b: {  	[tilespmem:$0x1915] =	vst v8  }
0x25c: {  	v8 =	vld.idx.msk [tilespmem:v10+s3+$0x0], $0xffff  }
0x25d: {  	v10 =	vld [tilespmem:$0x1170];
	_ =	sdelay $0x1  }
0x25e: {  	v9 =	vadd.s32 s22, v9;
	_ =	sdelay $0x2  }
0x25f: {  	v8 =	vadd.s32 v8, v10;
	v10 =	vld [tilespmem:$0xEF0]  }
0x260: {  	[tilespmem:$0x1925] =	vst v8  }
0x261: {  	v8 =	vld.idx.msk [tilespmem:v9+s3+$0x0], $0xffff  }
0x262: {  	v9 =	vld [tilespmem:$0x1180];
	_ =	sdelay $0x1  }
0x263: {  	v10 =	vadd.s32 s22, v10;
	_ =	sdelay $0x2  }
0x264: {  	v8 =	vadd.s32 v8, v9;
	v9 =	vld [tilespmem:$0xF00]  }
0x265: {  	[tilespmem:$0x1935] =	vst v8  }
0x266: {  	v8 =	vld.idx.msk [tilespmem:v10+s3+$0x0], $0xffff  }
0x267: {  	v10 =	vld [tilespmem:$0x1190];
	_ =	sdelay $0x1  }
0x268: {  	v9 =	vadd.s32 s22, v9;
	_ =	sdelay $0x2  }
0x269: {  	v8 =	vadd.s32 v8, v10;
	v10 =	vld [tilespmem:$0xF10]  }
0x26a: {  	[tilespmem:$0x1945] =	vst v8  }
0x26b: {  	v8 =	vld.idx.msk [tilespmem:v9+s3+$0x0], $0xffff  }
0x26c: {  	v9 =	vld [tilespmem:$0x11A0];
	_ =	sdelay $0x1  }
0x26d: {  	v10 =	vadd.s32 s22, v10;
	_ =	sdelay $0x2  }
0x26e: {  	v8 =	vadd.s32 v8, v9;
	v9 =	vld [tilespmem:$0xF20]  }
0x26f: {  	[tilespmem:$0x1955] =	vst v8  }
0x270: {  	v8 =	vld.idx.msk [tilespmem:v10+s3+$0x0], $0xffff  }
0x271: {  	v10 =	vld [tilespmem:$0x11B0];
	_ =	sdelay $0x1  }
0x272: {  	v9 =	vadd.s32 s22, v9;
	_ =	sdelay $0x2  }
0x273: {  	v8 =	vadd.s32 v8, v10;
	v10 =	vld [tilespmem:$0xF30]  }
0x274: {  	[tilespmem:$0x1965] =	vst v8  }
0x275: {  	v8 =	vld.idx.msk [tilespmem:v9+s3+$0x0], $0xffff  }
0x276: {  	v9 =	vld [tilespmem:$0x11C0];
	_ =	sdelay $0x1  }
0x277: {  	v10 =	vadd.s32 s22, v10;
	_ =	sdelay $0x2  }
0x278: {  	v8 =	vadd.s32 v8, v9;
	v9 =	vld [tilespmem:$0xF40]  }
0x279: {  	[tilespmem:$0x1975] =	vst v8  }
0x27a: {  	v8 =	vld.idx.msk [tilespmem:v10+s3+$0x0], $0xffff  }
0x27b: {  	v10 =	vld [tilespmem:$0x11D0];
	_ =	sdelay $0x1  }
0x27c: {  	v9 =	vadd.s32 s22, v9;
	_ =	sdelay $0x2  }
0x27d: {  	v8 =	vadd.s32 v8, v10;
	v10 =	vld [tilespmem:$0xF50]  }
0x27e: {  	[tilespmem:$0x1985] =	vst v8  }
0x27f: {  	v8 =	vld.idx.msk [tilespmem:v9+s3+$0x0], $0xffff  }
0x280: {  	v9 =	vld [tilespmem:$0x11E0];
	_ =	sdelay $0x1  }
0x281: {  	v10 =	vadd.s32 s22, v10;
	_ =	sdelay $0x2  }
0x282: {  	v8 =	vadd.s32 v8, v9;
	v9 =	vld [tilespmem:$0xF60]  }
0x283: {  	[tilespmem:$0x1995] =	vst v8  }
0x284: {  	v8 =	vld.idx.msk [tilespmem:v10+s3+$0x0], $0xffff  }
0x285: {  	v10 =	vld [tilespmem:$0x11F0];
	_ =	sdelay $0x1  }
0x286: {  	v9 =	vadd.s32 s22, v9;
	_ =	sdelay $0x2  }
0x287: {  	v8 =	vadd.s32 v8, v10;
	v10 =	vld [tilespmem:$0xF70]  }
0x288: {  	[tilespmem:$0x19A5] =	vst v8  }
0x289: {  	v8 =	vld.idx.msk [tilespmem:v9+s3+$0x0], $0xffff  }
0x28a: {  	v9 =	vld [tilespmem:$0x1200];
	_ =	sdelay $0x1  }
0x28b: {  	v10 =	vadd.s32 s22, v10;
	_ =	sdelay $0x2  }
0x28c: {  	v8 =	vadd.s32 v8, v9;
	v9 =	vld [tilespmem:$0xF80]  }
0x28d: {  	[tilespmem:$0x19B5] =	vst v8  }
0x28e: {  	v8 =	vld.idx.msk [tilespmem:v10+s3+$0x0], $0xffff  }
0x28f: {  	v10 =	vld [tilespmem:$0x1210];
	_ =	sdelay $0x1  }
0x290: {  	v9 =	vadd.s32 s22, v9;
	_ =	sdelay $0x2  }
0x291: {  	v8 =	vadd.s32 v8, v10;
	v10 =	vld [tilespmem:$0xF90]  }
0x292: {  	[tilespmem:$0x19C5] =	vst v8  }
0x293: {  	v8 =	vld.idx.msk [tilespmem:v9+s3+$0x0], $0xffff  }
0x294: {  	v9 =	vld [tilespmem:$0x1220];
	_ =	sdelay $0x1  }
0x295: {  	v10 =	vadd.s32 s22, v10;
	_ =	sdelay $0x2  }
0x296: {  	v8 =	vadd.s32 v8, v9;
	v9 =	vld [tilespmem:$0xD00]  }
0x297: {  	[tilespmem:$0x19D5] =	vst v8  }
0x298: {  	v8 =	vld.idx.msk [tilespmem:v10+s3+$0x0], $0xffff  }
0x299: {  	v10 =	vld [tilespmem:$0x1230]  }
0x29a: {  	s20 =	sadd.s32 $0x4E, s20  }
0x29b: {  	v9 =	vadd.s32 s20, v9;
	_ =	sdelay $0x2  }
0x29c: {  	v8 =	vadd.s32 v8, v10;
	v10 =	vld [tilespmem:$0xD10]  }
0x29d: {  	[tilespmem:$0x19DA] =	vst v8  }
0x29e: {  	v8 =	vld.idx.msk [tilespmem:v9+s3+$0x0], $0xffff  }
0x29f: {  	v9 =	vld [tilespmem:$0xFA0];
	_ =	sdelay $0x1  }
0x2a0: {  	v10 =	vadd.s32 s20, v10;
	_ =	sdelay $0x2  }
0x2a1: {  	v8 =	vadd.s32 v8, v9;
	v9 =	vld [tilespmem:$0xD20]  }
0x2a2: {  	[tilespmem:$0x19F0] =	vst v8  }
0x2a3: {  	v8 =	vld.idx.msk [tilespmem:v10+s3+$0x0], $0xffff  }
0x2a4: {  	v10 =	vld [tilespmem:$0xFB0];
	_ =	sdelay $0x1  }
0x2a5: {  	v9 =	vadd.s32 s20, v9;
	_ =	sdelay $0x2  }
0x2a6: {  	v8 =	vadd.s32 v8, v10;
	v10 =	vld [tilespmem:$0xD30]  }
0x2a7: {  	[tilespmem:$0x1A00] =	vst v8  }
0x2a8: {  	v8 =	vld.idx.msk [tilespmem:v9+s3+$0x0], $0xffff  }
0x2a9: {  	v9 =	vld [tilespmem:$0xFC0];
	_ =	sdelay $0x1  }
0x2aa: {  	v10 =	vadd.s32 s20, v10;
	_ =	sdelay $0x2  }
0x2ab: {  	v8 =	vadd.s32 v8, v9;
	v9 =	vld [tilespmem:$0xD40]  }
0x2ac: {  	[tilespmem:$0x1A10] =	vst v8  }
0x2ad: {  	v8 =	vld.idx.msk [tilespmem:v10+s3+$0x0], $0xffff  }
0x2ae: {  	v10 =	vld [tilespmem:$0xFD0];
	_ =	sdelay $0x1  }
0x2af: {  	v9 =	vadd.s32 s20, v9;
	_ =	sdelay $0x2  }
0x2b0: {  	v8 =	vadd.s32 v8, v10;
	v10 =	vld [tilespmem:$0xD50]  }
0x2b1: {  	[tilespmem:$0x1A20] =	vst v8  }
0x2b2: {  	v8 =	vld.idx.msk [tilespmem:v9+s3+$0x0], $0xffff  }
0x2b3: {  	v9 =	vld [tilespmem:$0xFE0];
	_ =	sdelay $0x1  }
0x2b4: {  	v10 =	vadd.s32 s20, v10;
	_ =	sdelay $0x2  }
0x2b5: {  	v8 =	vadd.s32 v8, v9;
	v9 =	vld [tilespmem:$0xD60]  }
0x2b6: {  	[tilespmem:$0x1A30] =	vst v8  }
0x2b7: {  	v8 =	vld.idx.msk [tilespmem:v10+s3+$0x0], $0xffff  }
0x2b8: {  	v10 =	vld [tilespmem:$0xFF0];
	_ =	sdelay $0x1  }
0x2b9: {  	v9 =	vadd.s32 s20, v9;
	_ =	sdelay $0x2  }
0x2ba: {  	v8 =	vadd.s32 v8, v10;
	v10 =	vld [tilespmem:$0xD70]  }
0x2bb: {  	[tilespmem:$0x1A40] =	vst v8  }
0x2bc: {  	v8 =	vld.idx.msk [tilespmem:v9+s3+$0x0], $0xffff  }
0x2bd: {  	v9 =	vld [tilespmem:$0x1000];
	_ =	sdelay $0x1  }
0x2be: {  	v10 =	vadd.s32 s20, v10;
	_ =	sdelay $0x2  }
0x2bf: {  	v8 =	vadd.s32 v8, v9;
	v9 =	vld [tilespmem:$0xD80]  }
0x2c0: {  	[tilespmem:$0x1A50] =	vst v8  }
0x2c1: {  	v8 =	vld.idx.msk [tilespmem:v10+s3+$0x0], $0xffff  }
0x2c2: {  	v10 =	vld [tilespmem:$0x1010];
	_ =	sdelay $0x1  }
0x2c3: {  	v9 =	vadd.s32 s20, v9;
	_ =	sdelay $0x2  }
0x2c4: {  	v8 =	vadd.s32 v8, v10;
	v10 =	vld [tilespmem:$0xD90]  }
0x2c5: {  	[tilespmem:$0x1A60] =	vst v8  }
0x2c6: {  	v8 =	vld.idx.msk [tilespmem:v9+s3+$0x0], $0xffff  }
0x2c7: {  	v9 =	vld [tilespmem:$0x1020];
	_ =	sdelay $0x1  }
0x2c8: {  	v10 =	vadd.s32 s20, v10;
	_ =	sdelay $0x2  }
0x2c9: {  	v8 =	vadd.s32 v8, v9;
	v9 =	vld [tilespmem:$0xDA0]  }
0x2ca: {  	[tilespmem:$0x1A70] =	vst v8  }
0x2cb: {  	v8 =	vld.idx.msk [tilespmem:v10+s3+$0x0], $0xffff  }
0x2cc: {  	v10 =	vld [tilespmem:$0x1030];
	_ =	sdelay $0x1  }
0x2cd: {  	v9 =	vadd.s32 s20, v9;
	_ =	sdelay $0x2  }
0x2ce: {  	v8 =	vadd.s32 v8, v10;
	v10 =	vld [tilespmem:$0xDB0]  }
0x2cf: {  	[tilespmem:$0x1A80] =	vst v8  }
0x2d0: {  	v8 =	vld.idx.msk [tilespmem:v9+s3+$0x0], $0xffff  }
0x2d1: {  	v9 =	vld [tilespmem:$0x1040];
	_ =	sdelay $0x1  }
0x2d2: {  	v10 =	vadd.s32 s20, v10;
	_ =	sdelay $0x2  }
0x2d3: {  	v8 =	vadd.s32 v8, v9;
	v9 =	vld [tilespmem:$0xDC0]  }
0x2d4: {  	[tilespmem:$0x1A90] =	vst v8  }
0x2d5: {  	v8 =	vld.idx.msk [tilespmem:v10+s3+$0x0], $0xffff  }
0x2d6: {  	v10 =	vld [tilespmem:$0x1050];
	_ =	sdelay $0x1  }
0x2d7: {  	v9 =	vadd.s32 s20, v9;
	_ =	sdelay $0x2  }
0x2d8: {  	v8 =	vadd.s32 v8, v10;
	v10 =	vld [tilespmem:$0xDD0]  }
0x2d9: {  	[tilespmem:$0x1AA0] =	vst v8  }
0x2da: {  	v8 =	vld.idx.msk [tilespmem:v9+s3+$0x0], $0xffff  }
0x2db: {  	v9 =	vld [tilespmem:$0x1060];
	_ =	sdelay $0x1  }
0x2dc: {  	v10 =	vadd.s32 s20, v10;
	_ =	sdelay $0x2  }
0x2dd: {  	v8 =	vadd.s32 v8, v9;
	v9 =	vld [tilespmem:$0xDE0]  }
0x2de: {  	[tilespmem:$0x1AB0] =	vst v8  }
0x2df: {  	v8 =	vld.idx.msk [tilespmem:v10+s3+$0x0], $0xffff  }
0x2e0: {  	v10 =	vld [tilespmem:$0x1070];
	_ =	sdelay $0x1  }
0x2e1: {  	v9 =	vadd.s32 s20, v9;
	_ =	sdelay $0x2  }
0x2e2: {  	v8 =	vadd.s32 v8, v10;
	v10 =	vld [tilespmem:$0xDF0]  }
0x2e3: {  	[tilespmem:$0x1AC0] =	vst v8  }
0x2e4: {  	v8 =	vld.idx.msk [tilespmem:v9+s3+$0x0], $0xffff  }
0x2e5: {  	v9 =	vld [tilespmem:$0x1080];
	_ =	sdelay $0x1  }
0x2e6: {  	v10 =	vadd.s32 s20, v10;
	_ =	sdelay $0x2  }
0x2e7: {  	v8 =	vadd.s32 v8, v9;
	v9 =	vld [tilespmem:$0xE00]  }
0x2e8: {  	[tilespmem:$0x1AD0] =	vst v8  }
0x2e9: {  	v8 =	vld.idx.msk [tilespmem:v10+s3+$0x0], $0xffff  }
0x2ea: {  	v10 =	vld [tilespmem:$0x1090];
	_ =	sdelay $0x1  }
0x2eb: {  	v9 =	vadd.s32 s20, v9;
	_ =	sdelay $0x2  }
0x2ec: {  	v8 =	vadd.s32 v8, v10;
	v10 =	vld [tilespmem:$0xE10]  }
0x2ed: {  	[tilespmem:$0x1AE0] =	vst v8  }
0x2ee: {  	v8 =	vld.idx.msk [tilespmem:v9+s3+$0x0], $0xffff  }
0x2ef: {  	v9 =	vld [tilespmem:$0x10A0];
	_ =	sdelay $0x1  }
0x2f0: {  	v10 =	vadd.s32 s20, v10;
	_ =	sdelay $0x2  }
0x2f1: {  	v8 =	vadd.s32 v8, v9;
	v9 =	vld [tilespmem:$0xE20]  }
0x2f2: {  	[tilespmem:$0x1AF0] =	vst v8  }
0x2f3: {  	v8 =	vld.idx.msk [tilespmem:v10+s3+$0x0], $0xffff  }
0x2f4: {  	v10 =	vld [tilespmem:$0x10B0];
	_ =	sdelay $0x1  }
0x2f5: {  	v9 =	vadd.s32 s20, v9;
	_ =	sdelay $0x2  }
0x2f6: {  	v8 =	vadd.s32 v8, v10;
	v10 =	vld [tilespmem:$0xE30]  }
0x2f7: {  	[tilespmem:$0x1B00] =	vst v8  }
0x2f8: {  	v8 =	vld.idx.msk [tilespmem:v9+s3+$0x0], $0xffff  }
0x2f9: {  	v9 =	vld [tilespmem:$0x10C0];
	_ =	sdelay $0x1  }
0x2fa: {  	v10 =	vadd.s32 s20, v10;
	_ =	sdelay $0x2  }
0x2fb: {  	v8 =	vadd.s32 v8, v9;
	v9 =	vld [tilespmem:$0xE40]  }
0x2fc: {  	[tilespmem:$0x1B10] =	vst v8  }
0x2fd: {  	v8 =	vld.idx.msk [tilespmem:v10+s3+$0x0], $0xffff  }
0x2fe: {  	v10 =	vld [tilespmem:$0x10D0];
	_ =	sdelay $0x1  }
0x2ff: {  	v9 =	vadd.s32 s20, v9;
	_ =	sdelay $0x2  }
0x300: {  	v8 =	vadd.s32 v8, v10;
	v10 =	vld [tilespmem:$0xE50]  }
0x301: {  	[tilespmem:$0x1B20] =	vst v8  }
0x302: {  	v8 =	vld.idx.msk [tilespmem:v9+s3+$0x0], $0xffff  }
0x303: {  	v9 =	vld [tilespmem:$0x10E0];
	_ =	sdelay $0x1  }
0x304: {  	v10 =	vadd.s32 s20, v10;
	_ =	sdelay $0x2  }
0x305: {  	v8 =	vadd.s32 v8, v9;
	v9 =	vld [tilespmem:$0xE60]  }
0x306: {  	[tilespmem:$0x1B25] =	vst v8  }
0x307: {  	v8 =	vld.idx.msk [tilespmem:v10+s3+$0x0], $0xffff  }
0x308: {  	v10 =	vld [tilespmem:$0x10F0];
	_ =	sdelay $0x1  }
0x309: {  	v9 =	vadd.s32 s20, v9;
	_ =	sdelay $0x2  }
0x30a: {  	v8 =	vadd.s32 v8, v10;
	v10 =	vld [tilespmem:$0xE70]  }
0x30b: {  	[tilespmem:$0x1B35] =	vst v8  }
0x30c: {  	v8 =	vld.idx.msk [tilespmem:v9+s3+$0x0], $0xffff  }
0x30d: {  	v9 =	vld [tilespmem:$0x1100];
	_ =	sdelay $0x1  }
0x30e: {  	v10 =	vadd.s32 s20, v10;
	_ =	sdelay $0x2  }
0x30f: {  	v8 =	vadd.s32 v8, v9;
	v9 =	vld [tilespmem:$0xE80]  }
0x310: {  	[tilespmem:$0x1B45] =	vst v8  }
0x311: {  	v8 =	vld.idx.msk [tilespmem:v10+s3+$0x0], $0xffff  }
0x312: {  	v10 =	vld [tilespmem:$0x1110];
	_ =	sdelay $0x1  }
0x313: {  	v9 =	vadd.s32 s20, v9;
	_ =	sdelay $0x2  }
0x314: {  	v8 =	vadd.s32 v8, v10;
	v10 =	vld [tilespmem:$0xE90]  }
0x315: {  	[tilespmem:$0x1B55] =	vst v8  }
0x316: {  	v8 =	vld.idx.msk [tilespmem:v9+s3+$0x0], $0xffff  }
0x317: {  	v9 =	vld [tilespmem:$0x1120];
	_ =	sdelay $0x1  }
0x318: {  	v10 =	vadd.s32 s20, v10;
	_ =	sdelay $0x2  }
0x319: {  	v8 =	vadd.s32 v8, v9;
	v9 =	vld [tilespmem:$0xEA0]  }
0x31a: {  	[tilespmem:$0x1B65] =	vst v8  }
0x31b: {  	v8 =	vld.idx.msk [tilespmem:v10+s3+$0x0], $0xffff  }
0x31c: {  	v10 =	vld [tilespmem:$0x1130];
	_ =	sdelay $0x1  }
0x31d: {  	v9 =	vadd.s32 s20, v9;
	_ =	sdelay $0x2  }
0x31e: {  	v8 =	vadd.s32 v8, v10;
	v10 =	vld [tilespmem:$0xEB0]  }
0x31f: {  	[tilespmem:$0x1B75] =	vst v8  }
0x320: {  	v8 =	vld.idx.msk [tilespmem:v9+s3+$0x0], $0xffff  }
0x321: {  	v9 =	vld [tilespmem:$0x1140];
	_ =	sdelay $0x1  }
0x322: {  	v10 =	vadd.s32 s20, v10;
	_ =	sdelay $0x2  }
0x323: {  	v8 =	vadd.s32 v8, v9;
	v9 =	vld [tilespmem:$0xEC0]  }
0x324: {  	[tilespmem:$0x1B85] =	vst v8  }
0x325: {  	v8 =	vld.idx.msk [tilespmem:v10+s3+$0x0], $0xffff  }
0x326: {  	v10 =	vld [tilespmem:$0x1150];
	_ =	sdelay $0x1  }
0x327: {  	v9 =	vadd.s32 s20, v9;
	_ =	sdelay $0x2  }
0x328: {  	v8 =	vadd.s32 v8, v10;
	v10 =	vld [tilespmem:$0xED0]  }
0x329: {  	[tilespmem:$0x1B95] =	vst v8  }
0x32a: {  	v8 =	vld.idx.msk [tilespmem:v9+s3+$0x0], $0xffff  }
0x32b: {  	v9 =	vld [tilespmem:$0x1160];
	_ =	sdelay $0x1  }
0x32c: {  	v10 =	vadd.s32 s20, v10;
	_ =	sdelay $0x2  }
0x32d: {  	v8 =	vadd.s32 v8, v9;
	v9 =	vld [tilespmem:$0xEE0]  }
0x32e: {  	[tilespmem:$0x1BA5] =	vst v8  }
0x32f: {  	v8 =	vld.idx.msk [tilespmem:v10+s3+$0x0], $0xffff  }
0x330: {  	v10 =	vld [tilespmem:$0x1170];
	_ =	sdelay $0x1  }
0x331: {  	v9 =	vadd.s32 s20, v9;
	_ =	sdelay $0x2  }
0x332: {  	v8 =	vadd.s32 v8, v10;
	v10 =	vld [tilespmem:$0xEF0]  }
0x333: {  	[tilespmem:$0x1BB5] =	vst v8  }
0x334: {  	v8 =	vld.idx.msk [tilespmem:v9+s3+$0x0], $0xffff  }
0x335: {  	v9 =	vld [tilespmem:$0x1180];
	_ =	sdelay $0x1  }
0x336: {  	v10 =	vadd.s32 s20, v10;
	_ =	sdelay $0x2  }
0x337: {  	v8 =	vadd.s32 v8, v9;
	v9 =	vld [tilespmem:$0xF00]  }
0x338: {  	[tilespmem:$0x1BC5] =	vst v8  }
0x339: {  	v8 =	vld.idx.msk [tilespmem:v10+s3+$0x0], $0xffff  }
0x33a: {  	v10 =	vld [tilespmem:$0x1190];
	_ =	sdelay $0x1  }
0x33b: {  	v9 =	vadd.s32 s20, v9;
	_ =	sdelay $0x2  }
0x33c: {  	v8 =	vadd.s32 v8, v10;
	v10 =	vld [tilespmem:$0xF10]  }
0x33d: {  	[tilespmem:$0x1BD5] =	vst v8  }
0x33e: {  	v8 =	vld.idx.msk [tilespmem:v9+s3+$0x0], $0xffff  }
0x33f: {  	v9 =	vld [tilespmem:$0x11A0];
	_ =	sdelay $0x1  }
0x340: {  	v10 =	vadd.s32 s20, v10;
	_ =	sdelay $0x2  }
0x341: {  	v8 =	vadd.s32 v8, v9;
	v9 =	vld [tilespmem:$0xF20]  }
0x342: {  	[tilespmem:$0x1BE5] =	vst v8  }
0x343: {  	v8 =	vld.idx.msk [tilespmem:v10+s3+$0x0], $0xffff  }
0x344: {  	v10 =	vld [tilespmem:$0x11B0];
	_ =	sdelay $0x1  }
0x345: {  	v9 =	vadd.s32 s20, v9;
	_ =	sdelay $0x2  }
0x346: {  	v8 =	vadd.s32 v8, v10;
	v10 =	vld [tilespmem:$0xF30]  }
0x347: {  	[tilespmem:$0x1BF5] =	vst v8  }
0x348: {  	v8 =	vld.idx.msk [tilespmem:v9+s3+$0x0], $0xffff  }
0x349: {  	v9 =	vld [tilespmem:$0x11C0];
	_ =	sdelay $0x1  }
0x34a: {  	v10 =	vadd.s32 s20, v10;
	_ =	sdelay $0x2  }
0x34b: {  	v8 =	vadd.s32 v8, v9;
	v9 =	vld [tilespmem:$0xF40]  }
0x34c: {  	[tilespmem:$0x1C05] =	vst v8  }
0x34d: {  	v8 =	vld.idx.msk [tilespmem:v10+s3+$0x0], $0xffff  }
0x34e: {  	v10 =	vld [tilespmem:$0x11D0];
	_ =	sdelay $0x1  }
0x34f: {  	v9 =	vadd.s32 s20, v9;
	_ =	sdelay $0x2  }
0x350: {  	v8 =	vadd.s32 v8, v10;
	v10 =	vld [tilespmem:$0xF50]  }
0x351: {  	[tilespmem:$0x1C15] =	vst v8  }
0x352: {  	v8 =	vld.idx.msk [tilespmem:v9+s3+$0x0], $0xffff  }
0x353: {  	v9 =	vld [tilespmem:$0x11E0];
	_ =	sdelay $0x1  }
0x354: {  	v10 =	vadd.s32 s20, v10;
	_ =	sdelay $0x2  }
0x355: {  	v8 =	vadd.s32 v8, v9;
	v9 =	vld [tilespmem:$0xF60]  }
0x356: {  	[tilespmem:$0x1C25] =	vst v8  }
0x357: {  	v8 =	vld.idx.msk [tilespmem:v10+s3+$0x0], $0xffff  }
0x358: {  	v10 =	vld [tilespmem:$0x11F0];
	_ =	sdelay $0x1  }
0x359: {  	v9 =	vadd.s32 s20, v9;
	_ =	sdelay $0x2  }
0x35a: {  	v8 =	vadd.s32 v8, v10;
	v10 =	vld [tilespmem:$0xF70]  }
0x35b: {  	[tilespmem:$0x1C35] =	vst v8  }
0x35c: {  	v8 =	vld.idx.msk [tilespmem:v9+s3+$0x0], $0xffff  }
0x35d: {  	v9 =	vld [tilespmem:$0x1200];
	_ =	sdelay $0x1  }
0x35e: {  	v10 =	vadd.s32 s20, v10;
	_ =	sdelay $0x2  }
0x35f: {  	v8 =	vadd.s32 v8, v9;
	v9 =	vld [tilespmem:$0xF80]  }
0x360: {  	[tilespmem:$0x1C45] =	vst v8  }
0x361: {  	v8 =	vld.idx.msk [tilespmem:v10+s3+$0x0], $0xffff  }
0x362: {  	v10 =	vld [tilespmem:$0x1210];
	_ =	sdelay $0x1  }
0x363: {  	v9 =	vadd.s32 s20, v9;
	_ =	sdelay $0x2  }
0x364: {  	v8 =	vadd.s32 v8, v10;
	v10 =	vld [tilespmem:$0xF90]  }
0x365: {  	[tilespmem:$0x1C55] =	vst v8  }
0x366: {  	v8 =	vld.idx.msk [tilespmem:v9+s3+$0x0], $0xffff  }
0x367: {  	v9 =	vld [tilespmem:$0x1220];
	_ =	sdelay $0x1  }
0x368: {  	v10 =	vadd.s32 s20, v10;
	_ =	sdelay $0x2  }
0x369: {  	v8 =	vadd.s32 v8, v9  }
0x36a: {  	v9 =	vld [tilespmem:$0x1230];
	[tilespmem:$0x1C65] =	vst v8  }
0x36b: {  	v8 =	vld.idx.msk [tilespmem:v10+s3+$0x0], $0xffff;
	_ =	sdelay $0x4  }
0x36c: {  	v8 =	vadd.s32 v8, v9  }
0x36d: {  	s22 =	simm.s32 $0x1240;
	[tilespmem:$0x1C6A] =	vst v8  }
0x36e: {  	[tilespmem:s15], [sflag:$0x1] =	stream.indirect.gather [hbm4b:s6+s13], $0x10, s22, s13, $0xb8;
	[tilespmem:$0x111C0] =	vst v63  }
0x36f: {  	s21 =	simm.s32 $0x12C0;
	s22 =	simm.s32 $0x2480  }
0x370: {  	[tilespmem:s22], [sflag:$0x1] =	stream.indirect.gather [hbm4b:s6+s13], $0x10, s21, s13, $0xb8;
	[tilespmem:$0x111C0] =	vst v63  }
0x371: {  	s21 =	simm.s32 $0x1340;
	s22 =	simm.s32 $0x2C80  }
0x372: {  	[tilespmem:s22], [sflag:$0x1] =	stream.indirect.gather [hbm4b:s6+s13], $0x10, s21, s13, $0xb8;
	[tilespmem:$0x111C0] =	vst v63  }
0x373: {  	s21 =	simm.s32 $0x13C0;
	s22 =	simm.s32 $0x3480  }
0x374: {  	[tilespmem:s22], [sflag:$0x1] =	stream.indirect.gather [hbm4b:s6+s13], $0x10, s21, s13, $0xb8;
	[tilespmem:$0x111C0] =	vst v63  }
0x375: {  	s21 =	simm.s32 $0x1440;
	s22 =	simm.s32 $0x3C80  }
0x376: {  	[tilespmem:s22], [sflag:$0x1] =	stream.indirect.gather [hbm4b:s6+s13], $0x10, s21, s13, $0xb8;
	[tilespmem:$0x111C0] =	vst v63  }
0x377: {  	s21 =	simm.s32 $0x14C0;
	s22 =	simm.s32 $0x4480  }
0x378: {  	[tilespmem:s22], [sflag:$0x1] =	stream.indirect.gather [hbm4b:s6+s24], $0x10, s21, s24, $0xb8;
	[tilespmem:$0x111C0] =	vst v63  }
0x379: {  	s21 =	simm.s32 $0x14D0;
	s22 =	simm.s32 $0x4580  }
0x37a: {  	[tilespmem:s22], [sflag:$0x2] =	stream.indirect.gather [hbm4b:s6+s13], $0x10, s21, s13, $0xb8;
	[tilespmem:$0x111C0] =	vst v63  }
0x37b: {  	s21 =	simm.s32 $0x1550;
	s22 =	simm.s32 $0x4D80  }
0x37c: {  	[tilespmem:s22], [sflag:$0x2] =	stream.indirect.gather [hbm4b:s6+s13], $0x10, s21, s13, $0xb8;
	[tilespmem:$0x111C0] =	vst v63  }
0x37d: {  	s21 =	simm.s32 $0x15D0;
	s22 =	simm.s32 $0x5580  }
0x37e: {  	[tilespmem:s22], [sflag:$0x2] =	stream.indirect.gather [hbm4b:s6+s13], $0x10, s21, s13, $0xb8;
	[tilespmem:$0x111C0] =	vst v63  }
0x37f: {  	s21 =	simm.s32 $0x1650;
	s22 =	simm.s32 $0x5D80  }
0x380: {  	[tilespmem:s22], [sflag:$0x2] =	stream.indirect.gather [hbm4b:s6+s13], $0x10, s21, s13, $0xb8;
	[tilespmem:$0x111C0] =	vst v63  }
0x381: {  	s21 =	simm.s32 $0x16D0;
	s22 =	simm.s32 $0x6580  }
0x382: {  	[tilespmem:s22], [sflag:$0x2] =	stream.indirect.gather [hbm4b:s6+s13], $0x10, s21, s13, $0xb8;
	[tilespmem:$0x111C0] =	vst v63  }
0x383: {  	s21 =	simm.s32 $0x1750;
	s22 =	simm.s32 $0x6D80  }
0x384: {  	[tilespmem:s22], [sflag:$0x2] =	stream.indirect.gather [hbm4b:s6+s24], $0x10, s21, s24, $0xb8;
	[tilespmem:$0x111C0] =	vst v63  }
0x385: {  	s21 =	simm.s32 $0x1760;
	s22 =	simm.s32 $0x6E80  }
0x386: {  	[tilespmem:s22], [sflag:$0x3] =	stream.indirect.gather [hbm4b:s6+s13], $0x10, s21, s13, $0xb8;
	[tilespmem:$0x111C0] =	vst v63  }
0x387: {  	s21 =	simm.s32 $0x17E0;
	s22 =	simm.s32 $0x7680  }
0x388: {  	[tilespmem:s22], [sflag:$0x3] =	stream.indirect.gather [hbm4b:s6+s13], $0x10, s21, s13, $0xb8;
	[tilespmem:$0x111C0] =	vst v63  }
0x389: {  	s21 =	simm.s32 $0x1860;
	s22 =	simm.s32 $0x7E80  }
0x38a: {  	[tilespmem:s22], [sflag:$0x3] =	stream.indirect.gather [hbm4b:s6+s13], $0x10, s21, s13, $0xb8;
	[tilespmem:$0x111C0] =	vst v63  }
0x38b: {  	s21 =	simm.s32 $0x18E0;
	s22 =	simm.s32 $0x8680  }
0x38c: {  	[tilespmem:s22], [sflag:$0x3] =	stream.indirect.gather [hbm4b:s6+s13], $0x10, s21, s13, $0xb8;
	[tilespmem:$0x111C0] =	vst v63  }
0x38d: {  	s22 =	simm.s32 $0x1960  }
0x38e: {  	[tilespmem:s23], [sflag:$0x3] =	stream.indirect.gather [hbm4b:s6+s13], $0x10, s22, s13, $0xb8;
	[tilespmem:$0x111C0] =	vst v63  }
0x38f: {  	_ = 	snop  }
0x390: {  	[tilespmem:s26], [sflag:$0x3] =	stream.indirect.gather [hbm4b:s6+s24], $0x10, s25, s24, $0xb8;
	[tilespmem:$0x111C0] =	vst v63  }
0x391: {  	_ = 	snop  }
0x392: {  	[tilespmem:s29], [sflag:$0x4] =	stream.indirect.gather [hbm4b:s6+s13], $0x10, s28, s13, $0xb8;
	[tilespmem:$0x111C0] =	vst v63  }
0x393: {  	_ = 	snop  }
0x394: {  	[tilespmem:s31], [sflag:$0x4] =	stream.indirect.gather [hbm4b:s6+s13], $0x10, s30, s13, $0xb8;
	[tilespmem:$0x111C0] =	vst v63  }
0x395: {  	_ = 	snop  }
0x396: {  	[tilespmem:s0], [sflag:$0x4] =	stream.indirect.gather [hbm4b:s6+s13], $0x10, s1, s13, $0xb8;
	[tilespmem:$0x111C0] =	vst v63  }
0x397: {  	_ = 	snop  }
0x398: {  	[tilespmem:s12], [sflag:$0x4] =	stream.indirect.gather [hbm4b:s6+s13], $0x10, s11, s13, $0xb8;
	[tilespmem:$0x111C0] =	vst v63  }
0x399: {  	_ = 	snop  }
0x39a: {  	[tilespmem:s5], [sflag:$0x4] =	stream.indirect.gather [hbm4b:s6+s13], $0x10, s4, s13, $0xb8;
	[tilespmem:$0x111C0] =	vst v63  }
0x39b: {  	_ = 	snop  }
0x39c: {  	[tilespmem:s9], [sflag:$0x4] =	stream.indirect.gather [hbm4b:s6+s24], $0x10, s8, s24, $0xb8;
	[tilespmem:$0x111C0] =	vst v63  }
0x39d: {  	_ =	swait.ge [sflag:s2], $0x800  }
0x39e: {  	[sflag:s2] =	ssyncset.done $0x0  }
0x39f: {  	[sflag:s2] =	ssyncadd.s32 $0xFFFFF800  }
0x3a0: {  	_ =	swait.ge [sflag:s2], $0x800  }
0x3a1: {  	[sflag:s2] =	ssyncset.done $0x0  }
0x3a2: {  	[sflag:s2] =	ssyncadd.s32 $0xFFFFF800  }
0x3a3: {  	_ =	swait.ge [sflag:s2], $0x800  }
0x3a4: {  	[sflag:s2] =	ssyncset.done $0x0  }
0x3a5: {  	[sflag:s2] =	ssyncadd.s32 $0xFFFFF800  }
0x3a6: {  	_ =	swait.ge [sflag:s2], $0x800  }
0x3a7: {  	[sflag:s2] =	ssyncset.done $0x0  }
0x3a8: {  	v8 =	vimm.s32 $0x0;
	[sflag:s2] =	ssyncadd.s32 $0xFFFFF800  }
0x3a9: {  	v9 =	vshll.u32 v8, $0x4;
	_ =	swait.ge [sflag:s2], $0x800  }
0x3aa: {  	v10 =	vor.u32 v0, v9;
	[sflag:s2] =	ssyncset.done $0x0  }
0x3ab: {  	v11 =	vadd.s32 v1, v9;
	[sflag:s2] =	ssyncadd.s32 $0xFFFFF800  }
0x3ac: {  	_ =	swait.ge [sflag:s2], $0xA0  }
0x3ad: {  	[sflag:s2] =	ssyncset.done $0x0  }
0x3ae: {  	[sflag:s2] =	ssyncadd.s32 $0xFFFFFF60  }
0x3af: {  	v10 =	vld.idx.msk [tilespmem:v10+s15+$0x0], $0xffff  }
0x3b0: {  	v11 =	vld.idx.msk [tilespmem:v11+s15+$0x0], $0xffff;
	_ =	sdelay $0x2  }
0x3b1: {  	v12 =	vor.u32 v2, v9  }
0x3b2: {  	v13 =	vadd.s32 v3, v9  }
0x3b3: {  	v10 =	vmul.f32 v11, v10  }
0x3b4: {  	s20 =	simm.s32 $0xC0A0  }
0x3b5: {  	[tilespmem:s20+$0xFFFFFFE0] =	vst v10  }
0x3b6: {  	v10 =	vld.idx.msk [tilespmem:v12+s15+$0x0], $0xffff  }
0x3b7: {  	v11 =	vld.idx.msk [tilespmem:v13+s15+$0x0], $0xffff;
	_ =	sdelay $0x2  }
0x3b8: {  	v61 =	vor.u32 v4, v9  }
0x3b9: {  	v62 =	vadd.s32 v5, v9  }
0x3ba: {  	v10 =	vmul.f32 v11, v10;
	_ =	sdelay $0x1  }
0x3bb: {  	[tilespmem:s20+$0xFFFFFFF0] =	vst v10  }
0x3bc: {  	v10 =	vld.idx.msk [tilespmem:v61+s15+$0x0], $0xffff  }
0x3bd: {  	v11 =	vld.idx.msk [tilespmem:v62+s15+$0x0], $0xffff;
	_ =	sdelay $0x2  }
0x3be: {  	v63 =	vor.u32 v6, v9  }
0x3bf: {  	v9 =	vadd.s32 v7, v9  }
0x3c0: {  	v10 =	vmul.f32 v11, v10;
	_ =	sdelay $0x1  }
0x3c1: {  	[tilespmem:s20+$0x0] =	vst v10  }
0x3c2: {  	v10 =	vld.idx.msk [tilespmem:v63+s15+$0x0], $0xffff  }
0x3c3: {  	v11 =	vld.idx.msk [tilespmem:v9+s15+$0x0], $0xffff  }
0x3c4: {  	v8 =	vadd.s32 $0x4, v8  }
0x3c5: {  	s21 =	simm.s32 $0xC0A0;
	s22 =	simm.s32 $0x4;
	v9 =	vshll.u32 v8, $0x4  }
.LBB2_3:
0x3c6: {  	s22 =	sadd.s32 $0x4, s22;
	v12 =	vor.u32 v0, v9;
	v13 =	vadd.s32 v1, v9;
	s20 =	sadd.s32 $0x40, s20  }
0x3c7: {  	p0 =	slt.u32 s22, $0x140  }
0x3c8: {  	v10 =	vmul.f32 v11, v10;
	_ =	sdelay $0x1  }
0x3c9: {  	[tilespmem:s21+$0x10] =	vst v10;
	s21 =	smov.u32 s20  }
0x3ca: {  	v10 =	vld.idx.msk [tilespmem:v12+s15+$0x0], $0xffff  }
0x3cb: {  	v11 =	vld.idx.msk [tilespmem:v13+s15+$0x0], $0xffff;
	_ =	sdelay $0x3  }
0x3cc: {  	v12 =	vor.u32 v2, v9;
	v13 =	vadd.s32 v3, v9;
	_ =	sdelay $0x1  }
0x3cd: {  	v10 =	vmul.f32 v11, v10;
	_ =	sdelay $0x1  }
0x3ce: {  	[tilespmem:s20+$0xFFFFFFE0] =	vst v10  }
0x3cf: {  	v10 =	vld.idx.msk [tilespmem:v12+s15+$0x0], $0xffff  }
0x3d0: {  	v11 =	vld.idx.msk [tilespmem:v13+s15+$0x0], $0xffff;
	_ =	sdelay $0x3  }
0x3d1: {  	v12 =	vor.u32 v4, v9;
	v13 =	vadd.s32 v5, v9;
	_ =	sdelay $0x1  }
0x3d2: {  	v10 =	vmul.f32 v11, v10;
	_ =	sdelay $0x1  }
0x3d3: {  	[tilespmem:s20+$0xFFFFFFF0] =	vst v10  }
0x3d4: {  	v10 =	vld.idx.msk [tilespmem:v12+s15+$0x0], $0xffff  }
0x3d5: {  	v11 =	vld.idx.msk [tilespmem:v13+s15+$0x0], $0xffff;
	_ =	sdelay $0x3  }
0x3d6: {  	v12 =	vor.u32 v6, v9;
	v9 =	vadd.s32 v7, v9;
	_ =	sdelay $0x1  }
0x3d7: {  	v10 =	vmul.f32 v11, v10;
	_ =	sdelay $0x1  }
0x3d8: {  	[tilespmem:s20+$0x0] =	vst v10  }
.Ltmp0:
0x3d9: {  	v10 =	vld.idx.msk [tilespmem:v12+s15+$0x0], $0xffff;
	(pc) =	sbr.rel @p0 .LBB2_3-.Ltmp0, $3  }
0x3da: {  	v11 =	vld.idx.msk [tilespmem:v9+s15+$0x0], $0xffff;
	_ =	sdelay $0x1  }
0x3db: {  	v8 =	vadd.s32 $0x4, v8  }
0x3dc: {  	v9 =	vshll.u32 v8, $0x4  }
0x3dd: {  	v12 =	vor.u32 v0, v9  }
0x3de: {  	v13 =	vadd.s32 v1, v9  }
0x3df: {  	v10 =	vmul.f32 v11, v10;
	_ =	sdelay $0x1  }
0x3e0: {  	[tilespmem:s21+$0x10] =	vst v10  }
0x3e1: {  	v10 =	vld.idx.msk [tilespmem:v12+s15+$0x0], $0xffff  }
0x3e2: {  	v11 =	vld.idx.msk [tilespmem:v13+s15+$0x0], $0xffff;
	_ =	sdelay $0x2  }
0x3e3: {  	v54 =	vor.u32 v2, v9  }
0x3e4: {  	v55 =	vadd.s32 v3, v9  }
0x3e5: {  	v10 =	vmul.f32 v11, v10  }
0x3e6: {  	s20 =	sadd.s32 $0x40, s20  }
0x3e7: {  	[tilespmem:s20+$0xFFFFFFE0] =	vst v10  }
0x3e8: {  	v10 =	vld.idx.msk [tilespmem:v54+s15+$0x0], $0xffff  }
0x3e9: {  	v11 =	vld.idx.msk [tilespmem:v55+s15+$0x0], $0xffff;
	_ =	sdelay $0x2  }
0x3ea: {  	v56 =	vor.u32 v4, v9  }
0x3eb: {  	v57 =	vadd.s32 v5, v9  }
0x3ec: {  	v10 =	vmul.f32 v11, v10;
	_ =	sdelay $0x1  }
0x3ed: {  	[tilespmem:s20+$0xFFFFFFF0] =	vst v10  }
0x3ee: {  	v10 =	vld.idx.msk [tilespmem:v56+s15+$0x0], $0xffff  }
0x3ef: {  	v11 =	vld.idx.msk [tilespmem:v57+s15+$0x0], $0xffff;
	_ =	sdelay $0x2  }
0x3f0: {  	v58 =	vor.u32 v6, v9  }
0x3f1: {  	v9 =	vadd.s32 v7, v9  }
0x3f2: {  	v10 =	vmul.f32 v11, v10;
	_ =	sdelay $0x1  }
0x3f3: {  	[tilespmem:s20+$0x0] =	vst v10  }
0x3f4: {  	v10 =	vld.idx.msk [tilespmem:v58+s15+$0x0], $0xffff  }
0x3f5: {  	v9 =	vld.idx.msk [tilespmem:v9+s15+$0x0], $0xffff  }
0x3f6: {  	v8 =	vadd.s32 $0x4, v8  }
0x3f7: {  	v8 =	vshll.u32 v8, $0x4  }
0x3f8: {  	v11 =	vor.u32 v0, v8  }
0x3f9: {  	v8 =	vadd.s32 v1, v8  }
0x3fa: {  	v9 =	vmul.f32 v9, v10;
	_ =	sdelay $0x1  }
0x3fb: {  	[tilespmem:s20+$0x10] =	vst v9  }
0x3fc: {  	v9 =	vld.idx.msk [tilespmem:v11+s15+$0x0], $0xffff  }
0x3fd: {  	v8 =	vld.idx.msk [tilespmem:v8+s15+$0x0], $0xffff;
	_ =	sdelay $0x4  }
0x3fe: {  	v8 =	vmul.f32 v8, v9;
	_ =	sdelay $0x1  }
0x3ff: {  	[tilespmem:$0xD4C0] =	vst v8  }
0x400: {  	_ =	swait.ge [sflag:s14], $0x800  }
0x401: {  	[sflag:s14] =	ssyncset.done $0x0  }
0x402: {  	[sflag:s14] =	ssyncadd.s32 $0xFFFFF800  }
0x403: {  	_ =	swait.ge [sflag:s14], $0x800  }
0x404: {  	[sflag:s14] =	ssyncset.done $0x0  }
0x405: {  	[sflag:s14] =	ssyncadd.s32 $0xFFFFF800  }
0x406: {  	_ =	swait.ge [sflag:s14], $0x800  }
0x407: {  	[sflag:s14] =	ssyncset.done $0x0  }
0x408: {  	[sflag:s14] =	ssyncadd.s32 $0xFFFFF800  }
0x409: {  	_ =	swait.ge [sflag:s14], $0x800  }
0x40a: {  	[sflag:s14] =	ssyncset.done $0x0  }
0x40b: {  	v8 =	vimm.s32 $0x290;
	[sflag:s14] =	ssyncadd.s32 $0xFFFFF800  }
0x40c: {  	v9 =	vshll.u32 v8, $0x4;
	_ =	swait.ge [sflag:s14], $0x800  }
0x40d: {  	v10 =	vor.u32 v0, v9;
	[sflag:s14] =	ssyncset.done $0x0  }
0x40e: {  	v11 =	vadd.s32 v1, v9;
	[sflag:s14] =	ssyncadd.s32 $0xFFFFF800  }
0x40f: {  	_ =	swait.ge [sflag:s14], $0xA0  }
0x410: {  	[sflag:s14] =	ssyncset.done $0x0  }
0x411: {  	[sflag:s14] =	ssyncadd.s32 $0xFFFFFF60  }
0x412: {  	v10 =	vld.idx.msk [tilespmem:v10+s15+$0x0], $0xffff  }
0x413: {  	v11 =	vld.idx.msk [tilespmem:v11+s15+$0x0], $0xffff;
	_ =	sdelay $0x2  }
0x414: {  	v59 =	vor.u32 v2, v9  }
0x415: {  	v60 =	vadd.s32 v3, v9  }
0x416: {  	v10 =	vmul.f32 v11, v10  }
0x417: {  	s20 =	simm.s32 $0xD500  }
0x418: {  	[tilespmem:s20+$0xFFFFFFD0] =	vst v10  }
0x419: {  	v10 =	vld.idx.msk [tilespmem:v59+s15+$0x0], $0xffff  }
0x41a: {  	v11 =	vld.idx.msk [tilespmem:v60+s15+$0x0], $0xffff;
	_ =	sdelay $0x2  }
0x41b: {  	v61 =	vor.u32 v4, v9  }
0x41c: {  	v62 =	vadd.s32 v5, v9  }
0x41d: {  	v10 =	vmul.f32 v11, v10;
	_ =	sdelay $0x1  }
0x41e: {  	[tilespmem:s20+$0xFFFFFFE0] =	vst v10  }
0x41f: {  	v10 =	vld.idx.msk [tilespmem:v61+s15+$0x0], $0xffff  }
0x420: {  	v11 =	vld.idx.msk [tilespmem:v62+s15+$0x0], $0xffff;
	_ =	sdelay $0x2  }
0x421: {  	v63 =	vor.u32 v6, v9  }
0x422: {  	v9 =	vadd.s32 v7, v9  }
0x423: {  	v10 =	vmul.f32 v11, v10;
	_ =	sdelay $0x1  }
0x424: {  	[tilespmem:s20+$0xFFFFFFF0] =	vst v10  }
0x425: {  	v10 =	vld.idx.msk [tilespmem:v63+s15+$0x0], $0xffff  }
0x426: {  	v11 =	vld.idx.msk [tilespmem:v9+s15+$0x0], $0xffff  }
0x427: {  	v8 =	vadd.s32 $0x4, v8  }
0x428: {  	s22 =	simm.s32 $0x4;
	s21 =	simm.s32 $0xD500;
	v9 =	vshll.u32 v8, $0x4  }
.LBB2_5:
0x429: {  	s22 =	sadd.s32 $0x4, s22;
	v12 =	vor.u32 v0, v9;
	v13 =	vadd.s32 v1, v9;
	s20 =	sadd.s32 $0x40, s20  }
0x42a: {  	p0 =	slt.u32 s22, $0x140  }
0x42b: {  	v10 =	vmul.f32 v11, v10;
	_ =	sdelay $0x1  }
0x42c: {  	[tilespmem:s21+$0x0] =	vst v10;
	s21 =	smov.u32 s20  }
0x42d: {  	v10 =	vld.idx.msk [tilespmem:v12+s15+$0x0], $0xffff  }
0x42e: {  	v11 =	vld.idx.msk [tilespmem:v13+s15+$0x0], $0xffff;
	_ =	sdelay $0x3  }
0x42f: {  	v12 =	vor.u32 v2, v9;
	v13 =	vadd.s32 v3, v9;
	_ =	sdelay $0x1  }
0x430: {  	v10 =	vmul.f32 v11, v10;
	_ =	sdelay $0x1  }
0x431: {  	[tilespmem:s20+$0xFFFFFFD0] =	vst v10  }
0x432: {  	v10 =	vld.idx.msk [tilespmem:v12+s15+$0x0], $0xffff  }
0x433: {  	v11 =	vld.idx.msk [tilespmem:v13+s15+$0x0], $0xffff;
	_ =	sdelay $0x3  }
0x434: {  	v12 =	vor.u32 v4, v9;
	v13 =	vadd.s32 v5, v9;
	_ =	sdelay $0x1  }
0x435: {  	v10 =	vmul.f32 v11, v10;
	_ =	sdelay $0x1  }
0x436: {  	[tilespmem:s20+$0xFFFFFFE0] =	vst v10  }
0x437: {  	v10 =	vld.idx.msk [tilespmem:v12+s15+$0x0], $0xffff  }
0x438: {  	v11 =	vld.idx.msk [tilespmem:v13+s15+$0x0], $0xffff;
	_ =	sdelay $0x3  }
0x439: {  	v12 =	vor.u32 v6, v9;
	v9 =	vadd.s32 v7, v9;
	_ =	sdelay $0x1  }
0x43a: {  	v10 =	vmul.f32 v11, v10;
	_ =	sdelay $0x1  }
0x43b: {  	[tilespmem:s20+$0xFFFFFFF0] =	vst v10  }
.Ltmp1:
0x43c: {  	v10 =	vld.idx.msk [tilespmem:v12+s15+$0x0], $0xffff;
	(pc) =	sbr.rel @p0 .LBB2_5-.Ltmp1, $3  }
0x43d: {  	v11 =	vld.idx.msk [tilespmem:v9+s15+$0x0], $0xffff;
	_ =	sdelay $0x1  }
0x43e: {  	v8 =	vadd.s32 $0x4, v8  }
0x43f: {  	v9 =	vshll.u32 v8, $0x4  }
0x440: {  	v12 =	vor.u32 v0, v9  }
0x441: {  	v13 =	vadd.s32 v1, v9  }
0x442: {  	v10 =	vmul.f32 v11, v10;
	_ =	sdelay $0x1  }
0x443: {  	[tilespmem:s21+$0x0] =	vst v10  }
0x444: {  	v10 =	vld.idx.msk [tilespmem:v12+s15+$0x0], $0xffff  }
0x445: {  	v11 =	vld.idx.msk [tilespmem:v13+s15+$0x0], $0xffff;
	_ =	sdelay $0x2  }
0x446: {  	v54 =	vor.u32 v2, v9  }
0x447: {  	v55 =	vadd.s32 v3, v9  }
0x448: {  	v10 =	vmul.f32 v11, v10  }
0x449: {  	s20 =	sadd.s32 $0x40, s20  }
0x44a: {  	[tilespmem:s20+$0xFFFFFFD0] =	vst v10  }
0x44b: {  	v10 =	vld.idx.msk [tilespmem:v54+s15+$0x0], $0xffff  }
0x44c: {  	v11 =	vld.idx.msk [tilespmem:v55+s15+$0x0], $0xffff;
	_ =	sdelay $0x2  }
0x44d: {  	v56 =	vor.u32 v4, v9  }
0x44e: {  	v57 =	vadd.s32 v5, v9  }
0x44f: {  	v10 =	vmul.f32 v11, v10;
	_ =	sdelay $0x1  }
0x450: {  	[tilespmem:s20+$0xFFFFFFE0] =	vst v10  }
0x451: {  	v10 =	vld.idx.msk [tilespmem:v56+s15+$0x0], $0xffff  }
0x452: {  	v11 =	vld.idx.msk [tilespmem:v57+s15+$0x0], $0xffff;
	_ =	sdelay $0x2  }
0x453: {  	v58 =	vor.u32 v6, v9  }
0x454: {  	v9 =	vadd.s32 v7, v9  }
0x455: {  	v10 =	vmul.f32 v11, v10;
	_ =	sdelay $0x1  }
0x456: {  	[tilespmem:s20+$0xFFFFFFF0] =	vst v10  }
0x457: {  	v10 =	vld.idx.msk [tilespmem:v58+s15+$0x0], $0xffff  }
0x458: {  	v9 =	vld.idx.msk [tilespmem:v9+s15+$0x0], $0xffff  }
0x459: {  	v8 =	vadd.s32 $0x4, v8  }
0x45a: {  	v8 =	vshll.u32 v8, $0x4  }
0x45b: {  	v11 =	vor.u32 v0, v8  }
0x45c: {  	v8 =	vadd.s32 v1, v8  }
0x45d: {  	v9 =	vmul.f32 v9, v10;
	_ =	sdelay $0x1  }
0x45e: {  	[tilespmem:s20+$0x0] =	vst v9  }
0x45f: {  	v9 =	vld.idx.msk [tilespmem:v11+s15+$0x0], $0xffff  }
0x460: {  	v8 =	vld.idx.msk [tilespmem:v8+s15+$0x0], $0xffff;
	_ =	sdelay $0x4  }
0x461: {  	v8 =	vmul.f32 v8, v9;
	_ =	sdelay $0x1  }
0x462: {  	[tilespmem:$0xE910] =	vst v8  }
0x463: {  	_ =	swait.ge [sflag:s16], $0x800  }
0x464: {  	[sflag:s16] =	ssyncset.done $0x0  }
0x465: {  	[sflag:s16] =	ssyncadd.s32 $0xFFFFF800  }
0x466: {  	_ =	swait.ge [sflag:s16], $0x800  }
0x467: {  	[sflag:s16] =	ssyncset.done $0x0  }
0x468: {  	[sflag:s16] =	ssyncadd.s32 $0xFFFFF800  }
0x469: {  	_ =	swait.ge [sflag:s16], $0x800  }
0x46a: {  	[sflag:s16] =	ssyncset.done $0x0  }
0x46b: {  	[sflag:s16] =	ssyncadd.s32 $0xFFFFF800  }
0x46c: {  	_ =	swait.ge [sflag:s16], $0x800  }
0x46d: {  	[sflag:s16] =	ssyncset.done $0x0  }
0x46e: {  	v8 =	vimm.s32 $0x520;
	[sflag:s16] =	ssyncadd.s32 $0xFFFFF800  }
0x46f: {  	v9 =	vshll.u32 v8, $0x4;
	_ =	swait.ge [sflag:s16], $0x800  }
0x470: {  	v10 =	vor.u32 v0, v9;
	[sflag:s16] =	ssyncset.done $0x0  }
0x471: {  	v11 =	vadd.s32 v1, v9;
	[sflag:s16] =	ssyncadd.s32 $0xFFFFF800  }
0x472: {  	_ =	swait.ge [sflag:s16], $0xA0  }
0x473: {  	[sflag:s16] =	ssyncset.done $0x0  }
0x474: {  	[sflag:s16] =	ssyncadd.s32 $0xFFFFFF60  }
0x475: {  	v10 =	vld.idx.msk [tilespmem:v10+s15+$0x0], $0xffff  }
0x476: {  	v11 =	vld.idx.msk [tilespmem:v11+s15+$0x0], $0xffff;
	_ =	sdelay $0x2  }
0x477: {  	v59 =	vor.u32 v2, v9  }
0x478: {  	v60 =	vadd.s32 v3, v9  }
0x479: {  	v10 =	vmul.f32 v11, v10  }
0x47a: {  	s20 =	simm.s32 $0xE950  }
0x47b: {  	[tilespmem:s20+$0xFFFFFFD0] =	vst v10  }
0x47c: {  	v10 =	vld.idx.msk [tilespmem:v59+s15+$0x0], $0xffff  }
0x47d: {  	v11 =	vld.idx.msk [tilespmem:v60+s15+$0x0], $0xffff;
	_ =	sdelay $0x2  }
0x47e: {  	v61 =	vor.u32 v4, v9  }
0x47f: {  	v62 =	vadd.s32 v5, v9  }
0x480: {  	v10 =	vmul.f32 v11, v10;
	_ =	sdelay $0x1  }
0x481: {  	[tilespmem:s20+$0xFFFFFFE0] =	vst v10  }
0x482: {  	v10 =	vld.idx.msk [tilespmem:v61+s15+$0x0], $0xffff  }
0x483: {  	v11 =	vld.idx.msk [tilespmem:v62+s15+$0x0], $0xffff;
	_ =	sdelay $0x2  }
0x484: {  	v63 =	vor.u32 v6, v9  }
0x485: {  	v9 =	vadd.s32 v7, v9  }
0x486: {  	v10 =	vmul.f32 v11, v10;
	_ =	sdelay $0x1  }
0x487: {  	[tilespmem:s20+$0xFFFFFFF0] =	vst v10  }
0x488: {  	v10 =	vld.idx.msk [tilespmem:v63+s15+$0x0], $0xffff  }
0x489: {  	v11 =	vld.idx.msk [tilespmem:v9+s15+$0x0], $0xffff  }
0x48a: {  	v8 =	vadd.s32 $0x4, v8  }
0x48b: {  	s22 =	simm.s32 $0x4;
	s21 =	simm.s32 $0xE950;
	v9 =	vshll.u32 v8, $0x4  }
.LBB2_7:
0x48c: {  	s22 =	sadd.s32 $0x4, s22;
	v12 =	vor.u32 v0, v9;
	v13 =	vadd.s32 v1, v9;
	s20 =	sadd.s32 $0x40, s20  }
0x48d: {  	p0 =	slt.u32 s22, $0x140  }
0x48e: {  	v10 =	vmul.f32 v11, v10;
	_ =	sdelay $0x1  }
0x48f: {  	[tilespmem:s21+$0x0] =	vst v10;
	s21 =	smov.u32 s20  }
0x490: {  	v10 =	vld.idx.msk [tilespmem:v12+s15+$0x0], $0xffff  }
0x491: {  	v11 =	vld.idx.msk [tilespmem:v13+s15+$0x0], $0xffff;
	_ =	sdelay $0x3  }
0x492: {  	v12 =	vor.u32 v2, v9;
	v13 =	vadd.s32 v3, v9;
	_ =	sdelay $0x1  }
0x493: {  	v10 =	vmul.f32 v11, v10;
	_ =	sdelay $0x1  }
0x494: {  	[tilespmem:s20+$0xFFFFFFD0] =	vst v10  }
0x495: {  	v10 =	vld.idx.msk [tilespmem:v12+s15+$0x0], $0xffff  }
0x496: {  	v11 =	vld.idx.msk [tilespmem:v13+s15+$0x0], $0xffff;
	_ =	sdelay $0x3  }
0x497: {  	v12 =	vor.u32 v4, v9;
	v13 =	vadd.s32 v5, v9;
	_ =	sdelay $0x1  }
0x498: {  	v10 =	vmul.f32 v11, v10;
	_ =	sdelay $0x1  }
0x499: {  	[tilespmem:s20+$0xFFFFFFE0] =	vst v10  }
0x49a: {  	v10 =	vld.idx.msk [tilespmem:v12+s15+$0x0], $0xffff  }
0x49b: {  	v11 =	vld.idx.msk [tilespmem:v13+s15+$0x0], $0xffff;
	_ =	sdelay $0x3  }
0x49c: {  	v12 =	vor.u32 v6, v9;
	v9 =	vadd.s32 v7, v9;
	_ =	sdelay $0x1  }
0x49d: {  	v10 =	vmul.f32 v11, v10;
	_ =	sdelay $0x1  }
0x49e: {  	[tilespmem:s20+$0xFFFFFFF0] =	vst v10  }
.Ltmp2:
0x49f: {  	v10 =	vld.idx.msk [tilespmem:v12+s15+$0x0], $0xffff;
	(pc) =	sbr.rel @p0 .LBB2_7-.Ltmp2, $3  }
0x4a0: {  	v11 =	vld.idx.msk [tilespmem:v9+s15+$0x0], $0xffff;
	_ =	sdelay $0x1  }
0x4a1: {  	v8 =	vadd.s32 $0x4, v8  }
0x4a2: {  	v9 =	vshll.u32 v8, $0x4  }
0x4a3: {  	v12 =	vor.u32 v0, v9  }
0x4a4: {  	v13 =	vadd.s32 v1, v9  }
0x4a5: {  	v10 =	vmul.f32 v11, v10;
	_ =	sdelay $0x1  }
0x4a6: {  	[tilespmem:s21+$0x0] =	vst v10  }
0x4a7: {  	v10 =	vld.idx.msk [tilespmem:v12+s15+$0x0], $0xffff  }
0x4a8: {  	v11 =	vld.idx.msk [tilespmem:v13+s15+$0x0], $0xffff;
	_ =	sdelay $0x2  }
0x4a9: {  	v54 =	vor.u32 v2, v9  }
0x4aa: {  	v55 =	vadd.s32 v3, v9  }
0x4ab: {  	v10 =	vmul.f32 v11, v10  }
0x4ac: {  	s20 =	sadd.s32 $0x40, s20  }
0x4ad: {  	[tilespmem:s20+$0xFFFFFFD0] =	vst v10  }
0x4ae: {  	v10 =	vld.idx.msk [tilespmem:v54+s15+$0x0], $0xffff  }
0x4af: {  	v11 =	vld.idx.msk [tilespmem:v55+s15+$0x0], $0xffff;
	_ =	sdelay $0x2  }
0x4b0: {  	v56 =	vor.u32 v4, v9  }
0x4b1: {  	v57 =	vadd.s32 v5, v9  }
0x4b2: {  	v10 =	vmul.f32 v11, v10;
	_ =	sdelay $0x1  }
0x4b3: {  	[tilespmem:s20+$0xFFFFFFE0] =	vst v10  }
0x4b4: {  	v10 =	vld.idx.msk [tilespmem:v56+s15+$0x0], $0xffff  }
0x4b5: {  	v11 =	vld.idx.msk [tilespmem:v57+s15+$0x0], $0xffff;
	_ =	sdelay $0x2  }
0x4b6: {  	v58 =	vor.u32 v6, v9  }
0x4b7: {  	v9 =	vadd.s32 v7, v9  }
0x4b8: {  	v10 =	vmul.f32 v11, v10;
	_ =	sdelay $0x1  }
0x4b9: {  	[tilespmem:s20+$0xFFFFFFF0] =	vst v10  }
0x4ba: {  	v10 =	vld.idx.msk [tilespmem:v58+s15+$0x0], $0xffff  }
0x4bb: {  	v9 =	vld.idx.msk [tilespmem:v9+s15+$0x0], $0xffff  }
0x4bc: {  	v8 =	vadd.s32 $0x4, v8  }
0x4bd: {  	v8 =	vshll.u32 v8, $0x4  }
0x4be: {  	v11 =	vor.u32 v0, v8  }
0x4bf: {  	v8 =	vadd.s32 v1, v8  }
0x4c0: {  	v9 =	vmul.f32 v9, v10;
	_ =	sdelay $0x1  }
0x4c1: {  	[tilespmem:s20+$0x0] =	vst v9  }
0x4c2: {  	v9 =	vld.idx.msk [tilespmem:v11+s15+$0x0], $0xffff  }
0x4c3: {  	v8 =	vld.idx.msk [tilespmem:v8+s15+$0x0], $0xffff;
	_ =	sdelay $0x4  }
0x4c4: {  	v8 =	vmul.f32 v8, v9;
	_ =	sdelay $0x1  }
0x4c5: {  	[tilespmem:$0xFD60] =	vst v8  }
0x4c6: {  	_ =	swait.ge [sflag:s17], $0x800  }
0x4c7: {  	[sflag:s17] =	ssyncset.done $0x0  }
0x4c8: {  	[sflag:s17] =	ssyncadd.s32 $0xFFFFF800  }
0x4c9: {  	_ =	swait.ge [sflag:s17], $0x800  }
0x4ca: {  	[sflag:s17] =	ssyncset.done $0x0  }
0x4cb: {  	[sflag:s17] =	ssyncadd.s32 $0xFFFFF800  }
0x4cc: {  	_ =	swait.ge [sflag:s17], $0x800  }
0x4cd: {  	[sflag:s17] =	ssyncset.done $0x0  }
0x4ce: {  	[sflag:s17] =	ssyncadd.s32 $0xFFFFF800  }
0x4cf: {  	_ =	swait.ge [sflag:s17], $0x800  }
0x4d0: {  	[sflag:s17] =	ssyncset.done $0x0  }
0x4d1: {  	v8 =	vimm.s32 $0x7B0;
	[sflag:s17] =	ssyncadd.s32 $0xFFFFF800  }
0x4d2: {  	v9 =	vshll.u32 v8, $0x4;
	_ =	swait.ge [sflag:s17], $0x800  }
0x4d3: {  	v10 =	vor.u32 v0, v9;
	[sflag:s17] =	ssyncset.done $0x0  }
0x4d4: {  	v11 =	vadd.s32 v1, v9;
	[sflag:s17] =	ssyncadd.s32 $0xFFFFF800  }
0x4d5: {  	_ =	swait.ge [sflag:s17], $0xA0  }
0x4d6: {  	[sflag:s17] =	ssyncset.done $0x0  }
0x4d7: {  	[sflag:s17] =	ssyncadd.s32 $0xFFFFFF60  }
0x4d8: {  	v10 =	vld.idx.msk [tilespmem:v10+s15+$0x0], $0xffff  }
0x4d9: {  	v11 =	vld.idx.msk [tilespmem:v11+s15+$0x0], $0xffff;
	_ =	sdelay $0x2  }
0x4da: {  	v59 =	vor.u32 v2, v9  }
0x4db: {  	v60 =	vadd.s32 v3, v9  }
0x4dc: {  	v10 =	vmul.f32 v11, v10  }
0x4dd: {  	s20 =	simm.s32 $0xFDA0  }
0x4de: {  	[tilespmem:s20+$0xFFFFFFD0] =	vst v10  }
0x4df: {  	v10 =	vld.idx.msk [tilespmem:v59+s15+$0x0], $0xffff  }
0x4e0: {  	v11 =	vld.idx.msk [tilespmem:v60+s15+$0x0], $0xffff;
	_ =	sdelay $0x2  }
0x4e1: {  	v61 =	vor.u32 v4, v9  }
0x4e2: {  	v62 =	vadd.s32 v5, v9  }
0x4e3: {  	v10 =	vmul.f32 v11, v10;
	_ =	sdelay $0x1  }
0x4e4: {  	[tilespmem:s20+$0xFFFFFFE0] =	vst v10  }
0x4e5: {  	v10 =	vld.idx.msk [tilespmem:v61+s15+$0x0], $0xffff  }
0x4e6: {  	v11 =	vld.idx.msk [tilespmem:v62+s15+$0x0], $0xffff;
	_ =	sdelay $0x2  }
0x4e7: {  	v63 =	vor.u32 v6, v9  }
0x4e8: {  	v9 =	vadd.s32 v7, v9  }
0x4e9: {  	v10 =	vmul.f32 v11, v10;
	_ =	sdelay $0x1  }
0x4ea: {  	[tilespmem:s20+$0xFFFFFFF0] =	vst v10  }
0x4eb: {  	v10 =	vld.idx.msk [tilespmem:v63+s15+$0x0], $0xffff  }
0x4ec: {  	v11 =	vld.idx.msk [tilespmem:v9+s15+$0x0], $0xffff  }
0x4ed: {  	v8 =	vadd.s32 $0x4, v8  }
0x4ee: {  	s22 =	simm.s32 $0x4;
	s21 =	simm.s32 $0xFDA0;
	v9 =	vshll.u32 v8, $0x4  }
.LBB2_9:
0x4ef: {  	s22 =	sadd.s32 $0x4, s22;
	v12 =	vor.u32 v0, v9;
	v13 =	vadd.s32 v1, v9;
	s20 =	sadd.s32 $0x40, s20  }
0x4f0: {  	p0 =	slt.u32 s22, $0x140  }
0x4f1: {  	v10 =	vmul.f32 v11, v10;
	_ =	sdelay $0x1  }
0x4f2: {  	[tilespmem:s21+$0x0] =	vst v10;
	s21 =	smov.u32 s20  }
0x4f3: {  	v10 =	vld.idx.msk [tilespmem:v12+s15+$0x0], $0xffff  }
0x4f4: {  	v11 =	vld.idx.msk [tilespmem:v13+s15+$0x0], $0xffff;
	_ =	sdelay $0x3  }
0x4f5: {  	v12 =	vor.u32 v2, v9;
	v13 =	vadd.s32 v3, v9;
	_ =	sdelay $0x1  }
0x4f6: {  	v10 =	vmul.f32 v11, v10;
	_ =	sdelay $0x1  }
0x4f7: {  	[tilespmem:s20+$0xFFFFFFD0] =	vst v10  }
0x4f8: {  	v10 =	vld.idx.msk [tilespmem:v12+s15+$0x0], $0xffff  }
0x4f9: {  	v11 =	vld.idx.msk [tilespmem:v13+s15+$0x0], $0xffff;
	_ =	sdelay $0x3  }
0x4fa: {  	v12 =	vor.u32 v4, v9;
	v13 =	vadd.s32 v5, v9;
	_ =	sdelay $0x1  }
0x4fb: {  	v10 =	vmul.f32 v11, v10;
	_ =	sdelay $0x1  }
0x4fc: {  	[tilespmem:s20+$0xFFFFFFE0] =	vst v10  }
0x4fd: {  	v10 =	vld.idx.msk [tilespmem:v12+s15+$0x0], $0xffff  }
0x4fe: {  	v11 =	vld.idx.msk [tilespmem:v13+s15+$0x0], $0xffff;
	_ =	sdelay $0x3  }
0x4ff: {  	v12 =	vor.u32 v6, v9;
	v9 =	vadd.s32 v7, v9;
	_ =	sdelay $0x1  }
0x500: {  	v10 =	vmul.f32 v11, v10;
	_ =	sdelay $0x1  }
0x501: {  	[tilespmem:s20+$0xFFFFFFF0] =	vst v10  }
.Ltmp3:
0x502: {  	v10 =	vld.idx.msk [tilespmem:v12+s15+$0x0], $0xffff;
	(pc) =	sbr.rel @p0 .LBB2_9-.Ltmp3, $3  }
0x503: {  	v11 =	vld.idx.msk [tilespmem:v9+s15+$0x0], $0xffff;
	_ =	sdelay $0x1  }
0x504: {  	v8 =	vadd.s32 $0x4, v8  }
0x505: {  	v9 =	vshll.u32 v8, $0x4  }
0x506: {  	v12 =	vor.u32 v0, v9  }
0x507: {  	v13 =	vadd.s32 v1, v9  }
0x508: {  	v10 =	vmul.f32 v11, v10;
	_ =	sdelay $0x1  }
0x509: {  	[tilespmem:s21+$0x0] =	vst v10  }
0x50a: {  	v10 =	vld.idx.msk [tilespmem:v12+s15+$0x0], $0xffff  }
0x50b: {  	v54 =	vld.idx.msk [tilespmem:v13+s15+$0x0], $0xffff;
	_ =	sdelay $0x2  }
0x50c: {  	v55 =	vor.u32 v2, v9  }
0x50d: {  	v56 =	vadd.s32 v3, v9  }
0x50e: {  	v10 =	vmul.f32 v54, v10  }
0x50f: {  	s20 =	sadd.s32 $0x40, s20  }
0x510: {  	[tilespmem:s20+$0xFFFFFFD0] =	vst v10  }
0x511: {  	v10 =	vld.idx.msk [tilespmem:v55+s15+$0x0], $0xffff  }
0x512: {  	v57 =	vld.idx.msk [tilespmem:v56+s15+$0x0], $0xffff;
	_ =	sdelay $0x2  }
0x513: {  	v58 =	vor.u32 v4, v9  }
0x514: {  	v59 =	vadd.s32 v5, v9  }
0x515: {  	v10 =	vmul.f32 v57, v10;
	_ =	sdelay $0x1  }
0x516: {  	[tilespmem:s20+$0xFFFFFFE0] =	vst v10  }
0x517: {  	v10 =	vld.idx.msk [tilespmem:v58+s15+$0x0], $0xffff  }
0x518: {  	v60 =	vld.idx.msk [tilespmem:v59+s15+$0x0], $0xffff;
	_ =	sdelay $0x2  }
0x519: {  	v61 =	vor.u32 v6, v9  }
0x51a: {  	v62 =	vadd.s32 v7, v9  }
0x51b: {  	v10 =	vmul.f32 v60, v10;
	_ =	sdelay $0x1  }
0x51c: {  	[tilespmem:s20+$0xFFFFFFF0] =	vst v10  }
0x51d: {  	v10 =	vld.idx.msk [tilespmem:v61+s15+$0x0], $0xffff  }
0x51e: {  	v9 =	vld.idx.msk [tilespmem:v62+s15+$0x0], $0xffff  }
0x51f: {  	v8 =	vadd.s32 $0x4, v8  }
0x520: {  	v8 =	vshll.u32 v8, $0x4  }
0x521: {  	v63 =	vor.u32 v0, v8  }
0x522: {  	v8 =	vadd.s32 v1, v8  }
0x523: {  	v9 =	vmul.f32 v9, v10;
	_ =	sdelay $0x1  }
0x524: {  	[tilespmem:s20+$0x0] =	vst v9  }
0x525: {  	v9 =	vld.idx.msk [tilespmem:v63+s15+$0x0], $0xffff  }
0x526: {  	v8 =	vld.idx.msk [tilespmem:v8+s15+$0x0], $0xffff;
	_ =	sdelay $0x2  }
0x527: {  	s21 =	sshll.u32 s19, $0x2  }
0x528: {  	s20 =	sadd.s32 s7, s21  }
0x529: {  	s19 =	sadd.s32 $0x1, s19;
	s20 =	smul.u32 $0x28A, s20;
	v8 =	vmul.f32 v8, v9  }
0x52a: {  	s22 =	rddreg [dreg:$0x1];
	p0 =	sne.s32 s19, $0x20  }
.Ltmp4:
0x52b: {  	s20 =	sadd.s32 s22, s20;
	[tilespmem:$0x111B0] =	vst v8;
	(pc) =	sbr.rel @p0 .LBB2_2-.Ltmp4, $4  }
0x52c: {  	[hbm4b:s20+s3] =	stream.linear.scatter [tilespmem:s18], [sflag:$0x5], $0x5140, $0x38;
	[tilespmem:$0x111C0] =	vst v63  }
0x52d: {  	_ =	swait.ge [sflag:s10], $0x5140  }
0x52e: {  	[sflag:s10] =	ssyncset.done $0x0  }
0x52f: {  	[sflag:s10] =	ssyncadd.s32 $0xFFFFAEC0  }
0x530: {  	s20 =	rddreg [dreg:$0x7]  }
0x531: {  	s19 =	rddreg [dreg:$0x6];
	s20 =	sadd.s32 $0x1, s20  }
0x532: {  	p0 =	sne.s32 s20, s19  }
.Ltmp5:
0x533: {  	_ = 	snop;
	(pc) =	sbr.rel @p0 .LBB2_1-.Ltmp5, $1  }
0x534: {  	_ =	sdelay $0x3  }
0x535: {  	_ =	sfence.sel $0x180000  }
0x536: {  	[bflag:$0x0] =	sbarrier.arrive $0xFFFF  }
0x537: {  	_ =	strace $0x90000047  }
0x538: {  	s0 =	stileid.u32;
	[bflag:$0x2] =	sbarrier.arrive $0xFFFF  }
0x539: {  	p0 =	sne.s32 s0, $0x0;
	s0 =	rddreg [dreg:$0x2]  }
0x53a: {  	s0 =	sadd.s32 @!p0 $0x100000, s0  }
0x53b: {  	[sflag:s0] =	ssyncadd.tile.s32 @!p0 $0x1;
	_ =	shalt  }
.Lfunc_end2:
_tile_overlayer_lowered:
.L_overlay_start_2:
0x53c: {  	(tag) =	ssettag $0x2  }
0x53d: {  	s0 =	rddreg [dreg:$0x0];
	s2 =	stileid.u32  }
0x53e: {  	s1 =	rddreg [dreg:$0x1];
	p0 =	sne.s32 s2, $0x0  }
0x53f: {  	s3 =	rddreg [dreg:$0x2];
	[bflag:$0x3] =	sbarrier.arrive $0xFFFF;
	s2 =	simm.s32 @!p0 $0x1C05  }
0x540: {  	[timem:s3], [sflag:s2] =	dma.local @!p0 [hbm:s0], s1  }
0x541: {  	s0 =	simm.s32 @!p0 $0x5  }
0x542: {  	_ =	swait.ge @!p0 [sflag:s0], s1  }
0x543: {  	s1 =	ssub.s32 @!p0 $0x0, s1;
	[sflag:s0] =	ssyncset.done @!p0 $0x0  }
0x544: {  	[sflag:s0] =	ssyncadd.s32 @!p0 s1  }
0x545: {  	[bflag:$0x3] =	sbarrier.arrive $0xFFFF  }
0x546: {  	_ =	shalt  }

// kernel: sparse-core-data-format-call.cloned.1.call-start
scs
called_computation_lowered:
.L_overlay_start_0:
0x0: {  	s2 =	sld [smem:$0x3FD9]  }
0x1: {  	s3 =	sld [smem:$0x3FFE];
	_ =	sdelay $0x1  }
0x2: {  	s1 =	srdreg.scid  }
0x3: {  	s0 =	sand.u32 $0x1, s1  }
0x4: {  	s18 =	sshll.u32 s0, $0xA;
	s2 =	sadd.s32 s3, s2  }
0x5: {  	s2 =	sadd.s32 s2, s18  }
0x6: {  	[smem:$0x3FC6] =	sst s2  }
0x7: {  	_ = 	snop  }
0x8: {  	s2 =	sld [smem:$0x3FD0];
	(tm) =	ssettm $0x1  }
0x9: {  	s19 =	sld [smem:$0x3FFB];
	_ =	sdelay $0x3  }
0xa: {  	_ =	strace s19  }
0xb: {  	s3 =	sld [smem:$0x3FFC];
	_ =	sdelay $0x3  }
0xc: {  	_ =	strace s3  }
0xd: {  	s3 =	sld [smem:$0x3FFD];
	_ =	sdelay $0x3  }
0xe: {  	_ =	strace s3  }
0xf: {  	_ =	strace $0x8FFFFFFF  }
0x10: {  	s20 =	sld [smem:$0x3FDB];
	_ =	sdelay $0x1  }
0x11: {  	s4 =	simm.s32 $_scs_section_size  }
0x12: {  	s5 =	simm.s32 $_size__tile_overlayer_lowered;
	s6 =	simm.s32 $_tile_overlayer_lowered  }
0x13: {  	s23 =	simm.s32 $0x1BFF;
	s22 =	sshll.u32 s6, $0x1;
	s3 =	sadd.s32 s4, s20  }
0x14: {  	s7 =	simm.s32 $0x0;
	s21 =	sshll.u32 s5, $0x1;
	s5 =	sadd.s32 s22, s3  }
0x15: {  	[timem:s7], [sflag:s23] =	dma.local [hbm:s5], s21  }
0x16: {  	_ =	swait.ge [sflag:s23], s21  }
0x17: {  	s4 =	ssub.s32 $0x0, s21;
	[sflag:s23] =	ssyncset.done $0x0  }
0x18: {  	[sflag:s23] =	ssyncadd.s32 s4;
	_ =	sdelay $0x1  }
0x19: {  	s24 =	simm.s32 $0x1B8B  }
0x1a: {  	_ =	swait.ge [sflag:s24], $0x1  }
0x1b: {  	[sflag:s24] =	ssyncset.done $0x0  }
0x1c: {  	s26 =	simm.s32 $0x1B8E;
	s25 =	sld [smem:$0x3FFE];
	[sflag:s24] =	ssyncadd.s32 $0xFFFFFFFF  }
0x1d: {  	s27 =	simm.s32 $execute0_lowered;
	[smem:$0x3FD2] =	sst s26  }
0x1e: {  	s5 =	sshll.u32 s27, $0x1;
	_ =	strace $0x80000049;
	[dreg:$0x1] =	wrdreg $0xFFFFFFFF  }
0x1f: {  	s28 =	simm.s32 $_size_execute0_lowered;
	s3 =	sadd.s32 s3, s5;
	[dreg:$0x0] =	wrdreg $0x0  }
0x20: {  	s5 =	sshll.u32 s28, $0x1;
	[dreg:$0x2] =	wrdreg s3  }
0x21: {  	[dreg:$0x3] =	wrdreg s5  }
0x22: {  	[dreg:$0x4] =	wrdreg $0xC0  }
0x23: {  	_ =	task [dreg:s7], $0x5FFFF  }
0x24: {  	[dreg:$0x1] =	wrdreg $0xFFFFFFFF  }
0x25: {  	[dreg:$0x0] =	wrdreg $0x60  }
0x26: {  	[dreg:$0x2] =	wrdreg s25  }
0x27: {  	[dreg:$0x3] =	wrdreg s2  }
0x28: {  	[dreg:$0x4] =	wrdreg $0x9  }
0x29: {  	_ =	task.clear_ibuf [dreg:s7], $0x5FFFF;
	_ =	strace $0x90000049  }
0x2a: {  	s29 =	simm.s32 $0x9;
	_ =	strace $0x8000004B  }
0x2b: {  	_ =	swait.ge [sflag:s29], $0x1  }
0x2c: {  	[sflag:s29] =	ssyncadd.s32 $0xFFFFFFFF  }
0x2d: {  	_ =	strace $0x9000004B  }
0x2e: {  	_ =	sfence  }
0x2f: {  	s30 =	sld [smem:$0x0];
	_ =	sdelay $0x2  }
0x30: {  	s31 =	sshll.u32 s1, $0xD;
	s1 =	sshrl.u32 s1, $0x2  }
0x31: {  	s3 =	sand.u32 $0x4000, s31;
	s1 =	sadd.s32 s1, s30  }
0x32: {  	s0 =	sor.u32 s3, s0;
	s1 =	sshll.u32 s1, $0x11  }
0x33: {  	s0 =	sor.u32 s1, s0  }
0x34: {  	s0 =	sadd.s32 $0x8F2B, s0  }
0x35: {  	[sflag:s0] =	ssyncadd.remote.s32 $0x1  }
0x36: {  	_ =	sfence.sel $0xFFFF  }
0x37: {  	[dreg:$0x0] =	wrdreg $0xFFFFFFFF;
	(pc) =	sbr.abs _section_cstart, $3  }
0x38: {  	[dreg:$0x1] =	wrdreg $0xFFFFFFFF  }
0x39: {  	_ =	task.clear_ibuf [dreg:s7], $0x2FFFF;
	_ =	strace $0x9FFFFFFF  }
0x3a: {  	(tm) =	ssettm $0x7FFFFFFF  }
0x3b: {  	_ =	shalt  }
tec
execute0_lowered:
.L_overlay_start_1:
0x0: {  	(tag) =	ssettag $0x1  }
0x1: {  	s0 =	srdreg.scid  }
0x2: {  	s1 =	sshll.u32 s0, $0x4  }
0x3: {  	s0 =	stileid.u32;
	s1 =	sand.u32 $0x10, s1  }
0x4: {  	s1 =	sor.u32 s0, s1  }
0x5: {  	s6 =	rddreg [dreg:$0x0];
	s4 =	simm.s32 $0x1;
	s2 =	sshll.u32 s1, $0x7  }
0x6: {  	s7 =	simm.s32 $0x2;
	s12 =	simm.s32 $0x0;
	s1 =	ssub.s32 $0x1000, s2  }
0x7: {  	s8 =	simm.s32 $0x8000;
	s13 =	simm.s32 $0x0;
	s3 =	sand.u32 $0xF80, s1  }
0x8: {  	s9 =	simm.s32 $0x0;
	s5 =	sshrl.u32 s1, $0xC;
	p0 =	sne.s32 s3, $0x0  }
.Ltmp0:
0x9: {  	s1 =	rddreg [dreg:$0x2];
	s4 =	simm.s32 @!p0 $0x0;
	(pc) =	sbr.rel .LBB1_1-.Ltmp0, $4  }
0xa: {  	s11 =	simm.s32 $0x0;
	s3 =	rddreg [dreg:$0x1];
	s5 =	sadd.s32 s4, s5  }
0xb: {  	_ =	strace $0x8000004A;
	s4 =	simm.s32 $0x1;
	s5 =	smul.u32 $0x145, s5  }
0xc: {  	s6 =	sadd.s32 $0xE00, s6;
	s10 =	smov.u32 s2;
	[sflag:s4] =	ssyncpa.u1 $0x0  }
0xd: {  	p0 =	por $0x0, $0x0;
	[sflag:s7] =	ssyncpa.u1 $0x0;
	s7 =	sadd.s32 $0x1, s5  }
.LBB1_4:
0xe: {  	s16 =	sshll.u32 s13, $0x3;
	s17 =	sand.u32 $0x78, s13  }
0xf: {  	s30 =	sand.u32 $0x1E00, s13;
	s12 =	sshll.u32 s12, $0xD;
	s16 =	sand.u32 $0xC00, s16  }
0x10: {  	s31 =	sand.u32 $0x7, s13;
	s16 =	sor.u32 s17, s16;
	s17 =	sadd.s32 s3, s30  }
0x11: {  	s13 =	sshll.u32 s31, $0x12;
	s16 =	sshrl.u32 s16, $0x3;
	s12 =	sadd.s32 s12, s17  }
0x12: {  	[tilespmem:s15+$0x0 ss:$0x81] =	vst.msk $0xffff, v1;
	s13 =	sor.u32 $0x400, s13;
	s12 =	sadd.s32 s16, s12  }
0x13: {  	[hbm4b:s12+s13] =	stream.strided.scatter [tilespmem:s14], [sflag:$0x2], $0x800, s8, s13, $0x20;
	[tilespmem:$0x2020] =	vst v63  }
.LBB1_5:
0x14: {  	s14 =	sadd.s32 $0x1, s9  }
0x15: {  	s12 =	sadd.s32 $0x1000, s10;
	s16 =	smov.u32 s10;
	p2 =	sgt.s32 s14, $0x144  }
0x16: {  	s16 =	smov.u32 @p2 s12  }
0x17: {  	s14 =	simm.s32 @p2 $0x0;
	p2 =	sgt.s32 s16, $0xFFF  }
0x18: {  	s16 =	smov.u32 @p2 s2;
	p2 =	sne.s32 s11, s7  }
.Ltmp1:
0x19: {  	p1 =	slt.u32 s11, $0x2;
	(pc) =	sbr.rel @!p2 .LBB1_6-.Ltmp1, $4  }
0x1a: {  	s15 =	simm.s32 @!p1 $0x2  }
0x1b: {  	s13 =	smov.u32 s10;
	p0 =	por !p0, !p0;
	_ =	swait.ge @!p1 [sflag:s15], $0x800  }
0x1c: {  	s12 =	smov.u32 s9;
	[sflag:s15] =	ssyncset.done @!p1 $0x0;
	s9 =	smov.u32 s14  }
0x1d: {  	s11 =	sadd.s32 $0x1, s11;
	[sflag:s15] =	ssyncadd.s32 @!p1 $0xFFFFF800;
	s10 =	smov.u32 s16  }
.LBB1_1:
0x1e: {  	p1 =	sge.u32 s11, s5  }
0x1f: {  	s14 =	sand.u32 @!p1 $0x1FFFFFF, s9  }
0x20: {  	s15 =	smulhi.u32 @!p1 $0x18F9C19, s14;
	_ =	sdelay $0x1  }
0x21: {  	s15 =	sshrl.u32 @!p1 s15, $0x1  }
0x22: {  	s15 =	smul.u32 @!p1 $0x148, s15  }
0x23: {  	s16 =	sxor.u32 @!p1 $0xFFFFFFFF, s11;
	s17 =	smul.u32 @!p1 $0x1480, s10  }
0x24: {  	s31 =	sadd.s32 $0xFFFFFFFF, s11;
	s16 =	sshll.u32 @!p1 s16, $0xB;
	s14 =	ssub.s32 @!p1 s14, s15  }
0x25: {  	s15 =	sand.u32 @!p1 $0x800, s16;
	s16 =	sadd.s32 @!p1 s6, s17;
	s14 =	sshll.u32 @!p1 s14, $0x4  }
0x26: {  	s17 =	simm.s32 @!p1 $0xA400;
	s14 =	sadd.s32 @!p1 s14, s16;
	s16 =	simm.s32 @!p1 $0x10  }
0x27: {  	[tilespmem:s15], [sflag:$0x1] =	stream.strided.gather @!p1 [hbm4b:s14+s16], $0x800, s17, s16, $0x38;
	[tilespmem:$0x2020] =	vst v63  }
0x28: {  	p1 =	sge.u32 s31, s5  }
.Ltmp2:
0x29: {  	_ = 	snop;
	(pc) =	sbr.rel @p1 .LBB1_5-.Ltmp2, $1  }
0x2a: {  	_ =	sdelay $0x3  }
0x2b: {  	s14 =	simm.s32 $0x1  }
0x2c: {  	s14 =	simm.s32 @!p0 $0x0  }
0x2d: {  	s15 =	sshll.u32 s14, $0xB  }
0x2e: {  	v0 =	vmov s15;
	_ =	sdelay $0x1  }
0x2f: {  	_ =	swait.ge [sflag:s4], $0x800  }
0x30: {  	s31 =	sand.u32 $0x1, s11;
	[sflag:s4] =	ssyncset.done $0x0  }
0x31: {  	s17 =	simm.s32 $0x0;
	s14 =	smul.u32 $0x2040, s14;
	[sflag:s4] =	ssyncadd.s32 $0xFFFFF800  }
0x32: {  	s15 =	smul.u32 $0x2040, s31;
	v1 =	vld.idx.msk [tilespmem:v0+s17+$0x0 ss:$0x1], $0xffff;
	_ =	sdelay $0x1  }
0x33: {  	s14 =	sshrl.u32 s14, $0x2;
	s16 =	sshrl.u32 s15, $0x2  }
0x34: {  	s15 =	sor.u32 $0x1000, s14;
	s14 =	sor.u32 $0x1000, s16;
	s16 =	simm.s32 $0x40  }
.LBB1_3:
0x35: {  	s17 =	sshra.s32 s16, $0x2;
	p1 =	sne.s32 s16, $0x1FC0;
	s16 =	sadd.s32 $0x40, s16  }
.Ltmp3:
0x36: {  	[tilespmem:s15+$0x0 ss:$0x81] =	vst.msk $0xffff, v1;
	v1 =	vld.idx.msk [tilespmem:v0+s17+$0x0 ss:$0x1], $0xffff;
	(pc) =	sbr.rel @p1 .LBB1_3-.Ltmp3, $2  }
0x37: {  	_ =	sdelay $0x2  }
0x38: {  	s15 =	sadd.s32 $0x1, s15  }
.Ltmp4:
0x39: {  	_ = 	snop;
	(pc) =	sbr.rel .LBB1_4-.Ltmp4, $1  }
0x3a: {  	_ =	sdelay $0x3  }
.LBB1_6:
0x3b: {  	_ =	sfence.sel $0x180000  }
0x3c: {  	s2 =	simm.s32 $0x1;
	[bflag:$0x0] =	sbarrier.arrive $0xFFFF  }
0x3d: {  	s31 =	simm.s32 $0x2;
	[sflag:s2] =	ssyncpa.u1 $0x1  }
0x3e: {  	[sflag:s31] =	ssyncpa.u1 $0x1  }
0x3f: {  	p0 =	sne.s32 s0, $0x0;
	_ =	strace $0x9000004A  }
0x40: {  	s0 =	sadd.s32 @!p0 $0x100000, s1;
	[bflag:$0x2] =	sbarrier.arrive $0xFFFF  }
0x41: {  	[sflag:s0] =	ssyncadd.tile.s32 @!p0 $0x1;
	_ =	shalt  }
.Lfunc_end1:
_tile_overlayer_lowered:
.L_overlay_start_2:
0x42: {  	(tag) =	ssettag $0x2  }
0x43: {  	s0 =	rddreg [dreg:$0x0];
	s2 =	stileid.u32  }
0x44: {  	s1 =	rddreg [dreg:$0x1];
	p0 =	sne.s32 s2, $0x0  }
0x45: {  	s3 =	rddreg [dreg:$0x2];
	[bflag:$0x3] =	sbarrier.arrive $0xFFFF;
	s2 =	simm.s32 @!p0 $0x1C01  }
0x46: {  	[timem:s3], [sflag:s2] =	dma.local @!p0 [hbm:s0], s1  }
0x47: {  	s0 =	simm.s32 @!p0 $0x1  }
0x48: {  	_ =	swait.ge @!p0 [sflag:s0], s1  }
0x49: {  	s1 =	ssub.s32 @!p0 $0x0, s1;
	[sflag:s0] =	ssyncset.done @!p0 $0x0  }
0x4a: {  	[sflag:s0] =	ssyncadd.s32 @!p0 s1  }
0x4b: {  	[bflag:$0x3] =	sbarrier.arrive $0xFFFF  }
0x4c: {  	_ =	shalt  }

</sc_bundles>
